<compile_context>
chip_gen: v7x
topology: tpu7x:2x2x1
jax: 0.10.2.dev20260603
libtpu: 0.0.44.dev20260713+nightly
codegen_flags: <defaults>
</compile_context>

<pallas_src>
import functools

import jax
import jax.numpy as jnp
from jax import lax
from jax.experimental import pallas as pl
from jax.experimental.pallas import tpu as pltpu
from jax.experimental.pallas import tpu_sc as plsc

_EPS = 1e-7
_L = 16
_NC = 2
_NS = 16
_NW = _NC * _NS
_CH = 128


@functools.lru_cache(maxsize=None)
def _build(n_rows, seq_len):
    assert n_rows % (_NW * _CH) == 0
    rows_per_w = n_rows // _NW
    n_ch = rows_per_w // _CH
    grp_per_ch = _CH // _L
    n_win = seq_len // _L
    tail = seq_len - n_win * _L
    mesh = plsc.VectorSubcoreMesh(core_axis_name="c", subcore_axis_name="s")

    @functools.partial(
        pl.kernel,
        out_type=(
            jax.ShapeDtypeStruct((n_rows,), jnp.float32),
            jax.ShapeDtypeStruct((n_rows,), jnp.float32),
        ),
        mesh=mesh,
        compiler_params=pltpu.CompilerParams(
            needs_layout_passes=False),
        scratch_types=[
            pltpu.VMEM((_CH, seq_len), jnp.float32),
            pltpu.VMEM((_CH, seq_len), jnp.float32),
            pltpu.VMEM((_CH, 2), jnp.int32),
            pltpu.VMEM((_CH, 2), jnp.int32),
            pltpu.VMEM((rows_per_w + _L,), jnp.float32),
            pltpu.VMEM((rows_per_w + _L,), jnp.float32),
            pltpu.SemaphoreType.DMA,
            pltpu.SemaphoreType.DMA,
        ],
    )
    def sc_kernel(bid_hbm, x_hbm, surv_hbm, rate_hbm,
                  xb0, xb1, bb0, bb1, sv, rv, sem0, sem1):
        wid = lax.axis_index("s") * _NC + lax.axis_index("c")
        base = wid * rows_per_w
        xbufs = (xb0, xb1)
        bbufs = (bb0, bb1)
        sems = (sem0, sem1)

        lane = lax.iota(jnp.int32, _L)
        zero_i = jnp.zeros((_L,), jnp.int32)
        one_i = jnp.full((_L,), 1, jnp.int32)
        ones_f = jnp.ones((_L,), jnp.float32)
        lane0 = lane == 0
        perms = [lane ^ 8, lane ^ 4, lane ^ 2, lane ^ 1]
        cols = [jnp.full((_L,), k * _L, jnp.int32) + lane for k in range(n_win)]
        if tail:
            cols.append(jnp.full((_L,), seq_len - _L, jnp.int32) + lane)
            tail_new = lane >= (_L - tail)

        def start(c):
            r0 = base + c * _CH
            hx = pltpu.async_copy(
                x_hbm.at[pl.ds(r0, _CH), :], xbufs[c % 2], sems[c % 2])
            hb = pltpu.async_copy(
                bid_hbm.at[pl.ds(r0, _CH), :], bbufs[c % 2], sems[c % 2])
            return hx, hb

        handles = start(0)
        for c in range(n_ch):
            nxt = start(c + 1) if c + 1 < n_ch else None
            handles[0].wait()
            handles[1].wait()
            xv = xbufs[c % 2]
            bv = bbufs[c % 2]

            def grp(g, carry):
                rows16 = g * _L + lane
                mp_vec = plsc.load_gather(bv, [rows16, zero_i])
                bid_vec = plsc.load_gather(bv, [rows16, one_i])
                xmp_vec = plsc.load_gather(xv, [rows16, mp_vec])

                def row(jr, cc):
                    r = g * _L + jr
                    rsp = jnp.full((_L,), jr, jnp.int32)
                    bid_r = jnp.take(bid_vec, rsp, axis=0)
                    mp_r = jnp.take(mp_vec, rsp, axis=0)

                    acc = [ones_f, ones_f, ones_f, ones_f]
                    for k in range(n_win):
                        v = xv[r, pl.ds(k * _L, _L)]
                        ck = cols[k]
                        e = k & 1
                        acc[e] = jnp.where(ck < bid_r, acc[e] * v, acc[e])
                        acc[2 + e] = jnp.where(
                            ck < mp_r, acc[2 + e] * v, acc[2 + e])
                    if tail:
                        v = xv[r, pl.ds(seq_len - _L, _L)]
                        ck = cols[n_win]
                        e = n_win & 1
                        m_s = tail_new & (ck < bid_r)
                        m_2 = tail_new & (ck < mp_r)
                        acc[e] = jnp.where(m_s, acc[e] * v, acc[e])
                        acc[2 + e] = jnp.where(m_2, acc[2 + e] * v, acc[2 + e])
                    acc_s = acc[0] * acc[1]
                    acc_2 = acc[2] * acc[3]
                    for p in perms:
                        acc_s = acc_s * jnp.take(acc_s, p, axis=0)
                        acc_2 = acc_2 * jnp.take(acc_2, p, axis=0)
                    out0 = c * _CH + r
                    plsc.store_compressed(
                        sv.at[pl.ds(out0, _L)], acc_s, mask=lane0)
                    plsc.store_compressed(
                        rv.at[pl.ds(out0, _L)], acc_2, mask=lane0)
                    return cc

                lax.fori_loop(0, _L, row, 0, unroll=4)
                gout = c * _CH + g * _L
                p2 = rv[pl.ds(gout, _L)]
                rate = jnp.where(
                    mp_vec != zero_i, p2 * (1.0 - xmp_vec), jnp.float32(_EPS))
                rv[pl.ds(gout, _L)] = rate
                return carry

            lax.fori_loop(0, grp_per_ch, grp, 0)
            handles = nxt

        pltpu.sync_copy(sv.at[pl.ds(0, rows_per_w)],
                        surv_hbm.at[pl.ds(base, rows_per_w)])
        pltpu.sync_copy(rv.at[pl.ds(0, rows_per_w)],
                        rate_hbm.at[pl.ds(base, rows_per_w)])

    return sc_kernel


def kernel(bid_info, x):
    n, seq_len = x.shape
    surv, rate = _build(n, seq_len)(bid_info, x)
    return surv[:, None], rate[:, None]

# --- scband reference (transcript-rebuilt; emitter-appended) ---
"""Pipeline reference for scband-bid-prefix-28432683499802 (READ-ONLY COPY).

The authoritative reference and input builder live on the scoring server;
editing this copy changes nothing except your own understanding.
"""

import jax, jax.numpy as jnp
import numpy as np

SEQ_LEN = 200
B = 16384
EPS = 1e-7  # tf.keras.backend.epsilon()


def setup_inputs(seed: int = 0) -> dict:
    key = jax.random.key(seed)
    k1, k2 = jax.random.split(key)
    x = jax.random.uniform(k1, (B, SEQ_LEN), dtype=jnp.float32)
    # bid_info[:, 0] = market_price, bid_info[:, 1] = bid; both in [0, SEQ_LEN)
    bid_info = jax.random.randint(k2, (B, 2), 0, SEQ_LEN, dtype=jnp.int32)
    return {"bid_info": bid_info, "x": x}


def reference(bid_info, x):
    # Faithful vectorized translation of BidPrefix with LossMode.ALL_LOSS.
    # Original concatenates bid_info (cast to float) onto x and maps _prod_prefix
    # over rows; slices x[0:bid] and x[0:market_price(+1)] never touch the
    # appended columns since bid, market_price < seq_len.
    n = x.shape[0]
    cp = jnp.cumprod(x, axis=1)
    # cp_pad[:, k] == prod(x[:, 0:k]); cp_pad[:, 0] == 1 (empty product)
    cp_pad = jnp.concatenate([jnp.ones((n, 1), dtype=x.dtype), cp], axis=1)
    mp = bid_info[:, 0].astype(jnp.int32)
    bid = bid_info[:, 1].astype(jnp.int32)
    rows = jnp.arange(n)
    # survival_rate = reduce_prod(x[0:bid])
    survival_rate = cp_pad[rows, bid]
    # rate_last = prod(x[0:market_price]) - prod(x[0:market_price+1]) if mp != 0 else eps
    rate_last_two = cp_pad[rows, mp]
    rate_last_one = cp_pad[rows, mp + 1]
    rate_last = jnp.where(mp != 0, rate_last_two - rate_last_one, jnp.float32(EPS))
    stacked = jnp.stack([survival_rate, rate_last], axis=1)  # [B, 2]
    # splitter: tf.split(x, 2, axis=1) -> two [B, 1] tensors
    return stacked[:, 0:1], stacked[:, 1:2]

if __name__ == "__main__":
    import jax
    _d = setup_inputs()
    print(jax.jit(kernel)(*tuple(_d.values())))

</pallas_src>

<mosaic_0001>
#map = affine_map<(d0, d1) -> (0, 0)>
#map1 = affine_map<(d0, d1) -> (0)>
module attributes {stable_mosaic.version = 14 : i64} {
  func.func @sc_kernel(%arg0: i32, %arg1: i32, %arg2: memref<16384x2xi32, #tpu.memory_space<hbm>>, %arg3: memref<16384x200xf32, #tpu.memory_space<hbm>>, %arg4: memref<16384xf32, #tpu.memory_space<hbm>>, %arg5: memref<16384xf32, #tpu.memory_space<hbm>>, %arg6: memref<128x200xf32, #tpu.memory_space<vmem>>, %arg7: memref<128x200xf32, #tpu.memory_space<vmem>>, %arg8: memref<128x2xi32, #tpu.memory_space<vmem>>, %arg9: memref<128x2xi32, #tpu.memory_space<vmem>>, %arg10: memref<528xf32, #tpu.memory_space<vmem>>, %arg11: memref<528xf32, #tpu.memory_space<vmem>>, %arg12: memref<!tpu.dma_semaphore, #tpu.memory_space<semaphore_mem>>, %arg13: memref<!tpu.dma_semaphore, #tpu.memory_space<semaphore_mem>>) attributes {dimension_semantics = [#tpu.dimension_semantics<core_parallel>, #tpu.dimension_semantics<subcore_parallel>], iteration_bounds = array<i64: 2, 16>, scalar_prefetch = 0 : i64, scratch_operands = 8 : i64, tpu.core_type = #tpu.core_type<sc_vector_subcore>, window_params = [{transform_indices = #map}, {transform_indices = #map}, {transform_indices = #map1}, {transform_indices = #map1}]} {
    %mul3A = arith.constant 2 : i32
    %mul3A_0 = arith.muli %arg1, %mul3A : i32
    %add3A = arith.addi %mul3A_0, %arg0 : i32
    %mul3A_1 = arith.constant 512 : i32
    %mul3A_2 = arith.muli %add3A, %mul3A_1 : i32
    %iota3A = tpu.iota {dimensions = array<i32: 0>} : vector<16xi32>
    %broadcast_in_dim3A = arith.constant 0 : i32
    %broadcast_in_dim3A_3 = vector.broadcast %broadcast_in_dim3A : i32 to vector<16xi32>
    %broadcast_in_dim3A_4 = arith.constant 1 : i32
    %broadcast_in_dim3A_5 = vector.broadcast %broadcast_in_dim3A_4 : i32 to vector<16xi32>
    %broadcast_in_dim3A_6 = arith.constant 1.000000e+00 : f32
    %broadcast_in_dim3A_7 = vector.broadcast %broadcast_in_dim3A_6 : f32 to vector<16xf32>
    %eq3A = arith.constant 0 : i32
    %eq3A_8 = vector.broadcast %eq3A : i32 to vector<16xi32>
    %eq3A_9 = arith.cmpi eq, %iota3A, %eq3A_8 : vector<16xi32>
    %xor3A = arith.constant 8 : i32
    %xor3A_10 = vector.broadcast %xor3A : i32 to vector<16xi32>
    %xor3A_11 = arith.xori %iota3A, %xor3A_10 : vector<16xi32>
    %xor3A_12 = arith.constant 4 : i32
    %xor3A_13 = vector.broadcast %xor3A_12 : i32 to vector<16xi32>
    %xor3A_14 = arith.xori %iota3A, %xor3A_13 : vector<16xi32>
    %xor3A_15 = arith.constant 2 : i32
    %xor3A_16 = vector.broadcast %xor3A_15 : i32 to vector<16xi32>
    %xor3A_17 = arith.xori %iota3A, %xor3A_16 : vector<16xi32>
    %xor3A_18 = arith.constant 1 : i32
    %xor3A_19 = vector.broadcast %xor3A_18 : i32 to vector<16xi32>
    %xor3A_20 = arith.xori %iota3A, %xor3A_19 : vector<16xi32>
    %broadcast_in_dim3A_21 = arith.constant 0 : i32
    %broadcast_in_dim3A_22 = vector.broadcast %broadcast_in_dim3A_21 : i32 to vector<16xi32>
    %add3A_23 = arith.addi %broadcast_in_dim3A_22, %iota3A : vector<16xi32>
    %broadcast_in_dim3A_24 = arith.constant 16 : i32
    %broadcast_in_dim3A_25 = vector.broadcast %broadcast_in_dim3A_24 : i32 to vector<16xi32>
    %add3A_26 = arith.addi %broadcast_in_dim3A_25, %iota3A : vector<16xi32>
    %broadcast_in_dim3A_27 = arith.constant 32 : i32
    %broadcast_in_dim3A_28 = vector.broadcast %broadcast_in_dim3A_27 : i32 to vector<16xi32>
    %add3A_29 = arith.addi %broadcast_in_dim3A_28, %iota3A : vector<16xi32>
    %broadcast_in_dim3A_30 = arith.constant 48 : i32
    %broadcast_in_dim3A_31 = vector.broadcast %broadcast_in_dim3A_30 : i32 to vector<16xi32>
    %add3A_32 = arith.addi %broadcast_in_dim3A_31, %iota3A : vector<16xi32>
    %broadcast_in_dim3A_33 = arith.constant 64 : i32
    %broadcast_in_dim3A_34 = vector.broadcast %broadcast_in_dim3A_33 : i32 to vector<16xi32>
    %add3A_35 = arith.addi %broadcast_in_dim3A_34, %iota3A : vector<16xi32>
    %broadcast_in_dim3A_36 = arith.constant 80 : i32
    %broadcast_in_dim3A_37 = vector.broadcast %broadcast_in_dim3A_36 : i32 to vector<16xi32>
    %add3A_38 = arith.addi %broadcast_in_dim3A_37, %iota3A : vector<16xi32>
    %broadcast_in_dim3A_39 = arith.constant 96 : i32
    %broadcast_in_dim3A_40 = vector.broadcast %broadcast_in_dim3A_39 : i32 to vector<16xi32>
    %add3A_41 = arith.addi %broadcast_in_dim3A_40, %iota3A : vector<16xi32>
    %broadcast_in_dim3A_42 = arith.constant 112 : i32
    %broadcast_in_dim3A_43 = vector.broadcast %broadcast_in_dim3A_42 : i32 to vector<16xi32>
    %add3A_44 = arith.addi %broadcast_in_dim3A_43, %iota3A : vector<16xi32>
    %broadcast_in_dim3A_45 = arith.constant 128 : i32
    %broadcast_in_dim3A_46 = vector.broadcast %broadcast_in_dim3A_45 : i32 to vector<16xi32>
    %add3A_47 = arith.addi %broadcast_in_dim3A_46, %iota3A : vector<16xi32>
    %broadcast_in_dim3A_48 = arith.constant 144 : i32
    %broadcast_in_dim3A_49 = vector.broadcast %broadcast_in_dim3A_48 : i32 to vector<16xi32>
    %add3A_50 = arith.addi %broadcast_in_dim3A_49, %iota3A : vector<16xi32>
    %broadcast_in_dim3A_51 = arith.constant 160 : i32
    %broadcast_in_dim3A_52 = vector.broadcast %broadcast_in_dim3A_51 : i32 to vector<16xi32>
    %add3A_53 = arith.addi %broadcast_in_dim3A_52, %iota3A : vector<16xi32>
    %broadcast_in_dim3A_54 = arith.constant 176 : i32
    %broadcast_in_dim3A_55 = vector.broadcast %broadcast_in_dim3A_54 : i32 to vector<16xi32>
    %add3A_56 = arith.addi %broadcast_in_dim3A_55, %iota3A : vector<16xi32>
    %broadcast_in_dim3A_57 = arith.constant 184 : i32
    %broadcast_in_dim3A_58 = vector.broadcast %broadcast_in_dim3A_57 : i32 to vector<16xi32>
    %add3A_59 = arith.addi %broadcast_in_dim3A_58, %iota3A : vector<16xi32>
    %ge3A = arith.constant 8 : i32
    %ge3A_60 = vector.broadcast %ge3A : i32 to vector<16xi32>
    %ge3A_61 = arith.cmpi sge, %iota3A, %ge3A_60 : vector<16xi32>
    %add3A_62 = arith.constant 0 : i32
    %add3A_63 = arith.addi %mul3A_2, %add3A_62 : i32
    %dma_start3A = arith.constant 0 : i32
    %dma_start3A_64 = tpu.memref_slice %arg3[%add3A_63, %dma_start3A] : memref<16384x200xf32, #tpu.memory_space<hbm>> -> memref<128x200xf32, #tpu.memory_space<hbm>>
    %dma_start3A_65 = arith.constant 0 : i32
    %dma_start3A_66 = tpu.memref_slice %arg3[%add3A_63, %dma_start3A_65] : memref<16384x200xf32, #tpu.memory_space<hbm>> -> memref<128x200xf32, #tpu.memory_space<hbm>>
    tpu.enqueue_dma source(%dma_start3A_66 : memref<128x200xf32, #tpu.memory_space<hbm>>) target(%arg6 : memref<128x200xf32, #tpu.memory_space<vmem>>) target_semaphore(%arg12 : memref<!tpu.dma_semaphore, #tpu.memory_space<semaphore_mem>>)
    %dma_start3A_67 = arith.constant 0 : i32
    %dma_start3A_68 = tpu.memref_slice %arg2[%add3A_63, %dma_start3A_67] : memref<16384x2xi32, #tpu.memory_space<hbm>> -> memref<128x2xi32, #tpu.memory_space<hbm>>
    %dma_start3A_69 = arith.constant 0 : i32
    %dma_start3A_70 = tpu.memref_slice %arg2[%add3A_63, %dma_start3A_69] : memref<16384x2xi32, #tpu.memory_space<hbm>> -> memref<128x2xi32, #tpu.memory_space<hbm>>
    tpu.enqueue_dma source(%dma_start3A_70 : memref<128x2xi32, #tpu.memory_space<hbm>>) target(%arg8 : memref<128x2xi32, #tpu.memory_space<vmem>>) target_semaphore(%arg12 : memref<!tpu.dma_semaphore, #tpu.memory_space<semaphore_mem>>)
    %add3A_71 = arith.constant 128 : i32
    %add3A_72 = arith.addi %mul3A_2, %add3A_71 : i32
    %dma_start3A_73 = arith.constant 0 : i32
    %dma_start3A_74 = tpu.memref_slice %arg3[%add3A_72, %dma_start3A_73] : memref<16384x200xf32, #tpu.memory_space<hbm>> -> memref<128x200xf32, #tpu.memory_space<hbm>>
    %dma_start3A_75 = arith.constant 0 : i32
    %dma_start3A_76 = tpu.memref_slice %arg3[%add3A_72, %dma_start3A_75] : memref<16384x200xf32, #tpu.memory_space<hbm>> -> memref<128x200xf32, #tpu.memory_space<hbm>>
    tpu.enqueue_dma source(%dma_start3A_76 : memref<128x200xf32, #tpu.memory_space<hbm>>) target(%arg7 : memref<128x200xf32, #tpu.memory_space<vmem>>) target_semaphore(%arg13 : memref<!tpu.dma_semaphore, #tpu.memory_space<semaphore_mem>>)
    %dma_start3A_77 = arith.constant 0 : i32
    %dma_start3A_78 = tpu.memref_slice %arg2[%add3A_72, %dma_start3A_77] : memref<16384x2xi32, #tpu.memory_space<hbm>> -> memref<128x2xi32, #tpu.memory_space<hbm>>
    %dma_start3A_79 = arith.constant 0 : i32
    %dma_start3A_80 = tpu.memref_slice %arg2[%add3A_72, %dma_start3A_79] : memref<16384x2xi32, #tpu.memory_space<hbm>> -> memref<128x2xi32, #tpu.memory_space<hbm>>
    tpu.enqueue_dma source(%dma_start3A_80 : memref<128x2xi32, #tpu.memory_space<hbm>>) target(%arg9 : memref<128x2xi32, #tpu.memory_space<vmem>>) target_semaphore(%arg13 : memref<!tpu.dma_semaphore, #tpu.memory_space<semaphore_mem>>)
    %dma_wait3A = arith.constant 0 : i32
    %dma_wait3A_81 = tpu.memref_slice %arg3[%add3A_63, %dma_wait3A] : memref<16384x200xf32, #tpu.memory_space<hbm>> -> memref<128x200xf32, #tpu.memory_space<hbm>>
    %dma_wait3A_82 = arith.constant 0 : i32
    %dma_wait3A_83 = tpu.memref_slice %arg3[%add3A_63, %dma_wait3A_82] : memref<16384x200xf32, #tpu.memory_space<hbm>> -> memref<128x200xf32, #tpu.memory_space<hbm>>
    tpu.wait_dma2 semaphore(%arg12 : memref<!tpu.dma_semaphore, #tpu.memory_space<semaphore_mem>>) src(%dma_wait3A_83 : memref<128x200xf32, #tpu.memory_space<hbm>>) dst(%arg6 : memref<128x200xf32, #tpu.memory_space<vmem>>)
    %dma_wait3A_84 = arith.constant 0 : i32
    %dma_wait3A_85 = tpu.memref_slice %arg2[%add3A_63, %dma_wait3A_84] : memref<16384x2xi32, #tpu.memory_space<hbm>> -> memref<128x2xi32, #tpu.memory_space<hbm>>
    %dma_wait3A_86 = arith.constant 0 : i32
    %dma_wait3A_87 = tpu.memref_slice %arg2[%add3A_63, %dma_wait3A_86] : memref<16384x2xi32, #tpu.memory_space<hbm>> -> memref<128x2xi32, #tpu.memory_space<hbm>>
    tpu.wait_dma2 semaphore(%arg12 : memref<!tpu.dma_semaphore, #tpu.memory_space<semaphore_mem>>) src(%dma_wait3A_87 : memref<128x2xi32, #tpu.memory_space<hbm>>) dst(%arg8 : memref<128x2xi32, #tpu.memory_space<vmem>>)
    %scan3A = arith.constant 0 : i32
    %scan3A_88 = arith.constant 0 : i32
    %scan3A_89 = arith.constant 8 : i32
    %scan3A_90 = arith.addi %scan3A_88, %scan3A_89 : i32
    %scan3A_91 = arith.constant 1 : i32
    scf.for %scan3A_155 = %scan3A_88 to %scan3A_90 step %scan3A_91  : i32 {
      %mul3A_156 = arith.constant 16 : i32
      %mul3A_157 = arith.muli %scan3A_155, %mul3A_156 : i32
      %add3A_158 = vector.broadcast %mul3A_157 : i32 to vector<16xi32>
      %add3A_159 = arith.addi %add3A_158, %iota3A : vector<16xi32>
      %gather3A = tpu.vector_load_idx %arg8[%add3A_159, %broadcast_in_dim3A_3] : memref<128x2xi32, #tpu.memory_space<vmem>>[vector<16xi32>, vector<16xi32>], vector<16xi32>,
      %gather3A_160 = tpu.vector_load_idx %arg8[%add3A_159, %broadcast_in_dim3A_5] : memref<128x2xi32, #tpu.memory_space<vmem>>[vector<16xi32>, vector<16xi32>], vector<16xi32>,
      %gather3A_161 = tpu.vector_load_idx %arg6[%add3A_159, %gather3A] : memref<128x200xf32, #tpu.memory_space<vmem>>[vector<16xi32>, vector<16xi32>], vector<16xf32>,
      %scan3A_162 = arith.constant 0 : i32
      %scan3A_163 = arith.constant 0 : i32
      %scan3A_164 = arith.constant 16 : i32
      %scan3A_165 = arith.addi %scan3A_163, %scan3A_164 : i32
      %scan3A_166 = arith.constant 4 : i32
      scf.for %scan3A_178 = %scan3A_163 to %scan3A_165 step %scan3A_166  : i32 {
        %mul3A_179 = arith.constant 16 : i32
        %mul3A_180 = arith.muli %scan3A_155, %mul3A_179 : i32
        %add3A_181 = arith.addi %mul3A_180, %scan3A_178 : i32
        %broadcast_in_dim3A_182 = vector.broadcast %scan3A_178 : i32 to vector<16xi32>
        %lt3A = arith.constant 0 : i32
        %lt3A_183 = vector.broadcast %lt3A : i32 to vector<16xi32>
        %lt3A_184 = arith.cmpi slt, %broadcast_in_dim3A_182, %lt3A_183 : vector<16xi32>
        %add3A_185 = arith.constant 16 : i32
        %add3A_186 = vector.broadcast %add3A_185 : i32 to vector<16xi32>
        %add3A_187 = arith.addi %broadcast_in_dim3A_182, %add3A_186 : vector<16xi32>
        %select_n3A_188 = arith.select %lt3A_184, %add3A_187, %broadcast_in_dim3A_182 : vector<16xi1>, vector<16xi32>
        %broadcast_in_dim3A_189 = vector.shape_cast %select_n3A_188 : vector<16xi32> to vector<16x1xi32>
        %gather3A_190 = vector.shape_cast %broadcast_in_dim3A_189 : vector<16x1xi32> to vector<16xi32>
        %gather3A_191 = tpu.dynamic_gather %gather3A_160[%gather3A_190] in [0] : vector<16xi32>, vector<16xi32> -> vector<16xi32>
        %lt3A_192 = arith.constant 0 : i32
        %lt3A_193 = vector.broadcast %lt3A_192 : i32 to vector<16xi32>
        %lt3A_194 = arith.cmpi slt, %broadcast_in_dim3A_182, %lt3A_193 : vector<16xi32>
        %add3A_195 = arith.constant 16 : i32
        %add3A_196 = vector.broadcast %add3A_195 : i32 to vector<16xi32>
        %add3A_197 = arith.addi %broadcast_in_dim3A_182, %add3A_196 : vector<16xi32>
        %select_n3A_198 = arith.select %lt3A_194, %add3A_197, %broadcast_in_dim3A_182 : vector<16xi1>, vector<16xi32>
        %broadcast_in_dim3A_199 = vector.shape_cast %select_n3A_198 : vector<16xi32> to vector<16x1xi32>
        %gather3A_200 = vector.shape_cast %broadcast_in_dim3A_199 : vector<16x1xi32> to vector<16xi32>
        %gather3A_201 = tpu.dynamic_gather %gather3A[%gather3A_200] in [0] : vector<16xi32>, vector<16xi32> -> vector<16xi32>
        %get3A_202 = arith.index_cast %add3A_181 : i32 to index
        %get3A_203 = arith.constant 0 : index
        %get3A_204 = tpu.vector_load %arg6[%get3A_202, %get3A_203] {strides = array<i32>} : memref<128x200xf32, #tpu.memory_space<vmem>>, vector<16xf32>,
        %lt3A_205 = arith.cmpi slt, %add3A_23, %gather3A_191 : vector<16xi32>
        %mul3A_206 = arith.mulf %broadcast_in_dim3A_7, %get3A_204 : vector<16xf32>
        %select_n3A_207 = arith.select %lt3A_205, %mul3A_206, %broadcast_in_dim3A_7 : vector<16xi1>, vector<16xf32>
        %lt3A_208 = arith.cmpi slt, %add3A_23, %gather3A_201 : vector<16xi32>
        %mul3A_209 = arith.mulf %broadcast_in_dim3A_7, %get3A_204 : vector<16xf32>
        %select_n3A_210 = arith.select %lt3A_208, %mul3A_209, %broadcast_in_dim3A_7 : vector<16xi1>, vector<16xf32>
        %get3A_211 = arith.index_cast %add3A_181 : i32 to index
        %get3A_212 = arith.constant 16 : index
        %get3A_213 = tpu.vector_load %arg6[%get3A_211, %get3A_212] {strides = array<i32>} : memref<128x200xf32, #tpu.memory_space<vmem>>, vector<16xf32>,
        %lt3A_214 = arith.cmpi slt, %add3A_26, %gather3A_191 : vector<16xi32>
        %mul3A_215 = arith.mulf %broadcast_in_dim3A_7, %get3A_213 : vector<16xf32>
        %select_n3A_216 = arith.select %lt3A_214, %mul3A_215, %broadcast_in_dim3A_7 : vector<16xi1>, vector<16xf32>
        %lt3A_217 = arith.cmpi slt, %add3A_26, %gather3A_201 : vector<16xi32>
        %mul3A_218 = arith.mulf %broadcast_in_dim3A_7, %get3A_213 : vector<16xf32>
        %select_n3A_219 = arith.select %lt3A_217, %mul3A_218, %broadcast_in_dim3A_7 : vector<16xi1>, vector<16xf32>
        %get3A_220 = arith.index_cast %add3A_181 : i32 to index
        %get3A_221 = arith.constant 32 : index
        %get3A_222 = tpu.vector_load %arg6[%get3A_220, %get3A_221] {strides = array<i32>} : memref<128x200xf32, #tpu.memory_space<vmem>>, vector<16xf32>,
        %lt3A_223 = arith.cmpi slt, %add3A_29, %gather3A_191 : vector<16xi32>
        %mul3A_224 = arith.mulf %select_n3A_207, %get3A_222 : vector<16xf32>
        %select_n3A_225 = arith.select %lt3A_223, %mul3A_224, %select_n3A_207 : vector<16xi1>, vector<16xf32>
        %lt3A_226 = arith.cmpi slt, %add3A_29, %gather3A_201 : vector<16xi32>
        %mul3A_227 = arith.mulf %select_n3A_210, %get3A_222 : vector<16xf32>
        %select_n3A_228 = arith.select %lt3A_226, %mul3A_227, %select_n3A_210 : vector<16xi1>, vector<16xf32>
        %get3A_229 = arith.index_cast %add3A_181 : i32 to index
        %get3A_230 = arith.constant 48 : index
        %get3A_231 = tpu.vector_load %arg6[%get3A_229, %get3A_230] {strides = array<i32>} : memref<128x200xf32, #tpu.memory_space<vmem>>, vector<16xf32>,
        %lt3A_232 = arith.cmpi slt, %add3A_32, %gather3A_191 : vector<16xi32>
        %mul3A_233 = arith.mulf %select_n3A_216, %get3A_231 : vector<16xf32>
        %select_n3A_234 = arith.select %lt3A_232, %mul3A_233, %select_n3A_216 : vector<16xi1>, vector<16xf32>
        %lt3A_235 = arith.cmpi slt, %add3A_32, %gather3A_201 : vector<16xi32>
        %mul3A_236 = arith.mulf %select_n3A_219, %get3A_231 : vector<16xf32>
        %select_n3A_237 = arith.select %lt3A_235, %mul3A_236, %select_n3A_219 : vector<16xi1>, vector<16xf32>
        %get3A_238 = arith.index_cast %add3A_181 : i32 to index
        %get3A_239 = arith.constant 64 : index
        %get3A_240 = tpu.vector_load %arg6[%get3A_238, %get3A_239] {strides = array<i32>} : memref<128x200xf32, #tpu.memory_space<vmem>>, vector<16xf32>,
        %lt3A_241 = arith.cmpi slt, %add3A_35, %gather3A_191 : vector<16xi32>
        %mul3A_242 = arith.mulf %select_n3A_225, %get3A_240 : vector<16xf32>
        %select_n3A_243 = arith.select %lt3A_241, %mul3A_242, %select_n3A_225 : vector<16xi1>, vector<16xf32>
        %lt3A_244 = arith.cmpi slt, %add3A_35, %gather3A_201 : vector<16xi32>
        %mul3A_245 = arith.mulf %select_n3A_228, %get3A_240 : vector<16xf32>
        %select_n3A_246 = arith.select %lt3A_244, %mul3A_245, %select_n3A_228 : vector<16xi1>, vector<16xf32>
        %get3A_247 = arith.index_cast %add3A_181 : i32 to index
        %get3A_248 = arith.constant 80 : index
        %get3A_249 = tpu.vector_load %arg6[%get3A_247, %get3A_248] {strides = array<i32>} : memref<128x200xf32, #tpu.memory_space<vmem>>, vector<16xf32>,
        %lt3A_250 = arith.cmpi slt, %add3A_38, %gather3A_191 : vector<16xi32>
        %mul3A_251 = arith.mulf %select_n3A_234, %get3A_249 : vector<16xf32>
        %select_n3A_252 = arith.select %lt3A_250, %mul3A_251, %select_n3A_234 : vector<16xi1>, vector<16xf32>
        %lt3A_253 = arith.cmpi slt, %add3A_38, %gather3A_201 : vector<16xi32>
        %mul3A_254 = arith.mulf %select_n3A_237, %get3A_249 : vector<16xf32>
        %select_n3A_255 = arith.select %lt3A_253, %mul3A_254, %select_n3A_237 : vector<16xi1>, vector<16xf32>
        %get3A_256 = arith.index_cast %add3A_181 : i32 to index
        %get3A_257 = arith.constant 96 : index
        %get3A_258 = tpu.vector_load %arg6[%get3A_256, %get3A_257] {strides = array<i32>} : memref<128x200xf32, #tpu.memory_space<vmem>>, vector<16xf32>,
        %lt3A_259 = arith.cmpi slt, %add3A_41, %gather3A_191 : vector<16xi32>
        %mul3A_260 = arith.mulf %select_n3A_243, %get3A_258 : vector<16xf32>
        %select_n3A_261 = arith.select %lt3A_259, %mul3A_260, %select_n3A_243 : vector<16xi1>, vector<16xf32>
        %lt3A_262 = arith.cmpi slt, %add3A_41, %gather3A_201 : vector<16xi32>
        %mul3A_263 = arith.mulf %select_n3A_246, %get3A_258 : vector<16xf32>
        %select_n3A_264 = arith.select %lt3A_262, %mul3A_263, %select_n3A_246 : vector<16xi1>, vector<16xf32>
        %get3A_265 = arith.index_cast %add3A_181 : i32 to index
        %get3A_266 = arith.constant 112 : index
        %get3A_267 = tpu.vector_load %arg6[%get3A_265, %get3A_266] {strides = array<i32>} : memref<128x200xf32, #tpu.memory_space<vmem>>, vector<16xf32>,
        %lt3A_268 = arith.cmpi slt, %add3A_44, %gather3A_191 : vector<16xi32>
        %mul3A_269 = arith.mulf %select_n3A_252, %get3A_267 : vector<16xf32>
        %select_n3A_270 = arith.select %lt3A_268, %mul3A_269, %select_n3A_252 : vector<16xi1>, vector<16xf32>
        %lt3A_271 = arith.cmpi slt, %add3A_44, %gather3A_201 : vector<16xi32>
        %mul3A_272 = arith.mulf %select_n3A_255, %get3A_267 : vector<16xf32>
        %select_n3A_273 = arith.select %lt3A_271, %mul3A_272, %select_n3A_255 : vector<16xi1>, vector<16xf32>
        %get3A_274 = arith.index_cast %add3A_181 : i32 to index
        %get3A_275 = arith.constant 128 : index
        %get3A_276 = tpu.vector_load %arg6[%get3A_274, %get3A_275] {strides = array<i32>} : memref<128x200xf32, #tpu.memory_space<vmem>>, vector<16xf32>,
        %lt3A_277 = arith.cmpi slt, %add3A_47, %gather3A_191 : vector<16xi32>
        %mul3A_278 = arith.mulf %select_n3A_261, %get3A_276 : vector<16xf32>
        %select_n3A_279 = arith.select %lt3A_277, %mul3A_278, %select_n3A_261 : vector<16xi1>, vector<16xf32>
        %lt3A_280 = arith.cmpi slt, %add3A_47, %gather3A_201 : vector<16xi32>
        %mul3A_281 = arith.mulf %select_n3A_264, %get3A_276 : vector<16xf32>
        %select_n3A_282 = arith.select %lt3A_280, %mul3A_281, %select_n3A_264 : vector<16xi1>, vector<16xf32>
        %get3A_283 = arith.index_cast %add3A_181 : i32 to index
        %get3A_284 = arith.constant 144 : index
        %get3A_285 = tpu.vector_load %arg6[%get3A_283, %get3A_284] {strides = array<i32>} : memref<128x200xf32, #tpu.memory_space<vmem>>, vector<16xf32>,
        %lt3A_286 = arith.cmpi slt, %add3A_50, %gather3A_191 : vector<16xi32>
        %mul3A_287 = arith.mulf %select_n3A_270, %get3A_285 : vector<16xf32>
        %select_n3A_288 = arith.select %lt3A_286, %mul3A_287, %select_n3A_270 : vector<16xi1>, vector<16xf32>
        %lt3A_289 = arith.cmpi slt, %add3A_50, %gather3A_201 : vector<16xi32>
        %mul3A_290 = arith.mulf %select_n3A_273, %get3A_285 : vector<16xf32>
        %select_n3A_291 = arith.select %lt3A_289, %mul3A_290, %select_n3A_273 : vector<16xi1>, vector<16xf32>
        %get3A_292 = arith.index_cast %add3A_181 : i32 to index
        %get3A_293 = arith.constant 160 : index
        %get3A_294 = tpu.vector_load %arg6[%get3A_292, %get3A_293] {strides = array<i32>} : memref<128x200xf32, #tpu.memory_space<vmem>>, vector<16xf32>,
        %lt3A_295 = arith.cmpi slt, %add3A_53, %gather3A_191 : vector<16xi32>
        %mul3A_296 = arith.mulf %select_n3A_279, %get3A_294 : vector<16xf32>
        %select_n3A_297 = arith.select %lt3A_295, %mul3A_296, %select_n3A_279 : vector<16xi1>, vector<16xf32>
        %lt3A_298 = arith.cmpi slt, %add3A_53, %gather3A_201 : vector<16xi32>
        %mul3A_299 = arith.mulf %select_n3A_282, %get3A_294 : vector<16xf32>
        %select_n3A_300 = arith.select %lt3A_298, %mul3A_299, %select_n3A_282 : vector<16xi1>, vector<16xf32>
        %get3A_301 = arith.index_cast %add3A_181 : i32 to index
        %get3A_302 = arith.constant 176 : index
        %get3A_303 = tpu.vector_load %arg6[%get3A_301, %get3A_302] {strides = array<i32>} : memref<128x200xf32, #tpu.memory_space<vmem>>, vector<16xf32>,
        %lt3A_304 = arith.cmpi slt, %add3A_56, %gather3A_191 : vector<16xi32>
        %mul3A_305 = arith.mulf %select_n3A_288, %get3A_303 : vector<16xf32>
        %select_n3A_306 = arith.select %lt3A_304, %mul3A_305, %select_n3A_288 : vector<16xi1>, vector<16xf32>
        %lt3A_307 = arith.cmpi slt, %add3A_56, %gather3A_201 : vector<16xi32>
        %mul3A_308 = arith.mulf %select_n3A_291, %get3A_303 : vector<16xf32>
        %select_n3A_309 = arith.select %lt3A_307, %mul3A_308, %select_n3A_291 : vector<16xi1>, vector<16xf32>
        %get3A_310 = arith.index_cast %add3A_181 : i32 to index
        %get3A_311 = arith.constant 184 : index
        %get3A_312 = tpu.vector_load %arg6[%get3A_310, %get3A_311] {strides = array<i32>} : memref<128x200xf32, #tpu.memory_space<vmem>>, vector<16xf32>,
        %lt3A_313 = arith.cmpi slt, %add3A_59, %gather3A_191 : vector<16xi32>
        %and3A = arith.andi %ge3A_61, %lt3A_313 : vector<16xi1>
        %lt3A_314 = arith.cmpi slt, %add3A_59, %gather3A_201 : vector<16xi32>
        %and3A_315 = arith.andi %ge3A_61, %lt3A_314 : vector<16xi1>
        %mul3A_316 = arith.mulf %select_n3A_297, %get3A_312 : vector<16xf32>
        %select_n3A_317 = arith.select %and3A, %mul3A_316, %select_n3A_297 : vector<16xi1>, vector<16xf32>
        %mul3A_318 = arith.mulf %select_n3A_300, %get3A_312 : vector<16xf32>
        %select_n3A_319 = arith.select %and3A_315, %mul3A_318, %select_n3A_300 : vector<16xi1>, vector<16xf32>
        %mul3A_320 = arith.mulf %select_n3A_317, %select_n3A_306 : vector<16xf32>
        %mul3A_321 = arith.mulf %select_n3A_319, %select_n3A_309 : vector<16xf32>
        %lt3A_322 = arith.constant 0 : i32
        %lt3A_323 = vector.broadcast %lt3A_322 : i32 to vector<16xi32>
        %lt3A_324 = arith.cmpi slt, %xor3A_11, %lt3A_323 : vector<16xi32>
        %add3A_325 = arith.constant 16 : i32
        %add3A_326 = vector.broadcast %add3A_325 : i32 to vector<16xi32>
        %add3A_327 = arith.addi %xor3A_11, %add3A_326 : vector<16xi32>
        %select_n3A_328 = arith.select %lt3A_324, %add3A_327, %xor3A_11 : vector<16xi1>, vector<16xi32>
        %broadcast_in_dim3A_329 = vector.shape_cast %select_n3A_328 : vector<16xi32> to vector<16x1xi32>
        %gather3A_330 = vector.shape_cast %broadcast_in_dim3A_329 : vector<16x1xi32> to vector<16xi32>
        %gather3A_331 = tpu.dynamic_gather %mul3A_320[%gather3A_330] in [0] : vector<16xf32>, vector<16xi32> -> vector<16xf32>
        %mul3A_332 = arith.mulf %mul3A_320, %gather3A_331 : vector<16xf32>
        %lt3A_333 = arith.constant 0 : i32
        %lt3A_334 = vector.broadcast %lt3A_333 : i32 to vector<16xi32>
        %lt3A_335 = arith.cmpi slt, %xor3A_11, %lt3A_334 : vector<16xi32>
        %add3A_336 = arith.constant 16 : i32
        %add3A_337 = vector.broadcast %add3A_336 : i32 to vector<16xi32>
        %add3A_338 = arith.addi %xor3A_11, %add3A_337 : vector<16xi32>
        %select_n3A_339 = arith.select %lt3A_335, %add3A_338, %xor3A_11 : vector<16xi1>, vector<16xi32>
        %broadcast_in_dim3A_340 = vector.shape_cast %select_n3A_339 : vector<16xi32> to vector<16x1xi32>
        %gather3A_341 = vector.shape_cast %broadcast_in_dim3A_340 : vector<16x1xi32> to vector<16xi32>
        %gather3A_342 = tpu.dynamic_gather %mul3A_321[%gather3A_341] in [0] : vector<16xf32>, vector<16xi32> -> vector<16xf32>
        %mul3A_343 = arith.mulf %mul3A_321, %gather3A_342 : vector<16xf32>
        %lt3A_344 = arith.constant 0 : i32
        %lt3A_345 = vector.broadcast %lt3A_344 : i32 to vector<16xi32>
        %lt3A_346 = arith.cmpi slt, %xor3A_14, %lt3A_345 : vector<16xi32>
        %add3A_347 = arith.constant 16 : i32
        %add3A_348 = vector.broadcast %add3A_347 : i32 to vector<16xi32>
        %add3A_349 = arith.addi %xor3A_14, %add3A_348 : vector<16xi32>
        %select_n3A_350 = arith.select %lt3A_346, %add3A_349, %xor3A_14 : vector<16xi1>, vector<16xi32>
        %broadcast_in_dim3A_351 = vector.shape_cast %select_n3A_350 : vector<16xi32> to vector<16x1xi32>
        %gather3A_352 = vector.shape_cast %broadcast_in_dim3A_351 : vector<16x1xi32> to vector<16xi32>
        %gather3A_353 = tpu.dynamic_gather %mul3A_332[%gather3A_352] in [0] : vector<16xf32>, vector<16xi32> -> vector<16xf32>
        %mul3A_354 = arith.mulf %mul3A_332, %gather3A_353 : vector<16xf32>
        %lt3A_355 = arith.constant 0 : i32
        %lt3A_356 = vector.broadcast %lt3A_355 : i32 to vector<16xi32>
        %lt3A_357 = arith.cmpi slt, %xor3A_14, %lt3A_356 : vector<16xi32>
        %add3A_358 = arith.constant 16 : i32
        %add3A_359 = vector.broadcast %add3A_358 : i32 to vector<16xi32>
        %add3A_360 = arith.addi %xor3A_14, %add3A_359 : vector<16xi32>
        %select_n3A_361 = arith.select %lt3A_357, %add3A_360, %xor3A_14 : vector<16xi1>, vector<16xi32>
        %broadcast_in_dim3A_362 = vector.shape_cast %select_n3A_361 : vector<16xi32> to vector<16x1xi32>
        %gather3A_363 = vector.shape_cast %broadcast_in_dim3A_362 : vector<16x1xi32> to vector<16xi32>
        %gather3A_364 = tpu.dynamic_gather %mul3A_343[%gather3A_363] in [0] : vector<16xf32>, vector<16xi32> -> vector<16xf32>
        %mul3A_365 = arith.mulf %mul3A_343, %gather3A_364 : vector<16xf32>
        %lt3A_366 = arith.constant 0 : i32
        %lt3A_367 = vector.broadcast %lt3A_366 : i32 to vector<16xi32>
        %lt3A_368 = arith.cmpi slt, %xor3A_17, %lt3A_367 : vector<16xi32>
        %add3A_369 = arith.constant 16 : i32
        %add3A_370 = vector.broadcast %add3A_369 : i32 to vector<16xi32>
        %add3A_371 = arith.addi %xor3A_17, %add3A_370 : vector<16xi32>
        %select_n3A_372 = arith.select %lt3A_368, %add3A_371, %xor3A_17 : vector<16xi1>, vector<16xi32>
        %broadcast_in_dim3A_373 = vector.shape_cast %select_n3A_372 : vector<16xi32> to vector<16x1xi32>
        %gather3A_374 = vector.shape_cast %broadcast_in_dim3A_373 : vector<16x1xi32> to vector<16xi32>
        %gather3A_375 = tpu.dynamic_gather %mul3A_354[%gather3A_374] in [0] : vector<16xf32>, vector<16xi32> -> vector<16xf32>
        %mul3A_376 = arith.mulf %mul3A_354, %gather3A_375 : vector<16xf32>
        %lt3A_377 = arith.constant 0 : i32
        %lt3A_378 = vector.broadcast %lt3A_377 : i32 to vector<16xi32>
        %lt3A_379 = arith.cmpi slt, %xor3A_17, %lt3A_378 : vector<16xi32>
        %add3A_380 = arith.constant 16 : i32
        %add3A_381 = vector.broadcast %add3A_380 : i32 to vector<16xi32>
        %add3A_382 = arith.addi %xor3A_17, %add3A_381 : vector<16xi32>
        %select_n3A_383 = arith.select %lt3A_379, %add3A_382, %xor3A_17 : vector<16xi1>, vector<16xi32>
        %broadcast_in_dim3A_384 = vector.shape_cast %select_n3A_383 : vector<16xi32> to vector<16x1xi32>
        %gather3A_385 = vector.shape_cast %broadcast_in_dim3A_384 : vector<16x1xi32> to vector<16xi32>
        %gather3A_386 = tpu.dynamic_gather %mul3A_365[%gather3A_385] in [0] : vector<16xf32>, vector<16xi32> -> vector<16xf32>
        %mul3A_387 = arith.mulf %mul3A_365, %gather3A_386 : vector<16xf32>
        %lt3A_388 = arith.constant 0 : i32
        %lt3A_389 = vector.broadcast %lt3A_388 : i32 to vector<16xi32>
        %lt3A_390 = arith.cmpi slt, %xor3A_20, %lt3A_389 : vector<16xi32>
        %add3A_391 = arith.constant 16 : i32
        %add3A_392 = vector.broadcast %add3A_391 : i32 to vector<16xi32>
        %add3A_393 = arith.addi %xor3A_20, %add3A_392 : vector<16xi32>
        %select_n3A_394 = arith.select %lt3A_390, %add3A_393, %xor3A_20 : vector<16xi1>, vector<16xi32>
        %broadcast_in_dim3A_395 = vector.shape_cast %select_n3A_394 : vector<16xi32> to vector<16x1xi32>
        %gather3A_396 = vector.shape_cast %broadcast_in_dim3A_395 : vector<16x1xi32> to vector<16xi32>
        %gather3A_397 = tpu.dynamic_gather %mul3A_376[%gather3A_396] in [0] : vector<16xf32>, vector<16xi32> -> vector<16xf32>
        %mul3A_398 = arith.mulf %mul3A_376, %gather3A_397 : vector<16xf32>
        %lt3A_399 = arith.constant 0 : i32
        %lt3A_400 = vector.broadcast %lt3A_399 : i32 to vector<16xi32>
        %lt3A_401 = arith.cmpi slt, %xor3A_20, %lt3A_400 : vector<16xi32>
        %add3A_402 = arith.constant 16 : i32
        %add3A_403 = vector.broadcast %add3A_402 : i32 to vector<16xi32>
        %add3A_404 = arith.addi %xor3A_20, %add3A_403 : vector<16xi32>
        %select_n3A_405 = arith.select %lt3A_401, %add3A_404, %xor3A_20 : vector<16xi1>, vector<16xi32>
        %broadcast_in_dim3A_406 = vector.shape_cast %select_n3A_405 : vector<16xi32> to vector<16x1xi32>
        %gather3A_407 = vector.shape_cast %broadcast_in_dim3A_406 : vector<16x1xi32> to vector<16xi32>
        %gather3A_408 = tpu.dynamic_gather %mul3A_387[%gather3A_407] in [0] : vector<16xf32>, vector<16xi32> -> vector<16xf32>
        %mul3A_409 = arith.mulf %mul3A_387, %gather3A_408 : vector<16xf32>
        %add3A_410 = arith.constant 0 : i32
        %add3A_411 = arith.addi %add3A_410, %add3A_181 : i32
        %swap3A_412 = arith.index_cast %add3A_411 : i32 to index
        %swap3A_413 = tpu.vector_load %arg10[%swap3A_412] masked %eq3A_9 {strides = array<i32>} : memref<528xf32, #tpu.memory_space<vmem>>, vector<16xf32>, vector<16xi1>
        tpu.vector_store %arg10[%swap3A_412], %mul3A_398 masked %eq3A_9 {strides = array<i32>} : memref<528xf32, #tpu.memory_space<vmem>>, vector<16xf32>, vector<16xi1>
        %swap3A_414 = arith.index_cast %add3A_411 : i32 to index
        %swap3A_415 = tpu.vector_load %arg11[%swap3A_414] masked %eq3A_9 {strides = array<i32>} : memref<528xf32, #tpu.memory_space<vmem>>, vector<16xf32>, vector<16xi1>
        tpu.vector_store %arg11[%swap3A_414], %mul3A_409 masked %eq3A_9 {strides = array<i32>} : memref<528xf32, #tpu.memory_space<vmem>>, vector<16xf32>, vector<16xi1>
        %scan3A_416 = arith.constant 1 : i32
        %scan3A_417 = arith.addi %scan3A_178, %scan3A_416 : i32
        %mul3A_418 = arith.constant 16 : i32
        %mul3A_419 = arith.muli %scan3A_155, %mul3A_418 : i32
        %add3A_420 = arith.addi %mul3A_419, %scan3A_417 : i32
        %broadcast_in_dim3A_421 = vector.broadcast %scan3A_417 : i32 to vector<16xi32>
        %lt3A_422 = arith.constant 0 : i32
        %lt3A_423 = vector.broadcast %lt3A_422 : i32 to vector<16xi32>
        %lt3A_424 = arith.cmpi slt, %broadcast_in_dim3A_421, %lt3A_423 : vector<16xi32>
        %add3A_425 = arith.constant 16 : i32
        %add3A_426 = vector.broadcast %add3A_425 : i32 to vector<16xi32>
        %add3A_427 = arith.addi %broadcast_in_dim3A_421, %add3A_426 : vector<16xi32>
        %select_n3A_428 = arith.select %lt3A_424, %add3A_427, %broadcast_in_dim3A_421 : vector<16xi1>, vector<16xi32>
        %broadcast_in_dim3A_429 = vector.shape_cast %select_n3A_428 : vector<16xi32> to vector<16x1xi32>
        %gather3A_430 = vector.shape_cast %broadcast_in_dim3A_429 : vector<16x1xi32> to vector<16xi32>
        %gather3A_431 = tpu.dynamic_gather %gather3A_160[%gather3A_430] in [0] : vector<16xi32>, vector<16xi32> -> vector<16xi32>
        %lt3A_432 = arith.constant 0 : i32
        %lt3A_433 = vector.broadcast %lt3A_432 : i32 to vector<16xi32>
        %lt3A_434 = arith.cmpi slt, %broadcast_in_dim3A_421, %lt3A_433 : vector<16xi32>
        %add3A_435 = arith.constant 16 : i32
        %add3A_436 = vector.broadcast %add3A_435 : i32 to vector<16xi32>
        %add3A_437 = arith.addi %broadcast_in_dim3A_421, %add3A_436 : vector<16xi32>
        %select_n3A_438 = arith.select %lt3A_434, %add3A_437, %broadcast_in_dim3A_421 : vector<16xi1>, vector<16xi32>
        %broadcast_in_dim3A_439 = vector.shape_cast %select_n3A_438 : vector<16xi32> to vector<16x1xi32>
        %gather3A_440 = vector.shape_cast %broadcast_in_dim3A_439 : vector<16x1xi32> to vector<16xi32>
        %gather3A_441 = tpu.dynamic_gather %gather3A[%gather3A_440] in [0] : vector<16xi32>, vector<16xi32> -> vector<16xi32>
        %get3A_442 = arith.index_cast %add3A_420 : i32 to index
        %get3A_443 = arith.constant 0 : index
        %get3A_444 = tpu.vector_load %arg6[%get3A_442, %get3A_443] {strides = array<i32>} : memref<128x200xf32, #tpu.memory_space<vmem>>, vector<16xf32>,
        %lt3A_445 = arith.cmpi slt, %add3A_23, %gather3A_431 : vector<16xi32>
        %mul3A_446 = arith.mulf %broadcast_in_dim3A_7, %get3A_444 : vector<16xf32>
        %select_n3A_447 = arith.select %lt3A_445, %mul3A_446, %broadcast_in_dim3A_7 : vector<16xi1>, vector<16xf32>
        %lt3A_448 = arith.cmpi slt, %add3A_23, %gather3A_441 : vector<16xi32>
        %mul3A_449 = arith.mulf %broadcast_in_dim3A_7, %get3A_444 : vector<16xf32>
        %select_n3A_450 = arith.select %lt3A_448, %mul3A_449, %broadcast_in_dim3A_7 : vector<16xi1>, vector<16xf32>
        %get3A_451 = arith.index_cast %add3A_420 : i32 to index
        %get3A_452 = arith.constant 16 : index
        %get3A_453 = tpu.vector_load %arg6[%get3A_451, %get3A_452] {strides = array<i32>} : memref<128x200xf32, #tpu.memory_space<vmem>>, vector<16xf32>,
        %lt3A_454 = arith.cmpi slt, %add3A_26, %gather3A_431 : vector<16xi32>
        %mul3A_455 = arith.mulf %broadcast_in_dim3A_7, %get3A_453 : vector<16xf32>
        %select_n3A_456 = arith.select %lt3A_454, %mul3A_455, %broadcast_in_dim3A_7 : vector<16xi1>, vector<16xf32>
        %lt3A_457 = arith.cmpi slt, %add3A_26, %gather3A_441 : vector<16xi32>
        %mul3A_458 = arith.mulf %broadcast_in_dim3A_7, %get3A_453 : vector<16xf32>
        %select_n3A_459 = arith.select %lt3A_457, %mul3A_458, %broadcast_in_dim3A_7 : vector<16xi1>, vector<16xf32>
        %get3A_460 = arith.index_cast %add3A_420 : i32 to index
        %get3A_461 = arith.constant 32 : index
        %get3A_462 = tpu.vector_load %arg6[%get3A_460, %get3A_461] {strides = array<i32>} : memref<128x200xf32, #tpu.memory_space<vmem>>, vector<16xf32>,
        %lt3A_463 = arith.cmpi slt, %add3A_29, %gather3A_431 : vector<16xi32>
        %mul3A_464 = arith.mulf %select_n3A_447, %get3A_462 : vector<16xf32>
        %select_n3A_465 = arith.select %lt3A_463, %mul3A_464, %select_n3A_447 : vector<16xi1>, vector<16xf32>
        %lt3A_466 = arith.cmpi slt, %add3A_29, %gather3A_441 : vector<16xi32>
        %mul3A_467 = arith.mulf %select_n3A_450, %get3A_462 : vector<16xf32>
        %select_n3A_468 = arith.select %lt3A_466, %mul3A_467, %select_n3A_450 : vector<16xi1>, vector<16xf32>
        %get3A_469 = arith.index_cast %add3A_420 : i32 to index
        %get3A_470 = arith.constant 48 : index
        %get3A_471 = tpu.vector_load %arg6[%get3A_469, %get3A_470] {strides = array<i32>} : memref<128x200xf32, #tpu.memory_space<vmem>>, vector<16xf32>,
        %lt3A_472 = arith.cmpi slt, %add3A_32, %gather3A_431 : vector<16xi32>
        %mul3A_473 = arith.mulf %select_n3A_456, %get3A_471 : vector<16xf32>
        %select_n3A_474 = arith.select %lt3A_472, %mul3A_473, %select_n3A_456 : vector<16xi1>, vector<16xf32>
        %lt3A_475 = arith.cmpi slt, %add3A_32, %gather3A_441 : vector<16xi32>
        %mul3A_476 = arith.mulf %select_n3A_459, %get3A_471 : vector<16xf32>
        %select_n3A_477 = arith.select %lt3A_475, %mul3A_476, %select_n3A_459 : vector<16xi1>, vector<16xf32>
        %get3A_478 = arith.index_cast %add3A_420 : i32 to index
        %get3A_479 = arith.constant 64 : index
        %get3A_480 = tpu.vector_load %arg6[%get3A_478, %get3A_479] {strides = array<i32>} : memref<128x200xf32, #tpu.memory_space<vmem>>, vector<16xf32>,
        %lt3A_481 = arith.cmpi slt, %add3A_35, %gather3A_431 : vector<16xi32>
        %mul3A_482 = arith.mulf %select_n3A_465, %get3A_480 : vector<16xf32>
        %select_n3A_483 = arith.select %lt3A_481, %mul3A_482, %select_n3A_465 : vector<16xi1>, vector<16xf32>
        %lt3A_484 = arith.cmpi slt, %add3A_35, %gather3A_441 : vector<16xi32>
        %mul3A_485 = arith.mulf %select_n3A_468, %get3A_480 : vector<16xf32>
        %select_n3A_486 = arith.select %lt3A_484, %mul3A_485, %select_n3A_468 : vector<16xi1>, vector<16xf32>
        %get3A_487 = arith.index_cast %add3A_420 : i32 to index
        %get3A_488 = arith.constant 80 : index
        %get3A_489 = tpu.vector_load %arg6[%get3A_487, %get3A_488] {strides = array<i32>} : memref<128x200xf32, #tpu.memory_space<vmem>>, vector<16xf32>,
        %lt3A_490 = arith.cmpi slt, %add3A_38, %gather3A_431 : vector<16xi32>
        %mul3A_491 = arith.mulf %select_n3A_474, %get3A_489 : vector<16xf32>
        %select_n3A_492 = arith.select %lt3A_490, %mul3A_491, %select_n3A_474 : vector<16xi1>, vector<16xf32>
        %lt3A_493 = arith.cmpi slt, %add3A_38, %gather3A_441 : vector<16xi32>
        %mul3A_494 = arith.mulf %select_n3A_477, %get3A_489 : vector<16xf32>
        %select_n3A_495 = arith.select %lt3A_493, %mul3A_494, %select_n3A_477 : vector<16xi1>, vector<16xf32>
        %get3A_496 = arith.index_cast %add3A_420 : i32 to index
        %get3A_497 = arith.constant 96 : index
        %get3A_498 = tpu.vector_load %arg6[%get3A_496, %get3A_497] {strides = array<i32>} : memref<128x200xf32, #tpu.memory_space<vmem>>, vector<16xf32>,
        %lt3A_499 = arith.cmpi slt, %add3A_41, %gather3A_431 : vector<16xi32>
        %mul3A_500 = arith.mulf %select_n3A_483, %get3A_498 : vector<16xf32>
        %select_n3A_501 = arith.select %lt3A_499, %mul3A_500, %select_n3A_483 : vector<16xi1>, vector<16xf32>
        %lt3A_502 = arith.cmpi slt, %add3A_41, %gather3A_441 : vector<16xi32>
        %mul3A_503 = arith.mulf %select_n3A_486, %get3A_498 : vector<16xf32>
        %select_n3A_504 = arith.select %lt3A_502, %mul3A_503, %select_n3A_486 : vector<16xi1>, vector<16xf32>
        %get3A_505 = arith.index_cast %add3A_420 : i32 to index
        %get3A_506 = arith.constant 112 : index
        %get3A_507 = tpu.vector_load %arg6[%get3A_505, %get3A_506] {strides = array<i32>} : memref<128x200xf32, #tpu.memory_space<vmem>>, vector<16xf32>,
        %lt3A_508 = arith.cmpi slt, %add3A_44, %gather3A_431 : vector<16xi32>
        %mul3A_509 = arith.mulf %select_n3A_492, %get3A_507 : vector<16xf32>
        %select_n3A_510 = arith.select %lt3A_508, %mul3A_509, %select_n3A_492 : vector<16xi1>, vector<16xf32>
        %lt3A_511 = arith.cmpi slt, %add3A_44, %gather3A_441 : vector<16xi32>
        %mul3A_512 = arith.mulf %select_n3A_495, %get3A_507 : vector<16xf32>
        %select_n3A_513 = arith.select %lt3A_511, %mul3A_512, %select_n3A_495 : vector<16xi1>, vector<16xf32>
        %get3A_514 = arith.index_cast %add3A_420 : i32 to index
        %get3A_515 = arith.constant 128 : index
        %get3A_516 = tpu.vector_load %arg6[%get3A_514, %get3A_515] {strides = array<i32>} : memref<128x200xf32, #tpu.memory_space<vmem>>, vector<16xf32>,
        %lt3A_517 = arith.cmpi slt, %add3A_47, %gather3A_431 : vector<16xi32>
        %mul3A_518 = arith.mulf %select_n3A_501, %get3A_516 : vector<16xf32>
        %select_n3A_519 = arith.select %lt3A_517, %mul3A_518, %select_n3A_501 : vector<16xi1>, vector<16xf32>
        %lt3A_520 = arith.cmpi slt, %add3A_47, %gather3A_441 : vector<16xi32>
        %mul3A_521 = arith.mulf %select_n3A_504, %get3A_516 : vector<16xf32>
        %select_n3A_522 = arith.select %lt3A_520, %mul3A_521, %select_n3A_504 : vector<16xi1>, vector<16xf32>
        %get3A_523 = arith.index_cast %add3A_420 : i32 to index
        %get3A_524 = arith.constant 144 : index
        %get3A_525 = tpu.vector_load %arg6[%get3A_523, %get3A_524] {strides = array<i32>} : memref<128x200xf32, #tpu.memory_space<vmem>>, vector<16xf32>,
        %lt3A_526 = arith.cmpi slt, %add3A_50, %gather3A_431 : vector<16xi32>
        %mul3A_527 = arith.mulf %select_n3A_510, %get3A_525 : vector<16xf32>
        %select_n3A_528 = arith.select %lt3A_526, %mul3A_527, %select_n3A_510 : vector<16xi1>, vector<16xf32>
        %lt3A_529 = arith.cmpi slt, %add3A_50, %gather3A_441 : vector<16xi32>
        %mul3A_530 = arith.mulf %select_n3A_513, %get3A_525 : vector<16xf32>
        %select_n3A_531 = arith.select %lt3A_529, %mul3A_530, %select_n3A_513 : vector<16xi1>, vector<16xf32>
        %get3A_532 = arith.index_cast %add3A_420 : i32 to index
        %get3A_533 = arith.constant 160 : index
        %get3A_534 = tpu.vector_load %arg6[%get3A_532, %get3A_533] {strides = array<i32>} : memref<128x200xf32, #tpu.memory_space<vmem>>, vector<16xf32>,
        %lt3A_535 = arith.cmpi slt, %add3A_53, %gather3A_431 : vector<16xi32>
        %mul3A_536 = arith.mulf %select_n3A_519, %get3A_534 : vector<16xf32>
        %select_n3A_537 = arith.select %lt3A_535, %mul3A_536, %select_n3A_519 : vector<16xi1>, vector<16xf32>
        %lt3A_538 = arith.cmpi slt, %add3A_53, %gather3A_441 : vector<16xi32>
        %mul3A_539 = arith.mulf %select_n3A_522, %get3A_534 : vector<16xf32>
        %select_n3A_540 = arith.select %lt3A_538, %mul3A_539, %select_n3A_522 : vector<16xi1>, vector<16xf32>
        %get3A_541 = arith.index_cast %add3A_420 : i32 to index
        %get3A_542 = arith.constant 176 : index
        %get3A_543 = tpu.vector_load %arg6[%get3A_541, %get3A_542] {strides = array<i32>} : memref<128x200xf32, #tpu.memory_space<vmem>>, vector<16xf32>,
        %lt3A_544 = arith.cmpi slt, %add3A_56, %gather3A_431 : vector<16xi32>
        %mul3A_545 = arith.mulf %select_n3A_528, %get3A_543 : vector<16xf32>
        %select_n3A_546 = arith.select %lt3A_544, %mul3A_545, %select_n3A_528 : vector<16xi1>, vector<16xf32>
        %lt3A_547 = arith.cmpi slt, %add3A_56, %gather3A_441 : vector<16xi32>
        %mul3A_548 = arith.mulf %select_n3A_531, %get3A_543 : vector<16xf32>
        %select_n3A_549 = arith.select %lt3A_547, %mul3A_548, %select_n3A_531 : vector<16xi1>, vector<16xf32>
        %get3A_550 = arith.index_cast %add3A_420 : i32 to index
        %get3A_551 = arith.constant 184 : index
        %get3A_552 = tpu.vector_load %arg6[%get3A_550, %get3A_551] {strides = array<i32>} : memref<128x200xf32, #tpu.memory_space<vmem>>, vector<16xf32>,
        %lt3A_553 = arith.cmpi slt, %add3A_59, %gather3A_431 : vector<16xi32>
        %and3A_554 = arith.andi %ge3A_61, %lt3A_553 : vector<16xi1>
        %lt3A_555 = arith.cmpi slt, %add3A_59, %gather3A_441 : vector<16xi32>
        %and3A_556 = arith.andi %ge3A_61, %lt3A_555 : vector<16xi1>
        %mul3A_557 = arith.mulf %select_n3A_537, %get3A_552 : vector<16xf32>
        %select_n3A_558 = arith.select %and3A_554, %mul3A_557, %select_n3A_537 : vector<16xi1>, vector<16xf32>
        %mul3A_559 = arith.mulf %select_n3A_540, %get3A_552 : vector<16xf32>
        %select_n3A_560 = arith.select %and3A_556, %mul3A_559, %select_n3A_540 : vector<16xi1>, vector<16xf32>
        %mul3A_561 = arith.mulf %select_n3A_558, %select_n3A_546 : vector<16xf32>
        %mul3A_562 = arith.mulf %select_n3A_560, %select_n3A_549 : vector<16xf32>
        %lt3A_563 = arith.constant 0 : i32
        %lt3A_564 = vector.broadcast %lt3A_563 : i32 to vector<16xi32>
        %lt3A_565 = arith.cmpi slt, %xor3A_11, %lt3A_564 : vector<16xi32>
        %add3A_566 = arith.constant 16 : i32
        %add3A_567 = vector.broadcast %add3A_566 : i32 to vector<16xi32>
        %add3A_568 = arith.addi %xor3A_11, %add3A_567 : vector<16xi32>
        %select_n3A_569 = arith.select %lt3A_565, %add3A_568, %xor3A_11 : vector<16xi1>, vector<16xi32>
        %broadcast_in_dim3A_570 = vector.shape_cast %select_n3A_569 : vector<16xi32> to vector<16x1xi32>
        %gather3A_571 = vector.shape_cast %broadcast_in_dim3A_570 : vector<16x1xi32> to vector<16xi32>
        %gather3A_572 = tpu.dynamic_gather %mul3A_561[%gather3A_571] in [0] : vector<16xf32>, vector<16xi32> -> vector<16xf32>
        %mul3A_573 = arith.mulf %mul3A_561, %gather3A_572 : vector<16xf32>
        %lt3A_574 = arith.constant 0 : i32
        %lt3A_575 = vector.broadcast %lt3A_574 : i32 to vector<16xi32>
        %lt3A_576 = arith.cmpi slt, %xor3A_11, %lt3A_575 : vector<16xi32>
        %add3A_577 = arith.constant 16 : i32
        %add3A_578 = vector.broadcast %add3A_577 : i32 to vector<16xi32>
        %add3A_579 = arith.addi %xor3A_11, %add3A_578 : vector<16xi32>
        %select_n3A_580 = arith.select %lt3A_576, %add3A_579, %xor3A_11 : vector<16xi1>, vector<16xi32>
        %broadcast_in_dim3A_581 = vector.shape_cast %select_n3A_580 : vector<16xi32> to vector<16x1xi32>
        %gather3A_582 = vector.shape_cast %broadcast_in_dim3A_581 : vector<16x1xi32> to vector<16xi32>
        %gather3A_583 = tpu.dynamic_gather %mul3A_562[%gather3A_582] in [0] : vector<16xf32>, vector<16xi32> -> vector<16xf32>
        %mul3A_584 = arith.mulf %mul3A_562, %gather3A_583 : vector<16xf32>
        %lt3A_585 = arith.constant 0 : i32
        %lt3A_586 = vector.broadcast %lt3A_585 : i32 to vector<16xi32>
        %lt3A_587 = arith.cmpi slt, %xor3A_14, %lt3A_586 : vector<16xi32>
        %add3A_588 = arith.constant 16 : i32
        %add3A_589 = vector.broadcast %add3A_588 : i32 to vector<16xi32>
        %add3A_590 = arith.addi %xor3A_14, %add3A_589 : vector<16xi32>
        %select_n3A_591 = arith.select %lt3A_587, %add3A_590, %xor3A_14 : vector<16xi1>, vector<16xi32>
        %broadcast_in_dim3A_592 = vector.shape_cast %select_n3A_591 : vector<16xi32> to vector<16x1xi32>
        %gather3A_593 = vector.shape_cast %broadcast_in_dim3A_592 : vector<16x1xi32> to vector<16xi32>
        %gather3A_594 = tpu.dynamic_gather %mul3A_573[%gather3A_593] in [0] : vector<16xf32>, vector<16xi32> -> vector<16xf32>
        %mul3A_595 = arith.mulf %mul3A_573, %gather3A_594 : vector<16xf32>
        %lt3A_596 = arith.constant 0 : i32
        %lt3A_597 = vector.broadcast %lt3A_596 : i32 to vector<16xi32>
        %lt3A_598 = arith.cmpi slt, %xor3A_14, %lt3A_597 : vector<16xi32>
        %add3A_599 = arith.constant 16 : i32
        %add3A_600 = vector.broadcast %add3A_599 : i32 to vector<16xi32>
        %add3A_601 = arith.addi %xor3A_14, %add3A_600 : vector<16xi32>
        %select_n3A_602 = arith.select %lt3A_598, %add3A_601, %xor3A_14 : vector<16xi1>, vector<16xi32>
        %broadcast_in_dim3A_603 = vector.shape_cast %select_n3A_602 : vector<16xi32> to vector<16x1xi32>
        %gather3A_604 = vector.shape_cast %broadcast_in_dim3A_603 : vector<16x1xi32> to vector<16xi32>
        %gather3A_605 = tpu.dynamic_gather %mul3A_584[%gather3A_604] in [0] : vector<16xf32>, vector<16xi32> -> vector<16xf32>
        %mul3A_606 = arith.mulf %mul3A_584, %gather3A_605 : vector<16xf32>
        %lt3A_607 = arith.constant 0 : i32
        %lt3A_608 = vector.broadcast %lt3A_607 : i32 to vector<16xi32>
        %lt3A_609 = arith.cmpi slt, %xor3A_17, %lt3A_608 : vector<16xi32>
        %add3A_610 = arith.constant 16 : i32
        %add3A_611 = vector.broadcast %add3A_610 : i32 to vector<16xi32>
        %add3A_612 = arith.addi %xor3A_17, %add3A_611 : vector<16xi32>
        %select_n3A_613 = arith.select %lt3A_609, %add3A_612, %xor3A_17 : vector<16xi1>, vector<16xi32>
        %broadcast_in_dim3A_614 = vector.shape_cast %select_n3A_613 : vector<16xi32> to vector<16x1xi32>
        %gather3A_615 = vector.shape_cast %broadcast_in_dim3A_614 : vector<16x1xi32> to vector<16xi32>
        %gather3A_616 = tpu.dynamic_gather %mul3A_595[%gather3A_615] in [0] : vector<16xf32>, vector<16xi32> -> vector<16xf32>
        %mul3A_617 = arith.mulf %mul3A_595, %gather3A_616 : vector<16xf32>
        %lt3A_618 = arith.constant 0 : i32
        %lt3A_619 = vector.broadcast %lt3A_618 : i32 to vector<16xi32>
        %lt3A_620 = arith.cmpi slt, %xor3A_17, %lt3A_619 : vector<16xi32>
        %add3A_621 = arith.constant 16 : i32
        %add3A_622 = vector.broadcast %add3A_621 : i32 to vector<16xi32>
        %add3A_623 = arith.addi %xor3A_17, %add3A_622 : vector<16xi32>
        %select_n3A_624 = arith.select %lt3A_620, %add3A_623, %xor3A_17 : vector<16xi1>, vector<16xi32>
        %broadcast_in_dim3A_625 = vector.shape_cast %select_n3A_624 : vector<16xi32> to vector<16x1xi32>
        %gather3A_626 = vector.shape_cast %broadcast_in_dim3A_625 : vector<16x1xi32> to vector<16xi32>
        %gather3A_627 = tpu.dynamic_gather %mul3A_606[%gather3A_626] in [0] : vector<16xf32>, vector<16xi32> -> vector<16xf32>
        %mul3A_628 = arith.mulf %mul3A_606, %gather3A_627 : vector<16xf32>
        %lt3A_629 = arith.constant 0 : i32
        %lt3A_630 = vector.broadcast %lt3A_629 : i32 to vector<16xi32>
        %lt3A_631 = arith.cmpi slt, %xor3A_20, %lt3A_630 : vector<16xi32>
        %add3A_632 = arith.constant 16 : i32
        %add3A_633 = vector.broadcast %add3A_632 : i32 to vector<16xi32>
        %add3A_634 = arith.addi %xor3A_20, %add3A_633 : vector<16xi32>
        %select_n3A_635 = arith.select %lt3A_631, %add3A_634, %xor3A_20 : vector<16xi1>, vector<16xi32>
        %broadcast_in_dim3A_636 = vector.shape_cast %select_n3A_635 : vector<16xi32> to vector<16x1xi32>
        %gather3A_637 = vector.shape_cast %broadcast_in_dim3A_636 : vector<16x1xi32> to vector<16xi32>
        %gather3A_638 = tpu.dynamic_gather %mul3A_617[%gather3A_637] in [0] : vector<16xf32>, vector<16xi32> -> vector<16xf32>
        %mul3A_639 = arith.mulf %mul3A_617, %gather3A_638 : vector<16xf32>
        %lt3A_640 = arith.constant 0 : i32
        %lt3A_641 = vector.broadcast %lt3A_640 : i32 to vector<16xi32>
        %lt3A_642 = arith.cmpi slt, %xor3A_20, %lt3A_641 : vector<16xi32>
        %add3A_643 = arith.constant 16 : i32
        %add3A_644 = vector.broadcast %add3A_643 : i32 to vector<16xi32>
        %add3A_645 = arith.addi %xor3A_20, %add3A_644 : vector<16xi32>
        %select_n3A_646 = arith.select %lt3A_642, %add3A_645, %xor3A_20 : vector<16xi1>, vector<16xi32>
        %broadcast_in_dim3A_647 = vector.shape_cast %select_n3A_646 : vector<16xi32> to vector<16x1xi32>
        %gather3A_648 = vector.shape_cast %broadcast_in_dim3A_647 : vector<16x1xi32> to vector<16xi32>
        %gather3A_649 = tpu.dynamic_gather %mul3A_628[%gather3A_648] in [0] : vector<16xf32>, vector<16xi32> -> vector<16xf32>
        %mul3A_650 = arith.mulf %mul3A_628, %gather3A_649 : vector<16xf32>
        %add3A_651 = arith.constant 0 : i32
        %add3A_652 = arith.addi %add3A_651, %add3A_420 : i32
        %swap3A_653 = arith.index_cast %add3A_652 : i32 to index
        %swap3A_654 = tpu.vector_load %arg10[%swap3A_653] masked %eq3A_9 {strides = array<i32>} : memref<528xf32, #tpu.memory_space<vmem>>, vector<16xf32>, vector<16xi1>
        tpu.vector_store %arg10[%swap3A_653], %mul3A_639 masked %eq3A_9 {strides = array<i32>} : memref<528xf32, #tpu.memory_space<vmem>>, vector<16xf32>, vector<16xi1>
        %swap3A_655 = arith.index_cast %add3A_652 : i32 to index
        %swap3A_656 = tpu.vector_load %arg11[%swap3A_655] masked %eq3A_9 {strides = array<i32>} : memref<528xf32, #tpu.memory_space<vmem>>, vector<16xf32>, vector<16xi1>
        tpu.vector_store %arg11[%swap3A_655], %mul3A_650 masked %eq3A_9 {strides = array<i32>} : memref<528xf32, #tpu.memory_space<vmem>>, vector<16xf32>, vector<16xi1>
        %scan3A_657 = arith.constant 2 : i32
        %scan3A_658 = arith.addi %scan3A_178, %scan3A_657 : i32
        %mul3A_659 = arith.constant 16 : i32
        %mul3A_660 = arith.muli %scan3A_155, %mul3A_659 : i32
        %add3A_661 = arith.addi %mul3A_660, %scan3A_658 : i32
        %broadcast_in_dim3A_662 = vector.broadcast %scan3A_658 : i32 to vector<16xi32>
        %lt3A_663 = arith.constant 0 : i32
        %lt3A_664 = vector.broadcast %lt3A_663 : i32 to vector<16xi32>
        %lt3A_665 = arith.cmpi slt, %broadcast_in_dim3A_662, %lt3A_664 : vector<16xi32>
        %add3A_666 = arith.constant 16 : i32
        %add3A_667 = vector.broadcast %add3A_666 : i32 to vector<16xi32>
        %add3A_668 = arith.addi %broadcast_in_dim3A_662, %add3A_667 : vector<16xi32>
        %select_n3A_669 = arith.select %lt3A_665, %add3A_668, %broadcast_in_dim3A_662 : vector<16xi1>, vector<16xi32>
        %broadcast_in_dim3A_670 = vector.shape_cast %select_n3A_669 : vector<16xi32> to vector<16x1xi32>
        %gather3A_671 = vector.shape_cast %broadcast_in_dim3A_670 : vector<16x1xi32> to vector<16xi32>
        %gather3A_672 = tpu.dynamic_gather %gather3A_160[%gather3A_671] in [0] : vector<16xi32>, vector<16xi32> -> vector<16xi32>
        %lt3A_673 = arith.constant 0 : i32
        %lt3A_674 = vector.broadcast %lt3A_673 : i32 to vector<16xi32>
        %lt3A_675 = arith.cmpi slt, %broadcast_in_dim3A_662, %lt3A_674 : vector<16xi32>
        %add3A_676 = arith.constant 16 : i32
        %add3A_677 = vector.broadcast %add3A_676 : i32 to vector<16xi32>
        %add3A_678 = arith.addi %broadcast_in_dim3A_662, %add3A_677 : vector<16xi32>
        %select_n3A_679 = arith.select %lt3A_675, %add3A_678, %broadcast_in_dim3A_662 : vector<16xi1>, vector<16xi32>
        %broadcast_in_dim3A_680 = vector.shape_cast %select_n3A_679 : vector<16xi32> to vector<16x1xi32>
        %gather3A_681 = vector.shape_cast %broadcast_in_dim3A_680 : vector<16x1xi32> to vector<16xi32>
        %gather3A_682 = tpu.dynamic_gather %gather3A[%gather3A_681] in [0] : vector<16xi32>, vector<16xi32> -> vector<16xi32>
        %get3A_683 = arith.index_cast %add3A_661 : i32 to index
        %get3A_684 = arith.constant 0 : index
        %get3A_685 = tpu.vector_load %arg6[%get3A_683, %get3A_684] {strides = array<i32>} : memref<128x200xf32, #tpu.memory_space<vmem>>, vector<16xf32>,
        %lt3A_686 = arith.cmpi slt, %add3A_23, %gather3A_672 : vector<16xi32>
        %mul3A_687 = arith.mulf %broadcast_in_dim3A_7, %get3A_685 : vector<16xf32>
        %select_n3A_688 = arith.select %lt3A_686, %mul3A_687, %broadcast_in_dim3A_7 : vector<16xi1>, vector<16xf32>
        %lt3A_689 = arith.cmpi slt, %add3A_23, %gather3A_682 : vector<16xi32>
        %mul3A_690 = arith.mulf %broadcast_in_dim3A_7, %get3A_685 : vector<16xf32>
        %select_n3A_691 = arith.select %lt3A_689, %mul3A_690, %broadcast_in_dim3A_7 : vector<16xi1>, vector<16xf32>
        %get3A_692 = arith.index_cast %add3A_661 : i32 to index
        %get3A_693 = arith.constant 16 : index
        %get3A_694 = tpu.vector_load %arg6[%get3A_692, %get3A_693] {strides = array<i32>} : memref<128x200xf32, #tpu.memory_space<vmem>>, vector<16xf32>,
        %lt3A_695 = arith.cmpi slt, %add3A_26, %gather3A_672 : vector<16xi32>
        %mul3A_696 = arith.mulf %broadcast_in_dim3A_7, %get3A_694 : vector<16xf32>
        %select_n3A_697 = arith.select %lt3A_695, %mul3A_696, %broadcast_in_dim3A_7 : vector<16xi1>, vector<16xf32>
        %lt3A_698 = arith.cmpi slt, %add3A_26, %gather3A_682 : vector<16xi32>
        %mul3A_699 = arith.mulf %broadcast_in_dim3A_7, %get3A_694 : vector<16xf32>
        %select_n3A_700 = arith.select %lt3A_698, %mul3A_699, %broadcast_in_dim3A_7 : vector<16xi1>, vector<16xf32>
        %get3A_701 = arith.index_cast %add3A_661 : i32 to index
        %get3A_702 = arith.constant 32 : index
        %get3A_703 = tpu.vector_load %arg6[%get3A_701, %get3A_702] {strides = array<i32>} : memref<128x200xf32, #tpu.memory_space<vmem>>, vector<16xf32>,
        %lt3A_704 = arith.cmpi slt, %add3A_29, %gather3A_672 : vector<16xi32>
        %mul3A_705 = arith.mulf %select_n3A_688, %get3A_703 : vector<16xf32>
        %select_n3A_706 = arith.select %lt3A_704, %mul3A_705, %select_n3A_688 : vector<16xi1>, vector<16xf32>
        %lt3A_707 = arith.cmpi slt, %add3A_29, %gather3A_682 : vector<16xi32>
        %mul3A_708 = arith.mulf %select_n3A_691, %get3A_703 : vector<16xf32>
        %select_n3A_709 = arith.select %lt3A_707, %mul3A_708, %select_n3A_691 : vector<16xi1>, vector<16xf32>
        %get3A_710 = arith.index_cast %add3A_661 : i32 to index
        %get3A_711 = arith.constant 48 : index
        %get3A_712 = tpu.vector_load %arg6[%get3A_710, %get3A_711] {strides = array<i32>} : memref<128x200xf32, #tpu.memory_space<vmem>>, vector<16xf32>,
        %lt3A_713 = arith.cmpi slt, %add3A_32, %gather3A_672 : vector<16xi32>
        %mul3A_714 = arith.mulf %select_n3A_697, %get3A_712 : vector<16xf32>
        %select_n3A_715 = arith.select %lt3A_713, %mul3A_714, %select_n3A_697 : vector<16xi1>, vector<16xf32>
        %lt3A_716 = arith.cmpi slt, %add3A_32, %gather3A_682 : vector<16xi32>
        %mul3A_717 = arith.mulf %select_n3A_700, %get3A_712 : vector<16xf32>
        %select_n3A_718 = arith.select %lt3A_716, %mul3A_717, %select_n3A_700 : vector<16xi1>, vector<16xf32>
        %get3A_719 = arith.index_cast %add3A_661 : i32 to index
        %get3A_720 = arith.constant 64 : index
        %get3A_721 = tpu.vector_load %arg6[%get3A_719, %get3A_720] {strides = array<i32>} : memref<128x200xf32, #tpu.memory_space<vmem>>, vector<16xf32>,
        %lt3A_722 = arith.cmpi slt, %add3A_35, %gather3A_672 : vector<16xi32>
        %mul3A_723 = arith.mulf %select_n3A_706, %get3A_721 : vector<16xf32>
        %select_n3A_724 = arith.select %lt3A_722, %mul3A_723, %select_n3A_706 : vector<16xi1>, vector<16xf32>
        %lt3A_725 = arith.cmpi slt, %add3A_35, %gather3A_682 : vector<16xi32>
        %mul3A_726 = arith.mulf %select_n3A_709, %get3A_721 : vector<16xf32>
        %select_n3A_727 = arith.select %lt3A_725, %mul3A_726, %select_n3A_709 : vector<16xi1>, vector<16xf32>
        %get3A_728 = arith.index_cast %add3A_661 : i32 to index
        %get3A_729 = arith.constant 80 : index
        %get3A_730 = tpu.vector_load %arg6[%get3A_728, %get3A_729] {strides = array<i32>} : memref<128x200xf32, #tpu.memory_space<vmem>>, vector<16xf32>,
        %lt3A_731 = arith.cmpi slt, %add3A_38, %gather3A_672 : vector<16xi32>
        %mul3A_732 = arith.mulf %select_n3A_715, %get3A_730 : vector<16xf32>
        %select_n3A_733 = arith.select %lt3A_731, %mul3A_732, %select_n3A_715 : vector<16xi1>, vector<16xf32>
        %lt3A_734 = arith.cmpi slt, %add3A_38, %gather3A_682 : vector<16xi32>
        %mul3A_735 = arith.mulf %select_n3A_718, %get3A_730 : vector<16xf32>
        %select_n3A_736 = arith.select %lt3A_734, %mul3A_735, %select_n3A_718 : vector<16xi1>, vector<16xf32>
        %get3A_737 = arith.index_cast %add3A_661 : i32 to index
        %get3A_738 = arith.constant 96 : index
        %get3A_739 = tpu.vector_load %arg6[%get3A_737, %get3A_738] {strides = array<i32>} : memref<128x200xf32, #tpu.memory_space<vmem>>, vector<16xf32>,
        %lt3A_740 = arith.cmpi slt, %add3A_41, %gather3A_672 : vector<16xi32>
        %mul3A_741 = arith.mulf %select_n3A_724, %get3A_739 : vector<16xf32>
        %select_n3A_742 = arith.select %lt3A_740, %mul3A_741, %select_n3A_724 : vector<16xi1>, vector<16xf32>
        %lt3A_743 = arith.cmpi slt, %add3A_41, %gather3A_682 : vector<16xi32>
        %mul3A_744 = arith.mulf %select_n3A_727, %get3A_739 : vector<16xf32>
        %select_n3A_745 = arith.select %lt3A_743, %mul3A_744, %select_n3A_727 : vector<16xi1>, vector<16xf32>
        %get3A_746 = arith.index_cast %add3A_661 : i32 to index
        %get3A_747 = arith.constant 112 : index
        %get3A_748 = tpu.vector_load %arg6[%get3A_746, %get3A_747] {strides = array<i32>} : memref<128x200xf32, #tpu.memory_space<vmem>>, vector<16xf32>,
        %lt3A_749 = arith.cmpi slt, %add3A_44, %gather3A_672 : vector<16xi32>
        %mul3A_750 = arith.mulf %select_n3A_733, %get3A_748 : vector<16xf32>
        %select_n3A_751 = arith.select %lt3A_749, %mul3A_750, %select_n3A_733 : vector<16xi1>, vector<16xf32>
        %lt3A_752 = arith.cmpi slt, %add3A_44, %gather3A_682 : vector<16xi32>
        %mul3A_753 = arith.mulf %select_n3A_736, %get3A_748 : vector<16xf32>
        %select_n3A_754 = arith.select %lt3A_752, %mul3A_753, %select_n3A_736 : vector<16xi1>, vector<16xf32>
        %get3A_755 = arith.index_cast %add3A_661 : i32 to index
        %get3A_756 = arith.constant 128 : index
        %get3A_757 = tpu.vector_load %arg6[%get3A_755, %get3A_756] {strides = array<i32>} : memref<128x200xf32, #tpu.memory_space<vmem>>, vector<16xf32>,
        %lt3A_758 = arith.cmpi slt, %add3A_47, %gather3A_672 : vector<16xi32>
        %mul3A_759 = arith.mulf %select_n3A_742, %get3A_757 : vector<16xf32>
        %select_n3A_760 = arith.select %lt3A_758, %mul3A_759, %select_n3A_742 : vector<16xi1>, vector<16xf32>
        %lt3A_761 = arith.cmpi slt, %add3A_47, %gather3A_682 : vector<16xi32>
        %mul3A_762 = arith.mulf %select_n3A_745, %get3A_757 : vector<16xf32>
        %select_n3A_763 = arith.select %lt3A_761, %mul3A_762, %select_n3A_745 : vector<16xi1>, vector<16xf32>
        %get3A_764 = arith.index_cast %add3A_661 : i32 to index
        %get3A_765 = arith.constant 144 : index
        %get3A_766 = tpu.vector_load %arg6[%get3A_764, %get3A_765] {strides = array<i32>} : memref<128x200xf32, #tpu.memory_space<vmem>>, vector<16xf32>,
        %lt3A_767 = arith.cmpi slt, %add3A_50, %gather3A_672 : vector<16xi32>
        %mul3A_768 = arith.mulf %select_n3A_751, %get3A_766 : vector<16xf32>
        %select_n3A_769 = arith.select %lt3A_767, %mul3A_768, %select_n3A_751 : vector<16xi1>, vector<16xf32>
        %lt3A_770 = arith.cmpi slt, %add3A_50, %gather3A_682 : vector<16xi32>
        %mul3A_771 = arith.mulf %select_n3A_754, %get3A_766 : vector<16xf32>
        %select_n3A_772 = arith.select %lt3A_770, %mul3A_771, %select_n3A_754 : vector<16xi1>, vector<16xf32>
        %get3A_773 = arith.index_cast %add3A_661 : i32 to index
        %get3A_774 = arith.constant 160 : index
        %get3A_775 = tpu.vector_load %arg6[%get3A_773, %get3A_774] {strides = array<i32>} : memref<128x200xf32, #tpu.memory_space<vmem>>, vector<16xf32>,
        %lt3A_776 = arith.cmpi slt, %add3A_53, %gather3A_672 : vector<16xi32>
        %mul3A_777 = arith.mulf %select_n3A_760, %get3A_775 : vector<16xf32>
        %select_n3A_778 = arith.select %lt3A_776, %mul3A_777, %select_n3A_760 : vector<16xi1>, vector<16xf32>
        %lt3A_779 = arith.cmpi slt, %add3A_53, %gather3A_682 : vector<16xi32>
        %mul3A_780 = arith.mulf %select_n3A_763, %get3A_775 : vector<16xf32>
        %select_n3A_781 = arith.select %lt3A_779, %mul3A_780, %select_n3A_763 : vector<16xi1>, vector<16xf32>
        %get3A_782 = arith.index_cast %add3A_661 : i32 to index
        %get3A_783 = arith.constant 176 : index
        %get3A_784 = tpu.vector_load %arg6[%get3A_782, %get3A_783] {strides = array<i32>} : memref<128x200xf32, #tpu.memory_space<vmem>>, vector<16xf32>,
        %lt3A_785 = arith.cmpi slt, %add3A_56, %gather3A_672 : vector<16xi32>
        %mul3A_786 = arith.mulf %select_n3A_769, %get3A_784 : vector<16xf32>
        %select_n3A_787 = arith.select %lt3A_785, %mul3A_786, %select_n3A_769 : vector<16xi1>, vector<16xf32>
        %lt3A_788 = arith.cmpi slt, %add3A_56, %gather3A_682 : vector<16xi32>
        %mul3A_789 = arith.mulf %select_n3A_772, %get3A_784 : vector<16xf32>
        %select_n3A_790 = arith.select %lt3A_788, %mul3A_789, %select_n3A_772 : vector<16xi1>, vector<16xf32>
        %get3A_791 = arith.index_cast %add3A_661 : i32 to index
        %get3A_792 = arith.constant 184 : index
        %get3A_793 = tpu.vector_load %arg6[%get3A_791, %get3A_792] {strides = array<i32>} : memref<128x200xf32, #tpu.memory_space<vmem>>, vector<16xf32>,
        %lt3A_794 = arith.cmpi slt, %add3A_59, %gather3A_672 : vector<16xi32>
        %and3A_795 = arith.andi %ge3A_61, %lt3A_794 : vector<16xi1>
        %lt3A_796 = arith.cmpi slt, %add3A_59, %gather3A_682 : vector<16xi32>
        %and3A_797 = arith.andi %ge3A_61, %lt3A_796 : vector<16xi1>
        %mul3A_798 = arith.mulf %select_n3A_778, %get3A_793 : vector<16xf32>
        %select_n3A_799 = arith.select %and3A_795, %mul3A_798, %select_n3A_778 : vector<16xi1>, vector<16xf32>
        %mul3A_800 = arith.mulf %select_n3A_781, %get3A_793 : vector<16xf32>
        %select_n3A_801 = arith.select %and3A_797, %mul3A_800, %select_n3A_781 : vector<16xi1>, vector<16xf32>
        %mul3A_802 = arith.mulf %select_n3A_799, %select_n3A_787 : vector<16xf32>
        %mul3A_803 = arith.mulf %select_n3A_801, %select_n3A_790 : vector<16xf32>
        %lt3A_804 = arith.constant 0 : i32
        %lt3A_805 = vector.broadcast %lt3A_804 : i32 to vector<16xi32>
        %lt3A_806 = arith.cmpi slt, %xor3A_11, %lt3A_805 : vector<16xi32>
        %add3A_807 = arith.constant 16 : i32
        %add3A_808 = vector.broadcast %add3A_807 : i32 to vector<16xi32>
        %add3A_809 = arith.addi %xor3A_11, %add3A_808 : vector<16xi32>
        %select_n3A_810 = arith.select %lt3A_806, %add3A_809, %xor3A_11 : vector<16xi1>, vector<16xi32>
        %broadcast_in_dim3A_811 = vector.shape_cast %select_n3A_810 : vector<16xi32> to vector<16x1xi32>
        %gather3A_812 = vector.shape_cast %broadcast_in_dim3A_811 : vector<16x1xi32> to vector<16xi32>
        %gather3A_813 = tpu.dynamic_gather %mul3A_802[%gather3A_812] in [0] : vector<16xf32>, vector<16xi32> -> vector<16xf32>
        %mul3A_814 = arith.mulf %mul3A_802, %gather3A_813 : vector<16xf32>
        %lt3A_815 = arith.constant 0 : i32
        %lt3A_816 = vector.broadcast %lt3A_815 : i32 to vector<16xi32>
        %lt3A_817 = arith.cmpi slt, %xor3A_11, %lt3A_816 : vector<16xi32>
        %add3A_818 = arith.constant 16 : i32
        %add3A_819 = vector.broadcast %add3A_818 : i32 to vector<16xi32>
        %add3A_820 = arith.addi %xor3A_11, %add3A_819 : vector<16xi32>
        %select_n3A_821 = arith.select %lt3A_817, %add3A_820, %xor3A_11 : vector<16xi1>, vector<16xi32>
        %broadcast_in_dim3A_822 = vector.shape_cast %select_n3A_821 : vector<16xi32> to vector<16x1xi32>
        %gather3A_823 = vector.shape_cast %broadcast_in_dim3A_822 : vector<16x1xi32> to vector<16xi32>
        %gather3A_824 = tpu.dynamic_gather %mul3A_803[%gather3A_823] in [0] : vector<16xf32>, vector<16xi32> -> vector<16xf32>
        %mul3A_825 = arith.mulf %mul3A_803, %gather3A_824 : vector<16xf32>
        %lt3A_826 = arith.constant 0 : i32
        %lt3A_827 = vector.broadcast %lt3A_826 : i32 to vector<16xi32>
        %lt3A_828 = arith.cmpi slt, %xor3A_14, %lt3A_827 : vector<16xi32>
        %add3A_829 = arith.constant 16 : i32
        %add3A_830 = vector.broadcast %add3A_829 : i32 to vector<16xi32>
        %add3A_831 = arith.addi %xor3A_14, %add3A_830 : vector<16xi32>
        %select_n3A_832 = arith.select %lt3A_828, %add3A_831, %xor3A_14 : vector<16xi1>, vector<16xi32>
        %broadcast_in_dim3A_833 = vector.shape_cast %select_n3A_832 : vector<16xi32> to vector<16x1xi32>
        %gather3A_834 = vector.shape_cast %broadcast_in_dim3A_833 : vector<16x1xi32> to vector<16xi32>
        %gather3A_835 = tpu.dynamic_gather %mul3A_814[%gather3A_834] in [0] : vector<16xf32>, vector<16xi32> -> vector<16xf32>
        %mul3A_836 = arith.mulf %mul3A_814, %gather3A_835 : vector<16xf32>
        %lt3A_837 = arith.constant 0 : i32
        %lt3A_838 = vector.broadcast %lt3A_837 : i32 to vector<16xi32>
        %lt3A_839 = arith.cmpi slt, %xor3A_14, %lt3A_838 : vector<16xi32>
        %add3A_840 = arith.constant 16 : i32
        %add3A_841 = vector.broadcast %add3A_840 : i32 to vector<16xi32>
        %add3A_842 = arith.addi %xor3A_14, %add3A_841 : vector<16xi32>
        %select_n3A_843 = arith.select %lt3A_839, %add3A_842, %xor3A_14 : vector<16xi1>, vector<16xi32>
        %broadcast_in_dim3A_844 = vector.shape_cast %select_n3A_843 : vector<16xi32> to vector<16x1xi32>
        %gather3A_845 = vector.shape_cast %broadcast_in_dim3A_844 : vector<16x1xi32> to vector<16xi32>
        %gather3A_846 = tpu.dynamic_gather %mul3A_825[%gather3A_845] in [0] : vector<16xf32>, vector<16xi32> -> vector<16xf32>
        %mul3A_847 = arith.mulf %mul3A_825, %gather3A_846 : vector<16xf32>
        %lt3A_848 = arith.constant 0 : i32
        %lt3A_849 = vector.broadcast %lt3A_848 : i32 to vector<16xi32>
        %lt3A_850 = arith.cmpi slt, %xor3A_17, %lt3A_849 : vector<16xi32>
        %add3A_851 = arith.constant 16 : i32
        %add3A_852 = vector.broadcast %add3A_851 : i32 to vector<16xi32>
        %add3A_853 = arith.addi %xor3A_17, %add3A_852 : vector<16xi32>
        %select_n3A_854 = arith.select %lt3A_850, %add3A_853, %xor3A_17 : vector<16xi1>, vector<16xi32>
        %broadcast_in_dim3A_855 = vector.shape_cast %select_n3A_854 : vector<16xi32> to vector<16x1xi32>
        %gather3A_856 = vector.shape_cast %broadcast_in_dim3A_855 : vector<16x1xi32> to vector<16xi32>
        %gather3A_857 = tpu.dynamic_gather %mul3A_836[%gather3A_856] in [0] : vector<16xf32>, vector<16xi32> -> vector<16xf32>
        %mul3A_858 = arith.mulf %mul3A_836, %gather3A_857 : vector<16xf32>
        %lt3A_859 = arith.constant 0 : i32
        %lt3A_860 = vector.broadcast %lt3A_859 : i32 to vector<16xi32>
        %lt3A_861 = arith.cmpi slt, %xor3A_17, %lt3A_860 : vector<16xi32>
        %add3A_862 = arith.constant 16 : i32
        %add3A_863 = vector.broadcast %add3A_862 : i32 to vector<16xi32>
        %add3A_864 = arith.addi %xor3A_17, %add3A_863 : vector<16xi32>
        %select_n3A_865 = arith.select %lt3A_861, %add3A_864, %xor3A_17 : vector<16xi1>, vector<16xi32>
        %broadcast_in_dim3A_866 = vector.shape_cast %select_n3A_865 : vector<16xi32> to vector<16x1xi32>
        %gather3A_867 = vector.shape_cast %broadcast_in_dim3A_866 : vector<16x1xi32> to vector<16xi32>
        %gather3A_868 = tpu.dynamic_gather %mul3A_847[%gather3A_867] in [0] : vector<16xf32>, vector<16xi32> -> vector<16xf32>
        %mul3A_869 = arith.mulf %mul3A_847, %gather3A_868 : vector<16xf32>
        %lt3A_870 = arith.constant 0 : i32
        %lt3A_871 = vector.broadcast %lt3A_870 : i32 to vector<16xi32>
        %lt3A_872 = arith.cmpi slt, %xor3A_20, %lt3A_871 : vector<16xi32>
        %add3A_873 = arith.constant 16 : i32
        %add3A_874 = vector.broadcast %add3A_873 : i32 to vector<16xi32>
        %add3A_875 = arith.addi %xor3A_20, %add3A_874 : vector<16xi32>
        %select_n3A_876 = arith.select %lt3A_872, %add3A_875, %xor3A_20 : vector<16xi1>, vector<16xi32>
        %broadcast_in_dim3A_877 = vector.shape_cast %select_n3A_876 : vector<16xi32> to vector<16x1xi32>
        %gather3A_878 = vector.shape_cast %broadcast_in_dim3A_877 : vector<16x1xi32> to vector<16xi32>
        %gather3A_879 = tpu.dynamic_gather %mul3A_858[%gather3A_878] in [0] : vector<16xf32>, vector<16xi32> -> vector<16xf32>
        %mul3A_880 = arith.mulf %mul3A_858, %gather3A_879 : vector<16xf32>
        %lt3A_881 = arith.constant 0 : i32
        %lt3A_882 = vector.broadcast %lt3A_881 : i32 to vector<16xi32>
        %lt3A_883 = arith.cmpi slt, %xor3A_20, %lt3A_882 : vector<16xi32>
        %add3A_884 = arith.constant 16 : i32
        %add3A_885 = vector.broadcast %add3A_884 : i32 to vector<16xi32>
        %add3A_886 = arith.addi %xor3A_20, %add3A_885 : vector<16xi32>
        %select_n3A_887 = arith.select %lt3A_883, %add3A_886, %xor3A_20 : vector<16xi1>, vector<16xi32>
        %broadcast_in_dim3A_888 = vector.shape_cast %select_n3A_887 : vector<16xi32> to vector<16x1xi32>
        %gather3A_889 = vector.shape_cast %broadcast_in_dim3A_888 : vector<16x1xi32> to vector<16xi32>
        %gather3A_890 = tpu.dynamic_gather %mul3A_869[%gather3A_889] in [0] : vector<16xf32>, vector<16xi32> -> vector<16xf32>
        %mul3A_891 = arith.mulf %mul3A_869, %gather3A_890 : vector<16xf32>
        %add3A_892 = arith.constant 0 : i32
        %add3A_893 = arith.addi %add3A_892, %add3A_661 : i32
        %swap3A_894 = arith.index_cast %add3A_893 : i32 to index
        %swap3A_895 = tpu.vector_load %arg10[%swap3A_894] masked %eq3A_9 {strides = array<i32>} : memref<528xf32, #tpu.memory_space<vmem>>, vector<16xf32>, vector<16xi1>
        tpu.vector_store %arg10[%swap3A_894], %mul3A_880 masked %eq3A_9 {strides = array<i32>} : memref<528xf32, #tpu.memory_space<vmem>>, vector<16xf32>, vector<16xi1>
        %swap3A_896 = arith.index_cast %add3A_893 : i32 to index
        %swap3A_897 = tpu.vector_load %arg11[%swap3A_896] masked %eq3A_9 {strides = array<i32>} : memref<528xf32, #tpu.memory_space<vmem>>, vector<16xf32>, vector<16xi1>
        tpu.vector_store %arg11[%swap3A_896], %mul3A_891 masked %eq3A_9 {strides = array<i32>} : memref<528xf32, #tpu.memory_space<vmem>>, vector<16xf32>, vector<16xi1>
        %scan3A_898 = arith.constant 3 : i32
        %scan3A_899 = arith.addi %scan3A_178, %scan3A_898 : i32
        %mul3A_900 = arith.constant 16 : i32
        %mul3A_901 = arith.muli %scan3A_155, %mul3A_900 : i32
        %add3A_902 = arith.addi %mul3A_901, %scan3A_899 : i32
        %broadcast_in_dim3A_903 = vector.broadcast %scan3A_899 : i32 to vector<16xi32>
        %lt3A_904 = arith.constant 0 : i32
        %lt3A_905 = vector.broadcast %lt3A_904 : i32 to vector<16xi32>
        %lt3A_906 = arith.cmpi slt, %broadcast_in_dim3A_903, %lt3A_905 : vector<16xi32>
        %add3A_907 = arith.constant 16 : i32
        %add3A_908 = vector.broadcast %add3A_907 : i32 to vector<16xi32>
        %add3A_909 = arith.addi %broadcast_in_dim3A_903, %add3A_908 : vector<16xi32>
        %select_n3A_910 = arith.select %lt3A_906, %add3A_909, %broadcast_in_dim3A_903 : vector<16xi1>, vector<16xi32>
        %broadcast_in_dim3A_911 = vector.shape_cast %select_n3A_910 : vector<16xi32> to vector<16x1xi32>
        %gather3A_912 = vector.shape_cast %broadcast_in_dim3A_911 : vector<16x1xi32> to vector<16xi32>
        %gather3A_913 = tpu.dynamic_gather %gather3A_160[%gather3A_912] in [0] : vector<16xi32>, vector<16xi32> -> vector<16xi32>
        %lt3A_914 = arith.constant 0 : i32
        %lt3A_915 = vector.broadcast %lt3A_914 : i32 to vector<16xi32>
        %lt3A_916 = arith.cmpi slt, %broadcast_in_dim3A_903, %lt3A_915 : vector<16xi32>
        %add3A_917 = arith.constant 16 : i32
        %add3A_918 = vector.broadcast %add3A_917 : i32 to vector<16xi32>
        %add3A_919 = arith.addi %broadcast_in_dim3A_903, %add3A_918 : vector<16xi32>
        %select_n3A_920 = arith.select %lt3A_916, %add3A_919, %broadcast_in_dim3A_903 : vector<16xi1>, vector<16xi32>
        %broadcast_in_dim3A_921 = vector.shape_cast %select_n3A_920 : vector<16xi32> to vector<16x1xi32>
        %gather3A_922 = vector.shape_cast %broadcast_in_dim3A_921 : vector<16x1xi32> to vector<16xi32>
        %gather3A_923 = tpu.dynamic_gather %gather3A[%gather3A_922] in [0] : vector<16xi32>, vector<16xi32> -> vector<16xi32>
        %get3A_924 = arith.index_cast %add3A_902 : i32 to index
        %get3A_925 = arith.constant 0 : index
        %get3A_926 = tpu.vector_load %arg6[%get3A_924, %get3A_925] {strides = array<i32>} : memref<128x200xf32, #tpu.memory_space<vmem>>, vector<16xf32>,
        %lt3A_927 = arith.cmpi slt, %add3A_23, %gather3A_913 : vector<16xi32>
        %mul3A_928 = arith.mulf %broadcast_in_dim3A_7, %get3A_926 : vector<16xf32>
        %select_n3A_929 = arith.select %lt3A_927, %mul3A_928, %broadcast_in_dim3A_7 : vector<16xi1>, vector<16xf32>
        %lt3A_930 = arith.cmpi slt, %add3A_23, %gather3A_923 : vector<16xi32>
        %mul3A_931 = arith.mulf %broadcast_in_dim3A_7, %get3A_926 : vector<16xf32>
        %select_n3A_932 = arith.select %lt3A_930, %mul3A_931, %broadcast_in_dim3A_7 : vector<16xi1>, vector<16xf32>
        %get3A_933 = arith.index_cast %add3A_902 : i32 to index
        %get3A_934 = arith.constant 16 : index
        %get3A_935 = tpu.vector_load %arg6[%get3A_933, %get3A_934] {strides = array<i32>} : memref<128x200xf32, #tpu.memory_space<vmem>>, vector<16xf32>,
        %lt3A_936 = arith.cmpi slt, %add3A_26, %gather3A_913 : vector<16xi32>
        %mul3A_937 = arith.mulf %broadcast_in_dim3A_7, %get3A_935 : vector<16xf32>
        %select_n3A_938 = arith.select %lt3A_936, %mul3A_937, %broadcast_in_dim3A_7 : vector<16xi1>, vector<16xf32>
        %lt3A_939 = arith.cmpi slt, %add3A_26, %gather3A_923 : vector<16xi32>
        %mul3A_940 = arith.mulf %broadcast_in_dim3A_7, %get3A_935 : vector<16xf32>
        %select_n3A_941 = arith.select %lt3A_939, %mul3A_940, %broadcast_in_dim3A_7 : vector<16xi1>, vector<16xf32>
        %get3A_942 = arith.index_cast %add3A_902 : i32 to index
        %get3A_943 = arith.constant 32 : index
        %get3A_944 = tpu.vector_load %arg6[%get3A_942, %get3A_943] {strides = array<i32>} : memref<128x200xf32, #tpu.memory_space<vmem>>, vector<16xf32>,
        %lt3A_945 = arith.cmpi slt, %add3A_29, %gather3A_913 : vector<16xi32>
        %mul3A_946 = arith.mulf %select_n3A_929, %get3A_944 : vector<16xf32>
        %select_n3A_947 = arith.select %lt3A_945, %mul3A_946, %select_n3A_929 : vector<16xi1>, vector<16xf32>
        %lt3A_948 = arith.cmpi slt, %add3A_29, %gather3A_923 : vector<16xi32>
        %mul3A_949 = arith.mulf %select_n3A_932, %get3A_944 : vector<16xf32>
        %select_n3A_950 = arith.select %lt3A_948, %mul3A_949, %select_n3A_932 : vector<16xi1>, vector<16xf32>
        %get3A_951 = arith.index_cast %add3A_902 : i32 to index
        %get3A_952 = arith.constant 48 : index
        %get3A_953 = tpu.vector_load %arg6[%get3A_951, %get3A_952] {strides = array<i32>} : memref<128x200xf32, #tpu.memory_space<vmem>>, vector<16xf32>,
        %lt3A_954 = arith.cmpi slt, %add3A_32, %gather3A_913 : vector<16xi32>
        %mul3A_955 = arith.mulf %select_n3A_938, %get3A_953 : vector<16xf32>
        %select_n3A_956 = arith.select %lt3A_954, %mul3A_955, %select_n3A_938 : vector<16xi1>, vector<16xf32>
        %lt3A_957 = arith.cmpi slt, %add3A_32, %gather3A_923 : vector<16xi32>
        %mul3A_958 = arith.mulf %select_n3A_941, %get3A_953 : vector<16xf32>
        %select_n3A_959 = arith.select %lt3A_957, %mul3A_958, %select_n3A_941 : vector<16xi1>, vector<16xf32>
        %get3A_960 = arith.index_cast %add3A_902 : i32 to index
        %get3A_961 = arith.constant 64 : index
        %get3A_962 = tpu.vector_load %arg6[%get3A_960, %get3A_961] {strides = array<i32>} : memref<128x200xf32, #tpu.memory_space<vmem>>, vector<16xf32>,
        %lt3A_963 = arith.cmpi slt, %add3A_35, %gather3A_913 : vector<16xi32>
        %mul3A_964 = arith.mulf %select_n3A_947, %get3A_962 : vector<16xf32>
        %select_n3A_965 = arith.select %lt3A_963, %mul3A_964, %select_n3A_947 : vector<16xi1>, vector<16xf32>
        %lt3A_966 = arith.cmpi slt, %add3A_35, %gather3A_923 : vector<16xi32>
        %mul3A_967 = arith.mulf %select_n3A_950, %get3A_962 : vector<16xf32>
        %select_n3A_968 = arith.select %lt3A_966, %mul3A_967, %select_n3A_950 : vector<16xi1>, vector<16xf32>
        %get3A_969 = arith.index_cast %add3A_902 : i32 to index
        %get3A_970 = arith.constant 80 : index
        %get3A_971 = tpu.vector_load %arg6[%get3A_969, %get3A_970] {strides = array<i32>} : memref<128x200xf32, #tpu.memory_space<vmem>>, vector<16xf32>,
        %lt3A_972 = arith.cmpi slt, %add3A_38, %gather3A_913 : vector<16xi32>
        %mul3A_973 = arith.mulf %select_n3A_956, %get3A_971 : vector<16xf32>
        %select_n3A_974 = arith.select %lt3A_972, %mul3A_973, %select_n3A_956 : vector<16xi1>, vector<16xf32>
        %lt3A_975 = arith.cmpi slt, %add3A_38, %gather3A_923 : vector<16xi32>
        %mul3A_976 = arith.mulf %select_n3A_959, %get3A_971 : vector<16xf32>
        %select_n3A_977 = arith.select %lt3A_975, %mul3A_976, %select_n3A_959 : vector<16xi1>, vector<16xf32>
        %get3A_978 = arith.index_cast %add3A_902 : i32 to index
        %get3A_979 = arith.constant 96 : index
        %get3A_980 = tpu.vector_load %arg6[%get3A_978, %get3A_979] {strides = array<i32>} : memref<128x200xf32, #tpu.memory_space<vmem>>, vector<16xf32>,
        %lt3A_981 = arith.cmpi slt, %add3A_41, %gather3A_913 : vector<16xi32>
        %mul3A_982 = arith.mulf %select_n3A_965, %get3A_980 : vector<16xf32>
        %select_n3A_983 = arith.select %lt3A_981, %mul3A_982, %select_n3A_965 : vector<16xi1>, vector<16xf32>
        %lt3A_984 = arith.cmpi slt, %add3A_41, %gather3A_923 : vector<16xi32>
        %mul3A_985 = arith.mulf %select_n3A_968, %get3A_980 : vector<16xf32>
        %select_n3A_986 = arith.select %lt3A_984, %mul3A_985, %select_n3A_968 : vector<16xi1>, vector<16xf32>
        %get3A_987 = arith.index_cast %add3A_902 : i32 to index
        %get3A_988 = arith.constant 112 : index
        %get3A_989 = tpu.vector_load %arg6[%get3A_987, %get3A_988] {strides = array<i32>} : memref<128x200xf32, #tpu.memory_space<vmem>>, vector<16xf32>,
        %lt3A_990 = arith.cmpi slt, %add3A_44, %gather3A_913 : vector<16xi32>
        %mul3A_991 = arith.mulf %select_n3A_974, %get3A_989 : vector<16xf32>
        %select_n3A_992 = arith.select %lt3A_990, %mul3A_991, %select_n3A_974 : vector<16xi1>, vector<16xf32>
        %lt3A_993 = arith.cmpi slt, %add3A_44, %gather3A_923 : vector<16xi32>
        %mul3A_994 = arith.mulf %select_n3A_977, %get3A_989 : vector<16xf32>
        %select_n3A_995 = arith.select %lt3A_993, %mul3A_994, %select_n3A_977 : vector<16xi1>, vector<16xf32>
        %get3A_996 = arith.index_cast %add3A_902 : i32 to index
        %get3A_997 = arith.constant 128 : index
        %get3A_998 = tpu.vector_load %arg6[%get3A_996, %get3A_997] {strides = array<i32>} : memref<128x200xf32, #tpu.memory_space<vmem>>, vector<16xf32>,
        %lt3A_999 = arith.cmpi slt, %add3A_47, %gather3A_913 : vector<16xi32>
        %mul3A_1000 = arith.mulf %select_n3A_983, %get3A_998 : vector<16xf32>
        %select_n3A_1001 = arith.select %lt3A_999, %mul3A_1000, %select_n3A_983 : vector<16xi1>, vector<16xf32>
        %lt3A_1002 = arith.cmpi slt, %add3A_47, %gather3A_923 : vector<16xi32>
        %mul3A_1003 = arith.mulf %select_n3A_986, %get3A_998 : vector<16xf32>
        %select_n3A_1004 = arith.select %lt3A_1002, %mul3A_1003, %select_n3A_986 : vector<16xi1>, vector<16xf32>
        %get3A_1005 = arith.index_cast %add3A_902 : i32 to index
        %get3A_1006 = arith.constant 144 : index
        %get3A_1007 = tpu.vector_load %arg6[%get3A_1005, %get3A_1006] {strides = array<i32>} : memref<128x200xf32, #tpu.memory_space<vmem>>, vector<16xf32>,
        %lt3A_1008 = arith.cmpi slt, %add3A_50, %gather3A_913 : vector<16xi32>
        %mul3A_1009 = arith.mulf %select_n3A_992, %get3A_1007 : vector<16xf32>
        %select_n3A_1010 = arith.select %lt3A_1008, %mul3A_1009, %select_n3A_992 : vector<16xi1>, vector<16xf32>
        %lt3A_1011 = arith.cmpi slt, %add3A_50, %gather3A_923 : vector<16xi32>
        %mul3A_1012 = arith.mulf %select_n3A_995, %get3A_1007 : vector<16xf32>
        %select_n3A_1013 = arith.select %lt3A_1011, %mul3A_1012, %select_n3A_995 : vector<16xi1>, vector<16xf32>
        %get3A_1014 = arith.index_cast %add3A_902 : i32 to index
        %get3A_1015 = arith.constant 160 : index
        %get3A_1016 = tpu.vector_load %arg6[%get3A_1014, %get3A_1015] {strides = array<i32>} : memref<128x200xf32, #tpu.memory_space<vmem>>, vector<16xf32>,
        %lt3A_1017 = arith.cmpi slt, %add3A_53, %gather3A_913 : vector<16xi32>
        %mul3A_1018 = arith.mulf %select_n3A_1001, %get3A_1016 : vector<16xf32>
        %select_n3A_1019 = arith.select %lt3A_1017, %mul3A_1018, %select_n3A_1001 : vector<16xi1>, vector<16xf32>
        %lt3A_1020 = arith.cmpi slt, %add3A_53, %gather3A_923 : vector<16xi32>
        %mul3A_1021 = arith.mulf %select_n3A_1004, %get3A_1016 : vector<16xf32>
        %select_n3A_1022 = arith.select %lt3A_1020, %mul3A_1021, %select_n3A_1004 : vector<16xi1>, vector<16xf32>
        %get3A_1023 = arith.index_cast %add3A_902 : i32 to index
        %get3A_1024 = arith.constant 176 : index
        %get3A_1025 = tpu.vector_load %arg6[%get3A_1023, %get3A_1024] {strides = array<i32>} : memref<128x200xf32, #tpu.memory_space<vmem>>, vector<16xf32>,
        %lt3A_1026 = arith.cmpi slt, %add3A_56, %gather3A_913 : vector<16xi32>
        %mul3A_1027 = arith.mulf %select_n3A_1010, %get3A_1025 : vector<16xf32>
        %select_n3A_1028 = arith.select %lt3A_1026, %mul3A_1027, %select_n3A_1010 : vector<16xi1>, vector<16xf32>
        %lt3A_1029 = arith.cmpi slt, %add3A_56, %gather3A_923 : vector<16xi32>
        %mul3A_1030 = arith.mulf %select_n3A_1013, %get3A_1025 : vector<16xf32>
        %select_n3A_1031 = arith.select %lt3A_1029, %mul3A_1030, %select_n3A_1013 : vector<16xi1>, vector<16xf32>
        %get3A_1032 = arith.index_cast %add3A_902 : i32 to index
        %get3A_1033 = arith.constant 184 : index
        %get3A_1034 = tpu.vector_load %arg6[%get3A_1032, %get3A_1033] {strides = array<i32>} : memref<128x200xf32, #tpu.memory_space<vmem>>, vector<16xf32>,
        %lt3A_1035 = arith.cmpi slt, %add3A_59, %gather3A_913 : vector<16xi32>
        %and3A_1036 = arith.andi %ge3A_61, %lt3A_1035 : vector<16xi1>
        %lt3A_1037 = arith.cmpi slt, %add3A_59, %gather3A_923 : vector<16xi32>
        %and3A_1038 = arith.andi %ge3A_61, %lt3A_1037 : vector<16xi1>
        %mul3A_1039 = arith.mulf %select_n3A_1019, %get3A_1034 : vector<16xf32>
        %select_n3A_1040 = arith.select %and3A_1036, %mul3A_1039, %select_n3A_1019 : vector<16xi1>, vector<16xf32>
        %mul3A_1041 = arith.mulf %select_n3A_1022, %get3A_1034 : vector<16xf32>
        %select_n3A_1042 = arith.select %and3A_1038, %mul3A_1041, %select_n3A_1022 : vector<16xi1>, vector<16xf32>
        %mul3A_1043 = arith.mulf %select_n3A_1040, %select_n3A_1028 : vector<16xf32>
        %mul3A_1044 = arith.mulf %select_n3A_1042, %select_n3A_1031 : vector<16xf32>
        %lt3A_1045 = arith.constant 0 : i32
        %lt3A_1046 = vector.broadcast %lt3A_1045 : i32 to vector<16xi32>
        %lt3A_1047 = arith.cmpi slt, %xor3A_11, %lt3A_1046 : vector<16xi32>
        %add3A_1048 = arith.constant 16 : i32
        %add3A_1049 = vector.broadcast %add3A_1048 : i32 to vector<16xi32>
        %add3A_1050 = arith.addi %xor3A_11, %add3A_1049 : vector<16xi32>
        %select_n3A_1051 = arith.select %lt3A_1047, %add3A_1050, %xor3A_11 : vector<16xi1>, vector<16xi32>
        %broadcast_in_dim3A_1052 = vector.shape_cast %select_n3A_1051 : vector<16xi32> to vector<16x1xi32>
        %gather3A_1053 = vector.shape_cast %broadcast_in_dim3A_1052 : vector<16x1xi32> to vector<16xi32>
        %gather3A_1054 = tpu.dynamic_gather %mul3A_1043[%gather3A_1053] in [0] : vector<16xf32>, vector<16xi32> -> vector<16xf32>
        %mul3A_1055 = arith.mulf %mul3A_1043, %gather3A_1054 : vector<16xf32>
        %lt3A_1056 = arith.constant 0 : i32
        %lt3A_1057 = vector.broadcast %lt3A_1056 : i32 to vector<16xi32>
        %lt3A_1058 = arith.cmpi slt, %xor3A_11, %lt3A_1057 : vector<16xi32>
        %add3A_1059 = arith.constant 16 : i32
        %add3A_1060 = vector.broadcast %add3A_1059 : i32 to vector<16xi32>
        %add3A_1061 = arith.addi %xor3A_11, %add3A_1060 : vector<16xi32>
        %select_n3A_1062 = arith.select %lt3A_1058, %add3A_1061, %xor3A_11 : vector<16xi1>, vector<16xi32>
        %broadcast_in_dim3A_1063 = vector.shape_cast %select_n3A_1062 : vector<16xi32> to vector<16x1xi32>
        %gather3A_1064 = vector.shape_cast %broadcast_in_dim3A_1063 : vector<16x1xi32> to vector<16xi32>
        %gather3A_1065 = tpu.dynamic_gather %mul3A_1044[%gather3A_1064] in [0] : vector<16xf32>, vector<16xi32> -> vector<16xf32>
        %mul3A_1066 = arith.mulf %mul3A_1044, %gather3A_1065 : vector<16xf32>
        %lt3A_1067 = arith.constant 0 : i32
        %lt3A_1068 = vector.broadcast %lt3A_1067 : i32 to vector<16xi32>
        %lt3A_1069 = arith.cmpi slt, %xor3A_14, %lt3A_1068 : vector<16xi32>
        %add3A_1070 = arith.constant 16 : i32
        %add3A_1071 = vector.broadcast %add3A_1070 : i32 to vector<16xi32>
        %add3A_1072 = arith.addi %xor3A_14, %add3A_1071 : vector<16xi32>
        %select_n3A_1073 = arith.select %lt3A_1069, %add3A_1072, %xor3A_14 : vector<16xi1>, vector<16xi32>
        %broadcast_in_dim3A_1074 = vector.shape_cast %select_n3A_1073 : vector<16xi32> to vector<16x1xi32>
        %gather3A_1075 = vector.shape_cast %broadcast_in_dim3A_1074 : vector<16x1xi32> to vector<16xi32>
        %gather3A_1076 = tpu.dynamic_gather %mul3A_1055[%gather3A_1075] in [0] : vector<16xf32>, vector<16xi32> -> vector<16xf32>
        %mul3A_1077 = arith.mulf %mul3A_1055, %gather3A_1076 : vector<16xf32>
        %lt3A_1078 = arith.constant 0 : i32
        %lt3A_1079 = vector.broadcast %lt3A_1078 : i32 to vector<16xi32>
        %lt3A_1080 = arith.cmpi slt, %xor3A_14, %lt3A_1079 : vector<16xi32>
        %add3A_1081 = arith.constant 16 : i32
        %add3A_1082 = vector.broadcast %add3A_1081 : i32 to vector<16xi32>
        %add3A_1083 = arith.addi %xor3A_14, %add3A_1082 : vector<16xi32>
        %select_n3A_1084 = arith.select %lt3A_1080, %add3A_1083, %xor3A_14 : vector<16xi1>, vector<16xi32>
        %broadcast_in_dim3A_1085 = vector.shape_cast %select_n3A_1084 : vector<16xi32> to vector<16x1xi32>
        %gather3A_1086 = vector.shape_cast %broadcast_in_dim3A_1085 : vector<16x1xi32> to vector<16xi32>
        %gather3A_1087 = tpu.dynamic_gather %mul3A_1066[%gather3A_1086] in [0] : vector<16xf32>, vector<16xi32> -> vector<16xf32>
        %mul3A_1088 = arith.mulf %mul3A_1066, %gather3A_1087 : vector<16xf32>
        %lt3A_1089 = arith.constant 0 : i32
        %lt3A_1090 = vector.broadcast %lt3A_1089 : i32 to vector<16xi32>
        %lt3A_1091 = arith.cmpi slt, %xor3A_17, %lt3A_1090 : vector<16xi32>
        %add3A_1092 = arith.constant 16 : i32
        %add3A_1093 = vector.broadcast %add3A_1092 : i32 to vector<16xi32>
        %add3A_1094 = arith.addi %xor3A_17, %add3A_1093 : vector<16xi32>
        %select_n3A_1095 = arith.select %lt3A_1091, %add3A_1094, %xor3A_17 : vector<16xi1>, vector<16xi32>
        %broadcast_in_dim3A_1096 = vector.shape_cast %select_n3A_1095 : vector<16xi32> to vector<16x1xi32>
        %gather3A_1097 = vector.shape_cast %broadcast_in_dim3A_1096 : vector<16x1xi32> to vector<16xi32>
        %gather3A_1098 = tpu.dynamic_gather %mul3A_1077[%gather3A_1097] in [0] : vector<16xf32>, vector<16xi32> -> vector<16xf32>
        %mul3A_1099 = arith.mulf %mul3A_1077, %gather3A_1098 : vector<16xf32>
        %lt3A_1100 = arith.constant 0 : i32
        %lt3A_1101 = vector.broadcast %lt3A_1100 : i32 to vector<16xi32>
        %lt3A_1102 = arith.cmpi slt, %xor3A_17, %lt3A_1101 : vector<16xi32>
        %add3A_1103 = arith.constant 16 : i32
        %add3A_1104 = vector.broadcast %add3A_1103 : i32 to vector<16xi32>
        %add3A_1105 = arith.addi %xor3A_17, %add3A_1104 : vector<16xi32>
        %select_n3A_1106 = arith.select %lt3A_1102, %add3A_1105, %xor3A_17 : vector<16xi1>, vector<16xi32>
        %broadcast_in_dim3A_1107 = vector.shape_cast %select_n3A_1106 : vector<16xi32> to vector<16x1xi32>
        %gather3A_1108 = vector.shape_cast %broadcast_in_dim3A_1107 : vector<16x1xi32> to vector<16xi32>
        %gather3A_1109 = tpu.dynamic_gather %mul3A_1088[%gather3A_1108] in [0] : vector<16xf32>, vector<16xi32> -> vector<16xf32>
        %mul3A_1110 = arith.mulf %mul3A_1088, %gather3A_1109 : vector<16xf32>
        %lt3A_1111 = arith.constant 0 : i32
        %lt3A_1112 = vector.broadcast %lt3A_1111 : i32 to vector<16xi32>
        %lt3A_1113 = arith.cmpi slt, %xor3A_20, %lt3A_1112 : vector<16xi32>
        %add3A_1114 = arith.constant 16 : i32
        %add3A_1115 = vector.broadcast %add3A_1114 : i32 to vector<16xi32>
        %add3A_1116 = arith.addi %xor3A_20, %add3A_1115 : vector<16xi32>
        %select_n3A_1117 = arith.select %lt3A_1113, %add3A_1116, %xor3A_20 : vector<16xi1>, vector<16xi32>
        %broadcast_in_dim3A_1118 = vector.shape_cast %select_n3A_1117 : vector<16xi32> to vector<16x1xi32>
        %gather3A_1119 = vector.shape_cast %broadcast_in_dim3A_1118 : vector<16x1xi32> to vector<16xi32>
        %gather3A_1120 = tpu.dynamic_gather %mul3A_1099[%gather3A_1119] in [0] : vector<16xf32>, vector<16xi32> -> vector<16xf32>
        %mul3A_1121 = arith.mulf %mul3A_1099, %gather3A_1120 : vector<16xf32>
        %lt3A_1122 = arith.constant 0 : i32
        %lt3A_1123 = vector.broadcast %lt3A_1122 : i32 to vector<16xi32>
        %lt3A_1124 = arith.cmpi slt, %xor3A_20, %lt3A_1123 : vector<16xi32>
        %add3A_1125 = arith.constant 16 : i32
        %add3A_1126 = vector.broadcast %add3A_1125 : i32 to vector<16xi32>
        %add3A_1127 = arith.addi %xor3A_20, %add3A_1126 : vector<16xi32>
        %select_n3A_1128 = arith.select %lt3A_1124, %add3A_1127, %xor3A_20 : vector<16xi1>, vector<16xi32>
        %broadcast_in_dim3A_1129 = vector.shape_cast %select_n3A_1128 : vector<16xi32> to vector<16x1xi32>
        %gather3A_1130 = vector.shape_cast %broadcast_in_dim3A_1129 : vector<16x1xi32> to vector<16xi32>
        %gather3A_1131 = tpu.dynamic_gather %mul3A_1110[%gather3A_1130] in [0] : vector<16xf32>, vector<16xi32> -> vector<16xf32>
        %mul3A_1132 = arith.mulf %mul3A_1110, %gather3A_1131 : vector<16xf32>
        %add3A_1133 = arith.constant 0 : i32
        %add3A_1134 = arith.addi %add3A_1133, %add3A_902 : i32
        %swap3A_1135 = arith.index_cast %add3A_1134 : i32 to index
        %swap3A_1136 = tpu.vector_load %arg10[%swap3A_1135] masked %eq3A_9 {strides = array<i32>} : memref<528xf32, #tpu.memory_space<vmem>>, vector<16xf32>, vector<16xi1>
        tpu.vector_store %arg10[%swap3A_1135], %mul3A_1121 masked %eq3A_9 {strides = array<i32>} : memref<528xf32, #tpu.memory_space<vmem>>, vector<16xf32>, vector<16xi1>
        %swap3A_1137 = arith.index_cast %add3A_1134 : i32 to index
        %swap3A_1138 = tpu.vector_load %arg11[%swap3A_1137] masked %eq3A_9 {strides = array<i32>} : memref<528xf32, #tpu.memory_space<vmem>>, vector<16xf32>, vector<16xi1>
        tpu.vector_store %arg11[%swap3A_1137], %mul3A_1132 masked %eq3A_9 {strides = array<i32>} : memref<528xf32, #tpu.memory_space<vmem>>, vector<16xf32>, vector<16xi1>
      }
      %scan3A_167 = arith.constant 16 : i32
      %mul3A_168 = arith.constant 16 : i32
      %mul3A_169 = arith.muli %scan3A_155, %mul3A_168 : i32
      %add3A_170 = arith.constant 0 : i32
      %add3A_171 = arith.addi %add3A_170, %mul3A_169 : i32
      %get3A = arith.index_cast %add3A_171 : i32 to index
      %get3A_172 = tpu.vector_load %arg11[%get3A] {strides = array<i32>} : memref<528xf32, #tpu.memory_space<vmem>>, vector<16xf32>,
      %ne3A = arith.cmpi ne, %gather3A, %broadcast_in_dim3A_3 : vector<16xi32>
      %sub3A = arith.constant 1.000000e+00 : f32
      %sub3A_173 = vector.broadcast %sub3A : f32 to vector<16xf32>
      %sub3A_174 = arith.subf %sub3A_173, %gather3A_161 : vector<16xf32>
      %mul3A_175 = arith.mulf %get3A_172, %sub3A_174 : vector<16xf32>
      %jit3A = arith.constant 1.000000e-07 : f32
      %broadcast_in_dim3A_176 = vector.broadcast %jit3A : f32 to vector<16xf32>
      %select_n3A = arith.select %ne3A, %mul3A_175, %broadcast_in_dim3A_176 : vector<16xi1>, vector<16xf32>
      %swap3A = arith.index_cast %add3A_171 : i32 to index
      %swap3A_177 = tpu.vector_load %arg11[%swap3A] {strides = array<i32>} : memref<528xf32, #tpu.memory_space<vmem>>, vector<16xf32>,
      tpu.vector_store %arg11[%swap3A], %select_n3A {strides = array<i32>} : memref<528xf32, #tpu.memory_space<vmem>>, vector<16xf32>,
    }
    %scan3A_92 = arith.constant 8 : i32
    %add3A_93 = arith.constant 256 : i32
    %add3A_94 = arith.addi %mul3A_2, %add3A_93 : i32
    %dma_start3A_95 = arith.constant 0 : i32
    %dma_start3A_96 = tpu.memref_slice %arg3[%add3A_94, %dma_start3A_95] : memref<16384x200xf32, #tpu.memory_space<hbm>> -> memref<128x200xf32, #tpu.memory_space<hbm>>
    %dma_start3A_97 = arith.constant 0 : i32
    %dma_start3A_98 = tpu.memref_slice %arg3[%add3A_94, %dma_start3A_97] : memref<16384x200xf32, #tpu.memory_space<hbm>> -> memref<128x200xf32, #tpu.memory_space<hbm>>
    tpu.enqueue_dma source(%dma_start3A_98 : memref<128x200xf32, #tpu.memory_space<hbm>>) target(%arg6 : memref<128x200xf32, #tpu.memory_space<vmem>>) target_semaphore(%arg12 : memref<!tpu.dma_semaphore, #tpu.memory_space<semaphore_mem>>)
    %dma_start3A_99 = arith.constant 0 : i32
    %dma_start3A_100 = tpu.memref_slice %arg2[%add3A_94, %dma_start3A_99] : memref<16384x2xi32, #tpu.memory_space<hbm>> -> memref<128x2xi32, #tpu.memory_space<hbm>>
    %dma_start3A_101 = arith.constant 0 : i32
    %dma_start3A_102 = tpu.memref_slice %arg2[%add3A_94, %dma_start3A_101] : memref<16384x2xi32, #tpu.memory_space<hbm>> -> memref<128x2xi32, #tpu.memory_space<hbm>>
    tpu.enqueue_dma source(%dma_start3A_102 : memref<128x2xi32, #tpu.memory_space<hbm>>) target(%arg8 : memref<128x2xi32, #tpu.memory_space<vmem>>) target_semaphore(%arg12 : memref<!tpu.dma_semaphore, #tpu.memory_space<semaphore_mem>>)
    %dma_wait3A_103 = arith.constant 0 : i32
    %dma_wait3A_104 = tpu.memref_slice %arg3[%add3A_72, %dma_wait3A_103] : memref<16384x200xf32, #tpu.memory_space<hbm>> -> memref<128x200xf32, #tpu.memory_space<hbm>>
    %dma_wait3A_105 = arith.constant 0 : i32
    %dma_wait3A_106 = tpu.memref_slice %arg3[%add3A_72, %dma_wait3A_105] : memref<16384x200xf32, #tpu.memory_space<hbm>> -> memref<128x200xf32, #tpu.memory_space<hbm>>
    tpu.wait_dma2 semaphore(%arg13 : memref<!tpu.dma_semaphore, #tpu.memory_space<semaphore_mem>>) src(%dma_wait3A_106 : memref<128x200xf32, #tpu.memory_space<hbm>>) dst(%arg7 : memref<128x200xf32, #tpu.memory_space<vmem>>)
    %dma_wait3A_107 = arith.constant 0 : i32
    %dma_wait3A_108 = tpu.memref_slice %arg2[%add3A_72, %dma_wait3A_107] : memref<16384x2xi32, #tpu.memory_space<hbm>> -> memref<128x2xi32, #tpu.memory_space<hbm>>
    %dma_wait3A_109 = arith.constant 0 : i32
    %dma_wait3A_110 = tpu.memref_slice %arg2[%add3A_72, %dma_wait3A_109] : memref<16384x2xi32, #tpu.memory_space<hbm>> -> memref<128x2xi32, #tpu.memory_space<hbm>>
    tpu.wait_dma2 semaphore(%arg13 : memref<!tpu.dma_semaphore, #tpu.memory_space<semaphore_mem>>) src(%dma_wait3A_110 : memref<128x2xi32, #tpu.memory_space<hbm>>) dst(%arg9 : memref<128x2xi32, #tpu.memory_space<vmem>>)
    %scan3A_111 = arith.constant 0 : i32
    %scan3A_112 = arith.constant 0 : i32
    %scan3A_113 = arith.constant 8 : i32
    %scan3A_114 = arith.addi %scan3A_112, %scan3A_113 : i32
    %scan3A_115 = arith.constant 1 : i32
    scf.for %scan3A_155 = %scan3A_112 to %scan3A_114 step %scan3A_115  : i32 {
      %mul3A_156 = arith.constant 16 : i32
      %mul3A_157 = arith.muli %scan3A_155, %mul3A_156 : i32
      %add3A_158 = vector.broadcast %mul3A_157 : i32 to vector<16xi32>
      %add3A_159 = arith.addi %add3A_158, %iota3A : vector<16xi32>
      %gather3A = tpu.vector_load_idx %arg9[%add3A_159, %broadcast_in_dim3A_3] : memref<128x2xi32, #tpu.memory_space<vmem>>[vector<16xi32>, vector<16xi32>], vector<16xi32>,
      %gather3A_160 = tpu.vector_load_idx %arg9[%add3A_159, %broadcast_in_dim3A_5] : memref<128x2xi32, #tpu.memory_space<vmem>>[vector<16xi32>, vector<16xi32>], vector<16xi32>,
      %gather3A_161 = tpu.vector_load_idx %arg7[%add3A_159, %gather3A] : memref<128x200xf32, #tpu.memory_space<vmem>>[vector<16xi32>, vector<16xi32>], vector<16xf32>,
      %scan3A_162 = arith.constant 0 : i32
      %scan3A_163 = arith.constant 0 : i32
      %scan3A_164 = arith.constant 16 : i32
      %scan3A_165 = arith.addi %scan3A_163, %scan3A_164 : i32
      %scan3A_166 = arith.constant 4 : i32
      scf.for %scan3A_178 = %scan3A_163 to %scan3A_165 step %scan3A_166  : i32 {
        %mul3A_179 = arith.constant 16 : i32
        %mul3A_180 = arith.muli %scan3A_155, %mul3A_179 : i32
        %add3A_181 = arith.addi %mul3A_180, %scan3A_178 : i32
        %broadcast_in_dim3A_182 = vector.broadcast %scan3A_178 : i32 to vector<16xi32>
        %lt3A = arith.constant 0 : i32
        %lt3A_183 = vector.broadcast %lt3A : i32 to vector<16xi32>
        %lt3A_184 = arith.cmpi slt, %broadcast_in_dim3A_182, %lt3A_183 : vector<16xi32>
        %add3A_185 = arith.constant 16 : i32
        %add3A_186 = vector.broadcast %add3A_185 : i32 to vector<16xi32>
        %add3A_187 = arith.addi %broadcast_in_dim3A_182, %add3A_186 : vector<16xi32>
        %select_n3A_188 = arith.select %lt3A_184, %add3A_187, %broadcast_in_dim3A_182 : vector<16xi1>, vector<16xi32>
        %broadcast_in_dim3A_189 = vector.shape_cast %select_n3A_188 : vector<16xi32> to vector<16x1xi32>
        %gather3A_190 = vector.shape_cast %broadcast_in_dim3A_189 : vector<16x1xi32> to vector<16xi32>
        %gather3A_191 = tpu.dynamic_gather %gather3A_160[%gather3A_190] in [0] : vector<16xi32>, vector<16xi32> -> vector<16xi32>
        %lt3A_192 = arith.constant 0 : i32
        %lt3A_193 = vector.broadcast %lt3A_192 : i32 to vector<16xi32>
        %lt3A_194 = arith.cmpi slt, %broadcast_in_dim3A_182, %lt3A_193 : vector<16xi32>
        %add3A_195 = arith.constant 16 : i32
        %add3A_196 = vector.broadcast %add3A_195 : i32 to vector<16xi32>
        %add3A_197 = arith.addi %broadcast_in_dim3A_182, %add3A_196 : vector<16xi32>
        %select_n3A_198 = arith.select %lt3A_194, %add3A_197, %broadcast_in_dim3A_182 : vector<16xi1>, vector<16xi32>
        %broadcast_in_dim3A_199 = vector.shape_cast %select_n3A_198 : vector<16xi32> to vector<16x1xi32>
        %gather3A_200 = vector.shape_cast %broadcast_in_dim3A_199 : vector<16x1xi32> to vector<16xi32>
        %gather3A_201 = tpu.dynamic_gather %gather3A[%gather3A_200] in [0] : vector<16xi32>, vector<16xi32> -> vector<16xi32>
        %get3A_202 = arith.index_cast %add3A_181 : i32 to index
        %get3A_203 = arith.constant 0 : index
        %get3A_204 = tpu.vector_load %arg7[%get3A_202, %get3A_203] {strides = array<i32>} : memref<128x200xf32, #tpu.memory_space<vmem>>, vector<16xf32>,
        %lt3A_205 = arith.cmpi slt, %add3A_23, %gather3A_191 : vector<16xi32>
        %mul3A_206 = arith.mulf %broadcast_in_dim3A_7, %get3A_204 : vector<16xf32>
        %select_n3A_207 = arith.select %lt3A_205, %mul3A_206, %broadcast_in_dim3A_7 : vector<16xi1>, vector<16xf32>
        %lt3A_208 = arith.cmpi slt, %add3A_23, %gather3A_201 : vector<16xi32>
        %mul3A_209 = arith.mulf %broadcast_in_dim3A_7, %get3A_204 : vector<16xf32>
        %select_n3A_210 = arith.select %lt3A_208, %mul3A_209, %broadcast_in_dim3A_7 : vector<16xi1>, vector<16xf32>
        %get3A_211 = arith.index_cast %add3A_181 : i32 to index
        %get3A_212 = arith.constant 16 : index
        %get3A_213 = tpu.vector_load %arg7[%get3A_211, %get3A_212] {strides = array<i32>} : memref<128x200xf32, #tpu.memory_space<vmem>>, vector<16xf32>,
        %lt3A_214 = arith.cmpi slt, %add3A_26, %gather3A_191 : vector<16xi32>
        %mul3A_215 = arith.mulf %broadcast_in_dim3A_7, %get3A_213 : vector<16xf32>
        %select_n3A_216 = arith.select %lt3A_214, %mul3A_215, %broadcast_in_dim3A_7 : vector<16xi1>, vector<16xf32>
        %lt3A_217 = arith.cmpi slt, %add3A_26, %gather3A_201 : vector<16xi32>
        %mul3A_218 = arith.mulf %broadcast_in_dim3A_7, %get3A_213 : vector<16xf32>
        %select_n3A_219 = arith.select %lt3A_217, %mul3A_218, %broadcast_in_dim3A_7 : vector<16xi1>, vector<16xf32>
        %get3A_220 = arith.index_cast %add3A_181 : i32 to index
        %get3A_221 = arith.constant 32 : index
        %get3A_222 = tpu.vector_load %arg7[%get3A_220, %get3A_221] {strides = array<i32>} : memref<128x200xf32, #tpu.memory_space<vmem>>, vector<16xf32>,
        %lt3A_223 = arith.cmpi slt, %add3A_29, %gather3A_191 : vector<16xi32>
        %mul3A_224 = arith.mulf %select_n3A_207, %get3A_222 : vector<16xf32>
        %select_n3A_225 = arith.select %lt3A_223, %mul3A_224, %select_n3A_207 : vector<16xi1>, vector<16xf32>
        %lt3A_226 = arith.cmpi slt, %add3A_29, %gather3A_201 : vector<16xi32>
        %mul3A_227 = arith.mulf %select_n3A_210, %get3A_222 : vector<16xf32>
        %select_n3A_228 = arith.select %lt3A_226, %mul3A_227, %select_n3A_210 : vector<16xi1>, vector<16xf32>
        %get3A_229 = arith.index_cast %add3A_181 : i32 to index
        %get3A_230 = arith.constant 48 : index
        %get3A_231 = tpu.vector_load %arg7[%get3A_229, %get3A_230] {strides = array<i32>} : memref<128x200xf32, #tpu.memory_space<vmem>>, vector<16xf32>,
        %lt3A_232 = arith.cmpi slt, %add3A_32, %gather3A_191 : vector<16xi32>
        %mul3A_233 = arith.mulf %select_n3A_216, %get3A_231 : vector<16xf32>
        %select_n3A_234 = arith.select %lt3A_232, %mul3A_233, %select_n3A_216 : vector<16xi1>, vector<16xf32>
        %lt3A_235 = arith.cmpi slt, %add3A_32, %gather3A_201 : vector<16xi32>
        %mul3A_236 = arith.mulf %select_n3A_219, %get3A_231 : vector<16xf32>
        %select_n3A_237 = arith.select %lt3A_235, %mul3A_236, %select_n3A_219 : vector<16xi1>, vector<16xf32>
        %get3A_238 = arith.index_cast %add3A_181 : i32 to index
        %get3A_239 = arith.constant 64 : index
        %get3A_240 = tpu.vector_load %arg7[%get3A_238, %get3A_239] {strides = array<i32>} : memref<128x200xf32, #tpu.memory_space<vmem>>, vector<16xf32>,
        %lt3A_241 = arith.cmpi slt, %add3A_35, %gather3A_191 : vector<16xi32>
        %mul3A_242 = arith.mulf %select_n3A_225, %get3A_240 : vector<16xf32>
        %select_n3A_243 = arith.select %lt3A_241, %mul3A_242, %select_n3A_225 : vector<16xi1>, vector<16xf32>
        %lt3A_244 = arith.cmpi slt, %add3A_35, %gather3A_201 : vector<16xi32>
        %mul3A_245 = arith.mulf %select_n3A_228, %get3A_240 : vector<16xf32>
        %select_n3A_246 = arith.select %lt3A_244, %mul3A_245, %select_n3A_228 : vector<16xi1>, vector<16xf32>
        %get3A_247 = arith.index_cast %add3A_181 : i32 to index
        %get3A_248 = arith.constant 80 : index
        %get3A_249 = tpu.vector_load %arg7[%get3A_247, %get3A_248] {strides = array<i32>} : memref<128x200xf32, #tpu.memory_space<vmem>>, vector<16xf32>,
        %lt3A_250 = arith.cmpi slt, %add3A_38, %gather3A_191 : vector<16xi32>
        %mul3A_251 = arith.mulf %select_n3A_234, %get3A_249 : vector<16xf32>
        %select_n3A_252 = arith.select %lt3A_250, %mul3A_251, %select_n3A_234 : vector<16xi1>, vector<16xf32>
        %lt3A_253 = arith.cmpi slt, %add3A_38, %gather3A_201 : vector<16xi32>
        %mul3A_254 = arith.mulf %select_n3A_237, %get3A_249 : vector<16xf32>
        %select_n3A_255 = arith.select %lt3A_253, %mul3A_254, %select_n3A_237 : vector<16xi1>, vector<16xf32>
        %get3A_256 = arith.index_cast %add3A_181 : i32 to index
        %get3A_257 = arith.constant 96 : index
        %get3A_258 = tpu.vector_load %arg7[%get3A_256, %get3A_257] {strides = array<i32>} : memref<128x200xf32, #tpu.memory_space<vmem>>, vector<16xf32>,
        %lt3A_259 = arith.cmpi slt, %add3A_41, %gather3A_191 : vector<16xi32>
        %mul3A_260 = arith.mulf %select_n3A_243, %get3A_258 : vector<16xf32>
        %select_n3A_261 = arith.select %lt3A_259, %mul3A_260, %select_n3A_243 : vector<16xi1>, vector<16xf32>
        %lt3A_262 = arith.cmpi slt, %add3A_41, %gather3A_201 : vector<16xi32>
        %mul3A_263 = arith.mulf %select_n3A_246, %get3A_258 : vector<16xf32>
        %select_n3A_264 = arith.select %lt3A_262, %mul3A_263, %select_n3A_246 : vector<16xi1>, vector<16xf32>
        %get3A_265 = arith.index_cast %add3A_181 : i32 to index
        %get3A_266 = arith.constant 112 : index
        %get3A_267 = tpu.vector_load %arg7[%get3A_265, %get3A_266] {strides = array<i32>} : memref<128x200xf32, #tpu.memory_space<vmem>>, vector<16xf32>,
        %lt3A_268 = arith.cmpi slt, %add3A_44, %gather3A_191 : vector<16xi32>
        %mul3A_269 = arith.mulf %select_n3A_252, %get3A_267 : vector<16xf32>
        %select_n3A_270 = arith.select %lt3A_268, %mul3A_269, %select_n3A_252 : vector<16xi1>, vector<16xf32>
        %lt3A_271 = arith.cmpi slt, %add3A_44, %gather3A_201 : vector<16xi32>
        %mul3A_272 = arith.mulf %select_n3A_255, %get3A_267 : vector<16xf32>
        %select_n3A_273 = arith.select %lt3A_271, %mul3A_272, %select_n3A_255 : vector<16xi1>, vector<16xf32>
        %get3A_274 = arith.index_cast %add3A_181 : i32 to index
        %get3A_275 = arith.constant 128 : index
        %get3A_276 = tpu.vector_load %arg7[%get3A_274, %get3A_275] {strides = array<i32>} : memref<128x200xf32, #tpu.memory_space<vmem>>, vector<16xf32>,
        %lt3A_277 = arith.cmpi slt, %add3A_47, %gather3A_191 : vector<16xi32>
        %mul3A_278 = arith.mulf %select_n3A_261, %get3A_276 : vector<16xf32>
        %select_n3A_279 = arith.select %lt3A_277, %mul3A_278, %select_n3A_261 : vector<16xi1>, vector<16xf32>
        %lt3A_280 = arith.cmpi slt, %add3A_47, %gather3A_201 : vector<16xi32>
        %mul3A_281 = arith.mulf %select_n3A_264, %get3A_276 : vector<16xf32>
        %select_n3A_282 = arith.select %lt3A_280, %mul3A_281, %select_n3A_264 : vector<16xi1>, vector<16xf32>
        %get3A_283 = arith.index_cast %add3A_181 : i32 to index
        %get3A_284 = arith.constant 144 : index
        %get3A_285 = tpu.vector_load %arg7[%get3A_283, %get3A_284] {strides = array<i32>} : memref<128x200xf32, #tpu.memory_space<vmem>>, vector<16xf32>,
        %lt3A_286 = arith.cmpi slt, %add3A_50, %gather3A_191 : vector<16xi32>
        %mul3A_287 = arith.mulf %select_n3A_270, %get3A_285 : vector<16xf32>
        %select_n3A_288 = arith.select %lt3A_286, %mul3A_287, %select_n3A_270 : vector<16xi1>, vector<16xf32>
        %lt3A_289 = arith.cmpi slt, %add3A_50, %gather3A_201 : vector<16xi32>
        %mul3A_290 = arith.mulf %select_n3A_273, %get3A_285 : vector<16xf32>
        %select_n3A_291 = arith.select %lt3A_289, %mul3A_290, %select_n3A_273 : vector<16xi1>, vector<16xf32>
        %get3A_292 = arith.index_cast %add3A_181 : i32 to index
        %get3A_293 = arith.constant 160 : index
        %get3A_294 = tpu.vector_load %arg7[%get3A_292, %get3A_293] {strides = array<i32>} : memref<128x200xf32, #tpu.memory_space<vmem>>, vector<16xf32>,
        %lt3A_295 = arith.cmpi slt, %add3A_53, %gather3A_191 : vector<16xi32>
        %mul3A_296 = arith.mulf %select_n3A_279, %get3A_294 : vector<16xf32>
        %select_n3A_297 = arith.select %lt3A_295, %mul3A_296, %select_n3A_279 : vector<16xi1>, vector<16xf32>
        %lt3A_298 = arith.cmpi slt, %add3A_53, %gather3A_201 : vector<16xi32>
        %mul3A_299 = arith.mulf %select_n3A_282, %get3A_294 : vector<16xf32>
        %select_n3A_300 = arith.select %lt3A_298, %mul3A_299, %select_n3A_282 : vector<16xi1>, vector<16xf32>
        %get3A_301 = arith.index_cast %add3A_181 : i32 to index
        %get3A_302 = arith.constant 176 : index
        %get3A_303 = tpu.vector_load %arg7[%get3A_301, %get3A_302] {strides = array<i32>} : memref<128x200xf32, #tpu.memory_space<vmem>>, vector<16xf32>,
        %lt3A_304 = arith.cmpi slt, %add3A_56, %gather3A_191 : vector<16xi32>
        %mul3A_305 = arith.mulf %select_n3A_288, %get3A_303 : vector<16xf32>
        %select_n3A_306 = arith.select %lt3A_304, %mul3A_305, %select_n3A_288 : vector<16xi1>, vector<16xf32>
        %lt3A_307 = arith.cmpi slt, %add3A_56, %gather3A_201 : vector<16xi32>
        %mul3A_308 = arith.mulf %select_n3A_291, %get3A_303 : vector<16xf32>
        %select_n3A_309 = arith.select %lt3A_307, %mul3A_308, %select_n3A_291 : vector<16xi1>, vector<16xf32>
        %get3A_310 = arith.index_cast %add3A_181 : i32 to index
        %get3A_311 = arith.constant 184 : index
        %get3A_312 = tpu.vector_load %arg7[%get3A_310, %get3A_311] {strides = array<i32>} : memref<128x200xf32, #tpu.memory_space<vmem>>, vector<16xf32>,
        %lt3A_313 = arith.cmpi slt, %add3A_59, %gather3A_191 : vector<16xi32>
        %and3A = arith.andi %ge3A_61, %lt3A_313 : vector<16xi1>
        %lt3A_314 = arith.cmpi slt, %add3A_59, %gather3A_201 : vector<16xi32>
        %and3A_315 = arith.andi %ge3A_61, %lt3A_314 : vector<16xi1>
        %mul3A_316 = arith.mulf %select_n3A_297, %get3A_312 : vector<16xf32>
        %select_n3A_317 = arith.select %and3A, %mul3A_316, %select_n3A_297 : vector<16xi1>, vector<16xf32>
        %mul3A_318 = arith.mulf %select_n3A_300, %get3A_312 : vector<16xf32>
        %select_n3A_319 = arith.select %and3A_315, %mul3A_318, %select_n3A_300 : vector<16xi1>, vector<16xf32>
        %mul3A_320 = arith.mulf %select_n3A_317, %select_n3A_306 : vector<16xf32>
        %mul3A_321 = arith.mulf %select_n3A_319, %select_n3A_309 : vector<16xf32>
        %lt3A_322 = arith.constant 0 : i32
        %lt3A_323 = vector.broadcast %lt3A_322 : i32 to vector<16xi32>
        %lt3A_324 = arith.cmpi slt, %xor3A_11, %lt3A_323 : vector<16xi32>
        %add3A_325 = arith.constant 16 : i32
        %add3A_326 = vector.broadcast %add3A_325 : i32 to vector<16xi32>
        %add3A_327 = arith.addi %xor3A_11, %add3A_326 : vector<16xi32>
        %select_n3A_328 = arith.select %lt3A_324, %add3A_327, %xor3A_11 : vector<16xi1>, vector<16xi32>
        %broadcast_in_dim3A_329 = vector.shape_cast %select_n3A_328 : vector<16xi32> to vector<16x1xi32>
        %gather3A_330 = vector.shape_cast %broadcast_in_dim3A_329 : vector<16x1xi32> to vector<16xi32>
        %gather3A_331 = tpu.dynamic_gather %mul3A_320[%gather3A_330] in [0] : vector<16xf32>, vector<16xi32> -> vector<16xf32>
        %mul3A_332 = arith.mulf %mul3A_320, %gather3A_331 : vector<16xf32>
        %lt3A_333 = arith.constant 0 : i32
        %lt3A_334 = vector.broadcast %lt3A_333 : i32 to vector<16xi32>
        %lt3A_335 = arith.cmpi slt, %xor3A_11, %lt3A_334 : vector<16xi32>
        %add3A_336 = arith.constant 16 : i32
        %add3A_337 = vector.broadcast %add3A_336 : i32 to vector<16xi32>
        %add3A_338 = arith.addi %xor3A_11, %add3A_337 : vector<16xi32>
        %select_n3A_339 = arith.select %lt3A_335, %add3A_338, %xor3A_11 : vector<16xi1>, vector<16xi32>
        %broadcast_in_dim3A_340 = vector.shape_cast %select_n3A_339 : vector<16xi32> to vector<16x1xi32>
        %gather3A_341 = vector.shape_cast %broadcast_in_dim3A_340 : vector<16x1xi32> to vector<16xi32>
        %gather3A_342 = tpu.dynamic_gather %mul3A_321[%gather3A_341] in [0] : vector<16xf32>, vector<16xi32> -> vector<16xf32>
        %mul3A_343 = arith.mulf %mul3A_321, %gather3A_342 : vector<16xf32>
        %lt3A_344 = arith.constant 0 : i32
        %lt3A_345 = vector.broadcast %lt3A_344 : i32 to vector<16xi32>
        %lt3A_346 = arith.cmpi slt, %xor3A_14, %lt3A_345 : vector<16xi32>
        %add3A_347 = arith.constant 16 : i32
        %add3A_348 = vector.broadcast %add3A_347 : i32 to vector<16xi32>
        %add3A_349 = arith.addi %xor3A_14, %add3A_348 : vector<16xi32>
        %select_n3A_350 = arith.select %lt3A_346, %add3A_349, %xor3A_14 : vector<16xi1>, vector<16xi32>
        %broadcast_in_dim3A_351 = vector.shape_cast %select_n3A_350 : vector<16xi32> to vector<16x1xi32>
        %gather3A_352 = vector.shape_cast %broadcast_in_dim3A_351 : vector<16x1xi32> to vector<16xi32>
        %gather3A_353 = tpu.dynamic_gather %mul3A_332[%gather3A_352] in [0] : vector<16xf32>, vector<16xi32> -> vector<16xf32>
        %mul3A_354 = arith.mulf %mul3A_332, %gather3A_353 : vector<16xf32>
        %lt3A_355 = arith.constant 0 : i32
        %lt3A_356 = vector.broadcast %lt3A_355 : i32 to vector<16xi32>
        %lt3A_357 = arith.cmpi slt, %xor3A_14, %lt3A_356 : vector<16xi32>
        %add3A_358 = arith.constant 16 : i32
        %add3A_359 = vector.broadcast %add3A_358 : i32 to vector<16xi32>
        %add3A_360 = arith.addi %xor3A_14, %add3A_359 : vector<16xi32>
        %select_n3A_361 = arith.select %lt3A_357, %add3A_360, %xor3A_14 : vector<16xi1>, vector<16xi32>
        %broadcast_in_dim3A_362 = vector.shape_cast %select_n3A_361 : vector<16xi32> to vector<16x1xi32>
        %gather3A_363 = vector.shape_cast %broadcast_in_dim3A_362 : vector<16x1xi32> to vector<16xi32>
        %gather3A_364 = tpu.dynamic_gather %mul3A_343[%gather3A_363] in [0] : vector<16xf32>, vector<16xi32> -> vector<16xf32>
        %mul3A_365 = arith.mulf %mul3A_343, %gather3A_364 : vector<16xf32>
        %lt3A_366 = arith.constant 0 : i32
        %lt3A_367 = vector.broadcast %lt3A_366 : i32 to vector<16xi32>
        %lt3A_368 = arith.cmpi slt, %xor3A_17, %lt3A_367 : vector<16xi32>
        %add3A_369 = arith.constant 16 : i32
        %add3A_370 = vector.broadcast %add3A_369 : i32 to vector<16xi32>
        %add3A_371 = arith.addi %xor3A_17, %add3A_370 : vector<16xi32>
        %select_n3A_372 = arith.select %lt3A_368, %add3A_371, %xor3A_17 : vector<16xi1>, vector<16xi32>
        %broadcast_in_dim3A_373 = vector.shape_cast %select_n3A_372 : vector<16xi32> to vector<16x1xi32>
        %gather3A_374 = vector.shape_cast %broadcast_in_dim3A_373 : vector<16x1xi32> to vector<16xi32>
        %gather3A_375 = tpu.dynamic_gather %mul3A_354[%gather3A_374] in [0] : vector<16xf32>, vector<16xi32> -> vector<16xf32>
        %mul3A_376 = arith.mulf %mul3A_354, %gather3A_375 : vector<16xf32>
        %lt3A_377 = arith.constant 0 : i32
        %lt3A_378 = vector.broadcast %lt3A_377 : i32 to vector<16xi32>
        %lt3A_379 = arith.cmpi slt, %xor3A_17, %lt3A_378 : vector<16xi32>
        %add3A_380 = arith.constant 16 : i32
        %add3A_381 = vector.broadcast %add3A_380 : i32 to vector<16xi32>
        %add3A_382 = arith.addi %xor3A_17, %add3A_381 : vector<16xi32>
        %select_n3A_383 = arith.select %lt3A_379, %add3A_382, %xor3A_17 : vector<16xi1>, vector<16xi32>
        %broadcast_in_dim3A_384 = vector.shape_cast %select_n3A_383 : vector<16xi32> to vector<16x1xi32>
        %gather3A_385 = vector.shape_cast %broadcast_in_dim3A_384 : vector<16x1xi32> to vector<16xi32>
        %gather3A_386 = tpu.dynamic_gather %mul3A_365[%gather3A_385] in [0] : vector<16xf32>, vector<16xi32> -> vector<16xf32>
        %mul3A_387 = arith.mulf %mul3A_365, %gather3A_386 : vector<16xf32>
        %lt3A_388 = arith.constant 0 : i32
        %lt3A_389 = vector.broadcast %lt3A_388 : i32 to vector<16xi32>
        %lt3A_390 = arith.cmpi slt, %xor3A_20, %lt3A_389 : vector<16xi32>
        %add3A_391 = arith.constant 16 : i32
        %add3A_392 = vector.broadcast %add3A_391 : i32 to vector<16xi32>
        %add3A_393 = arith.addi %xor3A_20, %add3A_392 : vector<16xi32>
        %select_n3A_394 = arith.select %lt3A_390, %add3A_393, %xor3A_20 : vector<16xi1>, vector<16xi32>
        %broadcast_in_dim3A_395 = vector.shape_cast %select_n3A_394 : vector<16xi32> to vector<16x1xi32>
        %gather3A_396 = vector.shape_cast %broadcast_in_dim3A_395 : vector<16x1xi32> to vector<16xi32>
        %gather3A_397 = tpu.dynamic_gather %mul3A_376[%gather3A_396] in [0] : vector<16xf32>, vector<16xi32> -> vector<16xf32>
        %mul3A_398 = arith.mulf %mul3A_376, %gather3A_397 : vector<16xf32>
        %lt3A_399 = arith.constant 0 : i32
        %lt3A_400 = vector.broadcast %lt3A_399 : i32 to vector<16xi32>
        %lt3A_401 = arith.cmpi slt, %xor3A_20, %lt3A_400 : vector<16xi32>
        %add3A_402 = arith.constant 16 : i32
        %add3A_403 = vector.broadcast %add3A_402 : i32 to vector<16xi32>
        %add3A_404 = arith.addi %xor3A_20, %add3A_403 : vector<16xi32>
        %select_n3A_405 = arith.select %lt3A_401, %add3A_404, %xor3A_20 : vector<16xi1>, vector<16xi32>
        %broadcast_in_dim3A_406 = vector.shape_cast %select_n3A_405 : vector<16xi32> to vector<16x1xi32>
        %gather3A_407 = vector.shape_cast %broadcast_in_dim3A_406 : vector<16x1xi32> to vector<16xi32>
        %gather3A_408 = tpu.dynamic_gather %mul3A_387[%gather3A_407] in [0] : vector<16xf32>, vector<16xi32> -> vector<16xf32>
        %mul3A_409 = arith.mulf %mul3A_387, %gather3A_408 : vector<16xf32>
        %add3A_410 = arith.constant 128 : i32
        %add3A_411 = arith.addi %add3A_410, %add3A_181 : i32
        %swap3A_412 = arith.index_cast %add3A_411 : i32 to index
        %swap3A_413 = tpu.vector_load %arg10[%swap3A_412] masked %eq3A_9 {strides = array<i32>} : memref<528xf32, #tpu.memory_space<vmem>>, vector<16xf32>, vector<16xi1>
        tpu.vector_store %arg10[%swap3A_412], %mul3A_398 masked %eq3A_9 {strides = array<i32>} : memref<528xf32, #tpu.memory_space<vmem>>, vector<16xf32>, vector<16xi1>
        %swap3A_414 = arith.index_cast %add3A_411 : i32 to index
        %swap3A_415 = tpu.vector_load %arg11[%swap3A_414] masked %eq3A_9 {strides = array<i32>} : memref<528xf32, #tpu.memory_space<vmem>>, vector<16xf32>, vector<16xi1>
        tpu.vector_store %arg11[%swap3A_414], %mul3A_409 masked %eq3A_9 {strides = array<i32>} : memref<528xf32, #tpu.memory_space<vmem>>, vector<16xf32>, vector<16xi1>
        %scan3A_416 = arith.constant 1 : i32
        %scan3A_417 = arith.addi %scan3A_178, %scan3A_416 : i32
        %mul3A_418 = arith.constant 16 : i32
        %mul3A_419 = arith.muli %scan3A_155, %mul3A_418 : i32
        %add3A_420 = arith.addi %mul3A_419, %scan3A_417 : i32
        %broadcast_in_dim3A_421 = vector.broadcast %scan3A_417 : i32 to vector<16xi32>
        %lt3A_422 = arith.constant 0 : i32
        %lt3A_423 = vector.broadcast %lt3A_422 : i32 to vector<16xi32>
        %lt3A_424 = arith.cmpi slt, %broadcast_in_dim3A_421, %lt3A_423 : vector<16xi32>
        %add3A_425 = arith.constant 16 : i32
        %add3A_426 = vector.broadcast %add3A_425 : i32 to vector<16xi32>
        %add3A_427 = arith.addi %broadcast_in_dim3A_421, %add3A_426 : vector<16xi32>
        %select_n3A_428 = arith.select %lt3A_424, %add3A_427, %broadcast_in_dim3A_421 : vector<16xi1>, vector<16xi32>
        %broadcast_in_dim3A_429 = vector.shape_cast %select_n3A_428 : vector<16xi32> to vector<16x1xi32>
        %gather3A_430 = vector.shape_cast %broadcast_in_dim3A_429 : vector<16x1xi32> to vector<16xi32>
        %gather3A_431 = tpu.dynamic_gather %gather3A_160[%gather3A_430] in [0] : vector<16xi32>, vector<16xi32> -> vector<16xi32>
        %lt3A_432 = arith.constant 0 : i32
        %lt3A_433 = vector.broadcast %lt3A_432 : i32 to vector<16xi32>
        %lt3A_434 = arith.cmpi slt, %broadcast_in_dim3A_421, %lt3A_433 : vector<16xi32>
        %add3A_435 = arith.constant 16 : i32
        %add3A_436 = vector.broadcast %add3A_435 : i32 to vector<16xi32>
        %add3A_437 = arith.addi %broadcast_in_dim3A_421, %add3A_436 : vector<16xi32>
        %select_n3A_438 = arith.select %lt3A_434, %add3A_437, %broadcast_in_dim3A_421 : vector<16xi1>, vector<16xi32>
        %broadcast_in_dim3A_439 = vector.shape_cast %select_n3A_438 : vector<16xi32> to vector<16x1xi32>
        %gather3A_440 = vector.shape_cast %broadcast_in_dim3A_439 : vector<16x1xi32> to vector<16xi32>
        %gather3A_441 = tpu.dynamic_gather %gather3A[%gather3A_440] in [0] : vector<16xi32>, vector<16xi32> -> vector<16xi32>
        %get3A_442 = arith.index_cast %add3A_420 : i32 to index
        %get3A_443 = arith.constant 0 : index
        %get3A_444 = tpu.vector_load %arg7[%get3A_442, %get3A_443] {strides = array<i32>} : memref<128x200xf32, #tpu.memory_space<vmem>>, vector<16xf32>,
        %lt3A_445 = arith.cmpi slt, %add3A_23, %gather3A_431 : vector<16xi32>
        %mul3A_446 = arith.mulf %broadcast_in_dim3A_7, %get3A_444 : vector<16xf32>
        %select_n3A_447 = arith.select %lt3A_445, %mul3A_446, %broadcast_in_dim3A_7 : vector<16xi1>, vector<16xf32>
        %lt3A_448 = arith.cmpi slt, %add3A_23, %gather3A_441 : vector<16xi32>
        %mul3A_449 = arith.mulf %broadcast_in_dim3A_7, %get3A_444 : vector<16xf32>
        %select_n3A_450 = arith.select %lt3A_448, %mul3A_449, %broadcast_in_dim3A_7 : vector<16xi1>, vector<16xf32>
        %get3A_451 = arith.index_cast %add3A_420 : i32 to index
        %get3A_452 = arith.constant 16 : index
        %get3A_453 = tpu.vector_load %arg7[%get3A_451, %get3A_452] {strides = array<i32>} : memref<128x200xf32, #tpu.memory_space<vmem>>, vector<16xf32>,
        %lt3A_454 = arith.cmpi slt, %add3A_26, %gather3A_431 : vector<16xi32>
        %mul3A_455 = arith.mulf %broadcast_in_dim3A_7, %get3A_453 : vector<16xf32>
        %select_n3A_456 = arith.select %lt3A_454, %mul3A_455, %broadcast_in_dim3A_7 : vector<16xi1>, vector<16xf32>
        %lt3A_457 = arith.cmpi slt, %add3A_26, %gather3A_441 : vector<16xi32>
        %mul3A_458 = arith.mulf %broadcast_in_dim3A_7, %get3A_453 : vector<16xf32>
        %select_n3A_459 = arith.select %lt3A_457, %mul3A_458, %broadcast_in_dim3A_7 : vector<16xi1>, vector<16xf32>
        %get3A_460 = arith.index_cast %add3A_420 : i32 to index
        %get3A_461 = arith.constant 32 : index
        %get3A_462 = tpu.vector_load %arg7[%get3A_460, %get3A_461] {strides = array<i32>} : memref<128x200xf32, #tpu.memory_space<vmem>>, vector<16xf32>,
        %lt3A_463 = arith.cmpi slt, %add3A_29, %gather3A_431 : vector<16xi32>
        %mul3A_464 = arith.mulf %select_n3A_447, %get3A_462 : vector<16xf32>
        %select_n3A_465 = arith.select %lt3A_463, %mul3A_464, %select_n3A_447 : vector<16xi1>, vector<16xf32>
        %lt3A_466 = arith.cmpi slt, %add3A_29, %gather3A_441 : vector<16xi32>
        %mul3A_467 = arith.mulf %select_n3A_450, %get3A_462 : vector<16xf32>
        %select_n3A_468 = arith.select %lt3A_466, %mul3A_467, %select_n3A_450 : vector<16xi1>, vector<16xf32>
        %get3A_469 = arith.index_cast %add3A_420 : i32 to index
        %get3A_470 = arith.constant 48 : index
        %get3A_471 = tpu.vector_load %arg7[%get3A_469, %get3A_470] {strides = array<i32>} : memref<128x200xf32, #tpu.memory_space<vmem>>, vector<16xf32>,
        %lt3A_472 = arith.cmpi slt, %add3A_32, %gather3A_431 : vector<16xi32>
        %mul3A_473 = arith.mulf %select_n3A_456, %get3A_471 : vector<16xf32>
        %select_n3A_474 = arith.select %lt3A_472, %mul3A_473, %select_n3A_456 : vector<16xi1>, vector<16xf32>
        %lt3A_475 = arith.cmpi slt, %add3A_32, %gather3A_441 : vector<16xi32>
        %mul3A_476 = arith.mulf %select_n3A_459, %get3A_471 : vector<16xf32>
        %select_n3A_477 = arith.select %lt3A_475, %mul3A_476, %select_n3A_459 : vector<16xi1>, vector<16xf32>
        %get3A_478 = arith.index_cast %add3A_420 : i32 to index
        %get3A_479 = arith.constant 64 : index
        %get3A_480 = tpu.vector_load %arg7[%get3A_478, %get3A_479] {strides = array<i32>} : memref<128x200xf32, #tpu.memory_space<vmem>>, vector<16xf32>,
        %lt3A_481 = arith.cmpi slt, %add3A_35, %gather3A_431 : vector<16xi32>
        %mul3A_482 = arith.mulf %select_n3A_465, %get3A_480 : vector<16xf32>
        %select_n3A_483 = arith.select %lt3A_481, %mul3A_482, %select_n3A_465 : vector<16xi1>, vector<16xf32>
        %lt3A_484 = arith.cmpi slt, %add3A_35, %gather3A_441 : vector<16xi32>
        %mul3A_485 = arith.mulf %select_n3A_468, %get3A_480 : vector<16xf32>
        %select_n3A_486 = arith.select %lt3A_484, %mul3A_485, %select_n3A_468 : vector<16xi1>, vector<16xf32>
        %get3A_487 = arith.index_cast %add3A_420 : i32 to index
        %get3A_488 = arith.constant 80 : index
        %get3A_489 = tpu.vector_load %arg7[%get3A_487, %get3A_488] {strides = array<i32>} : memref<128x200xf32, #tpu.memory_space<vmem>>, vector<16xf32>,
        %lt3A_490 = arith.cmpi slt, %add3A_38, %gather3A_431 : vector<16xi32>
        %mul3A_491 = arith.mulf %select_n3A_474, %get3A_489 : vector<16xf32>
        %select_n3A_492 = arith.select %lt3A_490, %mul3A_491, %select_n3A_474 : vector<16xi1>, vector<16xf32>
        %lt3A_493 = arith.cmpi slt, %add3A_38, %gather3A_441 : vector<16xi32>
        %mul3A_494 = arith.mulf %select_n3A_477, %get3A_489 : vector<16xf32>
        %select_n3A_495 = arith.select %lt3A_493, %mul3A_494, %select_n3A_477 : vector<16xi1>, vector<16xf32>
        %get3A_496 = arith.index_cast %add3A_420 : i32 to index
        %get3A_497 = arith.constant 96 : index
        %get3A_498 = tpu.vector_load %arg7[%get3A_496, %get3A_497] {strides = array<i32>} : memref<128x200xf32, #tpu.memory_space<vmem>>, vector<16xf32>,
        %lt3A_499 = arith.cmpi slt, %add3A_41, %gather3A_431 : vector<16xi32>
        %mul3A_500 = arith.mulf %select_n3A_483, %get3A_498 : vector<16xf32>
        %select_n3A_501 = arith.select %lt3A_499, %mul3A_500, %select_n3A_483 : vector<16xi1>, vector<16xf32>
        %lt3A_502 = arith.cmpi slt, %add3A_41, %gather3A_441 : vector<16xi32>
        %mul3A_503 = arith.mulf %select_n3A_486, %get3A_498 : vector<16xf32>
        %select_n3A_504 = arith.select %lt3A_502, %mul3A_503, %select_n3A_486 : vector<16xi1>, vector<16xf32>
        %get3A_505 = arith.index_cast %add3A_420 : i32 to index
        %get3A_506 = arith.constant 112 : index
        %get3A_507 = tpu.vector_load %arg7[%get3A_505, %get3A_506] {strides = array<i32>} : memref<128x200xf32, #tpu.memory_space<vmem>>, vector<16xf32>,
        %lt3A_508 = arith.cmpi slt, %add3A_44, %gather3A_431 : vector<16xi32>
        %mul3A_509 = arith.mulf %select_n3A_492, %get3A_507 : vector<16xf32>
        %select_n3A_510 = arith.select %lt3A_508, %mul3A_509, %select_n3A_492 : vector<16xi1>, vector<16xf32>
        %lt3A_511 = arith.cmpi slt, %add3A_44, %gather3A_441 : vector<16xi32>
        %mul3A_512 = arith.mulf %select_n3A_495, %get3A_507 : vector<16xf32>
        %select_n3A_513 = arith.select %lt3A_511, %mul3A_512, %select_n3A_495 : vector<16xi1>, vector<16xf32>
        %get3A_514 = arith.index_cast %add3A_420 : i32 to index
        %get3A_515 = arith.constant 128 : index
        %get3A_516 = tpu.vector_load %arg7[%get3A_514, %get3A_515] {strides = array<i32>} : memref<128x200xf32, #tpu.memory_space<vmem>>, vector<16xf32>,
        %lt3A_517 = arith.cmpi slt, %add3A_47, %gather3A_431 : vector<16xi32>
        %mul3A_518 = arith.mulf %select_n3A_501, %get3A_516 : vector<16xf32>
        %select_n3A_519 = arith.select %lt3A_517, %mul3A_518, %select_n3A_501 : vector<16xi1>, vector<16xf32>
        %lt3A_520 = arith.cmpi slt, %add3A_47, %gather3A_441 : vector<16xi32>
        %mul3A_521 = arith.mulf %select_n3A_504, %get3A_516 : vector<16xf32>
        %select_n3A_522 = arith.select %lt3A_520, %mul3A_521, %select_n3A_504 : vector<16xi1>, vector<16xf32>
        %get3A_523 = arith.index_cast %add3A_420 : i32 to index
        %get3A_524 = arith.constant 144 : index
        %get3A_525 = tpu.vector_load %arg7[%get3A_523, %get3A_524] {strides = array<i32>} : memref<128x200xf32, #tpu.memory_space<vmem>>, vector<16xf32>,
        %lt3A_526 = arith.cmpi slt, %add3A_50, %gather3A_431 : vector<16xi32>
        %mul3A_527 = arith.mulf %select_n3A_510, %get3A_525 : vector<16xf32>
        %select_n3A_528 = arith.select %lt3A_526, %mul3A_527, %select_n3A_510 : vector<16xi1>, vector<16xf32>
        %lt3A_529 = arith.cmpi slt, %add3A_50, %gather3A_441 : vector<16xi32>
        %mul3A_530 = arith.mulf %select_n3A_513, %get3A_525 : vector<16xf32>
        %select_n3A_531 = arith.select %lt3A_529, %mul3A_530, %select_n3A_513 : vector<16xi1>, vector<16xf32>
        %get3A_532 = arith.index_cast %add3A_420 : i32 to index
        %get3A_533 = arith.constant 160 : index
        %get3A_534 = tpu.vector_load %arg7[%get3A_532, %get3A_533] {strides = array<i32>} : memref<128x200xf32, #tpu.memory_space<vmem>>, vector<16xf32>,
        %lt3A_535 = arith.cmpi slt, %add3A_53, %gather3A_431 : vector<16xi32>
        %mul3A_536 = arith.mulf %select_n3A_519, %get3A_534 : vector<16xf32>
        %select_n3A_537 = arith.select %lt3A_535, %mul3A_536, %select_n3A_519 : vector<16xi1>, vector<16xf32>
        %lt3A_538 = arith.cmpi slt, %add3A_53, %gather3A_441 : vector<16xi32>
        %mul3A_539 = arith.mulf %select_n3A_522, %get3A_534 : vector<16xf32>
        %select_n3A_540 = arith.select %lt3A_538, %mul3A_539, %select_n3A_522 : vector<16xi1>, vector<16xf32>
        %get3A_541 = arith.index_cast %add3A_420 : i32 to index
        %get3A_542 = arith.constant 176 : index
        %get3A_543 = tpu.vector_load %arg7[%get3A_541, %get3A_542] {strides = array<i32>} : memref<128x200xf32, #tpu.memory_space<vmem>>, vector<16xf32>,
        %lt3A_544 = arith.cmpi slt, %add3A_56, %gather3A_431 : vector<16xi32>
        %mul3A_545 = arith.mulf %select_n3A_528, %get3A_543 : vector<16xf32>
        %select_n3A_546 = arith.select %lt3A_544, %mul3A_545, %select_n3A_528 : vector<16xi1>, vector<16xf32>
        %lt3A_547 = arith.cmpi slt, %add3A_56, %gather3A_441 : vector<16xi32>
        %mul3A_548 = arith.mulf %select_n3A_531, %get3A_543 : vector<16xf32>
        %select_n3A_549 = arith.select %lt3A_547, %mul3A_548, %select_n3A_531 : vector<16xi1>, vector<16xf32>
        %get3A_550 = arith.index_cast %add3A_420 : i32 to index
        %get3A_551 = arith.constant 184 : index
        %get3A_552 = tpu.vector_load %arg7[%get3A_550, %get3A_551] {strides = array<i32>} : memref<128x200xf32, #tpu.memory_space<vmem>>, vector<16xf32>,
        %lt3A_553 = arith.cmpi slt, %add3A_59, %gather3A_431 : vector<16xi32>
        %and3A_554 = arith.andi %ge3A_61, %lt3A_553 : vector<16xi1>
        %lt3A_555 = arith.cmpi slt, %add3A_59, %gather3A_441 : vector<16xi32>
        %and3A_556 = arith.andi %ge3A_61, %lt3A_555 : vector<16xi1>
        %mul3A_557 = arith.mulf %select_n3A_537, %get3A_552 : vector<16xf32>
        %select_n3A_558 = arith.select %and3A_554, %mul3A_557, %select_n3A_537 : vector<16xi1>, vector<16xf32>
        %mul3A_559 = arith.mulf %select_n3A_540, %get3A_552 : vector<16xf32>
        %select_n3A_560 = arith.select %and3A_556, %mul3A_559, %select_n3A_540 : vector<16xi1>, vector<16xf32>
        %mul3A_561 = arith.mulf %select_n3A_558, %select_n3A_546 : vector<16xf32>
        %mul3A_562 = arith.mulf %select_n3A_560, %select_n3A_549 : vector<16xf32>
        %lt3A_563 = arith.constant 0 : i32
        %lt3A_564 = vector.broadcast %lt3A_563 : i32 to vector<16xi32>
        %lt3A_565 = arith.cmpi slt, %xor3A_11, %lt3A_564 : vector<16xi32>
        %add3A_566 = arith.constant 16 : i32
        %add3A_567 = vector.broadcast %add3A_566 : i32 to vector<16xi32>
        %add3A_568 = arith.addi %xor3A_11, %add3A_567 : vector<16xi32>
        %select_n3A_569 = arith.select %lt3A_565, %add3A_568, %xor3A_11 : vector<16xi1>, vector<16xi32>
        %broadcast_in_dim3A_570 = vector.shape_cast %select_n3A_569 : vector<16xi32> to vector<16x1xi32>
        %gather3A_571 = vector.shape_cast %broadcast_in_dim3A_570 : vector<16x1xi32> to vector<16xi32>
        %gather3A_572 = tpu.dynamic_gather %mul3A_561[%gather3A_571] in [0] : vector<16xf32>, vector<16xi32> -> vector<16xf32>
        %mul3A_573 = arith.mulf %mul3A_561, %gather3A_572 : vector<16xf32>
        %lt3A_574 = arith.constant 0 : i32
        %lt3A_575 = vector.broadcast %lt3A_574 : i32 to vector<16xi32>
        %lt3A_576 = arith.cmpi slt, %xor3A_11, %lt3A_575 : vector<16xi32>
        %add3A_577 = arith.constant 16 : i32
        %add3A_578 = vector.broadcast %add3A_577 : i32 to vector<16xi32>
        %add3A_579 = arith.addi %xor3A_11, %add3A_578 : vector<16xi32>
        %select_n3A_580 = arith.select %lt3A_576, %add3A_579, %xor3A_11 : vector<16xi1>, vector<16xi32>
        %broadcast_in_dim3A_581 = vector.shape_cast %select_n3A_580 : vector<16xi32> to vector<16x1xi32>
        %gather3A_582 = vector.shape_cast %broadcast_in_dim3A_581 : vector<16x1xi32> to vector<16xi32>
        %gather3A_583 = tpu.dynamic_gather %mul3A_562[%gather3A_582] in [0] : vector<16xf32>, vector<16xi32> -> vector<16xf32>
        %mul3A_584 = arith.mulf %mul3A_562, %gather3A_583 : vector<16xf32>
        %lt3A_585 = arith.constant 0 : i32
        %lt3A_586 = vector.broadcast %lt3A_585 : i32 to vector<16xi32>
        %lt3A_587 = arith.cmpi slt, %xor3A_14, %lt3A_586 : vector<16xi32>
        %add3A_588 = arith.constant 16 : i32
        %add3A_589 = vector.broadcast %add3A_588 : i32 to vector<16xi32>
        %add3A_590 = arith.addi %xor3A_14, %add3A_589 : vector<16xi32>
        %select_n3A_591 = arith.select %lt3A_587, %add3A_590, %xor3A_14 : vector<16xi1>, vector<16xi32>
        %broadcast_in_dim3A_592 = vector.shape_cast %select_n3A_591 : vector<16xi32> to vector<16x1xi32>
        %gather3A_593 = vector.shape_cast %broadcast_in_dim3A_592 : vector<16x1xi32> to vector<16xi32>
        %gather3A_594 = tpu.dynamic_gather %mul3A_573[%gather3A_593] in [0] : vector<16xf32>, vector<16xi32> -> vector<16xf32>
        %mul3A_595 = arith.mulf %mul3A_573, %gather3A_594 : vector<16xf32>
        %lt3A_596 = arith.constant 0 : i32
        %lt3A_597 = vector.broadcast %lt3A_596 : i32 to vector<16xi32>
        %lt3A_598 = arith.cmpi slt, %xor3A_14, %lt3A_597 : vector<16xi32>
        %add3A_599 = arith.constant 16 : i32
        %add3A_600 = vector.broadcast %add3A_599 : i32 to vector<16xi32>
        %add3A_601 = arith.addi %xor3A_14, %add3A_600 : vector<16xi32>
        %select_n3A_602 = arith.select %lt3A_598, %add3A_601, %xor3A_14 : vector<16xi1>, vector<16xi32>
        %broadcast_in_dim3A_603 = vector.shape_cast %select_n3A_602 : vector<16xi32> to vector<16x1xi32>
        %gather3A_604 = vector.shape_cast %broadcast_in_dim3A_603 : vector<16x1xi32> to vector<16xi32>
        %gather3A_605 = tpu.dynamic_gather %mul3A_584[%gather3A_604] in [0] : vector<16xf32>, vector<16xi32> -> vector<16xf32>
        %mul3A_606 = arith.mulf %mul3A_584, %gather3A_605 : vector<16xf32>
        %lt3A_607 = arith.constant 0 : i32
        %lt3A_608 = vector.broadcast %lt3A_607 : i32 to vector<16xi32>
        %lt3A_609 = arith.cmpi slt, %xor3A_17, %lt3A_608 : vector<16xi32>
        %add3A_610 = arith.constant 16 : i32
        %add3A_611 = vector.broadcast %add3A_610 : i32 to vector<16xi32>
        %add3A_612 = arith.addi %xor3A_17, %add3A_611 : vector<16xi32>
        %select_n3A_613 = arith.select %lt3A_609, %add3A_612, %xor3A_17 : vector<16xi1>, vector<16xi32>
        %broadcast_in_dim3A_614 = vector.shape_cast %select_n3A_613 : vector<16xi32> to vector<16x1xi32>
        %gather3A_615 = vector.shape_cast %broadcast_in_dim3A_614 : vector<16x1xi32> to vector<16xi32>
        %gather3A_616 = tpu.dynamic_gather %mul3A_595[%gather3A_615] in [0] : vector<16xf32>, vector<16xi32> -> vector<16xf32>
        %mul3A_617 = arith.mulf %mul3A_595, %gather3A_616 : vector<16xf32>
        %lt3A_618 = arith.constant 0 : i32
        %lt3A_619 = vector.broadcast %lt3A_618 : i32 to vector<16xi32>
        %lt3A_620 = arith.cmpi slt, %xor3A_17, %lt3A_619 : vector<16xi32>
        %add3A_621 = arith.constant 16 : i32
        %add3A_622 = vector.broadcast %add3A_621 : i32 to vector<16xi32>
        %add3A_623 = arith.addi %xor3A_17, %add3A_622 : vector<16xi32>
        %select_n3A_624 = arith.select %lt3A_620, %add3A_623, %xor3A_17 : vector<16xi1>, vector<16xi32>
        %broadcast_in_dim3A_625 = vector.shape_cast %select_n3A_624 : vector<16xi32> to vector<16x1xi32>
        %gather3A_626 = vector.shape_cast %broadcast_in_dim3A_625 : vector<16x1xi32> to vector<16xi32>
        %gather3A_627 = tpu.dynamic_gather %mul3A_606[%gather3A_626] in [0] : vector<16xf32>, vector<16xi32> -> vector<16xf32>
        %mul3A_628 = arith.mulf %mul3A_606, %gather3A_627 : vector<16xf32>
        %lt3A_629 = arith.constant 0 : i32
        %lt3A_630 = vector.broadcast %lt3A_629 : i32 to vector<16xi32>
        %lt3A_631 = arith.cmpi slt, %xor3A_20, %lt3A_630 : vector<16xi32>
        %add3A_632 = arith.constant 16 : i32
        %add3A_633 = vector.broadcast %add3A_632 : i32 to vector<16xi32>
        %add3A_634 = arith.addi %xor3A_20, %add3A_633 : vector<16xi32>
        %select_n3A_635 = arith.select %lt3A_631, %add3A_634, %xor3A_20 : vector<16xi1>, vector<16xi32>
        %broadcast_in_dim3A_636 = vector.shape_cast %select_n3A_635 : vector<16xi32> to vector<16x1xi32>
        %gather3A_637 = vector.shape_cast %broadcast_in_dim3A_636 : vector<16x1xi32> to vector<16xi32>
        %gather3A_638 = tpu.dynamic_gather %mul3A_617[%gather3A_637] in [0] : vector<16xf32>, vector<16xi32> -> vector<16xf32>
        %mul3A_639 = arith.mulf %mul3A_617, %gather3A_638 : vector<16xf32>
        %lt3A_640 = arith.constant 0 : i32
        %lt3A_641 = vector.broadcast %lt3A_640 : i32 to vector<16xi32>
        %lt3A_642 = arith.cmpi slt, %xor3A_20, %lt3A_641 : vector<16xi32>
        %add3A_643 = arith.constant 16 : i32
        %add3A_644 = vector.broadcast %add3A_643 : i32 to vector<16xi32>
        %add3A_645 = arith.addi %xor3A_20, %add3A_644 : vector<16xi32>
        %select_n3A_646 = arith.select %lt3A_642, %add3A_645, %xor3A_20 : vector<16xi1>, vector<16xi32>
        %broadcast_in_dim3A_647 = vector.shape_cast %select_n3A_646 : vector<16xi32> to vector<16x1xi32>
        %gather3A_648 = vector.shape_cast %broadcast_in_dim3A_647 : vector<16x1xi32> to vector<16xi32>
        %gather3A_649 = tpu.dynamic_gather %mul3A_628[%gather3A_648] in [0] : vector<16xf32>, vector<16xi32> -> vector<16xf32>
        %mul3A_650 = arith.mulf %mul3A_628, %gather3A_649 : vector<16xf32>
        %add3A_651 = arith.constant 128 : i32
        %add3A_652 = arith.addi %add3A_651, %add3A_420 : i32
        %swap3A_653 = arith.index_cast %add3A_652 : i32 to index
        %swap3A_654 = tpu.vector_load %arg10[%swap3A_653] masked %eq3A_9 {strides = array<i32>} : memref<528xf32, #tpu.memory_space<vmem>>, vector<16xf32>, vector<16xi1>
        tpu.vector_store %arg10[%swap3A_653], %mul3A_639 masked %eq3A_9 {strides = array<i32>} : memref<528xf32, #tpu.memory_space<vmem>>, vector<16xf32>, vector<16xi1>
        %swap3A_655 = arith.index_cast %add3A_652 : i32 to index
        %swap3A_656 = tpu.vector_load %arg11[%swap3A_655] masked %eq3A_9 {strides = array<i32>} : memref<528xf32, #tpu.memory_space<vmem>>, vector<16xf32>, vector<16xi1>
        tpu.vector_store %arg11[%swap3A_655], %mul3A_650 masked %eq3A_9 {strides = array<i32>} : memref<528xf32, #tpu.memory_space<vmem>>, vector<16xf32>, vector<16xi1>
        %scan3A_657 = arith.constant 2 : i32
        %scan3A_658 = arith.addi %scan3A_178, %scan3A_657 : i32
        %mul3A_659 = arith.constant 16 : i32
        %mul3A_660 = arith.muli %scan3A_155, %mul3A_659 : i32
        %add3A_661 = arith.addi %mul3A_660, %scan3A_658 : i32
        %broadcast_in_dim3A_662 = vector.broadcast %scan3A_658 : i32 to vector<16xi32>
        %lt3A_663 = arith.constant 0 : i32
        %lt3A_664 = vector.broadcast %lt3A_663 : i32 to vector<16xi32>
        %lt3A_665 = arith.cmpi slt, %broadcast_in_dim3A_662, %lt3A_664 : vector<16xi32>
        %add3A_666 = arith.constant 16 : i32
        %add3A_667 = vector.broadcast %add3A_666 : i32 to vector<16xi32>
        %add3A_668 = arith.addi %broadcast_in_dim3A_662, %add3A_667 : vector<16xi32>
        %select_n3A_669 = arith.select %lt3A_665, %add3A_668, %broadcast_in_dim3A_662 : vector<16xi1>, vector<16xi32>
        %broadcast_in_dim3A_670 = vector.shape_cast %select_n3A_669 : vector<16xi32> to vector<16x1xi32>
        %gather3A_671 = vector.shape_cast %broadcast_in_dim3A_670 : vector<16x1xi32> to vector<16xi32>
        %gather3A_672 = tpu.dynamic_gather %gather3A_160[%gather3A_671] in [0] : vector<16xi32>, vector<16xi32> -> vector<16xi32>
        %lt3A_673 = arith.constant 0 : i32
        %lt3A_674 = vector.broadcast %lt3A_673 : i32 to vector<16xi32>
        %lt3A_675 = arith.cmpi slt, %broadcast_in_dim3A_662, %lt3A_674 : vector<16xi32>
        %add3A_676 = arith.constant 16 : i32
        %add3A_677 = vector.broadcast %add3A_676 : i32 to vector<16xi32>
        %add3A_678 = arith.addi %broadcast_in_dim3A_662, %add3A_677 : vector<16xi32>
        %select_n3A_679 = arith.select %lt3A_675, %add3A_678, %broadcast_in_dim3A_662 : vector<16xi1>, vector<16xi32>
        %broadcast_in_dim3A_680 = vector.shape_cast %select_n3A_679 : vector<16xi32> to vector<16x1xi32>
        %gather3A_681 = vector.shape_cast %broadcast_in_dim3A_680 : vector<16x1xi32> to vector<16xi32>
        %gather3A_682 = tpu.dynamic_gather %gather3A[%gather3A_681] in [0] : vector<16xi32>, vector<16xi32> -> vector<16xi32>
        %get3A_683 = arith.index_cast %add3A_661 : i32 to index
        %get3A_684 = arith.constant 0 : index
        %get3A_685 = tpu.vector_load %arg7[%get3A_683, %get3A_684] {strides = array<i32>} : memref<128x200xf32, #tpu.memory_space<vmem>>, vector<16xf32>,
        %lt3A_686 = arith.cmpi slt, %add3A_23, %gather3A_672 : vector<16xi32>
        %mul3A_687 = arith.mulf %broadcast_in_dim3A_7, %get3A_685 : vector<16xf32>
        %select_n3A_688 = arith.select %lt3A_686, %mul3A_687, %broadcast_in_dim3A_7 : vector<16xi1>, vector<16xf32>
        %lt3A_689 = arith.cmpi slt, %add3A_23, %gather3A_682 : vector<16xi32>
        %mul3A_690 = arith.mulf %broadcast_in_dim3A_7, %get3A_685 : vector<16xf32>
        %select_n3A_691 = arith.select %lt3A_689, %mul3A_690, %broadcast_in_dim3A_7 : vector<16xi1>, vector<16xf32>
        %get3A_692 = arith.index_cast %add3A_661 : i32 to index
        %get3A_693 = arith.constant 16 : index
        %get3A_694 = tpu.vector_load %arg7[%get3A_692, %get3A_693] {strides = array<i32>} : memref<128x200xf32, #tpu.memory_space<vmem>>, vector<16xf32>,
        %lt3A_695 = arith.cmpi slt, %add3A_26, %gather3A_672 : vector<16xi32>
        %mul3A_696 = arith.mulf %broadcast_in_dim3A_7, %get3A_694 : vector<16xf32>
        %select_n3A_697 = arith.select %lt3A_695, %mul3A_696, %broadcast_in_dim3A_7 : vector<16xi1>, vector<16xf32>
        %lt3A_698 = arith.cmpi slt, %add3A_26, %gather3A_682 : vector<16xi32>
        %mul3A_699 = arith.mulf %broadcast_in_dim3A_7, %get3A_694 : vector<16xf32>
        %select_n3A_700 = arith.select %lt3A_698, %mul3A_699, %broadcast_in_dim3A_7 : vector<16xi1>, vector<16xf32>
        %get3A_701 = arith.index_cast %add3A_661 : i32 to index
        %get3A_702 = arith.constant 32 : index
        %get3A_703 = tpu.vector_load %arg7[%get3A_701, %get3A_702] {strides = array<i32>} : memref<128x200xf32, #tpu.memory_space<vmem>>, vector<16xf32>,
        %lt3A_704 = arith.cmpi slt, %add3A_29, %gather3A_672 : vector<16xi32>
        %mul3A_705 = arith.mulf %select_n3A_688, %get3A_703 : vector<16xf32>
        %select_n3A_706 = arith.select %lt3A_704, %mul3A_705, %select_n3A_688 : vector<16xi1>, vector<16xf32>
        %lt3A_707 = arith.cmpi slt, %add3A_29, %gather3A_682 : vector<16xi32>
        %mul3A_708 = arith.mulf %select_n3A_691, %get3A_703 : vector<16xf32>
        %select_n3A_709 = arith.select %lt3A_707, %mul3A_708, %select_n3A_691 : vector<16xi1>, vector<16xf32>
        %get3A_710 = arith.index_cast %add3A_661 : i32 to index
        %get3A_711 = arith.constant 48 : index
        %get3A_712 = tpu.vector_load %arg7[%get3A_710, %get3A_711] {strides = array<i32>} : memref<128x200xf32, #tpu.memory_space<vmem>>, vector<16xf32>,
        %lt3A_713 = arith.cmpi slt, %add3A_32, %gather3A_672 : vector<16xi32>
        %mul3A_714 = arith.mulf %select_n3A_697, %get3A_712 : vector<16xf32>
        %select_n3A_715 = arith.select %lt3A_713, %mul3A_714, %select_n3A_697 : vector<16xi1>, vector<16xf32>
        %lt3A_716 = arith.cmpi slt, %add3A_32, %gather3A_682 : vector<16xi32>
        %mul3A_717 = arith.mulf %select_n3A_700, %get3A_712 : vector<16xf32>
        %select_n3A_718 = arith.select %lt3A_716, %mul3A_717, %select_n3A_700 : vector<16xi1>, vector<16xf32>
        %get3A_719 = arith.index_cast %add3A_661 : i32 to index
        %get3A_720 = arith.constant 64 : index
        %get3A_721 = tpu.vector_load %arg7[%get3A_719, %get3A_720] {strides = array<i32>} : memref<128x200xf32, #tpu.memory_space<vmem>>, vector<16xf32>,
        %lt3A_722 = arith.cmpi slt, %add3A_35, %gather3A_672 : vector<16xi32>
        %mul3A_723 = arith.mulf %select_n3A_706, %get3A_721 : vector<16xf32>
        %select_n3A_724 = arith.select %lt3A_722, %mul3A_723, %select_n3A_706 : vector<16xi1>, vector<16xf32>
        %lt3A_725 = arith.cmpi slt, %add3A_35, %gather3A_682 : vector<16xi32>
        %mul3A_726 = arith.mulf %select_n3A_709, %get3A_721 : vector<16xf32>
        %select_n3A_727 = arith.select %lt3A_725, %mul3A_726, %select_n3A_709 : vector<16xi1>, vector<16xf32>
        %get3A_728 = arith.index_cast %add3A_661 : i32 to index
        %get3A_729 = arith.constant 80 : index
        %get3A_730 = tpu.vector_load %arg7[%get3A_728, %get3A_729] {strides = array<i32>} : memref<128x200xf32, #tpu.memory_space<vmem>>, vector<16xf32>,
        %lt3A_731 = arith.cmpi slt, %add3A_38, %gather3A_672 : vector<16xi32>
        %mul3A_732 = arith.mulf %select_n3A_715, %get3A_730 : vector<16xf32>
        %select_n3A_733 = arith.select %lt3A_731, %mul3A_732, %select_n3A_715 : vector<16xi1>, vector<16xf32>
        %lt3A_734 = arith.cmpi slt, %add3A_38, %gather3A_682 : vector<16xi32>
        %mul3A_735 = arith.mulf %select_n3A_718, %get3A_730 : vector<16xf32>
        %select_n3A_736 = arith.select %lt3A_734, %mul3A_735, %select_n3A_718 : vector<16xi1>, vector<16xf32>
        %get3A_737 = arith.index_cast %add3A_661 : i32 to index
        %get3A_738 = arith.constant 96 : index
        %get3A_739 = tpu.vector_load %arg7[%get3A_737, %get3A_738] {strides = array<i32>} : memref<128x200xf32, #tpu.memory_space<vmem>>, vector<16xf32>,
        %lt3A_740 = arith.cmpi slt, %add3A_41, %gather3A_672 : vector<16xi32>
        %mul3A_741 = arith.mulf %select_n3A_724, %get3A_739 : vector<16xf32>
        %select_n3A_742 = arith.select %lt3A_740, %mul3A_741, %select_n3A_724 : vector<16xi1>, vector<16xf32>
        %lt3A_743 = arith.cmpi slt, %add3A_41, %gather3A_682 : vector<16xi32>
        %mul3A_744 = arith.mulf %select_n3A_727, %get3A_739 : vector<16xf32>
        %select_n3A_745 = arith.select %lt3A_743, %mul3A_744, %select_n3A_727 : vector<16xi1>, vector<16xf32>
        %get3A_746 = arith.index_cast %add3A_661 : i32 to index
        %get3A_747 = arith.constant 112 : index
        %get3A_748 = tpu.vector_load %arg7[%get3A_746, %get3A_747] {strides = array<i32>} : memref<128x200xf32, #tpu.memory_space<vmem>>, vector<16xf32>,
        %lt3A_749 = arith.cmpi slt, %add3A_44, %gather3A_672 : vector<16xi32>
        %mul3A_750 = arith.mulf %select_n3A_733, %get3A_748 : vector<16xf32>
        %select_n3A_751 = arith.select %lt3A_749, %mul3A_750, %select_n3A_733 : vector<16xi1>, vector<16xf32>
        %lt3A_752 = arith.cmpi slt, %add3A_44, %gather3A_682 : vector<16xi32>
        %mul3A_753 = arith.mulf %select_n3A_736, %get3A_748 : vector<16xf32>
        %select_n3A_754 = arith.select %lt3A_752, %mul3A_753, %select_n3A_736 : vector<16xi1>, vector<16xf32>
        %get3A_755 = arith.index_cast %add3A_661 : i32 to index
        %get3A_756 = arith.constant 128 : index
        %get3A_757 = tpu.vector_load %arg7[%get3A_755, %get3A_756] {strides = array<i32>} : memref<128x200xf32, #tpu.memory_space<vmem>>, vector<16xf32>,
        %lt3A_758 = arith.cmpi slt, %add3A_47, %gather3A_672 : vector<16xi32>
        %mul3A_759 = arith.mulf %select_n3A_742, %get3A_757 : vector<16xf32>
        %select_n3A_760 = arith.select %lt3A_758, %mul3A_759, %select_n3A_742 : vector<16xi1>, vector<16xf32>
        %lt3A_761 = arith.cmpi slt, %add3A_47, %gather3A_682 : vector<16xi32>
        %mul3A_762 = arith.mulf %select_n3A_745, %get3A_757 : vector<16xf32>
        %select_n3A_763 = arith.select %lt3A_761, %mul3A_762, %select_n3A_745 : vector<16xi1>, vector<16xf32>
        %get3A_764 = arith.index_cast %add3A_661 : i32 to index
        %get3A_765 = arith.constant 144 : index
        %get3A_766 = tpu.vector_load %arg7[%get3A_764, %get3A_765] {strides = array<i32>} : memref<128x200xf32, #tpu.memory_space<vmem>>, vector<16xf32>,
        %lt3A_767 = arith.cmpi slt, %add3A_50, %gather3A_672 : vector<16xi32>
        %mul3A_768 = arith.mulf %select_n3A_751, %get3A_766 : vector<16xf32>
        %select_n3A_769 = arith.select %lt3A_767, %mul3A_768, %select_n3A_751 : vector<16xi1>, vector<16xf32>
        %lt3A_770 = arith.cmpi slt, %add3A_50, %gather3A_682 : vector<16xi32>
        %mul3A_771 = arith.mulf %select_n3A_754, %get3A_766 : vector<16xf32>
        %select_n3A_772 = arith.select %lt3A_770, %mul3A_771, %select_n3A_754 : vector<16xi1>, vector<16xf32>
        %get3A_773 = arith.index_cast %add3A_661 : i32 to index
        %get3A_774 = arith.constant 160 : index
        %get3A_775 = tpu.vector_load %arg7[%get3A_773, %get3A_774] {strides = array<i32>} : memref<128x200xf32, #tpu.memory_space<vmem>>, vector<16xf32>,
        %lt3A_776 = arith.cmpi slt, %add3A_53, %gather3A_672 : vector<16xi32>
        %mul3A_777 = arith.mulf %select_n3A_760, %get3A_775 : vector<16xf32>
        %select_n3A_778 = arith.select %lt3A_776, %mul3A_777, %select_n3A_760 : vector<16xi1>, vector<16xf32>
        %lt3A_779 = arith.cmpi slt, %add3A_53, %gather3A_682 : vector<16xi32>
        %mul3A_780 = arith.mulf %select_n3A_763, %get3A_775 : vector<16xf32>
        %select_n3A_781 = arith.select %lt3A_779, %mul3A_780, %select_n3A_763 : vector<16xi1>, vector<16xf32>
        %get3A_782 = arith.index_cast %add3A_661 : i32 to index
        %get3A_783 = arith.constant 176 : index
        %get3A_784 = tpu.vector_load %arg7[%get3A_782, %get3A_783] {strides = array<i32>} : memref<128x200xf32, #tpu.memory_space<vmem>>, vector<16xf32>,
        %lt3A_785 = arith.cmpi slt, %add3A_56, %gather3A_672 : vector<16xi32>
        %mul3A_786 = arith.mulf %select_n3A_769, %get3A_784 : vector<16xf32>
        %select_n3A_787 = arith.select %lt3A_785, %mul3A_786, %select_n3A_769 : vector<16xi1>, vector<16xf32>
        %lt3A_788 = arith.cmpi slt, %add3A_56, %gather3A_682 : vector<16xi32>
        %mul3A_789 = arith.mulf %select_n3A_772, %get3A_784 : vector<16xf32>
        %select_n3A_790 = arith.select %lt3A_788, %mul3A_789, %select_n3A_772 : vector<16xi1>, vector<16xf32>
        %get3A_791 = arith.index_cast %add3A_661 : i32 to index
        %get3A_792 = arith.constant 184 : index
        %get3A_793 = tpu.vector_load %arg7[%get3A_791, %get3A_792] {strides = array<i32>} : memref<128x200xf32, #tpu.memory_space<vmem>>, vector<16xf32>,
        %lt3A_794 = arith.cmpi slt, %add3A_59, %gather3A_672 : vector<16xi32>
        %and3A_795 = arith.andi %ge3A_61, %lt3A_794 : vector<16xi1>
        %lt3A_796 = arith.cmpi slt, %add3A_59, %gather3A_682 : vector<16xi32>
        %and3A_797 = arith.andi %ge3A_61, %lt3A_796 : vector<16xi1>
        %mul3A_798 = arith.mulf %select_n3A_778, %get3A_793 : vector<16xf32>
        %select_n3A_799 = arith.select %and3A_795, %mul3A_798, %select_n3A_778 : vector<16xi1>, vector<16xf32>
        %mul3A_800 = arith.mulf %select_n3A_781, %get3A_793 : vector<16xf32>
        %select_n3A_801 = arith.select %and3A_797, %mul3A_800, %select_n3A_781 : vector<16xi1>, vector<16xf32>
        %mul3A_802 = arith.mulf %select_n3A_799, %select_n3A_787 : vector<16xf32>
        %mul3A_803 = arith.mulf %select_n3A_801, %select_n3A_790 : vector<16xf32>
        %lt3A_804 = arith.constant 0 : i32
        %lt3A_805 = vector.broadcast %lt3A_804 : i32 to vector<16xi32>
        %lt3A_806 = arith.cmpi slt, %xor3A_11, %lt3A_805 : vector<16xi32>
        %add3A_807 = arith.constant 16 : i32
        %add3A_808 = vector.broadcast %add3A_807 : i32 to vector<16xi32>
        %add3A_809 = arith.addi %xor3A_11, %add3A_808 : vector<16xi32>
        %select_n3A_810 = arith.select %lt3A_806, %add3A_809, %xor3A_11 : vector<16xi1>, vector<16xi32>
        %broadcast_in_dim3A_811 = vector.shape_cast %select_n3A_810 : vector<16xi32> to vector<16x1xi32>
        %gather3A_812 = vector.shape_cast %broadcast_in_dim3A_811 : vector<16x1xi32> to vector<16xi32>
        %gather3A_813 = tpu.dynamic_gather %mul3A_802[%gather3A_812] in [0] : vector<16xf32>, vector<16xi32> -> vector<16xf32>
        %mul3A_814 = arith.mulf %mul3A_802, %gather3A_813 : vector<16xf32>
        %lt3A_815 = arith.constant 0 : i32
        %lt3A_816 = vector.broadcast %lt3A_815 : i32 to vector<16xi32>
        %lt3A_817 = arith.cmpi slt, %xor3A_11, %lt3A_816 : vector<16xi32>
        %add3A_818 = arith.constant 16 : i32
        %add3A_819 = vector.broadcast %add3A_818 : i32 to vector<16xi32>
        %add3A_820 = arith.addi %xor3A_11, %add3A_819 : vector<16xi32>
        %select_n3A_821 = arith.select %lt3A_817, %add3A_820, %xor3A_11 : vector<16xi1>, vector<16xi32>
        %broadcast_in_dim3A_822 = vector.shape_cast %select_n3A_821 : vector<16xi32> to vector<16x1xi32>
        %gather3A_823 = vector.shape_cast %broadcast_in_dim3A_822 : vector<16x1xi32> to vector<16xi32>
        %gather3A_824 = tpu.dynamic_gather %mul3A_803[%gather3A_823] in [0] : vector<16xf32>, vector<16xi32> -> vector<16xf32>
        %mul3A_825 = arith.mulf %mul3A_803, %gather3A_824 : vector<16xf32>
        %lt3A_826 = arith.constant 0 : i32
        %lt3A_827 = vector.broadcast %lt3A_826 : i32 to vector<16xi32>
        %lt3A_828 = arith.cmpi slt, %xor3A_14, %lt3A_827 : vector<16xi32>
        %add3A_829 = arith.constant 16 : i32
        %add3A_830 = vector.broadcast %add3A_829 : i32 to vector<16xi32>
        %add3A_831 = arith.addi %xor3A_14, %add3A_830 : vector<16xi32>
        %select_n3A_832 = arith.select %lt3A_828, %add3A_831, %xor3A_14 : vector<16xi1>, vector<16xi32>
        %broadcast_in_dim3A_833 = vector.shape_cast %select_n3A_832 : vector<16xi32> to vector<16x1xi32>
        %gather3A_834 = vector.shape_cast %broadcast_in_dim3A_833 : vector<16x1xi32> to vector<16xi32>
        %gather3A_835 = tpu.dynamic_gather %mul3A_814[%gather3A_834] in [0] : vector<16xf32>, vector<16xi32> -> vector<16xf32>
        %mul3A_836 = arith.mulf %mul3A_814, %gather3A_835 : vector<16xf32>
        %lt3A_837 = arith.constant 0 : i32
        %lt3A_838 = vector.broadcast %lt3A_837 : i32 to vector<16xi32>
        %lt3A_839 = arith.cmpi slt, %xor3A_14, %lt3A_838 : vector<16xi32>
        %add3A_840 = arith.constant 16 : i32
        %add3A_841 = vector.broadcast %add3A_840 : i32 to vector<16xi32>
        %add3A_842 = arith.addi %xor3A_14, %add3A_841 : vector<16xi32>
        %select_n3A_843 = arith.select %lt3A_839, %add3A_842, %xor3A_14 : vector<16xi1>, vector<16xi32>
        %broadcast_in_dim3A_844 = vector.shape_cast %select_n3A_843 : vector<16xi32> to vector<16x1xi32>
        %gather3A_845 = vector.shape_cast %broadcast_in_dim3A_844 : vector<16x1xi32> to vector<16xi32>
        %gather3A_846 = tpu.dynamic_gather %mul3A_825[%gather3A_845] in [0] : vector<16xf32>, vector<16xi32> -> vector<16xf32>
        %mul3A_847 = arith.mulf %mul3A_825, %gather3A_846 : vector<16xf32>
        %lt3A_848 = arith.constant 0 : i32
        %lt3A_849 = vector.broadcast %lt3A_848 : i32 to vector<16xi32>
        %lt3A_850 = arith.cmpi slt, %xor3A_17, %lt3A_849 : vector<16xi32>
        %add3A_851 = arith.constant 16 : i32
        %add3A_852 = vector.broadcast %add3A_851 : i32 to vector<16xi32>
        %add3A_853 = arith.addi %xor3A_17, %add3A_852 : vector<16xi32>
        %select_n3A_854 = arith.select %lt3A_850, %add3A_853, %xor3A_17 : vector<16xi1>, vector<16xi32>
        %broadcast_in_dim3A_855 = vector.shape_cast %select_n3A_854 : vector<16xi32> to vector<16x1xi32>
        %gather3A_856 = vector.shape_cast %broadcast_in_dim3A_855 : vector<16x1xi32> to vector<16xi32>
        %gather3A_857 = tpu.dynamic_gather %mul3A_836[%gather3A_856] in [0] : vector<16xf32>, vector<16xi32> -> vector<16xf32>
        %mul3A_858 = arith.mulf %mul3A_836, %gather3A_857 : vector<16xf32>
        %lt3A_859 = arith.constant 0 : i32
        %lt3A_860 = vector.broadcast %lt3A_859 : i32 to vector<16xi32>
        %lt3A_861 = arith.cmpi slt, %xor3A_17, %lt3A_860 : vector<16xi32>
        %add3A_862 = arith.constant 16 : i32
        %add3A_863 = vector.broadcast %add3A_862 : i32 to vector<16xi32>
        %add3A_864 = arith.addi %xor3A_17, %add3A_863 : vector<16xi32>
        %select_n3A_865 = arith.select %lt3A_861, %add3A_864, %xor3A_17 : vector<16xi1>, vector<16xi32>
        %broadcast_in_dim3A_866 = vector.shape_cast %select_n3A_865 : vector<16xi32> to vector<16x1xi32>
        %gather3A_867 = vector.shape_cast %broadcast_in_dim3A_866 : vector<16x1xi32> to vector<16xi32>
        %gather3A_868 = tpu.dynamic_gather %mul3A_847[%gather3A_867] in [0] : vector<16xf32>, vector<16xi32> -> vector<16xf32>
        %mul3A_869 = arith.mulf %mul3A_847, %gather3A_868 : vector<16xf32>
        %lt3A_870 = arith.constant 0 : i32
        %lt3A_871 = vector.broadcast %lt3A_870 : i32 to vector<16xi32>
        %lt3A_872 = arith.cmpi slt, %xor3A_20, %lt3A_871 : vector<16xi32>
        %add3A_873 = arith.constant 16 : i32
        %add3A_874 = vector.broadcast %add3A_873 : i32 to vector<16xi32>
        %add3A_875 = arith.addi %xor3A_20, %add3A_874 : vector<16xi32>
        %select_n3A_876 = arith.select %lt3A_872, %add3A_875, %xor3A_20 : vector<16xi1>, vector<16xi32>
        %broadcast_in_dim3A_877 = vector.shape_cast %select_n3A_876 : vector<16xi32> to vector<16x1xi32>
        %gather3A_878 = vector.shape_cast %broadcast_in_dim3A_877 : vector<16x1xi32> to vector<16xi32>
        %gather3A_879 = tpu.dynamic_gather %mul3A_858[%gather3A_878] in [0] : vector<16xf32>, vector<16xi32> -> vector<16xf32>
        %mul3A_880 = arith.mulf %mul3A_858, %gather3A_879 : vector<16xf32>
        %lt3A_881 = arith.constant 0 : i32
        %lt3A_882 = vector.broadcast %lt3A_881 : i32 to vector<16xi32>
        %lt3A_883 = arith.cmpi slt, %xor3A_20, %lt3A_882 : vector<16xi32>
        %add3A_884 = arith.constant 16 : i32
        %add3A_885 = vector.broadcast %add3A_884 : i32 to vector<16xi32>
        %add3A_886 = arith.addi %xor3A_20, %add3A_885 : vector<16xi32>
        %select_n3A_887 = arith.select %lt3A_883, %add3A_886, %xor3A_20 : vector<16xi1>, vector<16xi32>
        %broadcast_in_dim3A_888 = vector.shape_cast %select_n3A_887 : vector<16xi32> to vector<16x1xi32>
        %gather3A_889 = vector.shape_cast %broadcast_in_dim3A_888 : vector<16x1xi32> to vector<16xi32>
        %gather3A_890 = tpu.dynamic_gather %mul3A_869[%gather3A_889] in [0] : vector<16xf32>, vector<16xi32> -> vector<16xf32>
        %mul3A_891 = arith.mulf %mul3A_869, %gather3A_890 : vector<16xf32>
        %add3A_892 = arith.constant 128 : i32
        %add3A_893 = arith.addi %add3A_892, %add3A_661 : i32
        %swap3A_894 = arith.index_cast %add3A_893 : i32 to index
        %swap3A_895 = tpu.vector_load %arg10[%swap3A_894] masked %eq3A_9 {strides = array<i32>} : memref<528xf32, #tpu.memory_space<vmem>>, vector<16xf32>, vector<16xi1>
        tpu.vector_store %arg10[%swap3A_894], %mul3A_880 masked %eq3A_9 {strides = array<i32>} : memref<528xf32, #tpu.memory_space<vmem>>, vector<16xf32>, vector<16xi1>
        %swap3A_896 = arith.index_cast %add3A_893 : i32 to index
        %swap3A_897 = tpu.vector_load %arg11[%swap3A_896] masked %eq3A_9 {strides = array<i32>} : memref<528xf32, #tpu.memory_space<vmem>>, vector<16xf32>, vector<16xi1>
        tpu.vector_store %arg11[%swap3A_896], %mul3A_891 masked %eq3A_9 {strides = array<i32>} : memref<528xf32, #tpu.memory_space<vmem>>, vector<16xf32>, vector<16xi1>
        %scan3A_898 = arith.constant 3 : i32
        %scan3A_899 = arith.addi %scan3A_178, %scan3A_898 : i32
        %mul3A_900 = arith.constant 16 : i32
        %mul3A_901 = arith.muli %scan3A_155, %mul3A_900 : i32
        %add3A_902 = arith.addi %mul3A_901, %scan3A_899 : i32
        %broadcast_in_dim3A_903 = vector.broadcast %scan3A_899 : i32 to vector<16xi32>
        %lt3A_904 = arith.constant 0 : i32
        %lt3A_905 = vector.broadcast %lt3A_904 : i32 to vector<16xi32>
        %lt3A_906 = arith.cmpi slt, %broadcast_in_dim3A_903, %lt3A_905 : vector<16xi32>
        %add3A_907 = arith.constant 16 : i32
        %add3A_908 = vector.broadcast %add3A_907 : i32 to vector<16xi32>
        %add3A_909 = arith.addi %broadcast_in_dim3A_903, %add3A_908 : vector<16xi32>
        %select_n3A_910 = arith.select %lt3A_906, %add3A_909, %broadcast_in_dim3A_903 : vector<16xi1>, vector<16xi32>
        %broadcast_in_dim3A_911 = vector.shape_cast %select_n3A_910 : vector<16xi32> to vector<16x1xi32>
        %gather3A_912 = vector.shape_cast %broadcast_in_dim3A_911 : vector<16x1xi32> to vector<16xi32>
        %gather3A_913 = tpu.dynamic_gather %gather3A_160[%gather3A_912] in [0] : vector<16xi32>, vector<16xi32> -> vector<16xi32>
        %lt3A_914 = arith.constant 0 : i32
        %lt3A_915 = vector.broadcast %lt3A_914 : i32 to vector<16xi32>
        %lt3A_916 = arith.cmpi slt, %broadcast_in_dim3A_903, %lt3A_915 : vector<16xi32>
        %add3A_917 = arith.constant 16 : i32
        %add3A_918 = vector.broadcast %add3A_917 : i32 to vector<16xi32>
        %add3A_919 = arith.addi %broadcast_in_dim3A_903, %add3A_918 : vector<16xi32>
        %select_n3A_920 = arith.select %lt3A_916, %add3A_919, %broadcast_in_dim3A_903 : vector<16xi1>, vector<16xi32>
        %broadcast_in_dim3A_921 = vector.shape_cast %select_n3A_920 : vector<16xi32> to vector<16x1xi32>
        %gather3A_922 = vector.shape_cast %broadcast_in_dim3A_921 : vector<16x1xi32> to vector<16xi32>
        %gather3A_923 = tpu.dynamic_gather %gather3A[%gather3A_922] in [0] : vector<16xi32>, vector<16xi32> -> vector<16xi32>
        %get3A_924 = arith.index_cast %add3A_902 : i32 to index
        %get3A_925 = arith.constant 0 : index
        %get3A_926 = tpu.vector_load %arg7[%get3A_924, %get3A_925] {strides = array<i32>} : memref<128x200xf32, #tpu.memory_space<vmem>>, vector<16xf32>,
        %lt3A_927 = arith.cmpi slt, %add3A_23, %gather3A_913 : vector<16xi32>
        %mul3A_928 = arith.mulf %broadcast_in_dim3A_7, %get3A_926 : vector<16xf32>
        %select_n3A_929 = arith.select %lt3A_927, %mul3A_928, %broadcast_in_dim3A_7 : vector<16xi1>, vector<16xf32>
        %lt3A_930 = arith.cmpi slt, %add3A_23, %gather3A_923 : vector<16xi32>
        %mul3A_931 = arith.mulf %broadcast_in_dim3A_7, %get3A_926 : vector<16xf32>
        %select_n3A_932 = arith.select %lt3A_930, %mul3A_931, %broadcast_in_dim3A_7 : vector<16xi1>, vector<16xf32>
        %get3A_933 = arith.index_cast %add3A_902 : i32 to index
        %get3A_934 = arith.constant 16 : index
        %get3A_935 = tpu.vector_load %arg7[%get3A_933, %get3A_934] {strides = array<i32>} : memref<128x200xf32, #tpu.memory_space<vmem>>, vector<16xf32>,
        %lt3A_936 = arith.cmpi slt, %add3A_26, %gather3A_913 : vector<16xi32>
        %mul3A_937 = arith.mulf %broadcast_in_dim3A_7, %get3A_935 : vector<16xf32>
        %select_n3A_938 = arith.select %lt3A_936, %mul3A_937, %broadcast_in_dim3A_7 : vector<16xi1>, vector<16xf32>
        %lt3A_939 = arith.cmpi slt, %add3A_26, %gather3A_923 : vector<16xi32>
        %mul3A_940 = arith.mulf %broadcast_in_dim3A_7, %get3A_935 : vector<16xf32>
        %select_n3A_941 = arith.select %lt3A_939, %mul3A_940, %broadcast_in_dim3A_7 : vector<16xi1>, vector<16xf32>
        %get3A_942 = arith.index_cast %add3A_902 : i32 to index
        %get3A_943 = arith.constant 32 : index
        %get3A_944 = tpu.vector_load %arg7[%get3A_942, %get3A_943] {strides = array<i32>} : memref<128x200xf32, #tpu.memory_space<vmem>>, vector<16xf32>,
        %lt3A_945 = arith.cmpi slt, %add3A_29, %gather3A_913 : vector<16xi32>
        %mul3A_946 = arith.mulf %select_n3A_929, %get3A_944 : vector<16xf32>
        %select_n3A_947 = arith.select %lt3A_945, %mul3A_946, %select_n3A_929 : vector<16xi1>, vector<16xf32>
        %lt3A_948 = arith.cmpi slt, %add3A_29, %gather3A_923 : vector<16xi32>
        %mul3A_949 = arith.mulf %select_n3A_932, %get3A_944 : vector<16xf32>
        %select_n3A_950 = arith.select %lt3A_948, %mul3A_949, %select_n3A_932 : vector<16xi1>, vector<16xf32>
        %get3A_951 = arith.index_cast %add3A_902 : i32 to index
        %get3A_952 = arith.constant 48 : index
        %get3A_953 = tpu.vector_load %arg7[%get3A_951, %get3A_952] {strides = array<i32>} : memref<128x200xf32, #tpu.memory_space<vmem>>, vector<16xf32>,
        %lt3A_954 = arith.cmpi slt, %add3A_32, %gather3A_913 : vector<16xi32>
        %mul3A_955 = arith.mulf %select_n3A_938, %get3A_953 : vector<16xf32>
        %select_n3A_956 = arith.select %lt3A_954, %mul3A_955, %select_n3A_938 : vector<16xi1>, vector<16xf32>
        %lt3A_957 = arith.cmpi slt, %add3A_32, %gather3A_923 : vector<16xi32>
        %mul3A_958 = arith.mulf %select_n3A_941, %get3A_953 : vector<16xf32>
        %select_n3A_959 = arith.select %lt3A_957, %mul3A_958, %select_n3A_941 : vector<16xi1>, vector<16xf32>
        %get3A_960 = arith.index_cast %add3A_902 : i32 to index
        %get3A_961 = arith.constant 64 : index
        %get3A_962 = tpu.vector_load %arg7[%get3A_960, %get3A_961] {strides = array<i32>} : memref<128x200xf32, #tpu.memory_space<vmem>>, vector<16xf32>,
        %lt3A_963 = arith.cmpi slt, %add3A_35, %gather3A_913 : vector<16xi32>
        %mul3A_964 = arith.mulf %select_n3A_947, %get3A_962 : vector<16xf32>
        %select_n3A_965 = arith.select %lt3A_963, %mul3A_964, %select_n3A_947 : vector<16xi1>, vector<16xf32>
        %lt3A_966 = arith.cmpi slt, %add3A_35, %gather3A_923 : vector<16xi32>
        %mul3A_967 = arith.mulf %select_n3A_950, %get3A_962 : vector<16xf32>
        %select_n3A_968 = arith.select %lt3A_966, %mul3A_967, %select_n3A_950 : vector<16xi1>, vector<16xf32>
        %get3A_969 = arith.index_cast %add3A_902 : i32 to index
        %get3A_970 = arith.constant 80 : index
        %get3A_971 = tpu.vector_load %arg7[%get3A_969, %get3A_970] {strides = array<i32>} : memref<128x200xf32, #tpu.memory_space<vmem>>, vector<16xf32>,
        %lt3A_972 = arith.cmpi slt, %add3A_38, %gather3A_913 : vector<16xi32>
        %mul3A_973 = arith.mulf %select_n3A_956, %get3A_971 : vector<16xf32>
        %select_n3A_974 = arith.select %lt3A_972, %mul3A_973, %select_n3A_956 : vector<16xi1>, vector<16xf32>
        %lt3A_975 = arith.cmpi slt, %add3A_38, %gather3A_923 : vector<16xi32>
        %mul3A_976 = arith.mulf %select_n3A_959, %get3A_971 : vector<16xf32>
        %select_n3A_977 = arith.select %lt3A_975, %mul3A_976, %select_n3A_959 : vector<16xi1>, vector<16xf32>
        %get3A_978 = arith.index_cast %add3A_902 : i32 to index
        %get3A_979 = arith.constant 96 : index
        %get3A_980 = tpu.vector_load %arg7[%get3A_978, %get3A_979] {strides = array<i32>} : memref<128x200xf32, #tpu.memory_space<vmem>>, vector<16xf32>,
        %lt3A_981 = arith.cmpi slt, %add3A_41, %gather3A_913 : vector<16xi32>
        %mul3A_982 = arith.mulf %select_n3A_965, %get3A_980 : vector<16xf32>
        %select_n3A_983 = arith.select %lt3A_981, %mul3A_982, %select_n3A_965 : vector<16xi1>, vector<16xf32>
        %lt3A_984 = arith.cmpi slt, %add3A_41, %gather3A_923 : vector<16xi32>
        %mul3A_985 = arith.mulf %select_n3A_968, %get3A_980 : vector<16xf32>
        %select_n3A_986 = arith.select %lt3A_984, %mul3A_985, %select_n3A_968 : vector<16xi1>, vector<16xf32>
        %get3A_987 = arith.index_cast %add3A_902 : i32 to index
        %get3A_988 = arith.constant 112 : index
        %get3A_989 = tpu.vector_load %arg7[%get3A_987, %get3A_988] {strides = array<i32>} : memref<128x200xf32, #tpu.memory_space<vmem>>, vector<16xf32>,
        %lt3A_990 = arith.cmpi slt, %add3A_44, %gather3A_913 : vector<16xi32>
        %mul3A_991 = arith.mulf %select_n3A_974, %get3A_989 : vector<16xf32>
        %select_n3A_992 = arith.select %lt3A_990, %mul3A_991, %select_n3A_974 : vector<16xi1>, vector<16xf32>
        %lt3A_993 = arith.cmpi slt, %add3A_44, %gather3A_923 : vector<16xi32>
        %mul3A_994 = arith.mulf %select_n3A_977, %get3A_989 : vector<16xf32>
        %select_n3A_995 = arith.select %lt3A_993, %mul3A_994, %select_n3A_977 : vector<16xi1>, vector<16xf32>
        %get3A_996 = arith.index_cast %add3A_902 : i32 to index
        %get3A_997 = arith.constant 128 : index
        %get3A_998 = tpu.vector_load %arg7[%get3A_996, %get3A_997] {strides = array<i32>} : memref<128x200xf32, #tpu.memory_space<vmem>>, vector<16xf32>,
        %lt3A_999 = arith.cmpi slt, %add3A_47, %gather3A_913 : vector<16xi32>
        %mul3A_1000 = arith.mulf %select_n3A_983, %get3A_998 : vector<16xf32>
        %select_n3A_1001 = arith.select %lt3A_999, %mul3A_1000, %select_n3A_983 : vector<16xi1>, vector<16xf32>
        %lt3A_1002 = arith.cmpi slt, %add3A_47, %gather3A_923 : vector<16xi32>
        %mul3A_1003 = arith.mulf %select_n3A_986, %get3A_998 : vector<16xf32>
        %select_n3A_1004 = arith.select %lt3A_1002, %mul3A_1003, %select_n3A_986 : vector<16xi1>, vector<16xf32>
        %get3A_1005 = arith.index_cast %add3A_902 : i32 to index
        %get3A_1006 = arith.constant 144 : index
        %get3A_1007 = tpu.vector_load %arg7[%get3A_1005, %get3A_1006] {strides = array<i32>} : memref<128x200xf32, #tpu.memory_space<vmem>>, vector<16xf32>,
        %lt3A_1008 = arith.cmpi slt, %add3A_50, %gather3A_913 : vector<16xi32>
        %mul3A_1009 = arith.mulf %select_n3A_992, %get3A_1007 : vector<16xf32>
        %select_n3A_1010 = arith.select %lt3A_1008, %mul3A_1009, %select_n3A_992 : vector<16xi1>, vector<16xf32>
        %lt3A_1011 = arith.cmpi slt, %add3A_50, %gather3A_923 : vector<16xi32>
        %mul3A_1012 = arith.mulf %select_n3A_995, %get3A_1007 : vector<16xf32>
        %select_n3A_1013 = arith.select %lt3A_1011, %mul3A_1012, %select_n3A_995 : vector<16xi1>, vector<16xf32>
        %get3A_1014 = arith.index_cast %add3A_902 : i32 to index
        %get3A_1015 = arith.constant 160 : index
        %get3A_1016 = tpu.vector_load %arg7[%get3A_1014, %get3A_1015] {strides = array<i32>} : memref<128x200xf32, #tpu.memory_space<vmem>>, vector<16xf32>,
        %lt3A_1017 = arith.cmpi slt, %add3A_53, %gather3A_913 : vector<16xi32>
        %mul3A_1018 = arith.mulf %select_n3A_1001, %get3A_1016 : vector<16xf32>
        %select_n3A_1019 = arith.select %lt3A_1017, %mul3A_1018, %select_n3A_1001 : vector<16xi1>, vector<16xf32>
        %lt3A_1020 = arith.cmpi slt, %add3A_53, %gather3A_923 : vector<16xi32>
        %mul3A_1021 = arith.mulf %select_n3A_1004, %get3A_1016 : vector<16xf32>
        %select_n3A_1022 = arith.select %lt3A_1020, %mul3A_1021, %select_n3A_1004 : vector<16xi1>, vector<16xf32>
        %get3A_1023 = arith.index_cast %add3A_902 : i32 to index
        %get3A_1024 = arith.constant 176 : index
        %get3A_1025 = tpu.vector_load %arg7[%get3A_1023, %get3A_1024] {strides = array<i32>} : memref<128x200xf32, #tpu.memory_space<vmem>>, vector<16xf32>,
        %lt3A_1026 = arith.cmpi slt, %add3A_56, %gather3A_913 : vector<16xi32>
        %mul3A_1027 = arith.mulf %select_n3A_1010, %get3A_1025 : vector<16xf32>
        %select_n3A_1028 = arith.select %lt3A_1026, %mul3A_1027, %select_n3A_1010 : vector<16xi1>, vector<16xf32>
        %lt3A_1029 = arith.cmpi slt, %add3A_56, %gather3A_923 : vector<16xi32>
        %mul3A_1030 = arith.mulf %select_n3A_1013, %get3A_1025 : vector<16xf32>
        %select_n3A_1031 = arith.select %lt3A_1029, %mul3A_1030, %select_n3A_1013 : vector<16xi1>, vector<16xf32>
        %get3A_1032 = arith.index_cast %add3A_902 : i32 to index
        %get3A_1033 = arith.constant 184 : index
        %get3A_1034 = tpu.vector_load %arg7[%get3A_1032, %get3A_1033] {strides = array<i32>} : memref<128x200xf32, #tpu.memory_space<vmem>>, vector<16xf32>,
        %lt3A_1035 = arith.cmpi slt, %add3A_59, %gather3A_913 : vector<16xi32>
        %and3A_1036 = arith.andi %ge3A_61, %lt3A_1035 : vector<16xi1>
        %lt3A_1037 = arith.cmpi slt, %add3A_59, %gather3A_923 : vector<16xi32>
        %and3A_1038 = arith.andi %ge3A_61, %lt3A_1037 : vector<16xi1>
        %mul3A_1039 = arith.mulf %select_n3A_1019, %get3A_1034 : vector<16xf32>
        %select_n3A_1040 = arith.select %and3A_1036, %mul3A_1039, %select_n3A_1019 : vector<16xi1>, vector<16xf32>
        %mul3A_1041 = arith.mulf %select_n3A_1022, %get3A_1034 : vector<16xf32>
        %select_n3A_1042 = arith.select %and3A_1038, %mul3A_1041, %select_n3A_1022 : vector<16xi1>, vector<16xf32>
        %mul3A_1043 = arith.mulf %select_n3A_1040, %select_n3A_1028 : vector<16xf32>
        %mul3A_1044 = arith.mulf %select_n3A_1042, %select_n3A_1031 : vector<16xf32>
        %lt3A_1045 = arith.constant 0 : i32
        %lt3A_1046 = vector.broadcast %lt3A_1045 : i32 to vector<16xi32>
        %lt3A_1047 = arith.cmpi slt, %xor3A_11, %lt3A_1046 : vector<16xi32>
        %add3A_1048 = arith.constant 16 : i32
        %add3A_1049 = vector.broadcast %add3A_1048 : i32 to vector<16xi32>
        %add3A_1050 = arith.addi %xor3A_11, %add3A_1049 : vector<16xi32>
        %select_n3A_1051 = arith.select %lt3A_1047, %add3A_1050, %xor3A_11 : vector<16xi1>, vector<16xi32>
        %broadcast_in_dim3A_1052 = vector.shape_cast %select_n3A_1051 : vector<16xi32> to vector<16x1xi32>
        %gather3A_1053 = vector.shape_cast %broadcast_in_dim3A_1052 : vector<16x1xi32> to vector<16xi32>
        %gather3A_1054 = tpu.dynamic_gather %mul3A_1043[%gather3A_1053] in [0] : vector<16xf32>, vector<16xi32> -> vector<16xf32>
        %mul3A_1055 = arith.mulf %mul3A_1043, %gather3A_1054 : vector<16xf32>
        %lt3A_1056 = arith.constant 0 : i32
        %lt3A_1057 = vector.broadcast %lt3A_1056 : i32 to vector<16xi32>
        %lt3A_1058 = arith.cmpi slt, %xor3A_11, %lt3A_1057 : vector<16xi32>
        %add3A_1059 = arith.constant 16 : i32
        %add3A_1060 = vector.broadcast %add3A_1059 : i32 to vector<16xi32>
        %add3A_1061 = arith.addi %xor3A_11, %add3A_1060 : vector<16xi32>
        %select_n3A_1062 = arith.select %lt3A_1058, %add3A_1061, %xor3A_11 : vector<16xi1>, vector<16xi32>
        %broadcast_in_dim3A_1063 = vector.shape_cast %select_n3A_1062 : vector<16xi32> to vector<16x1xi32>
        %gather3A_1064 = vector.shape_cast %broadcast_in_dim3A_1063 : vector<16x1xi32> to vector<16xi32>
        %gather3A_1065 = tpu.dynamic_gather %mul3A_1044[%gather3A_1064] in [0] : vector<16xf32>, vector<16xi32> -> vector<16xf32>
        %mul3A_1066 = arith.mulf %mul3A_1044, %gather3A_1065 : vector<16xf32>
        %lt3A_1067 = arith.constant 0 : i32
        %lt3A_1068 = vector.broadcast %lt3A_1067 : i32 to vector<16xi32>
        %lt3A_1069 = arith.cmpi slt, %xor3A_14, %lt3A_1068 : vector<16xi32>
        %add3A_1070 = arith.constant 16 : i32
        %add3A_1071 = vector.broadcast %add3A_1070 : i32 to vector<16xi32>
        %add3A_1072 = arith.addi %xor3A_14, %add3A_1071 : vector<16xi32>
        %select_n3A_1073 = arith.select %lt3A_1069, %add3A_1072, %xor3A_14 : vector<16xi1>, vector<16xi32>
        %broadcast_in_dim3A_1074 = vector.shape_cast %select_n3A_1073 : vector<16xi32> to vector<16x1xi32>
        %gather3A_1075 = vector.shape_cast %broadcast_in_dim3A_1074 : vector<16x1xi32> to vector<16xi32>
        %gather3A_1076 = tpu.dynamic_gather %mul3A_1055[%gather3A_1075] in [0] : vector<16xf32>, vector<16xi32> -> vector<16xf32>
        %mul3A_1077 = arith.mulf %mul3A_1055, %gather3A_1076 : vector<16xf32>
        %lt3A_1078 = arith.constant 0 : i32
        %lt3A_1079 = vector.broadcast %lt3A_1078 : i32 to vector<16xi32>
        %lt3A_1080 = arith.cmpi slt, %xor3A_14, %lt3A_1079 : vector<16xi32>
        %add3A_1081 = arith.constant 16 : i32
        %add3A_1082 = vector.broadcast %add3A_1081 : i32 to vector<16xi32>
        %add3A_1083 = arith.addi %xor3A_14, %add3A_1082 : vector<16xi32>
        %select_n3A_1084 = arith.select %lt3A_1080, %add3A_1083, %xor3A_14 : vector<16xi1>, vector<16xi32>
        %broadcast_in_dim3A_1085 = vector.shape_cast %select_n3A_1084 : vector<16xi32> to vector<16x1xi32>
        %gather3A_1086 = vector.shape_cast %broadcast_in_dim3A_1085 : vector<16x1xi32> to vector<16xi32>
        %gather3A_1087 = tpu.dynamic_gather %mul3A_1066[%gather3A_1086] in [0] : vector<16xf32>, vector<16xi32> -> vector<16xf32>
        %mul3A_1088 = arith.mulf %mul3A_1066, %gather3A_1087 : vector<16xf32>
        %lt3A_1089 = arith.constant 0 : i32
        %lt3A_1090 = vector.broadcast %lt3A_1089 : i32 to vector<16xi32>
        %lt3A_1091 = arith.cmpi slt, %xor3A_17, %lt3A_1090 : vector<16xi32>
        %add3A_1092 = arith.constant 16 : i32
        %add3A_1093 = vector.broadcast %add3A_1092 : i32 to vector<16xi32>
        %add3A_1094 = arith.addi %xor3A_17, %add3A_1093 : vector<16xi32>
        %select_n3A_1095 = arith.select %lt3A_1091, %add3A_1094, %xor3A_17 : vector<16xi1>, vector<16xi32>
        %broadcast_in_dim3A_1096 = vector.shape_cast %select_n3A_1095 : vector<16xi32> to vector<16x1xi32>
        %gather3A_1097 = vector.shape_cast %broadcast_in_dim3A_1096 : vector<16x1xi32> to vector<16xi32>
        %gather3A_1098 = tpu.dynamic_gather %mul3A_1077[%gather3A_1097] in [0] : vector<16xf32>, vector<16xi32> -> vector<16xf32>
        %mul3A_1099 = arith.mulf %mul3A_1077, %gather3A_1098 : vector<16xf32>
        %lt3A_1100 = arith.constant 0 : i32
        %lt3A_1101 = vector.broadcast %lt3A_1100 : i32 to vector<16xi32>
        %lt3A_1102 = arith.cmpi slt, %xor3A_17, %lt3A_1101 : vector<16xi32>
        %add3A_1103 = arith.constant 16 : i32
        %add3A_1104 = vector.broadcast %add3A_1103 : i32 to vector<16xi32>
        %add3A_1105 = arith.addi %xor3A_17, %add3A_1104 : vector<16xi32>
        %select_n3A_1106 = arith.select %lt3A_1102, %add3A_1105, %xor3A_17 : vector<16xi1>, vector<16xi32>
        %broadcast_in_dim3A_1107 = vector.shape_cast %select_n3A_1106 : vector<16xi32> to vector<16x1xi32>
        %gather3A_1108 = vector.shape_cast %broadcast_in_dim3A_1107 : vector<16x1xi32> to vector<16xi32>
        %gather3A_1109 = tpu.dynamic_gather %mul3A_1088[%gather3A_1108] in [0] : vector<16xf32>, vector<16xi32> -> vector<16xf32>
        %mul3A_1110 = arith.mulf %mul3A_1088, %gather3A_1109 : vector<16xf32>
        %lt3A_1111 = arith.constant 0 : i32
        %lt3A_1112 = vector.broadcast %lt3A_1111 : i32 to vector<16xi32>
        %lt3A_1113 = arith.cmpi slt, %xor3A_20, %lt3A_1112 : vector<16xi32>
        %add3A_1114 = arith.constant 16 : i32
        %add3A_1115 = vector.broadcast %add3A_1114 : i32 to vector<16xi32>
        %add3A_1116 = arith.addi %xor3A_20, %add3A_1115 : vector<16xi32>
        %select_n3A_1117 = arith.select %lt3A_1113, %add3A_1116, %xor3A_20 : vector<16xi1>, vector<16xi32>
        %broadcast_in_dim3A_1118 = vector.shape_cast %select_n3A_1117 : vector<16xi32> to vector<16x1xi32>
        %gather3A_1119 = vector.shape_cast %broadcast_in_dim3A_1118 : vector<16x1xi32> to vector<16xi32>
        %gather3A_1120 = tpu.dynamic_gather %mul3A_1099[%gather3A_1119] in [0] : vector<16xf32>, vector<16xi32> -> vector<16xf32>
        %mul3A_1121 = arith.mulf %mul3A_1099, %gather3A_1120 : vector<16xf32>
        %lt3A_1122 = arith.constant 0 : i32
        %lt3A_1123 = vector.broadcast %lt3A_1122 : i32 to vector<16xi32>
        %lt3A_1124 = arith.cmpi slt, %xor3A_20, %lt3A_1123 : vector<16xi32>
        %add3A_1125 = arith.constant 16 : i32
        %add3A_1126 = vector.broadcast %add3A_1125 : i32 to vector<16xi32>
        %add3A_1127 = arith.addi %xor3A_20, %add3A_1126 : vector<16xi32>
        %select_n3A_1128 = arith.select %lt3A_1124, %add3A_1127, %xor3A_20 : vector<16xi1>, vector<16xi32>
        %broadcast_in_dim3A_1129 = vector.shape_cast %select_n3A_1128 : vector<16xi32> to vector<16x1xi32>
        %gather3A_1130 = vector.shape_cast %broadcast_in_dim3A_1129 : vector<16x1xi32> to vector<16xi32>
        %gather3A_1131 = tpu.dynamic_gather %mul3A_1110[%gather3A_1130] in [0] : vector<16xf32>, vector<16xi32> -> vector<16xf32>
        %mul3A_1132 = arith.mulf %mul3A_1110, %gather3A_1131 : vector<16xf32>
        %add3A_1133 = arith.constant 128 : i32
        %add3A_1134 = arith.addi %add3A_1133, %add3A_902 : i32
        %swap3A_1135 = arith.index_cast %add3A_1134 : i32 to index
        %swap3A_1136 = tpu.vector_load %arg10[%swap3A_1135] masked %eq3A_9 {strides = array<i32>} : memref<528xf32, #tpu.memory_space<vmem>>, vector<16xf32>, vector<16xi1>
        tpu.vector_store %arg10[%swap3A_1135], %mul3A_1121 masked %eq3A_9 {strides = array<i32>} : memref<528xf32, #tpu.memory_space<vmem>>, vector<16xf32>, vector<16xi1>
        %swap3A_1137 = arith.index_cast %add3A_1134 : i32 to index
        %swap3A_1138 = tpu.vector_load %arg11[%swap3A_1137] masked %eq3A_9 {strides = array<i32>} : memref<528xf32, #tpu.memory_space<vmem>>, vector<16xf32>, vector<16xi1>
        tpu.vector_store %arg11[%swap3A_1137], %mul3A_1132 masked %eq3A_9 {strides = array<i32>} : memref<528xf32, #tpu.memory_space<vmem>>, vector<16xf32>, vector<16xi1>
      }
      %scan3A_167 = arith.constant 16 : i32
      %mul3A_168 = arith.constant 16 : i32
      %mul3A_169 = arith.muli %scan3A_155, %mul3A_168 : i32
      %add3A_170 = arith.constant 128 : i32
      %add3A_171 = arith.addi %add3A_170, %mul3A_169 : i32
      %get3A = arith.index_cast %add3A_171 : i32 to index
      %get3A_172 = tpu.vector_load %arg11[%get3A] {strides = array<i32>} : memref<528xf32, #tpu.memory_space<vmem>>, vector<16xf32>,
      %ne3A = arith.cmpi ne, %gather3A, %broadcast_in_dim3A_3 : vector<16xi32>
      %sub3A = arith.constant 1.000000e+00 : f32
      %sub3A_173 = vector.broadcast %sub3A : f32 to vector<16xf32>
      %sub3A_174 = arith.subf %sub3A_173, %gather3A_161 : vector<16xf32>
      %mul3A_175 = arith.mulf %get3A_172, %sub3A_174 : vector<16xf32>
      %jit3A = arith.constant 1.000000e-07 : f32
      %broadcast_in_dim3A_176 = vector.broadcast %jit3A : f32 to vector<16xf32>
      %select_n3A = arith.select %ne3A, %mul3A_175, %broadcast_in_dim3A_176 : vector<16xi1>, vector<16xf32>
      %swap3A = arith.index_cast %add3A_171 : i32 to index
      %swap3A_177 = tpu.vector_load %arg11[%swap3A] {strides = array<i32>} : memref<528xf32, #tpu.memory_space<vmem>>, vector<16xf32>,
      tpu.vector_store %arg11[%swap3A], %select_n3A {strides = array<i32>} : memref<528xf32, #tpu.memory_space<vmem>>, vector<16xf32>,
    }
    %scan3A_116 = arith.constant 8 : i32
    %add3A_117 = arith.constant 384 : i32
    %add3A_118 = arith.addi %mul3A_2, %add3A_117 : i32
    %dma_start3A_119 = arith.constant 0 : i32
    %dma_start3A_120 = tpu.memref_slice %arg3[%add3A_118, %dma_start3A_119] : memref<16384x200xf32, #tpu.memory_space<hbm>> -> memref<128x200xf32, #tpu.memory_space<hbm>>
    %dma_start3A_121 = arith.constant 0 : i32
    %dma_start3A_122 = tpu.memref_slice %arg3[%add3A_118, %dma_start3A_121] : memref<16384x200xf32, #tpu.memory_space<hbm>> -> memref<128x200xf32, #tpu.memory_space<hbm>>
    tpu.enqueue_dma source(%dma_start3A_122 : memref<128x200xf32, #tpu.memory_space<hbm>>) target(%arg7 : memref<128x200xf32, #tpu.memory_space<vmem>>) target_semaphore(%arg13 : memref<!tpu.dma_semaphore, #tpu.memory_space<semaphore_mem>>)
    %dma_start3A_123 = arith.constant 0 : i32
    %dma_start3A_124 = tpu.memref_slice %arg2[%add3A_118, %dma_start3A_123] : memref<16384x2xi32, #tpu.memory_space<hbm>> -> memref<128x2xi32, #tpu.memory_space<hbm>>
    %dma_start3A_125 = arith.constant 0 : i32
    %dma_start3A_126 = tpu.memref_slice %arg2[%add3A_118, %dma_start3A_125] : memref<16384x2xi32, #tpu.memory_space<hbm>> -> memref<128x2xi32, #tpu.memory_space<hbm>>
    tpu.enqueue_dma source(%dma_start3A_126 : memref<128x2xi32, #tpu.memory_space<hbm>>) target(%arg9 : memref<128x2xi32, #tpu.memory_space<vmem>>) target_semaphore(%arg13 : memref<!tpu.dma_semaphore, #tpu.memory_space<semaphore_mem>>)
    %dma_wait3A_127 = arith.constant 0 : i32
    %dma_wait3A_128 = tpu.memref_slice %arg3[%add3A_94, %dma_wait3A_127] : memref<16384x200xf32, #tpu.memory_space<hbm>> -> memref<128x200xf32, #tpu.memory_space<hbm>>
    %dma_wait3A_129 = arith.constant 0 : i32
    %dma_wait3A_130 = tpu.memref_slice %arg3[%add3A_94, %dma_wait3A_129] : memref<16384x200xf32, #tpu.memory_space<hbm>> -> memref<128x200xf32, #tpu.memory_space<hbm>>
    tpu.wait_dma2 semaphore(%arg12 : memref<!tpu.dma_semaphore, #tpu.memory_space<semaphore_mem>>) src(%dma_wait3A_130 : memref<128x200xf32, #tpu.memory_space<hbm>>) dst(%arg6 : memref<128x200xf32, #tpu.memory_space<vmem>>)
    %dma_wait3A_131 = arith.constant 0 : i32
    %dma_wait3A_132 = tpu.memref_slice %arg2[%add3A_94, %dma_wait3A_131] : memref<16384x2xi32, #tpu.memory_space<hbm>> -> memref<128x2xi32, #tpu.memory_space<hbm>>
    %dma_wait3A_133 = arith.constant 0 : i32
    %dma_wait3A_134 = tpu.memref_slice %arg2[%add3A_94, %dma_wait3A_133] : memref<16384x2xi32, #tpu.memory_space<hbm>> -> memref<128x2xi32, #tpu.memory_space<hbm>>
    tpu.wait_dma2 semaphore(%arg12 : memref<!tpu.dma_semaphore, #tpu.memory_space<semaphore_mem>>) src(%dma_wait3A_134 : memref<128x2xi32, #tpu.memory_space<hbm>>) dst(%arg8 : memref<128x2xi32, #tpu.memory_space<vmem>>)
    %scan3A_135 = arith.constant 0 : i32
    %scan3A_136 = arith.constant 0 : i32
    %scan3A_137 = arith.constant 8 : i32
    %scan3A_138 = arith.addi %scan3A_136, %scan3A_137 : i32
    %scan3A_139 = arith.constant 1 : i32
    scf.for %scan3A_155 = %scan3A_136 to %scan3A_138 step %scan3A_139  : i32 {
      %mul3A_156 = arith.constant 16 : i32
      %mul3A_157 = arith.muli %scan3A_155, %mul3A_156 : i32
      %add3A_158 = vector.broadcast %mul3A_157 : i32 to vector<16xi32>
      %add3A_159 = arith.addi %add3A_158, %iota3A : vector<16xi32>
      %gather3A = tpu.vector_load_idx %arg8[%add3A_159, %broadcast_in_dim3A_3] : memref<128x2xi32, #tpu.memory_space<vmem>>[vector<16xi32>, vector<16xi32>], vector<16xi32>,
      %gather3A_160 = tpu.vector_load_idx %arg8[%add3A_159, %broadcast_in_dim3A_5] : memref<128x2xi32, #tpu.memory_space<vmem>>[vector<16xi32>, vector<16xi32>], vector<16xi32>,
      %gather3A_161 = tpu.vector_load_idx %arg6[%add3A_159, %gather3A] : memref<128x200xf32, #tpu.memory_space<vmem>>[vector<16xi32>, vector<16xi32>], vector<16xf32>,
      %scan3A_162 = arith.constant 0 : i32
      %scan3A_163 = arith.constant 0 : i32
      %scan3A_164 = arith.constant 16 : i32
      %scan3A_165 = arith.addi %scan3A_163, %scan3A_164 : i32
      %scan3A_166 = arith.constant 4 : i32
      scf.for %scan3A_178 = %scan3A_163 to %scan3A_165 step %scan3A_166  : i32 {
        %mul3A_179 = arith.constant 16 : i32
        %mul3A_180 = arith.muli %scan3A_155, %mul3A_179 : i32
        %add3A_181 = arith.addi %mul3A_180, %scan3A_178 : i32
        %broadcast_in_dim3A_182 = vector.broadcast %scan3A_178 : i32 to vector<16xi32>
        %lt3A = arith.constant 0 : i32
        %lt3A_183 = vector.broadcast %lt3A : i32 to vector<16xi32>
        %lt3A_184 = arith.cmpi slt, %broadcast_in_dim3A_182, %lt3A_183 : vector<16xi32>
        %add3A_185 = arith.constant 16 : i32
        %add3A_186 = vector.broadcast %add3A_185 : i32 to vector<16xi32>
        %add3A_187 = arith.addi %broadcast_in_dim3A_182, %add3A_186 : vector<16xi32>
        %select_n3A_188 = arith.select %lt3A_184, %add3A_187, %broadcast_in_dim3A_182 : vector<16xi1>, vector<16xi32>
        %broadcast_in_dim3A_189 = vector.shape_cast %select_n3A_188 : vector<16xi32> to vector<16x1xi32>
        %gather3A_190 = vector.shape_cast %broadcast_in_dim3A_189 : vector<16x1xi32> to vector<16xi32>
        %gather3A_191 = tpu.dynamic_gather %gather3A_160[%gather3A_190] in [0] : vector<16xi32>, vector<16xi32> -> vector<16xi32>
        %lt3A_192 = arith.constant 0 : i32
        %lt3A_193 = vector.broadcast %lt3A_192 : i32 to vector<16xi32>
        %lt3A_194 = arith.cmpi slt, %broadcast_in_dim3A_182, %lt3A_193 : vector<16xi32>
        %add3A_195 = arith.constant 16 : i32
        %add3A_196 = vector.broadcast %add3A_195 : i32 to vector<16xi32>
        %add3A_197 = arith.addi %broadcast_in_dim3A_182, %add3A_196 : vector<16xi32>
        %select_n3A_198 = arith.select %lt3A_194, %add3A_197, %broadcast_in_dim3A_182 : vector<16xi1>, vector<16xi32>
        %broadcast_in_dim3A_199 = vector.shape_cast %select_n3A_198 : vector<16xi32> to vector<16x1xi32>
        %gather3A_200 = vector.shape_cast %broadcast_in_dim3A_199 : vector<16x1xi32> to vector<16xi32>
        %gather3A_201 = tpu.dynamic_gather %gather3A[%gather3A_200] in [0] : vector<16xi32>, vector<16xi32> -> vector<16xi32>
        %get3A_202 = arith.index_cast %add3A_181 : i32 to index
        %get3A_203 = arith.constant 0 : index
        %get3A_204 = tpu.vector_load %arg6[%get3A_202, %get3A_203] {strides = array<i32>} : memref<128x200xf32, #tpu.memory_space<vmem>>, vector<16xf32>,
        %lt3A_205 = arith.cmpi slt, %add3A_23, %gather3A_191 : vector<16xi32>
        %mul3A_206 = arith.mulf %broadcast_in_dim3A_7, %get3A_204 : vector<16xf32>
        %select_n3A_207 = arith.select %lt3A_205, %mul3A_206, %broadcast_in_dim3A_7 : vector<16xi1>, vector<16xf32>
        %lt3A_208 = arith.cmpi slt, %add3A_23, %gather3A_201 : vector<16xi32>
        %mul3A_209 = arith.mulf %broadcast_in_dim3A_7, %get3A_204 : vector<16xf32>
        %select_n3A_210 = arith.select %lt3A_208, %mul3A_209, %broadcast_in_dim3A_7 : vector<16xi1>, vector<16xf32>
        %get3A_211 = arith.index_cast %add3A_181 : i32 to index
        %get3A_212 = arith.constant 16 : index
        %get3A_213 = tpu.vector_load %arg6[%get3A_211, %get3A_212] {strides = array<i32>} : memref<128x200xf32, #tpu.memory_space<vmem>>, vector<16xf32>,
        %lt3A_214 = arith.cmpi slt, %add3A_26, %gather3A_191 : vector<16xi32>
        %mul3A_215 = arith.mulf %broadcast_in_dim3A_7, %get3A_213 : vector<16xf32>
        %select_n3A_216 = arith.select %lt3A_214, %mul3A_215, %broadcast_in_dim3A_7 : vector<16xi1>, vector<16xf32>
        %lt3A_217 = arith.cmpi slt, %add3A_26, %gather3A_201 : vector<16xi32>
        %mul3A_218 = arith.mulf %broadcast_in_dim3A_7, %get3A_213 : vector<16xf32>
        %select_n3A_219 = arith.select %lt3A_217, %mul3A_218, %broadcast_in_dim3A_7 : vector<16xi1>, vector<16xf32>
        %get3A_220 = arith.index_cast %add3A_181 : i32 to index
        %get3A_221 = arith.constant 32 : index
        %get3A_222 = tpu.vector_load %arg6[%get3A_220, %get3A_221] {strides = array<i32>} : memref<128x200xf32, #tpu.memory_space<vmem>>, vector<16xf32>,
        %lt3A_223 = arith.cmpi slt, %add3A_29, %gather3A_191 : vector<16xi32>
        %mul3A_224 = arith.mulf %select_n3A_207, %get3A_222 : vector<16xf32>
        %select_n3A_225 = arith.select %lt3A_223, %mul3A_224, %select_n3A_207 : vector<16xi1>, vector<16xf32>
        %lt3A_226 = arith.cmpi slt, %add3A_29, %gather3A_201 : vector<16xi32>
        %mul3A_227 = arith.mulf %select_n3A_210, %get3A_222 : vector<16xf32>
        %select_n3A_228 = arith.select %lt3A_226, %mul3A_227, %select_n3A_210 : vector<16xi1>, vector<16xf32>
        %get3A_229 = arith.index_cast %add3A_181 : i32 to index
        %get3A_230 = arith.constant 48 : index
        %get3A_231 = tpu.vector_load %arg6[%get3A_229, %get3A_230] {strides = array<i32>} : memref<128x200xf32, #tpu.memory_space<vmem>>, vector<16xf32>,
        %lt3A_232 = arith.cmpi slt, %add3A_32, %gather3A_191 : vector<16xi32>
        %mul3A_233 = arith.mulf %select_n3A_216, %get3A_231 : vector<16xf32>
        %select_n3A_234 = arith.select %lt3A_232, %mul3A_233, %select_n3A_216 : vector<16xi1>, vector<16xf32>
        %lt3A_235 = arith.cmpi slt, %add3A_32, %gather3A_201 : vector<16xi32>
        %mul3A_236 = arith.mulf %select_n3A_219, %get3A_231 : vector<16xf32>
        %select_n3A_237 = arith.select %lt3A_235, %mul3A_236, %select_n3A_219 : vector<16xi1>, vector<16xf32>
        %get3A_238 = arith.index_cast %add3A_181 : i32 to index
        %get3A_239 = arith.constant 64 : index
        %get3A_240 = tpu.vector_load %arg6[%get3A_238, %get3A_239] {strides = array<i32>} : memref<128x200xf32, #tpu.memory_space<vmem>>, vector<16xf32>,
        %lt3A_241 = arith.cmpi slt, %add3A_35, %gather3A_191 : vector<16xi32>
        %mul3A_242 = arith.mulf %select_n3A_225, %get3A_240 : vector<16xf32>
        %select_n3A_243 = arith.select %lt3A_241, %mul3A_242, %select_n3A_225 : vector<16xi1>, vector<16xf32>
        %lt3A_244 = arith.cmpi slt, %add3A_35, %gather3A_201 : vector<16xi32>
        %mul3A_245 = arith.mulf %select_n3A_228, %get3A_240 : vector<16xf32>
        %select_n3A_246 = arith.select %lt3A_244, %mul3A_245, %select_n3A_228 : vector<16xi1>, vector<16xf32>
        %get3A_247 = arith.index_cast %add3A_181 : i32 to index
        %get3A_248 = arith.constant 80 : index
        %get3A_249 = tpu.vector_load %arg6[%get3A_247, %get3A_248] {strides = array<i32>} : memref<128x200xf32, #tpu.memory_space<vmem>>, vector<16xf32>,
        %lt3A_250 = arith.cmpi slt, %add3A_38, %gather3A_191 : vector<16xi32>
        %mul3A_251 = arith.mulf %select_n3A_234, %get3A_249 : vector<16xf32>
        %select_n3A_252 = arith.select %lt3A_250, %mul3A_251, %select_n3A_234 : vector<16xi1>, vector<16xf32>
        %lt3A_253 = arith.cmpi slt, %add3A_38, %gather3A_201 : vector<16xi32>
        %mul3A_254 = arith.mulf %select_n3A_237, %get3A_249 : vector<16xf32>
        %select_n3A_255 = arith.select %lt3A_253, %mul3A_254, %select_n3A_237 : vector<16xi1>, vector<16xf32>
        %get3A_256 = arith.index_cast %add3A_181 : i32 to index
        %get3A_257 = arith.constant 96 : index
        %get3A_258 = tpu.vector_load %arg6[%get3A_256, %get3A_257] {strides = array<i32>} : memref<128x200xf32, #tpu.memory_space<vmem>>, vector<16xf32>,
        %lt3A_259 = arith.cmpi slt, %add3A_41, %gather3A_191 : vector<16xi32>
        %mul3A_260 = arith.mulf %select_n3A_243, %get3A_258 : vector<16xf32>
        %select_n3A_261 = arith.select %lt3A_259, %mul3A_260, %select_n3A_243 : vector<16xi1>, vector<16xf32>
        %lt3A_262 = arith.cmpi slt, %add3A_41, %gather3A_201 : vector<16xi32>
        %mul3A_263 = arith.mulf %select_n3A_246, %get3A_258 : vector<16xf32>
        %select_n3A_264 = arith.select %lt3A_262, %mul3A_263, %select_n3A_246 : vector<16xi1>, vector<16xf32>
        %get3A_265 = arith.index_cast %add3A_181 : i32 to index
        %get3A_266 = arith.constant 112 : index
        %get3A_267 = tpu.vector_load %arg6[%get3A_265, %get3A_266] {strides = array<i32>} : memref<128x200xf32, #tpu.memory_space<vmem>>, vector<16xf32>,
        %lt3A_268 = arith.cmpi slt, %add3A_44, %gather3A_191 : vector<16xi32>
        %mul3A_269 = arith.mulf %select_n3A_252, %get3A_267 : vector<16xf32>
        %select_n3A_270 = arith.select %lt3A_268, %mul3A_269, %select_n3A_252 : vector<16xi1>, vector<16xf32>
        %lt3A_271 = arith.cmpi slt, %add3A_44, %gather3A_201 : vector<16xi32>
        %mul3A_272 = arith.mulf %select_n3A_255, %get3A_267 : vector<16xf32>
        %select_n3A_273 = arith.select %lt3A_271, %mul3A_272, %select_n3A_255 : vector<16xi1>, vector<16xf32>
        %get3A_274 = arith.index_cast %add3A_181 : i32 to index
        %get3A_275 = arith.constant 128 : index
        %get3A_276 = tpu.vector_load %arg6[%get3A_274, %get3A_275] {strides = array<i32>} : memref<128x200xf32, #tpu.memory_space<vmem>>, vector<16xf32>,
        %lt3A_277 = arith.cmpi slt, %add3A_47, %gather3A_191 : vector<16xi32>
        %mul3A_278 = arith.mulf %select_n3A_261, %get3A_276 : vector<16xf32>
        %select_n3A_279 = arith.select %lt3A_277, %mul3A_278, %select_n3A_261 : vector<16xi1>, vector<16xf32>
        %lt3A_280 = arith.cmpi slt, %add3A_47, %gather3A_201 : vector<16xi32>
        %mul3A_281 = arith.mulf %select_n3A_264, %get3A_276 : vector<16xf32>
        %select_n3A_282 = arith.select %lt3A_280, %mul3A_281, %select_n3A_264 : vector<16xi1>, vector<16xf32>
        %get3A_283 = arith.index_cast %add3A_181 : i32 to index
        %get3A_284 = arith.constant 144 : index
        %get3A_285 = tpu.vector_load %arg6[%get3A_283, %get3A_284] {strides = array<i32>} : memref<128x200xf32, #tpu.memory_space<vmem>>, vector<16xf32>,
        %lt3A_286 = arith.cmpi slt, %add3A_50, %gather3A_191 : vector<16xi32>
        %mul3A_287 = arith.mulf %select_n3A_270, %get3A_285 : vector<16xf32>
        %select_n3A_288 = arith.select %lt3A_286, %mul3A_287, %select_n3A_270 : vector<16xi1>, vector<16xf32>
        %lt3A_289 = arith.cmpi slt, %add3A_50, %gather3A_201 : vector<16xi32>
        %mul3A_290 = arith.mulf %select_n3A_273, %get3A_285 : vector<16xf32>
        %select_n3A_291 = arith.select %lt3A_289, %mul3A_290, %select_n3A_273 : vector<16xi1>, vector<16xf32>
        %get3A_292 = arith.index_cast %add3A_181 : i32 to index
        %get3A_293 = arith.constant 160 : index
        %get3A_294 = tpu.vector_load %arg6[%get3A_292, %get3A_293] {strides = array<i32>} : memref<128x200xf32, #tpu.memory_space<vmem>>, vector<16xf32>,
        %lt3A_295 = arith.cmpi slt, %add3A_53, %gather3A_191 : vector<16xi32>
        %mul3A_296 = arith.mulf %select_n3A_279, %get3A_294 : vector<16xf32>
        %select_n3A_297 = arith.select %lt3A_295, %mul3A_296, %select_n3A_279 : vector<16xi1>, vector<16xf32>
        %lt3A_298 = arith.cmpi slt, %add3A_53, %gather3A_201 : vector<16xi32>
        %mul3A_299 = arith.mulf %select_n3A_282, %get3A_294 : vector<16xf32>
        %select_n3A_300 = arith.select %lt3A_298, %mul3A_299, %select_n3A_282 : vector<16xi1>, vector<16xf32>
        %get3A_301 = arith.index_cast %add3A_181 : i32 to index
        %get3A_302 = arith.constant 176 : index
        %get3A_303 = tpu.vector_load %arg6[%get3A_301, %get3A_302] {strides = array<i32>} : memref<128x200xf32, #tpu.memory_space<vmem>>, vector<16xf32>,
        %lt3A_304 = arith.cmpi slt, %add3A_56, %gather3A_191 : vector<16xi32>
        %mul3A_305 = arith.mulf %select_n3A_288, %get3A_303 : vector<16xf32>
        %select_n3A_306 = arith.select %lt3A_304, %mul3A_305, %select_n3A_288 : vector<16xi1>, vector<16xf32>
        %lt3A_307 = arith.cmpi slt, %add3A_56, %gather3A_201 : vector<16xi32>
        %mul3A_308 = arith.mulf %select_n3A_291, %get3A_303 : vector<16xf32>
        %select_n3A_309 = arith.select %lt3A_307, %mul3A_308, %select_n3A_291 : vector<16xi1>, vector<16xf32>
        %get3A_310 = arith.index_cast %add3A_181 : i32 to index
        %get3A_311 = arith.constant 184 : index
        %get3A_312 = tpu.vector_load %arg6[%get3A_310, %get3A_311] {strides = array<i32>} : memref<128x200xf32, #tpu.memory_space<vmem>>, vector<16xf32>,
        %lt3A_313 = arith.cmpi slt, %add3A_59, %gather3A_191 : vector<16xi32>
        %and3A = arith.andi %ge3A_61, %lt3A_313 : vector<16xi1>
        %lt3A_314 = arith.cmpi slt, %add3A_59, %gather3A_201 : vector<16xi32>
        %and3A_315 = arith.andi %ge3A_61, %lt3A_314 : vector<16xi1>
        %mul3A_316 = arith.mulf %select_n3A_297, %get3A_312 : vector<16xf32>
        %select_n3A_317 = arith.select %and3A, %mul3A_316, %select_n3A_297 : vector<16xi1>, vector<16xf32>
        %mul3A_318 = arith.mulf %select_n3A_300, %get3A_312 : vector<16xf32>
        %select_n3A_319 = arith.select %and3A_315, %mul3A_318, %select_n3A_300 : vector<16xi1>, vector<16xf32>
        %mul3A_320 = arith.mulf %select_n3A_317, %select_n3A_306 : vector<16xf32>
        %mul3A_321 = arith.mulf %select_n3A_319, %select_n3A_309 : vector<16xf32>
        %lt3A_322 = arith.constant 0 : i32
        %lt3A_323 = vector.broadcast %lt3A_322 : i32 to vector<16xi32>
        %lt3A_324 = arith.cmpi slt, %xor3A_11, %lt3A_323 : vector<16xi32>
        %add3A_325 = arith.constant 16 : i32
        %add3A_326 = vector.broadcast %add3A_325 : i32 to vector<16xi32>
        %add3A_327 = arith.addi %xor3A_11, %add3A_326 : vector<16xi32>
        %select_n3A_328 = arith.select %lt3A_324, %add3A_327, %xor3A_11 : vector<16xi1>, vector<16xi32>
        %broadcast_in_dim3A_329 = vector.shape_cast %select_n3A_328 : vector<16xi32> to vector<16x1xi32>
        %gather3A_330 = vector.shape_cast %broadcast_in_dim3A_329 : vector<16x1xi32> to vector<16xi32>
        %gather3A_331 = tpu.dynamic_gather %mul3A_320[%gather3A_330] in [0] : vector<16xf32>, vector<16xi32> -> vector<16xf32>
        %mul3A_332 = arith.mulf %mul3A_320, %gather3A_331 : vector<16xf32>
        %lt3A_333 = arith.constant 0 : i32
        %lt3A_334 = vector.broadcast %lt3A_333 : i32 to vector<16xi32>
        %lt3A_335 = arith.cmpi slt, %xor3A_11, %lt3A_334 : vector<16xi32>
        %add3A_336 = arith.constant 16 : i32
        %add3A_337 = vector.broadcast %add3A_336 : i32 to vector<16xi32>
        %add3A_338 = arith.addi %xor3A_11, %add3A_337 : vector<16xi32>
        %select_n3A_339 = arith.select %lt3A_335, %add3A_338, %xor3A_11 : vector<16xi1>, vector<16xi32>
        %broadcast_in_dim3A_340 = vector.shape_cast %select_n3A_339 : vector<16xi32> to vector<16x1xi32>
        %gather3A_341 = vector.shape_cast %broadcast_in_dim3A_340 : vector<16x1xi32> to vector<16xi32>
        %gather3A_342 = tpu.dynamic_gather %mul3A_321[%gather3A_341] in [0] : vector<16xf32>, vector<16xi32> -> vector<16xf32>
        %mul3A_343 = arith.mulf %mul3A_321, %gather3A_342 : vector<16xf32>
        %lt3A_344 = arith.constant 0 : i32
        %lt3A_345 = vector.broadcast %lt3A_344 : i32 to vector<16xi32>
        %lt3A_346 = arith.cmpi slt, %xor3A_14, %lt3A_345 : vector<16xi32>
        %add3A_347 = arith.constant 16 : i32
        %add3A_348 = vector.broadcast %add3A_347 : i32 to vector<16xi32>
        %add3A_349 = arith.addi %xor3A_14, %add3A_348 : vector<16xi32>
        %select_n3A_350 = arith.select %lt3A_346, %add3A_349, %xor3A_14 : vector<16xi1>, vector<16xi32>
        %broadcast_in_dim3A_351 = vector.shape_cast %select_n3A_350 : vector<16xi32> to vector<16x1xi32>
        %gather3A_352 = vector.shape_cast %broadcast_in_dim3A_351 : vector<16x1xi32> to vector<16xi32>
        %gather3A_353 = tpu.dynamic_gather %mul3A_332[%gather3A_352] in [0] : vector<16xf32>, vector<16xi32> -> vector<16xf32>
        %mul3A_354 = arith.mulf %mul3A_332, %gather3A_353 : vector<16xf32>
        %lt3A_355 = arith.constant 0 : i32
        %lt3A_356 = vector.broadcast %lt3A_355 : i32 to vector<16xi32>
        %lt3A_357 = arith.cmpi slt, %xor3A_14, %lt3A_356 : vector<16xi32>
        %add3A_358 = arith.constant 16 : i32
        %add3A_359 = vector.broadcast %add3A_358 : i32 to vector<16xi32>
        %add3A_360 = arith.addi %xor3A_14, %add3A_359 : vector<16xi32>
        %select_n3A_361 = arith.select %lt3A_357, %add3A_360, %xor3A_14 : vector<16xi1>, vector<16xi32>
        %broadcast_in_dim3A_362 = vector.shape_cast %select_n3A_361 : vector<16xi32> to vector<16x1xi32>
        %gather3A_363 = vector.shape_cast %broadcast_in_dim3A_362 : vector<16x1xi32> to vector<16xi32>
        %gather3A_364 = tpu.dynamic_gather %mul3A_343[%gather3A_363] in [0] : vector<16xf32>, vector<16xi32> -> vector<16xf32>
        %mul3A_365 = arith.mulf %mul3A_343, %gather3A_364 : vector<16xf32>
        %lt3A_366 = arith.constant 0 : i32
        %lt3A_367 = vector.broadcast %lt3A_366 : i32 to vector<16xi32>
        %lt3A_368 = arith.cmpi slt, %xor3A_17, %lt3A_367 : vector<16xi32>
        %add3A_369 = arith.constant 16 : i32
        %add3A_370 = vector.broadcast %add3A_369 : i32 to vector<16xi32>
        %add3A_371 = arith.addi %xor3A_17, %add3A_370 : vector<16xi32>
        %select_n3A_372 = arith.select %lt3A_368, %add3A_371, %xor3A_17 : vector<16xi1>, vector<16xi32>
        %broadcast_in_dim3A_373 = vector.shape_cast %select_n3A_372 : vector<16xi32> to vector<16x1xi32>
        %gather3A_374 = vector.shape_cast %broadcast_in_dim3A_373 : vector<16x1xi32> to vector<16xi32>
        %gather3A_375 = tpu.dynamic_gather %mul3A_354[%gather3A_374] in [0] : vector<16xf32>, vector<16xi32> -> vector<16xf32>
        %mul3A_376 = arith.mulf %mul3A_354, %gather3A_375 : vector<16xf32>
        %lt3A_377 = arith.constant 0 : i32
        %lt3A_378 = vector.broadcast %lt3A_377 : i32 to vector<16xi32>
        %lt3A_379 = arith.cmpi slt, %xor3A_17, %lt3A_378 : vector<16xi32>
        %add3A_380 = arith.constant 16 : i32
        %add3A_381 = vector.broadcast %add3A_380 : i32 to vector<16xi32>
        %add3A_382 = arith.addi %xor3A_17, %add3A_381 : vector<16xi32>
        %select_n3A_383 = arith.select %lt3A_379, %add3A_382, %xor3A_17 : vector<16xi1>, vector<16xi32>
        %broadcast_in_dim3A_384 = vector.shape_cast %select_n3A_383 : vector<16xi32> to vector<16x1xi32>
        %gather3A_385 = vector.shape_cast %broadcast_in_dim3A_384 : vector<16x1xi32> to vector<16xi32>
        %gather3A_386 = tpu.dynamic_gather %mul3A_365[%gather3A_385] in [0] : vector<16xf32>, vector<16xi32> -> vector<16xf32>
        %mul3A_387 = arith.mulf %mul3A_365, %gather3A_386 : vector<16xf32>
        %lt3A_388 = arith.constant 0 : i32
        %lt3A_389 = vector.broadcast %lt3A_388 : i32 to vector<16xi32>
        %lt3A_390 = arith.cmpi slt, %xor3A_20, %lt3A_389 : vector<16xi32>
        %add3A_391 = arith.constant 16 : i32
        %add3A_392 = vector.broadcast %add3A_391 : i32 to vector<16xi32>
        %add3A_393 = arith.addi %xor3A_20, %add3A_392 : vector<16xi32>
        %select_n3A_394 = arith.select %lt3A_390, %add3A_393, %xor3A_20 : vector<16xi1>, vector<16xi32>
        %broadcast_in_dim3A_395 = vector.shape_cast %select_n3A_394 : vector<16xi32> to vector<16x1xi32>
        %gather3A_396 = vector.shape_cast %broadcast_in_dim3A_395 : vector<16x1xi32> to vector<16xi32>
        %gather3A_397 = tpu.dynamic_gather %mul3A_376[%gather3A_396] in [0] : vector<16xf32>, vector<16xi32> -> vector<16xf32>
        %mul3A_398 = arith.mulf %mul3A_376, %gather3A_397 : vector<16xf32>
        %lt3A_399 = arith.constant 0 : i32
        %lt3A_400 = vector.broadcast %lt3A_399 : i32 to vector<16xi32>
        %lt3A_401 = arith.cmpi slt, %xor3A_20, %lt3A_400 : vector<16xi32>
        %add3A_402 = arith.constant 16 : i32
        %add3A_403 = vector.broadcast %add3A_402 : i32 to vector<16xi32>
        %add3A_404 = arith.addi %xor3A_20, %add3A_403 : vector<16xi32>
        %select_n3A_405 = arith.select %lt3A_401, %add3A_404, %xor3A_20 : vector<16xi1>, vector<16xi32>
        %broadcast_in_dim3A_406 = vector.shape_cast %select_n3A_405 : vector<16xi32> to vector<16x1xi32>
        %gather3A_407 = vector.shape_cast %broadcast_in_dim3A_406 : vector<16x1xi32> to vector<16xi32>
        %gather3A_408 = tpu.dynamic_gather %mul3A_387[%gather3A_407] in [0] : vector<16xf32>, vector<16xi32> -> vector<16xf32>
        %mul3A_409 = arith.mulf %mul3A_387, %gather3A_408 : vector<16xf32>
        %add3A_410 = arith.constant 256 : i32
        %add3A_411 = arith.addi %add3A_410, %add3A_181 : i32
        %swap3A_412 = arith.index_cast %add3A_411 : i32 to index
        %swap3A_413 = tpu.vector_load %arg10[%swap3A_412] masked %eq3A_9 {strides = array<i32>} : memref<528xf32, #tpu.memory_space<vmem>>, vector<16xf32>, vector<16xi1>
        tpu.vector_store %arg10[%swap3A_412], %mul3A_398 masked %eq3A_9 {strides = array<i32>} : memref<528xf32, #tpu.memory_space<vmem>>, vector<16xf32>, vector<16xi1>
        %swap3A_414 = arith.index_cast %add3A_411 : i32 to index
        %swap3A_415 = tpu.vector_load %arg11[%swap3A_414] masked %eq3A_9 {strides = array<i32>} : memref<528xf32, #tpu.memory_space<vmem>>, vector<16xf32>, vector<16xi1>
        tpu.vector_store %arg11[%swap3A_414], %mul3A_409 masked %eq3A_9 {strides = array<i32>} : memref<528xf32, #tpu.memory_space<vmem>>, vector<16xf32>, vector<16xi1>
        %scan3A_416 = arith.constant 1 : i32
        %scan3A_417 = arith.addi %scan3A_178, %scan3A_416 : i32
        %mul3A_418 = arith.constant 16 : i32
        %mul3A_419 = arith.muli %scan3A_155, %mul3A_418 : i32
        %add3A_420 = arith.addi %mul3A_419, %scan3A_417 : i32
        %broadcast_in_dim3A_421 = vector.broadcast %scan3A_417 : i32 to vector<16xi32>
        %lt3A_422 = arith.constant 0 : i32
        %lt3A_423 = vector.broadcast %lt3A_422 : i32 to vector<16xi32>
        %lt3A_424 = arith.cmpi slt, %broadcast_in_dim3A_421, %lt3A_423 : vector<16xi32>
        %add3A_425 = arith.constant 16 : i32
        %add3A_426 = vector.broadcast %add3A_425 : i32 to vector<16xi32>
        %add3A_427 = arith.addi %broadcast_in_dim3A_421, %add3A_426 : vector<16xi32>
        %select_n3A_428 = arith.select %lt3A_424, %add3A_427, %broadcast_in_dim3A_421 : vector<16xi1>, vector<16xi32>
        %broadcast_in_dim3A_429 = vector.shape_cast %select_n3A_428 : vector<16xi32> to vector<16x1xi32>
        %gather3A_430 = vector.shape_cast %broadcast_in_dim3A_429 : vector<16x1xi32> to vector<16xi32>
        %gather3A_431 = tpu.dynamic_gather %gather3A_160[%gather3A_430] in [0] : vector<16xi32>, vector<16xi32> -> vector<16xi32>
        %lt3A_432 = arith.constant 0 : i32
        %lt3A_433 = vector.broadcast %lt3A_432 : i32 to vector<16xi32>
        %lt3A_434 = arith.cmpi slt, %broadcast_in_dim3A_421, %lt3A_433 : vector<16xi32>
        %add3A_435 = arith.constant 16 : i32
        %add3A_436 = vector.broadcast %add3A_435 : i32 to vector<16xi32>
        %add3A_437 = arith.addi %broadcast_in_dim3A_421, %add3A_436 : vector<16xi32>
        %select_n3A_438 = arith.select %lt3A_434, %add3A_437, %broadcast_in_dim3A_421 : vector<16xi1>, vector<16xi32>
        %broadcast_in_dim3A_439 = vector.shape_cast %select_n3A_438 : vector<16xi32> to vector<16x1xi32>
        %gather3A_440 = vector.shape_cast %broadcast_in_dim3A_439 : vector<16x1xi32> to vector<16xi32>
        %gather3A_441 = tpu.dynamic_gather %gather3A[%gather3A_440] in [0] : vector<16xi32>, vector<16xi32> -> vector<16xi32>
        %get3A_442 = arith.index_cast %add3A_420 : i32 to index
        %get3A_443 = arith.constant 0 : index
        %get3A_444 = tpu.vector_load %arg6[%get3A_442, %get3A_443] {strides = array<i32>} : memref<128x200xf32, #tpu.memory_space<vmem>>, vector<16xf32>,
        %lt3A_445 = arith.cmpi slt, %add3A_23, %gather3A_431 : vector<16xi32>
        %mul3A_446 = arith.mulf %broadcast_in_dim3A_7, %get3A_444 : vector<16xf32>
        %select_n3A_447 = arith.select %lt3A_445, %mul3A_446, %broadcast_in_dim3A_7 : vector<16xi1>, vector<16xf32>
        %lt3A_448 = arith.cmpi slt, %add3A_23, %gather3A_441 : vector<16xi32>
        %mul3A_449 = arith.mulf %broadcast_in_dim3A_7, %get3A_444 : vector<16xf32>
        %select_n3A_450 = arith.select %lt3A_448, %mul3A_449, %broadcast_in_dim3A_7 : vector<16xi1>, vector<16xf32>
        %get3A_451 = arith.index_cast %add3A_420 : i32 to index
        %get3A_452 = arith.constant 16 : index
        %get3A_453 = tpu.vector_load %arg6[%get3A_451, %get3A_452] {strides = array<i32>} : memref<128x200xf32, #tpu.memory_space<vmem>>, vector<16xf32>,
        %lt3A_454 = arith.cmpi slt, %add3A_26, %gather3A_431 : vector<16xi32>
        %mul3A_455 = arith.mulf %broadcast_in_dim3A_7, %get3A_453 : vector<16xf32>
        %select_n3A_456 = arith.select %lt3A_454, %mul3A_455, %broadcast_in_dim3A_7 : vector<16xi1>, vector<16xf32>
        %lt3A_457 = arith.cmpi slt, %add3A_26, %gather3A_441 : vector<16xi32>
        %mul3A_458 = arith.mulf %broadcast_in_dim3A_7, %get3A_453 : vector<16xf32>
        %select_n3A_459 = arith.select %lt3A_457, %mul3A_458, %broadcast_in_dim3A_7 : vector<16xi1>, vector<16xf32>
        %get3A_460 = arith.index_cast %add3A_420 : i32 to index
        %get3A_461 = arith.constant 32 : index
        %get3A_462 = tpu.vector_load %arg6[%get3A_460, %get3A_461] {strides = array<i32>} : memref<128x200xf32, #tpu.memory_space<vmem>>, vector<16xf32>,
        %lt3A_463 = arith.cmpi slt, %add3A_29, %gather3A_431 : vector<16xi32>
        %mul3A_464 = arith.mulf %select_n3A_447, %get3A_462 : vector<16xf32>
        %select_n3A_465 = arith.select %lt3A_463, %mul3A_464, %select_n3A_447 : vector<16xi1>, vector<16xf32>
        %lt3A_466 = arith.cmpi slt, %add3A_29, %gather3A_441 : vector<16xi32>
        %mul3A_467 = arith.mulf %select_n3A_450, %get3A_462 : vector<16xf32>
        %select_n3A_468 = arith.select %lt3A_466, %mul3A_467, %select_n3A_450 : vector<16xi1>, vector<16xf32>
        %get3A_469 = arith.index_cast %add3A_420 : i32 to index
        %get3A_470 = arith.constant 48 : index
        %get3A_471 = tpu.vector_load %arg6[%get3A_469, %get3A_470] {strides = array<i32>} : memref<128x200xf32, #tpu.memory_space<vmem>>, vector<16xf32>,
        %lt3A_472 = arith.cmpi slt, %add3A_32, %gather3A_431 : vector<16xi32>
        %mul3A_473 = arith.mulf %select_n3A_456, %get3A_471 : vector<16xf32>
        %select_n3A_474 = arith.select %lt3A_472, %mul3A_473, %select_n3A_456 : vector<16xi1>, vector<16xf32>
        %lt3A_475 = arith.cmpi slt, %add3A_32, %gather3A_441 : vector<16xi32>
        %mul3A_476 = arith.mulf %select_n3A_459, %get3A_471 : vector<16xf32>
        %select_n3A_477 = arith.select %lt3A_475, %mul3A_476, %select_n3A_459 : vector<16xi1>, vector<16xf32>
        %get3A_478 = arith.index_cast %add3A_420 : i32 to index
        %get3A_479 = arith.constant 64 : index
        %get3A_480 = tpu.vector_load %arg6[%get3A_478, %get3A_479] {strides = array<i32>} : memref<128x200xf32, #tpu.memory_space<vmem>>, vector<16xf32>,
        %lt3A_481 = arith.cmpi slt, %add3A_35, %gather3A_431 : vector<16xi32>
        %mul3A_482 = arith.mulf %select_n3A_465, %get3A_480 : vector<16xf32>
        %select_n3A_483 = arith.select %lt3A_481, %mul3A_482, %select_n3A_465 : vector<16xi1>, vector<16xf32>
        %lt3A_484 = arith.cmpi slt, %add3A_35, %gather3A_441 : vector<16xi32>
        %mul3A_485 = arith.mulf %select_n3A_468, %get3A_480 : vector<16xf32>
        %select_n3A_486 = arith.select %lt3A_484, %mul3A_485, %select_n3A_468 : vector<16xi1>, vector<16xf32>
        %get3A_487 = arith.index_cast %add3A_420 : i32 to index
        %get3A_488 = arith.constant 80 : index
        %get3A_489 = tpu.vector_load %arg6[%get3A_487, %get3A_488] {strides = array<i32>} : memref<128x200xf32, #tpu.memory_space<vmem>>, vector<16xf32>,
        %lt3A_490 = arith.cmpi slt, %add3A_38, %gather3A_431 : vector<16xi32>
        %mul3A_491 = arith.mulf %select_n3A_474, %get3A_489 : vector<16xf32>
        %select_n3A_492 = arith.select %lt3A_490, %mul3A_491, %select_n3A_474 : vector<16xi1>, vector<16xf32>
        %lt3A_493 = arith.cmpi slt, %add3A_38, %gather3A_441 : vector<16xi32>
        %mul3A_494 = arith.mulf %select_n3A_477, %get3A_489 : vector<16xf32>
        %select_n3A_495 = arith.select %lt3A_493, %mul3A_494, %select_n3A_477 : vector<16xi1>, vector<16xf32>
        %get3A_496 = arith.index_cast %add3A_420 : i32 to index
        %get3A_497 = arith.constant 96 : index
        %get3A_498 = tpu.vector_load %arg6[%get3A_496, %get3A_497] {strides = array<i32>} : memref<128x200xf32, #tpu.memory_space<vmem>>, vector<16xf32>,
        %lt3A_499 = arith.cmpi slt, %add3A_41, %gather3A_431 : vector<16xi32>
        %mul3A_500 = arith.mulf %select_n3A_483, %get3A_498 : vector<16xf32>
        %select_n3A_501 = arith.select %lt3A_499, %mul3A_500, %select_n3A_483 : vector<16xi1>, vector<16xf32>
        %lt3A_502 = arith.cmpi slt, %add3A_41, %gather3A_441 : vector<16xi32>
        %mul3A_503 = arith.mulf %select_n3A_486, %get3A_498 : vector<16xf32>
        %select_n3A_504 = arith.select %lt3A_502, %mul3A_503, %select_n3A_486 : vector<16xi1>, vector<16xf32>
        %get3A_505 = arith.index_cast %add3A_420 : i32 to index
        %get3A_506 = arith.constant 112 : index
        %get3A_507 = tpu.vector_load %arg6[%get3A_505, %get3A_506] {strides = array<i32>} : memref<128x200xf32, #tpu.memory_space<vmem>>, vector<16xf32>,
        %lt3A_508 = arith.cmpi slt, %add3A_44, %gather3A_431 : vector<16xi32>
        %mul3A_509 = arith.mulf %select_n3A_492, %get3A_507 : vector<16xf32>
        %select_n3A_510 = arith.select %lt3A_508, %mul3A_509, %select_n3A_492 : vector<16xi1>, vector<16xf32>
        %lt3A_511 = arith.cmpi slt, %add3A_44, %gather3A_441 : vector<16xi32>
        %mul3A_512 = arith.mulf %select_n3A_495, %get3A_507 : vector<16xf32>
        %select_n3A_513 = arith.select %lt3A_511, %mul3A_512, %select_n3A_495 : vector<16xi1>, vector<16xf32>
        %get3A_514 = arith.index_cast %add3A_420 : i32 to index
        %get3A_515 = arith.constant 128 : index
        %get3A_516 = tpu.vector_load %arg6[%get3A_514, %get3A_515] {strides = array<i32>} : memref<128x200xf32, #tpu.memory_space<vmem>>, vector<16xf32>,
        %lt3A_517 = arith.cmpi slt, %add3A_47, %gather3A_431 : vector<16xi32>
        %mul3A_518 = arith.mulf %select_n3A_501, %get3A_516 : vector<16xf32>
        %select_n3A_519 = arith.select %lt3A_517, %mul3A_518, %select_n3A_501 : vector<16xi1>, vector<16xf32>
        %lt3A_520 = arith.cmpi slt, %add3A_47, %gather3A_441 : vector<16xi32>
        %mul3A_521 = arith.mulf %select_n3A_504, %get3A_516 : vector<16xf32>
        %select_n3A_522 = arith.select %lt3A_520, %mul3A_521, %select_n3A_504 : vector<16xi1>, vector<16xf32>
        %get3A_523 = arith.index_cast %add3A_420 : i32 to index
        %get3A_524 = arith.constant 144 : index
        %get3A_525 = tpu.vector_load %arg6[%get3A_523, %get3A_524] {strides = array<i32>} : memref<128x200xf32, #tpu.memory_space<vmem>>, vector<16xf32>,
        %lt3A_526 = arith.cmpi slt, %add3A_50, %gather3A_431 : vector<16xi32>
        %mul3A_527 = arith.mulf %select_n3A_510, %get3A_525 : vector<16xf32>
        %select_n3A_528 = arith.select %lt3A_526, %mul3A_527, %select_n3A_510 : vector<16xi1>, vector<16xf32>
        %lt3A_529 = arith.cmpi slt, %add3A_50, %gather3A_441 : vector<16xi32>
        %mul3A_530 = arith.mulf %select_n3A_513, %get3A_525 : vector<16xf32>
        %select_n3A_531 = arith.select %lt3A_529, %mul3A_530, %select_n3A_513 : vector<16xi1>, vector<16xf32>
        %get3A_532 = arith.index_cast %add3A_420 : i32 to index
        %get3A_533 = arith.constant 160 : index
        %get3A_534 = tpu.vector_load %arg6[%get3A_532, %get3A_533] {strides = array<i32>} : memref<128x200xf32, #tpu.memory_space<vmem>>, vector<16xf32>,
        %lt3A_535 = arith.cmpi slt, %add3A_53, %gather3A_431 : vector<16xi32>
        %mul3A_536 = arith.mulf %select_n3A_519, %get3A_534 : vector<16xf32>
        %select_n3A_537 = arith.select %lt3A_535, %mul3A_536, %select_n3A_519 : vector<16xi1>, vector<16xf32>
        %lt3A_538 = arith.cmpi slt, %add3A_53, %gather3A_441 : vector<16xi32>
        %mul3A_539 = arith.mulf %select_n3A_522, %get3A_534 : vector<16xf32>
        %select_n3A_540 = arith.select %lt3A_538, %mul3A_539, %select_n3A_522 : vector<16xi1>, vector<16xf32>
        %get3A_541 = arith.index_cast %add3A_420 : i32 to index
        %get3A_542 = arith.constant 176 : index
        %get3A_543 = tpu.vector_load %arg6[%get3A_541, %get3A_542] {strides = array<i32>} : memref<128x200xf32, #tpu.memory_space<vmem>>, vector<16xf32>,
        %lt3A_544 = arith.cmpi slt, %add3A_56, %gather3A_431 : vector<16xi32>
        %mul3A_545 = arith.mulf %select_n3A_528, %get3A_543 : vector<16xf32>
        %select_n3A_546 = arith.select %lt3A_544, %mul3A_545, %select_n3A_528 : vector<16xi1>, vector<16xf32>
        %lt3A_547 = arith.cmpi slt, %add3A_56, %gather3A_441 : vector<16xi32>
        %mul3A_548 = arith.mulf %select_n3A_531, %get3A_543 : vector<16xf32>
        %select_n3A_549 = arith.select %lt3A_547, %mul3A_548, %select_n3A_531 : vector<16xi1>, vector<16xf32>
        %get3A_550 = arith.index_cast %add3A_420 : i32 to index
        %get3A_551 = arith.constant 184 : index
        %get3A_552 = tpu.vector_load %arg6[%get3A_550, %get3A_551] {strides = array<i32>} : memref<128x200xf32, #tpu.memory_space<vmem>>, vector<16xf32>,
        %lt3A_553 = arith.cmpi slt, %add3A_59, %gather3A_431 : vector<16xi32>
        %and3A_554 = arith.andi %ge3A_61, %lt3A_553 : vector<16xi1>
        %lt3A_555 = arith.cmpi slt, %add3A_59, %gather3A_441 : vector<16xi32>
        %and3A_556 = arith.andi %ge3A_61, %lt3A_555 : vector<16xi1>
        %mul3A_557 = arith.mulf %select_n3A_537, %get3A_552 : vector<16xf32>
        %select_n3A_558 = arith.select %and3A_554, %mul3A_557, %select_n3A_537 : vector<16xi1>, vector<16xf32>
        %mul3A_559 = arith.mulf %select_n3A_540, %get3A_552 : vector<16xf32>
        %select_n3A_560 = arith.select %and3A_556, %mul3A_559, %select_n3A_540 : vector<16xi1>, vector<16xf32>
        %mul3A_561 = arith.mulf %select_n3A_558, %select_n3A_546 : vector<16xf32>
        %mul3A_562 = arith.mulf %select_n3A_560, %select_n3A_549 : vector<16xf32>
        %lt3A_563 = arith.constant 0 : i32
        %lt3A_564 = vector.broadcast %lt3A_563 : i32 to vector<16xi32>
        %lt3A_565 = arith.cmpi slt, %xor3A_11, %lt3A_564 : vector<16xi32>
        %add3A_566 = arith.constant 16 : i32
        %add3A_567 = vector.broadcast %add3A_566 : i32 to vector<16xi32>
        %add3A_568 = arith.addi %xor3A_11, %add3A_567 : vector<16xi32>
        %select_n3A_569 = arith.select %lt3A_565, %add3A_568, %xor3A_11 : vector<16xi1>, vector<16xi32>
        %broadcast_in_dim3A_570 = vector.shape_cast %select_n3A_569 : vector<16xi32> to vector<16x1xi32>
        %gather3A_571 = vector.shape_cast %broadcast_in_dim3A_570 : vector<16x1xi32> to vector<16xi32>
        %gather3A_572 = tpu.dynamic_gather %mul3A_561[%gather3A_571] in [0] : vector<16xf32>, vector<16xi32> -> vector<16xf32>
        %mul3A_573 = arith.mulf %mul3A_561, %gather3A_572 : vector<16xf32>
        %lt3A_574 = arith.constant 0 : i32
        %lt3A_575 = vector.broadcast %lt3A_574 : i32 to vector<16xi32>
        %lt3A_576 = arith.cmpi slt, %xor3A_11, %lt3A_575 : vector<16xi32>
        %add3A_577 = arith.constant 16 : i32
        %add3A_578 = vector.broadcast %add3A_577 : i32 to vector<16xi32>
        %add3A_579 = arith.addi %xor3A_11, %add3A_578 : vector<16xi32>
        %select_n3A_580 = arith.select %lt3A_576, %add3A_579, %xor3A_11 : vector<16xi1>, vector<16xi32>
        %broadcast_in_dim3A_581 = vector.shape_cast %select_n3A_580 : vector<16xi32> to vector<16x1xi32>
        %gather3A_582 = vector.shape_cast %broadcast_in_dim3A_581 : vector<16x1xi32> to vector<16xi32>
        %gather3A_583 = tpu.dynamic_gather %mul3A_562[%gather3A_582] in [0] : vector<16xf32>, vector<16xi32> -> vector<16xf32>
        %mul3A_584 = arith.mulf %mul3A_562, %gather3A_583 : vector<16xf32>
        %lt3A_585 = arith.constant 0 : i32
        %lt3A_586 = vector.broadcast %lt3A_585 : i32 to vector<16xi32>
        %lt3A_587 = arith.cmpi slt, %xor3A_14, %lt3A_586 : vector<16xi32>
        %add3A_588 = arith.constant 16 : i32
        %add3A_589 = vector.broadcast %add3A_588 : i32 to vector<16xi32>
        %add3A_590 = arith.addi %xor3A_14, %add3A_589 : vector<16xi32>
        %select_n3A_591 = arith.select %lt3A_587, %add3A_590, %xor3A_14 : vector<16xi1>, vector<16xi32>
        %broadcast_in_dim3A_592 = vector.shape_cast %select_n3A_591 : vector<16xi32> to vector<16x1xi32>
        %gather3A_593 = vector.shape_cast %broadcast_in_dim3A_592 : vector<16x1xi32> to vector<16xi32>
        %gather3A_594 = tpu.dynamic_gather %mul3A_573[%gather3A_593] in [0] : vector<16xf32>, vector<16xi32> -> vector<16xf32>
        %mul3A_595 = arith.mulf %mul3A_573, %gather3A_594 : vector<16xf32>
        %lt3A_596 = arith.constant 0 : i32
        %lt3A_597 = vector.broadcast %lt3A_596 : i32 to vector<16xi32>
        %lt3A_598 = arith.cmpi slt, %xor3A_14, %lt3A_597 : vector<16xi32>
        %add3A_599 = arith.constant 16 : i32
        %add3A_600 = vector.broadcast %add3A_599 : i32 to vector<16xi32>
        %add3A_601 = arith.addi %xor3A_14, %add3A_600 : vector<16xi32>
        %select_n3A_602 = arith.select %lt3A_598, %add3A_601, %xor3A_14 : vector<16xi1>, vector<16xi32>
        %broadcast_in_dim3A_603 = vector.shape_cast %select_n3A_602 : vector<16xi32> to vector<16x1xi32>
        %gather3A_604 = vector.shape_cast %broadcast_in_dim3A_603 : vector<16x1xi32> to vector<16xi32>
        %gather3A_605 = tpu.dynamic_gather %mul3A_584[%gather3A_604] in [0] : vector<16xf32>, vector<16xi32> -> vector<16xf32>
        %mul3A_606 = arith.mulf %mul3A_584, %gather3A_605 : vector<16xf32>
        %lt3A_607 = arith.constant 0 : i32
        %lt3A_608 = vector.broadcast %lt3A_607 : i32 to vector<16xi32>
        %lt3A_609 = arith.cmpi slt, %xor3A_17, %lt3A_608 : vector<16xi32>
        %add3A_610 = arith.constant 16 : i32
        %add3A_611 = vector.broadcast %add3A_610 : i32 to vector<16xi32>
        %add3A_612 = arith.addi %xor3A_17, %add3A_611 : vector<16xi32>
        %select_n3A_613 = arith.select %lt3A_609, %add3A_612, %xor3A_17 : vector<16xi1>, vector<16xi32>
        %broadcast_in_dim3A_614 = vector.shape_cast %select_n3A_613 : vector<16xi32> to vector<16x1xi32>
        %gather3A_615 = vector.shape_cast %broadcast_in_dim3A_614 : vector<16x1xi32> to vector<16xi32>
        %gather3A_616 = tpu.dynamic_gather %mul3A_595[%gather3A_615] in [0] : vector<16xf32>, vector<16xi32> -> vector<16xf32>
        %mul3A_617 = arith.mulf %mul3A_595, %gather3A_616 : vector<16xf32>
        %lt3A_618 = arith.constant 0 : i32
        %lt3A_619 = vector.broadcast %lt3A_618 : i32 to vector<16xi32>
        %lt3A_620 = arith.cmpi slt, %xor3A_17, %lt3A_619 : vector<16xi32>
        %add3A_621 = arith.constant 16 : i32
        %add3A_622 = vector.broadcast %add3A_621 : i32 to vector<16xi32>
        %add3A_623 = arith.addi %xor3A_17, %add3A_622 : vector<16xi32>
        %select_n3A_624 = arith.select %lt3A_620, %add3A_623, %xor3A_17 : vector<16xi1>, vector<16xi32>
        %broadcast_in_dim3A_625 = vector.shape_cast %select_n3A_624 : vector<16xi32> to vector<16x1xi32>
        %gather3A_626 = vector.shape_cast %broadcast_in_dim3A_625 : vector<16x1xi32> to vector<16xi32>
        %gather3A_627 = tpu.dynamic_gather %mul3A_606[%gather3A_626] in [0] : vector<16xf32>, vector<16xi32> -> vector<16xf32>
        %mul3A_628 = arith.mulf %mul3A_606, %gather3A_627 : vector<16xf32>
        %lt3A_629 = arith.constant 0 : i32
        %lt3A_630 = vector.broadcast %lt3A_629 : i32 to vector<16xi32>
        %lt3A_631 = arith.cmpi slt, %xor3A_20, %lt3A_630 : vector<16xi32>
        %add3A_632 = arith.constant 16 : i32
        %add3A_633 = vector.broadcast %add3A_632 : i32 to vector<16xi32>
        %add3A_634 = arith.addi %xor3A_20, %add3A_633 : vector<16xi32>
        %select_n3A_635 = arith.select %lt3A_631, %add3A_634, %xor3A_20 : vector<16xi1>, vector<16xi32>
        %broadcast_in_dim3A_636 = vector.shape_cast %select_n3A_635 : vector<16xi32> to vector<16x1xi32>
        %gather3A_637 = vector.shape_cast %broadcast_in_dim3A_636 : vector<16x1xi32> to vector<16xi32>
        %gather3A_638 = tpu.dynamic_gather %mul3A_617[%gather3A_637] in [0] : vector<16xf32>, vector<16xi32> -> vector<16xf32>
        %mul3A_639 = arith.mulf %mul3A_617, %gather3A_638 : vector<16xf32>
        %lt3A_640 = arith.constant 0 : i32
        %lt3A_641 = vector.broadcast %lt3A_640 : i32 to vector<16xi32>
        %lt3A_642 = arith.cmpi slt, %xor3A_20, %lt3A_641 : vector<16xi32>
        %add3A_643 = arith.constant 16 : i32
        %add3A_644 = vector.broadcast %add3A_643 : i32 to vector<16xi32>
        %add3A_645 = arith.addi %xor3A_20, %add3A_644 : vector<16xi32>
        %select_n3A_646 = arith.select %lt3A_642, %add3A_645, %xor3A_20 : vector<16xi1>, vector<16xi32>
        %broadcast_in_dim3A_647 = vector.shape_cast %select_n3A_646 : vector<16xi32> to vector<16x1xi32>
        %gather3A_648 = vector.shape_cast %broadcast_in_dim3A_647 : vector<16x1xi32> to vector<16xi32>
        %gather3A_649 = tpu.dynamic_gather %mul3A_628[%gather3A_648] in [0] : vector<16xf32>, vector<16xi32> -> vector<16xf32>
        %mul3A_650 = arith.mulf %mul3A_628, %gather3A_649 : vector<16xf32>
        %add3A_651 = arith.constant 256 : i32
        %add3A_652 = arith.addi %add3A_651, %add3A_420 : i32
        %swap3A_653 = arith.index_cast %add3A_652 : i32 to index
        %swap3A_654 = tpu.vector_load %arg10[%swap3A_653] masked %eq3A_9 {strides = array<i32>} : memref<528xf32, #tpu.memory_space<vmem>>, vector<16xf32>, vector<16xi1>
        tpu.vector_store %arg10[%swap3A_653], %mul3A_639 masked %eq3A_9 {strides = array<i32>} : memref<528xf32, #tpu.memory_space<vmem>>, vector<16xf32>, vector<16xi1>
        %swap3A_655 = arith.index_cast %add3A_652 : i32 to index
        %swap3A_656 = tpu.vector_load %arg11[%swap3A_655] masked %eq3A_9 {strides = array<i32>} : memref<528xf32, #tpu.memory_space<vmem>>, vector<16xf32>, vector<16xi1>
        tpu.vector_store %arg11[%swap3A_655], %mul3A_650 masked %eq3A_9 {strides = array<i32>} : memref<528xf32, #tpu.memory_space<vmem>>, vector<16xf32>, vector<16xi1>
        %scan3A_657 = arith.constant 2 : i32
        %scan3A_658 = arith.addi %scan3A_178, %scan3A_657 : i32
        %mul3A_659 = arith.constant 16 : i32
        %mul3A_660 = arith.muli %scan3A_155, %mul3A_659 : i32
        %add3A_661 = arith.addi %mul3A_660, %scan3A_658 : i32
        %broadcast_in_dim3A_662 = vector.broadcast %scan3A_658 : i32 to vector<16xi32>
        %lt3A_663 = arith.constant 0 : i32
        %lt3A_664 = vector.broadcast %lt3A_663 : i32 to vector<16xi32>
        %lt3A_665 = arith.cmpi slt, %broadcast_in_dim3A_662, %lt3A_664 : vector<16xi32>
        %add3A_666 = arith.constant 16 : i32
        %add3A_667 = vector.broadcast %add3A_666 : i32 to vector<16xi32>
        %add3A_668 = arith.addi %broadcast_in_dim3A_662, %add3A_667 : vector<16xi32>
        %select_n3A_669 = arith.select %lt3A_665, %add3A_668, %broadcast_in_dim3A_662 : vector<16xi1>, vector<16xi32>
        %broadcast_in_dim3A_670 = vector.shape_cast %select_n3A_669 : vector<16xi32> to vector<16x1xi32>
        %gather3A_671 = vector.shape_cast %broadcast_in_dim3A_670 : vector<16x1xi32> to vector<16xi32>
        %gather3A_672 = tpu.dynamic_gather %gather3A_160[%gather3A_671] in [0] : vector<16xi32>, vector<16xi32> -> vector<16xi32>
        %lt3A_673 = arith.constant 0 : i32
        %lt3A_674 = vector.broadcast %lt3A_673 : i32 to vector<16xi32>
        %lt3A_675 = arith.cmpi slt, %broadcast_in_dim3A_662, %lt3A_674 : vector<16xi32>
        %add3A_676 = arith.constant 16 : i32
        %add3A_677 = vector.broadcast %add3A_676 : i32 to vector<16xi32>
        %add3A_678 = arith.addi %broadcast_in_dim3A_662, %add3A_677 : vector<16xi32>
        %select_n3A_679 = arith.select %lt3A_675, %add3A_678, %broadcast_in_dim3A_662 : vector<16xi1>, vector<16xi32>
        %broadcast_in_dim3A_680 = vector.shape_cast %select_n3A_679 : vector<16xi32> to vector<16x1xi32>
        %gather3A_681 = vector.shape_cast %broadcast_in_dim3A_680 : vector<16x1xi32> to vector<16xi32>
        %gather3A_682 = tpu.dynamic_gather %gather3A[%gather3A_681] in [0] : vector<16xi32>, vector<16xi32> -> vector<16xi32>
        %get3A_683 = arith.index_cast %add3A_661 : i32 to index
        %get3A_684 = arith.constant 0 : index
        %get3A_685 = tpu.vector_load %arg6[%get3A_683, %get3A_684] {strides = array<i32>} : memref<128x200xf32, #tpu.memory_space<vmem>>, vector<16xf32>,
        %lt3A_686 = arith.cmpi slt, %add3A_23, %gather3A_672 : vector<16xi32>
        %mul3A_687 = arith.mulf %broadcast_in_dim3A_7, %get3A_685 : vector<16xf32>
        %select_n3A_688 = arith.select %lt3A_686, %mul3A_687, %broadcast_in_dim3A_7 : vector<16xi1>, vector<16xf32>
        %lt3A_689 = arith.cmpi slt, %add3A_23, %gather3A_682 : vector<16xi32>
        %mul3A_690 = arith.mulf %broadcast_in_dim3A_7, %get3A_685 : vector<16xf32>
        %select_n3A_691 = arith.select %lt3A_689, %mul3A_690, %broadcast_in_dim3A_7 : vector<16xi1>, vector<16xf32>
        %get3A_692 = arith.index_cast %add3A_661 : i32 to index
        %get3A_693 = arith.constant 16 : index
        %get3A_694 = tpu.vector_load %arg6[%get3A_692, %get3A_693] {strides = array<i32>} : memref<128x200xf32, #tpu.memory_space<vmem>>, vector<16xf32>,
        %lt3A_695 = arith.cmpi slt, %add3A_26, %gather3A_672 : vector<16xi32>
        %mul3A_696 = arith.mulf %broadcast_in_dim3A_7, %get3A_694 : vector<16xf32>
        %select_n3A_697 = arith.select %lt3A_695, %mul3A_696, %broadcast_in_dim3A_7 : vector<16xi1>, vector<16xf32>
        %lt3A_698 = arith.cmpi slt, %add3A_26, %gather3A_682 : vector<16xi32>
        %mul3A_699 = arith.mulf %broadcast_in_dim3A_7, %get3A_694 : vector<16xf32>
        %select_n3A_700 = arith.select %lt3A_698, %mul3A_699, %broadcast_in_dim3A_7 : vector<16xi1>, vector<16xf32>
        %get3A_701 = arith.index_cast %add3A_661 : i32 to index
        %get3A_702 = arith.constant 32 : index
        %get3A_703 = tpu.vector_load %arg6[%get3A_701, %get3A_702] {strides = array<i32>} : memref<128x200xf32, #tpu.memory_space<vmem>>, vector<16xf32>,
        %lt3A_704 = arith.cmpi slt, %add3A_29, %gather3A_672 : vector<16xi32>
        %mul3A_705 = arith.mulf %select_n3A_688, %get3A_703 : vector<16xf32>
        %select_n3A_706 = arith.select %lt3A_704, %mul3A_705, %select_n3A_688 : vector<16xi1>, vector<16xf32>
        %lt3A_707 = arith.cmpi slt, %add3A_29, %gather3A_682 : vector<16xi32>
        %mul3A_708 = arith.mulf %select_n3A_691, %get3A_703 : vector<16xf32>
        %select_n3A_709 = arith.select %lt3A_707, %mul3A_708, %select_n3A_691 : vector<16xi1>, vector<16xf32>
        %get3A_710 = arith.index_cast %add3A_661 : i32 to index
        %get3A_711 = arith.constant 48 : index
        %get3A_712 = tpu.vector_load %arg6[%get3A_710, %get3A_711] {strides = array<i32>} : memref<128x200xf32, #tpu.memory_space<vmem>>, vector<16xf32>,
        %lt3A_713 = arith.cmpi slt, %add3A_32, %gather3A_672 : vector<16xi32>
        %mul3A_714 = arith.mulf %select_n3A_697, %get3A_712 : vector<16xf32>
        %select_n3A_715 = arith.select %lt3A_713, %mul3A_714, %select_n3A_697 : vector<16xi1>, vector<16xf32>
        %lt3A_716 = arith.cmpi slt, %add3A_32, %gather3A_682 : vector<16xi32>
        %mul3A_717 = arith.mulf %select_n3A_700, %get3A_712 : vector<16xf32>
        %select_n3A_718 = arith.select %lt3A_716, %mul3A_717, %select_n3A_700 : vector<16xi1>, vector<16xf32>
        %get3A_719 = arith.index_cast %add3A_661 : i32 to index
        %get3A_720 = arith.constant 64 : index
        %get3A_721 = tpu.vector_load %arg6[%get3A_719, %get3A_720] {strides = array<i32>} : memref<128x200xf32, #tpu.memory_space<vmem>>, vector<16xf32>,
        %lt3A_722 = arith.cmpi slt, %add3A_35, %gather3A_672 : vector<16xi32>
        %mul3A_723 = arith.mulf %select_n3A_706, %get3A_721 : vector<16xf32>
        %select_n3A_724 = arith.select %lt3A_722, %mul3A_723, %select_n3A_706 : vector<16xi1>, vector<16xf32>
        %lt3A_725 = arith.cmpi slt, %add3A_35, %gather3A_682 : vector<16xi32>
        %mul3A_726 = arith.mulf %select_n3A_709, %get3A_721 : vector<16xf32>
        %select_n3A_727 = arith.select %lt3A_725, %mul3A_726, %select_n3A_709 : vector<16xi1>, vector<16xf32>
        %get3A_728 = arith.index_cast %add3A_661 : i32 to index
        %get3A_729 = arith.constant 80 : index
        %get3A_730 = tpu.vector_load %arg6[%get3A_728, %get3A_729] {strides = array<i32>} : memref<128x200xf32, #tpu.memory_space<vmem>>, vector<16xf32>,
        %lt3A_731 = arith.cmpi slt, %add3A_38, %gather3A_672 : vector<16xi32>
        %mul3A_732 = arith.mulf %select_n3A_715, %get3A_730 : vector<16xf32>
        %select_n3A_733 = arith.select %lt3A_731, %mul3A_732, %select_n3A_715 : vector<16xi1>, vector<16xf32>
        %lt3A_734 = arith.cmpi slt, %add3A_38, %gather3A_682 : vector<16xi32>
        %mul3A_735 = arith.mulf %select_n3A_718, %get3A_730 : vector<16xf32>
        %select_n3A_736 = arith.select %lt3A_734, %mul3A_735, %select_n3A_718 : vector<16xi1>, vector<16xf32>
        %get3A_737 = arith.index_cast %add3A_661 : i32 to index
        %get3A_738 = arith.constant 96 : index
        %get3A_739 = tpu.vector_load %arg6[%get3A_737, %get3A_738] {strides = array<i32>} : memref<128x200xf32, #tpu.memory_space<vmem>>, vector<16xf32>,
        %lt3A_740 = arith.cmpi slt, %add3A_41, %gather3A_672 : vector<16xi32>
        %mul3A_741 = arith.mulf %select_n3A_724, %get3A_739 : vector<16xf32>
        %select_n3A_742 = arith.select %lt3A_740, %mul3A_741, %select_n3A_724 : vector<16xi1>, vector<16xf32>
        %lt3A_743 = arith.cmpi slt, %add3A_41, %gather3A_682 : vector<16xi32>
        %mul3A_744 = arith.mulf %select_n3A_727, %get3A_739 : vector<16xf32>
        %select_n3A_745 = arith.select %lt3A_743, %mul3A_744, %select_n3A_727 : vector<16xi1>, vector<16xf32>
        %get3A_746 = arith.index_cast %add3A_661 : i32 to index
        %get3A_747 = arith.constant 112 : index
        %get3A_748 = tpu.vector_load %arg6[%get3A_746, %get3A_747] {strides = array<i32>} : memref<128x200xf32, #tpu.memory_space<vmem>>, vector<16xf32>,
        %lt3A_749 = arith.cmpi slt, %add3A_44, %gather3A_672 : vector<16xi32>
        %mul3A_750 = arith.mulf %select_n3A_733, %get3A_748 : vector<16xf32>
        %select_n3A_751 = arith.select %lt3A_749, %mul3A_750, %select_n3A_733 : vector<16xi1>, vector<16xf32>
        %lt3A_752 = arith.cmpi slt, %add3A_44, %gather3A_682 : vector<16xi32>
        %mul3A_753 = arith.mulf %select_n3A_736, %get3A_748 : vector<16xf32>
        %select_n3A_754 = arith.select %lt3A_752, %mul3A_753, %select_n3A_736 : vector<16xi1>, vector<16xf32>
        %get3A_755 = arith.index_cast %add3A_661 : i32 to index
        %get3A_756 = arith.constant 128 : index
        %get3A_757 = tpu.vector_load %arg6[%get3A_755, %get3A_756] {strides = array<i32>} : memref<128x200xf32, #tpu.memory_space<vmem>>, vector<16xf32>,
        %lt3A_758 = arith.cmpi slt, %add3A_47, %gather3A_672 : vector<16xi32>
        %mul3A_759 = arith.mulf %select_n3A_742, %get3A_757 : vector<16xf32>
        %select_n3A_760 = arith.select %lt3A_758, %mul3A_759, %select_n3A_742 : vector<16xi1>, vector<16xf32>
        %lt3A_761 = arith.cmpi slt, %add3A_47, %gather3A_682 : vector<16xi32>
        %mul3A_762 = arith.mulf %select_n3A_745, %get3A_757 : vector<16xf32>
        %select_n3A_763 = arith.select %lt3A_761, %mul3A_762, %select_n3A_745 : vector<16xi1>, vector<16xf32>
        %get3A_764 = arith.index_cast %add3A_661 : i32 to index
        %get3A_765 = arith.constant 144 : index
        %get3A_766 = tpu.vector_load %arg6[%get3A_764, %get3A_765] {strides = array<i32>} : memref<128x200xf32, #tpu.memory_space<vmem>>, vector<16xf32>,
        %lt3A_767 = arith.cmpi slt, %add3A_50, %gather3A_672 : vector<16xi32>
        %mul3A_768 = arith.mulf %select_n3A_751, %get3A_766 : vector<16xf32>
        %select_n3A_769 = arith.select %lt3A_767, %mul3A_768, %select_n3A_751 : vector<16xi1>, vector<16xf32>
        %lt3A_770 = arith.cmpi slt, %add3A_50, %gather3A_682 : vector<16xi32>
        %mul3A_771 = arith.mulf %select_n3A_754, %get3A_766 : vector<16xf32>
        %select_n3A_772 = arith.select %lt3A_770, %mul3A_771, %select_n3A_754 : vector<16xi1>, vector<16xf32>
        %get3A_773 = arith.index_cast %add3A_661 : i32 to index
        %get3A_774 = arith.constant 160 : index
        %get3A_775 = tpu.vector_load %arg6[%get3A_773, %get3A_774] {strides = array<i32>} : memref<128x200xf32, #tpu.memory_space<vmem>>, vector<16xf32>,
        %lt3A_776 = arith.cmpi slt, %add3A_53, %gather3A_672 : vector<16xi32>
        %mul3A_777 = arith.mulf %select_n3A_760, %get3A_775 : vector<16xf32>
        %select_n3A_778 = arith.select %lt3A_776, %mul3A_777, %select_n3A_760 : vector<16xi1>, vector<16xf32>
        %lt3A_779 = arith.cmpi slt, %add3A_53, %gather3A_682 : vector<16xi32>
        %mul3A_780 = arith.mulf %select_n3A_763, %get3A_775 : vector<16xf32>
        %select_n3A_781 = arith.select %lt3A_779, %mul3A_780, %select_n3A_763 : vector<16xi1>, vector<16xf32>
        %get3A_782 = arith.index_cast %add3A_661 : i32 to index
        %get3A_783 = arith.constant 176 : index
        %get3A_784 = tpu.vector_load %arg6[%get3A_782, %get3A_783] {strides = array<i32>} : memref<128x200xf32, #tpu.memory_space<vmem>>, vector<16xf32>,
        %lt3A_785 = arith.cmpi slt, %add3A_56, %gather3A_672 : vector<16xi32>
        %mul3A_786 = arith.mulf %select_n3A_769, %get3A_784 : vector<16xf32>
        %select_n3A_787 = arith.select %lt3A_785, %mul3A_786, %select_n3A_769 : vector<16xi1>, vector<16xf32>
        %lt3A_788 = arith.cmpi slt, %add3A_56, %gather3A_682 : vector<16xi32>
        %mul3A_789 = arith.mulf %select_n3A_772, %get3A_784 : vector<16xf32>
        %select_n3A_790 = arith.select %lt3A_788, %mul3A_789, %select_n3A_772 : vector<16xi1>, vector<16xf32>
        %get3A_791 = arith.index_cast %add3A_661 : i32 to index
        %get3A_792 = arith.constant 184 : index
        %get3A_793 = tpu.vector_load %arg6[%get3A_791, %get3A_792] {strides = array<i32>} : memref<128x200xf32, #tpu.memory_space<vmem>>, vector<16xf32>,
        %lt3A_794 = arith.cmpi slt, %add3A_59, %gather3A_672 : vector<16xi32>
        %and3A_795 = arith.andi %ge3A_61, %lt3A_794 : vector<16xi1>
        %lt3A_796 = arith.cmpi slt, %add3A_59, %gather3A_682 : vector<16xi32>
        %and3A_797 = arith.andi %ge3A_61, %lt3A_796 : vector<16xi1>
        %mul3A_798 = arith.mulf %select_n3A_778, %get3A_793 : vector<16xf32>
        %select_n3A_799 = arith.select %and3A_795, %mul3A_798, %select_n3A_778 : vector<16xi1>, vector<16xf32>
        %mul3A_800 = arith.mulf %select_n3A_781, %get3A_793 : vector<16xf32>
        %select_n3A_801 = arith.select %and3A_797, %mul3A_800, %select_n3A_781 : vector<16xi1>, vector<16xf32>
        %mul3A_802 = arith.mulf %select_n3A_799, %select_n3A_787 : vector<16xf32>
        %mul3A_803 = arith.mulf %select_n3A_801, %select_n3A_790 : vector<16xf32>
        %lt3A_804 = arith.constant 0 : i32
        %lt3A_805 = vector.broadcast %lt3A_804 : i32 to vector<16xi32>
        %lt3A_806 = arith.cmpi slt, %xor3A_11, %lt3A_805 : vector<16xi32>
        %add3A_807 = arith.constant 16 : i32
        %add3A_808 = vector.broadcast %add3A_807 : i32 to vector<16xi32>
        %add3A_809 = arith.addi %xor3A_11, %add3A_808 : vector<16xi32>
        %select_n3A_810 = arith.select %lt3A_806, %add3A_809, %xor3A_11 : vector<16xi1>, vector<16xi32>
        %broadcast_in_dim3A_811 = vector.shape_cast %select_n3A_810 : vector<16xi32> to vector<16x1xi32>
        %gather3A_812 = vector.shape_cast %broadcast_in_dim3A_811 : vector<16x1xi32> to vector<16xi32>
        %gather3A_813 = tpu.dynamic_gather %mul3A_802[%gather3A_812] in [0] : vector<16xf32>, vector<16xi32> -> vector<16xf32>
        %mul3A_814 = arith.mulf %mul3A_802, %gather3A_813 : vector<16xf32>
        %lt3A_815 = arith.constant 0 : i32
        %lt3A_816 = vector.broadcast %lt3A_815 : i32 to vector<16xi32>
        %lt3A_817 = arith.cmpi slt, %xor3A_11, %lt3A_816 : vector<16xi32>
        %add3A_818 = arith.constant 16 : i32
        %add3A_819 = vector.broadcast %add3A_818 : i32 to vector<16xi32>
        %add3A_820 = arith.addi %xor3A_11, %add3A_819 : vector<16xi32>
        %select_n3A_821 = arith.select %lt3A_817, %add3A_820, %xor3A_11 : vector<16xi1>, vector<16xi32>
        %broadcast_in_dim3A_822 = vector.shape_cast %select_n3A_821 : vector<16xi32> to vector<16x1xi32>
        %gather3A_823 = vector.shape_cast %broadcast_in_dim3A_822 : vector<16x1xi32> to vector<16xi32>
        %gather3A_824 = tpu.dynamic_gather %mul3A_803[%gather3A_823] in [0] : vector<16xf32>, vector<16xi32> -> vector<16xf32>
        %mul3A_825 = arith.mulf %mul3A_803, %gather3A_824 : vector<16xf32>
        %lt3A_826 = arith.constant 0 : i32
        %lt3A_827 = vector.broadcast %lt3A_826 : i32 to vector<16xi32>
        %lt3A_828 = arith.cmpi slt, %xor3A_14, %lt3A_827 : vector<16xi32>
        %add3A_829 = arith.constant 16 : i32
        %add3A_830 = vector.broadcast %add3A_829 : i32 to vector<16xi32>
        %add3A_831 = arith.addi %xor3A_14, %add3A_830 : vector<16xi32>
        %select_n3A_832 = arith.select %lt3A_828, %add3A_831, %xor3A_14 : vector<16xi1>, vector<16xi32>
        %broadcast_in_dim3A_833 = vector.shape_cast %select_n3A_832 : vector<16xi32> to vector<16x1xi32>
        %gather3A_834 = vector.shape_cast %broadcast_in_dim3A_833 : vector<16x1xi32> to vector<16xi32>
        %gather3A_835 = tpu.dynamic_gather %mul3A_814[%gather3A_834] in [0] : vector<16xf32>, vector<16xi32> -> vector<16xf32>
        %mul3A_836 = arith.mulf %mul3A_814, %gather3A_835 : vector<16xf32>
        %lt3A_837 = arith.constant 0 : i32
        %lt3A_838 = vector.broadcast %lt3A_837 : i32 to vector<16xi32>
        %lt3A_839 = arith.cmpi slt, %xor3A_14, %lt3A_838 : vector<16xi32>
        %add3A_840 = arith.constant 16 : i32
        %add3A_841 = vector.broadcast %add3A_840 : i32 to vector<16xi32>
        %add3A_842 = arith.addi %xor3A_14, %add3A_841 : vector<16xi32>
        %select_n3A_843 = arith.select %lt3A_839, %add3A_842, %xor3A_14 : vector<16xi1>, vector<16xi32>
        %broadcast_in_dim3A_844 = vector.shape_cast %select_n3A_843 : vector<16xi32> to vector<16x1xi32>
        %gather3A_845 = vector.shape_cast %broadcast_in_dim3A_844 : vector<16x1xi32> to vector<16xi32>
        %gather3A_846 = tpu.dynamic_gather %mul3A_825[%gather3A_845] in [0] : vector<16xf32>, vector<16xi32> -> vector<16xf32>
        %mul3A_847 = arith.mulf %mul3A_825, %gather3A_846 : vector<16xf32>
        %lt3A_848 = arith.constant 0 : i32
        %lt3A_849 = vector.broadcast %lt3A_848 : i32 to vector<16xi32>
        %lt3A_850 = arith.cmpi slt, %xor3A_17, %lt3A_849 : vector<16xi32>
        %add3A_851 = arith.constant 16 : i32
        %add3A_852 = vector.broadcast %add3A_851 : i32 to vector<16xi32>
        %add3A_853 = arith.addi %xor3A_17, %add3A_852 : vector<16xi32>
        %select_n3A_854 = arith.select %lt3A_850, %add3A_853, %xor3A_17 : vector<16xi1>, vector<16xi32>
        %broadcast_in_dim3A_855 = vector.shape_cast %select_n3A_854 : vector<16xi32> to vector<16x1xi32>
        %gather3A_856 = vector.shape_cast %broadcast_in_dim3A_855 : vector<16x1xi32> to vector<16xi32>
        %gather3A_857 = tpu.dynamic_gather %mul3A_836[%gather3A_856] in [0] : vector<16xf32>, vector<16xi32> -> vector<16xf32>
        %mul3A_858 = arith.mulf %mul3A_836, %gather3A_857 : vector<16xf32>
        %lt3A_859 = arith.constant 0 : i32
        %lt3A_860 = vector.broadcast %lt3A_859 : i32 to vector<16xi32>
        %lt3A_861 = arith.cmpi slt, %xor3A_17, %lt3A_860 : vector<16xi32>
        %add3A_862 = arith.constant 16 : i32
        %add3A_863 = vector.broadcast %add3A_862 : i32 to vector<16xi32>
        %add3A_864 = arith.addi %xor3A_17, %add3A_863 : vector<16xi32>
        %select_n3A_865 = arith.select %lt3A_861, %add3A_864, %xor3A_17 : vector<16xi1>, vector<16xi32>
        %broadcast_in_dim3A_866 = vector.shape_cast %select_n3A_865 : vector<16xi32> to vector<16x1xi32>
        %gather3A_867 = vector.shape_cast %broadcast_in_dim3A_866 : vector<16x1xi32> to vector<16xi32>
        %gather3A_868 = tpu.dynamic_gather %mul3A_847[%gather3A_867] in [0] : vector<16xf32>, vector<16xi32> -> vector<16xf32>
        %mul3A_869 = arith.mulf %mul3A_847, %gather3A_868 : vector<16xf32>
        %lt3A_870 = arith.constant 0 : i32
        %lt3A_871 = vector.broadcast %lt3A_870 : i32 to vector<16xi32>
        %lt3A_872 = arith.cmpi slt, %xor3A_20, %lt3A_871 : vector<16xi32>
        %add3A_873 = arith.constant 16 : i32
        %add3A_874 = vector.broadcast %add3A_873 : i32 to vector<16xi32>
        %add3A_875 = arith.addi %xor3A_20, %add3A_874 : vector<16xi32>
        %select_n3A_876 = arith.select %lt3A_872, %add3A_875, %xor3A_20 : vector<16xi1>, vector<16xi32>
        %broadcast_in_dim3A_877 = vector.shape_cast %select_n3A_876 : vector<16xi32> to vector<16x1xi32>
        %gather3A_878 = vector.shape_cast %broadcast_in_dim3A_877 : vector<16x1xi32> to vector<16xi32>
        %gather3A_879 = tpu.dynamic_gather %mul3A_858[%gather3A_878] in [0] : vector<16xf32>, vector<16xi32> -> vector<16xf32>
        %mul3A_880 = arith.mulf %mul3A_858, %gather3A_879 : vector<16xf32>
        %lt3A_881 = arith.constant 0 : i32
        %lt3A_882 = vector.broadcast %lt3A_881 : i32 to vector<16xi32>
        %lt3A_883 = arith.cmpi slt, %xor3A_20, %lt3A_882 : vector<16xi32>
        %add3A_884 = arith.constant 16 : i32
        %add3A_885 = vector.broadcast %add3A_884 : i32 to vector<16xi32>
        %add3A_886 = arith.addi %xor3A_20, %add3A_885 : vector<16xi32>
        %select_n3A_887 = arith.select %lt3A_883, %add3A_886, %xor3A_20 : vector<16xi1>, vector<16xi32>
        %broadcast_in_dim3A_888 = vector.shape_cast %select_n3A_887 : vector<16xi32> to vector<16x1xi32>
        %gather3A_889 = vector.shape_cast %broadcast_in_dim3A_888 : vector<16x1xi32> to vector<16xi32>
        %gather3A_890 = tpu.dynamic_gather %mul3A_869[%gather3A_889] in [0] : vector<16xf32>, vector<16xi32> -> vector<16xf32>
        %mul3A_891 = arith.mulf %mul3A_869, %gather3A_890 : vector<16xf32>
        %add3A_892 = arith.constant 256 : i32
        %add3A_893 = arith.addi %add3A_892, %add3A_661 : i32
        %swap3A_894 = arith.index_cast %add3A_893 : i32 to index
        %swap3A_895 = tpu.vector_load %arg10[%swap3A_894] masked %eq3A_9 {strides = array<i32>} : memref<528xf32, #tpu.memory_space<vmem>>, vector<16xf32>, vector<16xi1>
        tpu.vector_store %arg10[%swap3A_894], %mul3A_880 masked %eq3A_9 {strides = array<i32>} : memref<528xf32, #tpu.memory_space<vmem>>, vector<16xf32>, vector<16xi1>
        %swap3A_896 = arith.index_cast %add3A_893 : i32 to index
        %swap3A_897 = tpu.vector_load %arg11[%swap3A_896] masked %eq3A_9 {strides = array<i32>} : memref<528xf32, #tpu.memory_space<vmem>>, vector<16xf32>, vector<16xi1>
        tpu.vector_store %arg11[%swap3A_896], %mul3A_891 masked %eq3A_9 {strides = array<i32>} : memref<528xf32, #tpu.memory_space<vmem>>, vector<16xf32>, vector<16xi1>
        %scan3A_898 = arith.constant 3 : i32
        %scan3A_899 = arith.addi %scan3A_178, %scan3A_898 : i32
        %mul3A_900 = arith.constant 16 : i32
        %mul3A_901 = arith.muli %scan3A_155, %mul3A_900 : i32
        %add3A_902 = arith.addi %mul3A_901, %scan3A_899 : i32
        %broadcast_in_dim3A_903 = vector.broadcast %scan3A_899 : i32 to vector<16xi32>
        %lt3A_904 = arith.constant 0 : i32
        %lt3A_905 = vector.broadcast %lt3A_904 : i32 to vector<16xi32>
        %lt3A_906 = arith.cmpi slt, %broadcast_in_dim3A_903, %lt3A_905 : vector<16xi32>
        %add3A_907 = arith.constant 16 : i32
        %add3A_908 = vector.broadcast %add3A_907 : i32 to vector<16xi32>
        %add3A_909 = arith.addi %broadcast_in_dim3A_903, %add3A_908 : vector<16xi32>
        %select_n3A_910 = arith.select %lt3A_906, %add3A_909, %broadcast_in_dim3A_903 : vector<16xi1>, vector<16xi32>
        %broadcast_in_dim3A_911 = vector.shape_cast %select_n3A_910 : vector<16xi32> to vector<16x1xi32>
        %gather3A_912 = vector.shape_cast %broadcast_in_dim3A_911 : vector<16x1xi32> to vector<16xi32>
        %gather3A_913 = tpu.dynamic_gather %gather3A_160[%gather3A_912] in [0] : vector<16xi32>, vector<16xi32> -> vector<16xi32>
        %lt3A_914 = arith.constant 0 : i32
        %lt3A_915 = vector.broadcast %lt3A_914 : i32 to vector<16xi32>
        %lt3A_916 = arith.cmpi slt, %broadcast_in_dim3A_903, %lt3A_915 : vector<16xi32>
        %add3A_917 = arith.constant 16 : i32
        %add3A_918 = vector.broadcast %add3A_917 : i32 to vector<16xi32>
        %add3A_919 = arith.addi %broadcast_in_dim3A_903, %add3A_918 : vector<16xi32>
        %select_n3A_920 = arith.select %lt3A_916, %add3A_919, %broadcast_in_dim3A_903 : vector<16xi1>, vector<16xi32>
        %broadcast_in_dim3A_921 = vector.shape_cast %select_n3A_920 : vector<16xi32> to vector<16x1xi32>
        %gather3A_922 = vector.shape_cast %broadcast_in_dim3A_921 : vector<16x1xi32> to vector<16xi32>
        %gather3A_923 = tpu.dynamic_gather %gather3A[%gather3A_922] in [0] : vector<16xi32>, vector<16xi32> -> vector<16xi32>
        %get3A_924 = arith.index_cast %add3A_902 : i32 to index
        %get3A_925 = arith.constant 0 : index
        %get3A_926 = tpu.vector_load %arg6[%get3A_924, %get3A_925] {strides = array<i32>} : memref<128x200xf32, #tpu.memory_space<vmem>>, vector<16xf32>,
        %lt3A_927 = arith.cmpi slt, %add3A_23, %gather3A_913 : vector<16xi32>
        %mul3A_928 = arith.mulf %broadcast_in_dim3A_7, %get3A_926 : vector<16xf32>
        %select_n3A_929 = arith.select %lt3A_927, %mul3A_928, %broadcast_in_dim3A_7 : vector<16xi1>, vector<16xf32>
        %lt3A_930 = arith.cmpi slt, %add3A_23, %gather3A_923 : vector<16xi32>
        %mul3A_931 = arith.mulf %broadcast_in_dim3A_7, %get3A_926 : vector<16xf32>
        %select_n3A_932 = arith.select %lt3A_930, %mul3A_931, %broadcast_in_dim3A_7 : vector<16xi1>, vector<16xf32>
        %get3A_933 = arith.index_cast %add3A_902 : i32 to index
        %get3A_934 = arith.constant 16 : index
        %get3A_935 = tpu.vector_load %arg6[%get3A_933, %get3A_934] {strides = array<i32>} : memref<128x200xf32, #tpu.memory_space<vmem>>, vector<16xf32>,
        %lt3A_936 = arith.cmpi slt, %add3A_26, %gather3A_913 : vector<16xi32>
        %mul3A_937 = arith.mulf %broadcast_in_dim3A_7, %get3A_935 : vector<16xf32>
        %select_n3A_938 = arith.select %lt3A_936, %mul3A_937, %broadcast_in_dim3A_7 : vector<16xi1>, vector<16xf32>
        %lt3A_939 = arith.cmpi slt, %add3A_26, %gather3A_923 : vector<16xi32>
        %mul3A_940 = arith.mulf %broadcast_in_dim3A_7, %get3A_935 : vector<16xf32>
        %select_n3A_941 = arith.select %lt3A_939, %mul3A_940, %broadcast_in_dim3A_7 : vector<16xi1>, vector<16xf32>
        %get3A_942 = arith.index_cast %add3A_902 : i32 to index
        %get3A_943 = arith.constant 32 : index
        %get3A_944 = tpu.vector_load %arg6[%get3A_942, %get3A_943] {strides = array<i32>} : memref<128x200xf32, #tpu.memory_space<vmem>>, vector<16xf32>,
        %lt3A_945 = arith.cmpi slt, %add3A_29, %gather3A_913 : vector<16xi32>
        %mul3A_946 = arith.mulf %select_n3A_929, %get3A_944 : vector<16xf32>
        %select_n3A_947 = arith.select %lt3A_945, %mul3A_946, %select_n3A_929 : vector<16xi1>, vector<16xf32>
        %lt3A_948 = arith.cmpi slt, %add3A_29, %gather3A_923 : vector<16xi32>
        %mul3A_949 = arith.mulf %select_n3A_932, %get3A_944 : vector<16xf32>
        %select_n3A_950 = arith.select %lt3A_948, %mul3A_949, %select_n3A_932 : vector<16xi1>, vector<16xf32>
        %get3A_951 = arith.index_cast %add3A_902 : i32 to index
        %get3A_952 = arith.constant 48 : index
        %get3A_953 = tpu.vector_load %arg6[%get3A_951, %get3A_952] {strides = array<i32>} : memref<128x200xf32, #tpu.memory_space<vmem>>, vector<16xf32>,
        %lt3A_954 = arith.cmpi slt, %add3A_32, %gather3A_913 : vector<16xi32>
        %mul3A_955 = arith.mulf %select_n3A_938, %get3A_953 : vector<16xf32>
        %select_n3A_956 = arith.select %lt3A_954, %mul3A_955, %select_n3A_938 : vector<16xi1>, vector<16xf32>
        %lt3A_957 = arith.cmpi slt, %add3A_32, %gather3A_923 : vector<16xi32>
        %mul3A_958 = arith.mulf %select_n3A_941, %get3A_953 : vector<16xf32>
        %select_n3A_959 = arith.select %lt3A_957, %mul3A_958, %select_n3A_941 : vector<16xi1>, vector<16xf32>
        %get3A_960 = arith.index_cast %add3A_902 : i32 to index
        %get3A_961 = arith.constant 64 : index
        %get3A_962 = tpu.vector_load %arg6[%get3A_960, %get3A_961] {strides = array<i32>} : memref<128x200xf32, #tpu.memory_space<vmem>>, vector<16xf32>,
        %lt3A_963 = arith.cmpi slt, %add3A_35, %gather3A_913 : vector<16xi32>
        %mul3A_964 = arith.mulf %select_n3A_947, %get3A_962 : vector<16xf32>
        %select_n3A_965 = arith.select %lt3A_963, %mul3A_964, %select_n3A_947 : vector<16xi1>, vector<16xf32>
        %lt3A_966 = arith.cmpi slt, %add3A_35, %gather3A_923 : vector<16xi32>
        %mul3A_967 = arith.mulf %select_n3A_950, %get3A_962 : vector<16xf32>
        %select_n3A_968 = arith.select %lt3A_966, %mul3A_967, %select_n3A_950 : vector<16xi1>, vector<16xf32>
        %get3A_969 = arith.index_cast %add3A_902 : i32 to index
        %get3A_970 = arith.constant 80 : index
        %get3A_971 = tpu.vector_load %arg6[%get3A_969, %get3A_970] {strides = array<i32>} : memref<128x200xf32, #tpu.memory_space<vmem>>, vector<16xf32>,
        %lt3A_972 = arith.cmpi slt, %add3A_38, %gather3A_913 : vector<16xi32>
        %mul3A_973 = arith.mulf %select_n3A_956, %get3A_971 : vector<16xf32>
        %select_n3A_974 = arith.select %lt3A_972, %mul3A_973, %select_n3A_956 : vector<16xi1>, vector<16xf32>
        %lt3A_975 = arith.cmpi slt, %add3A_38, %gather3A_923 : vector<16xi32>
        %mul3A_976 = arith.mulf %select_n3A_959, %get3A_971 : vector<16xf32>
        %select_n3A_977 = arith.select %lt3A_975, %mul3A_976, %select_n3A_959 : vector<16xi1>, vector<16xf32>
        %get3A_978 = arith.index_cast %add3A_902 : i32 to index
        %get3A_979 = arith.constant 96 : index
        %get3A_980 = tpu.vector_load %arg6[%get3A_978, %get3A_979] {strides = array<i32>} : memref<128x200xf32, #tpu.memory_space<vmem>>, vector<16xf32>,
        %lt3A_981 = arith.cmpi slt, %add3A_41, %gather3A_913 : vector<16xi32>
        %mul3A_982 = arith.mulf %select_n3A_965, %get3A_980 : vector<16xf32>
        %select_n3A_983 = arith.select %lt3A_981, %mul3A_982, %select_n3A_965 : vector<16xi1>, vector<16xf32>
        %lt3A_984 = arith.cmpi slt, %add3A_41, %gather3A_923 : vector<16xi32>
        %mul3A_985 = arith.mulf %select_n3A_968, %get3A_980 : vector<16xf32>
        %select_n3A_986 = arith.select %lt3A_984, %mul3A_985, %select_n3A_968 : vector<16xi1>, vector<16xf32>
        %get3A_987 = arith.index_cast %add3A_902 : i32 to index
        %get3A_988 = arith.constant 112 : index
        %get3A_989 = tpu.vector_load %arg6[%get3A_987, %get3A_988] {strides = array<i32>} : memref<128x200xf32, #tpu.memory_space<vmem>>, vector<16xf32>,
        %lt3A_990 = arith.cmpi slt, %add3A_44, %gather3A_913 : vector<16xi32>
        %mul3A_991 = arith.mulf %select_n3A_974, %get3A_989 : vector<16xf32>
        %select_n3A_992 = arith.select %lt3A_990, %mul3A_991, %select_n3A_974 : vector<16xi1>, vector<16xf32>
        %lt3A_993 = arith.cmpi slt, %add3A_44, %gather3A_923 : vector<16xi32>
        %mul3A_994 = arith.mulf %select_n3A_977, %get3A_989 : vector<16xf32>
        %select_n3A_995 = arith.select %lt3A_993, %mul3A_994, %select_n3A_977 : vector<16xi1>, vector<16xf32>
        %get3A_996 = arith.index_cast %add3A_902 : i32 to index
        %get3A_997 = arith.constant 128 : index
        %get3A_998 = tpu.vector_load %arg6[%get3A_996, %get3A_997] {strides = array<i32>} : memref<128x200xf32, #tpu.memory_space<vmem>>, vector<16xf32>,
        %lt3A_999 = arith.cmpi slt, %add3A_47, %gather3A_913 : vector<16xi32>
        %mul3A_1000 = arith.mulf %select_n3A_983, %get3A_998 : vector<16xf32>
        %select_n3A_1001 = arith.select %lt3A_999, %mul3A_1000, %select_n3A_983 : vector<16xi1>, vector<16xf32>
        %lt3A_1002 = arith.cmpi slt, %add3A_47, %gather3A_923 : vector<16xi32>
        %mul3A_1003 = arith.mulf %select_n3A_986, %get3A_998 : vector<16xf32>
        %select_n3A_1004 = arith.select %lt3A_1002, %mul3A_1003, %select_n3A_986 : vector<16xi1>, vector<16xf32>
        %get3A_1005 = arith.index_cast %add3A_902 : i32 to index
        %get3A_1006 = arith.constant 144 : index
        %get3A_1007 = tpu.vector_load %arg6[%get3A_1005, %get3A_1006] {strides = array<i32>} : memref<128x200xf32, #tpu.memory_space<vmem>>, vector<16xf32>,
        %lt3A_1008 = arith.cmpi slt, %add3A_50, %gather3A_913 : vector<16xi32>
        %mul3A_1009 = arith.mulf %select_n3A_992, %get3A_1007 : vector<16xf32>
        %select_n3A_1010 = arith.select %lt3A_1008, %mul3A_1009, %select_n3A_992 : vector<16xi1>, vector<16xf32>
        %lt3A_1011 = arith.cmpi slt, %add3A_50, %gather3A_923 : vector<16xi32>
        %mul3A_1012 = arith.mulf %select_n3A_995, %get3A_1007 : vector<16xf32>
        %select_n3A_1013 = arith.select %lt3A_1011, %mul3A_1012, %select_n3A_995 : vector<16xi1>, vector<16xf32>
        %get3A_1014 = arith.index_cast %add3A_902 : i32 to index
        %get3A_1015 = arith.constant 160 : index
        %get3A_1016 = tpu.vector_load %arg6[%get3A_1014, %get3A_1015] {strides = array<i32>} : memref<128x200xf32, #tpu.memory_space<vmem>>, vector<16xf32>,
        %lt3A_1017 = arith.cmpi slt, %add3A_53, %gather3A_913 : vector<16xi32>
        %mul3A_1018 = arith.mulf %select_n3A_1001, %get3A_1016 : vector<16xf32>
        %select_n3A_1019 = arith.select %lt3A_1017, %mul3A_1018, %select_n3A_1001 : vector<16xi1>, vector<16xf32>
        %lt3A_1020 = arith.cmpi slt, %add3A_53, %gather3A_923 : vector<16xi32>
        %mul3A_1021 = arith.mulf %select_n3A_1004, %get3A_1016 : vector<16xf32>
        %select_n3A_1022 = arith.select %lt3A_1020, %mul3A_1021, %select_n3A_1004 : vector<16xi1>, vector<16xf32>
        %get3A_1023 = arith.index_cast %add3A_902 : i32 to index
        %get3A_1024 = arith.constant 176 : index
        %get3A_1025 = tpu.vector_load %arg6[%get3A_1023, %get3A_1024] {strides = array<i32>} : memref<128x200xf32, #tpu.memory_space<vmem>>, vector<16xf32>,
        %lt3A_1026 = arith.cmpi slt, %add3A_56, %gather3A_913 : vector<16xi32>
        %mul3A_1027 = arith.mulf %select_n3A_1010, %get3A_1025 : vector<16xf32>
        %select_n3A_1028 = arith.select %lt3A_1026, %mul3A_1027, %select_n3A_1010 : vector<16xi1>, vector<16xf32>
        %lt3A_1029 = arith.cmpi slt, %add3A_56, %gather3A_923 : vector<16xi32>
        %mul3A_1030 = arith.mulf %select_n3A_1013, %get3A_1025 : vector<16xf32>
        %select_n3A_1031 = arith.select %lt3A_1029, %mul3A_1030, %select_n3A_1013 : vector<16xi1>, vector<16xf32>
        %get3A_1032 = arith.index_cast %add3A_902 : i32 to index
        %get3A_1033 = arith.constant 184 : index
        %get3A_1034 = tpu.vector_load %arg6[%get3A_1032, %get3A_1033] {strides = array<i32>} : memref<128x200xf32, #tpu.memory_space<vmem>>, vector<16xf32>,
        %lt3A_1035 = arith.cmpi slt, %add3A_59, %gather3A_913 : vector<16xi32>
        %and3A_1036 = arith.andi %ge3A_61, %lt3A_1035 : vector<16xi1>
        %lt3A_1037 = arith.cmpi slt, %add3A_59, %gather3A_923 : vector<16xi32>
        %and3A_1038 = arith.andi %ge3A_61, %lt3A_1037 : vector<16xi1>
        %mul3A_1039 = arith.mulf %select_n3A_1019, %get3A_1034 : vector<16xf32>
        %select_n3A_1040 = arith.select %and3A_1036, %mul3A_1039, %select_n3A_1019 : vector<16xi1>, vector<16xf32>
        %mul3A_1041 = arith.mulf %select_n3A_1022, %get3A_1034 : vector<16xf32>
        %select_n3A_1042 = arith.select %and3A_1038, %mul3A_1041, %select_n3A_1022 : vector<16xi1>, vector<16xf32>
        %mul3A_1043 = arith.mulf %select_n3A_1040, %select_n3A_1028 : vector<16xf32>
        %mul3A_1044 = arith.mulf %select_n3A_1042, %select_n3A_1031 : vector<16xf32>
        %lt3A_1045 = arith.constant 0 : i32
        %lt3A_1046 = vector.broadcast %lt3A_1045 : i32 to vector<16xi32>
        %lt3A_1047 = arith.cmpi slt, %xor3A_11, %lt3A_1046 : vector<16xi32>
        %add3A_1048 = arith.constant 16 : i32
        %add3A_1049 = vector.broadcast %add3A_1048 : i32 to vector<16xi32>
        %add3A_1050 = arith.addi %xor3A_11, %add3A_1049 : vector<16xi32>
        %select_n3A_1051 = arith.select %lt3A_1047, %add3A_1050, %xor3A_11 : vector<16xi1>, vector<16xi32>
        %broadcast_in_dim3A_1052 = vector.shape_cast %select_n3A_1051 : vector<16xi32> to vector<16x1xi32>
        %gather3A_1053 = vector.shape_cast %broadcast_in_dim3A_1052 : vector<16x1xi32> to vector<16xi32>
        %gather3A_1054 = tpu.dynamic_gather %mul3A_1043[%gather3A_1053] in [0] : vector<16xf32>, vector<16xi32> -> vector<16xf32>
        %mul3A_1055 = arith.mulf %mul3A_1043, %gather3A_1054 : vector<16xf32>
        %lt3A_1056 = arith.constant 0 : i32
        %lt3A_1057 = vector.broadcast %lt3A_1056 : i32 to vector<16xi32>
        %lt3A_1058 = arith.cmpi slt, %xor3A_11, %lt3A_1057 : vector<16xi32>
        %add3A_1059 = arith.constant 16 : i32
        %add3A_1060 = vector.broadcast %add3A_1059 : i32 to vector<16xi32>
        %add3A_1061 = arith.addi %xor3A_11, %add3A_1060 : vector<16xi32>
        %select_n3A_1062 = arith.select %lt3A_1058, %add3A_1061, %xor3A_11 : vector<16xi1>, vector<16xi32>
        %broadcast_in_dim3A_1063 = vector.shape_cast %select_n3A_1062 : vector<16xi32> to vector<16x1xi32>
        %gather3A_1064 = vector.shape_cast %broadcast_in_dim3A_1063 : vector<16x1xi32> to vector<16xi32>
        %gather3A_1065 = tpu.dynamic_gather %mul3A_1044[%gather3A_1064] in [0] : vector<16xf32>, vector<16xi32> -> vector<16xf32>
        %mul3A_1066 = arith.mulf %mul3A_1044, %gather3A_1065 : vector<16xf32>
        %lt3A_1067 = arith.constant 0 : i32
        %lt3A_1068 = vector.broadcast %lt3A_1067 : i32 to vector<16xi32>
        %lt3A_1069 = arith.cmpi slt, %xor3A_14, %lt3A_1068 : vector<16xi32>
        %add3A_1070 = arith.constant 16 : i32
        %add3A_1071 = vector.broadcast %add3A_1070 : i32 to vector<16xi32>
        %add3A_1072 = arith.addi %xor3A_14, %add3A_1071 : vector<16xi32>
        %select_n3A_1073 = arith.select %lt3A_1069, %add3A_1072, %xor3A_14 : vector<16xi1>, vector<16xi32>
        %broadcast_in_dim3A_1074 = vector.shape_cast %select_n3A_1073 : vector<16xi32> to vector<16x1xi32>
        %gather3A_1075 = vector.shape_cast %broadcast_in_dim3A_1074 : vector<16x1xi32> to vector<16xi32>
        %gather3A_1076 = tpu.dynamic_gather %mul3A_1055[%gather3A_1075] in [0] : vector<16xf32>, vector<16xi32> -> vector<16xf32>
        %mul3A_1077 = arith.mulf %mul3A_1055, %gather3A_1076 : vector<16xf32>
        %lt3A_1078 = arith.constant 0 : i32
        %lt3A_1079 = vector.broadcast %lt3A_1078 : i32 to vector<16xi32>
        %lt3A_1080 = arith.cmpi slt, %xor3A_14, %lt3A_1079 : vector<16xi32>
        %add3A_1081 = arith.constant 16 : i32
        %add3A_1082 = vector.broadcast %add3A_1081 : i32 to vector<16xi32>
        %add3A_1083 = arith.addi %xor3A_14, %add3A_1082 : vector<16xi32>
        %select_n3A_1084 = arith.select %lt3A_1080, %add3A_1083, %xor3A_14 : vector<16xi1>, vector<16xi32>
        %broadcast_in_dim3A_1085 = vector.shape_cast %select_n3A_1084 : vector<16xi32> to vector<16x1xi32>
        %gather3A_1086 = vector.shape_cast %broadcast_in_dim3A_1085 : vector<16x1xi32> to vector<16xi32>
        %gather3A_1087 = tpu.dynamic_gather %mul3A_1066[%gather3A_1086] in [0] : vector<16xf32>, vector<16xi32> -> vector<16xf32>
        %mul3A_1088 = arith.mulf %mul3A_1066, %gather3A_1087 : vector<16xf32>
        %lt3A_1089 = arith.constant 0 : i32
        %lt3A_1090 = vector.broadcast %lt3A_1089 : i32 to vector<16xi32>
        %lt3A_1091 = arith.cmpi slt, %xor3A_17, %lt3A_1090 : vector<16xi32>
        %add3A_1092 = arith.constant 16 : i32
        %add3A_1093 = vector.broadcast %add3A_1092 : i32 to vector<16xi32>
        %add3A_1094 = arith.addi %xor3A_17, %add3A_1093 : vector<16xi32>
        %select_n3A_1095 = arith.select %lt3A_1091, %add3A_1094, %xor3A_17 : vector<16xi1>, vector<16xi32>
        %broadcast_in_dim3A_1096 = vector.shape_cast %select_n3A_1095 : vector<16xi32> to vector<16x1xi32>
        %gather3A_1097 = vector.shape_cast %broadcast_in_dim3A_1096 : vector<16x1xi32> to vector<16xi32>
        %gather3A_1098 = tpu.dynamic_gather %mul3A_1077[%gather3A_1097] in [0] : vector<16xf32>, vector<16xi32> -> vector<16xf32>
        %mul3A_1099 = arith.mulf %mul3A_1077, %gather3A_1098 : vector<16xf32>
        %lt3A_1100 = arith.constant 0 : i32
        %lt3A_1101 = vector.broadcast %lt3A_1100 : i32 to vector<16xi32>
        %lt3A_1102 = arith.cmpi slt, %xor3A_17, %lt3A_1101 : vector<16xi32>
        %add3A_1103 = arith.constant 16 : i32
        %add3A_1104 = vector.broadcast %add3A_1103 : i32 to vector<16xi32>
        %add3A_1105 = arith.addi %xor3A_17, %add3A_1104 : vector<16xi32>
        %select_n3A_1106 = arith.select %lt3A_1102, %add3A_1105, %xor3A_17 : vector<16xi1>, vector<16xi32>
        %broadcast_in_dim3A_1107 = vector.shape_cast %select_n3A_1106 : vector<16xi32> to vector<16x1xi32>
        %gather3A_1108 = vector.shape_cast %broadcast_in_dim3A_1107 : vector<16x1xi32> to vector<16xi32>
        %gather3A_1109 = tpu.dynamic_gather %mul3A_1088[%gather3A_1108] in [0] : vector<16xf32>, vector<16xi32> -> vector<16xf32>
        %mul3A_1110 = arith.mulf %mul3A_1088, %gather3A_1109 : vector<16xf32>
        %lt3A_1111 = arith.constant 0 : i32
        %lt3A_1112 = vector.broadcast %lt3A_1111 : i32 to vector<16xi32>
        %lt3A_1113 = arith.cmpi slt, %xor3A_20, %lt3A_1112 : vector<16xi32>
        %add3A_1114 = arith.constant 16 : i32
        %add3A_1115 = vector.broadcast %add3A_1114 : i32 to vector<16xi32>
        %add3A_1116 = arith.addi %xor3A_20, %add3A_1115 : vector<16xi32>
        %select_n3A_1117 = arith.select %lt3A_1113, %add3A_1116, %xor3A_20 : vector<16xi1>, vector<16xi32>
        %broadcast_in_dim3A_1118 = vector.shape_cast %select_n3A_1117 : vector<16xi32> to vector<16x1xi32>
        %gather3A_1119 = vector.shape_cast %broadcast_in_dim3A_1118 : vector<16x1xi32> to vector<16xi32>
        %gather3A_1120 = tpu.dynamic_gather %mul3A_1099[%gather3A_1119] in [0] : vector<16xf32>, vector<16xi32> -> vector<16xf32>
        %mul3A_1121 = arith.mulf %mul3A_1099, %gather3A_1120 : vector<16xf32>
        %lt3A_1122 = arith.constant 0 : i32
        %lt3A_1123 = vector.broadcast %lt3A_1122 : i32 to vector<16xi32>
        %lt3A_1124 = arith.cmpi slt, %xor3A_20, %lt3A_1123 : vector<16xi32>
        %add3A_1125 = arith.constant 16 : i32
        %add3A_1126 = vector.broadcast %add3A_1125 : i32 to vector<16xi32>
        %add3A_1127 = arith.addi %xor3A_20, %add3A_1126 : vector<16xi32>
        %select_n3A_1128 = arith.select %lt3A_1124, %add3A_1127, %xor3A_20 : vector<16xi1>, vector<16xi32>
        %broadcast_in_dim3A_1129 = vector.shape_cast %select_n3A_1128 : vector<16xi32> to vector<16x1xi32>
        %gather3A_1130 = vector.shape_cast %broadcast_in_dim3A_1129 : vector<16x1xi32> to vector<16xi32>
        %gather3A_1131 = tpu.dynamic_gather %mul3A_1110[%gather3A_1130] in [0] : vector<16xf32>, vector<16xi32> -> vector<16xf32>
        %mul3A_1132 = arith.mulf %mul3A_1110, %gather3A_1131 : vector<16xf32>
        %add3A_1133 = arith.constant 256 : i32
        %add3A_1134 = arith.addi %add3A_1133, %add3A_902 : i32
        %swap3A_1135 = arith.index_cast %add3A_1134 : i32 to index
        %swap3A_1136 = tpu.vector_load %arg10[%swap3A_1135] masked %eq3A_9 {strides = array<i32>} : memref<528xf32, #tpu.memory_space<vmem>>, vector<16xf32>, vector<16xi1>
        tpu.vector_store %arg10[%swap3A_1135], %mul3A_1121 masked %eq3A_9 {strides = array<i32>} : memref<528xf32, #tpu.memory_space<vmem>>, vector<16xf32>, vector<16xi1>
        %swap3A_1137 = arith.index_cast %add3A_1134 : i32 to index
        %swap3A_1138 = tpu.vector_load %arg11[%swap3A_1137] masked %eq3A_9 {strides = array<i32>} : memref<528xf32, #tpu.memory_space<vmem>>, vector<16xf32>, vector<16xi1>
        tpu.vector_store %arg11[%swap3A_1137], %mul3A_1132 masked %eq3A_9 {strides = array<i32>} : memref<528xf32, #tpu.memory_space<vmem>>, vector<16xf32>, vector<16xi1>
      }
      %scan3A_167 = arith.constant 16 : i32
      %mul3A_168 = arith.constant 16 : i32
      %mul3A_169 = arith.muli %scan3A_155, %mul3A_168 : i32
      %add3A_170 = arith.constant 256 : i32
      %add3A_171 = arith.addi %add3A_170, %mul3A_169 : i32
      %get3A = arith.index_cast %add3A_171 : i32 to index
      %get3A_172 = tpu.vector_load %arg11[%get3A] {strides = array<i32>} : memref<528xf32, #tpu.memory_space<vmem>>, vector<16xf32>,
      %ne3A = arith.cmpi ne, %gather3A, %broadcast_in_dim3A_3 : vector<16xi32>
      %sub3A = arith.constant 1.000000e+00 : f32
      %sub3A_173 = vector.broadcast %sub3A : f32 to vector<16xf32>
      %sub3A_174 = arith.subf %sub3A_173, %gather3A_161 : vector<16xf32>
      %mul3A_175 = arith.mulf %get3A_172, %sub3A_174 : vector<16xf32>
      %jit3A = arith.constant 1.000000e-07 : f32
      %broadcast_in_dim3A_176 = vector.broadcast %jit3A : f32 to vector<16xf32>
      %select_n3A = arith.select %ne3A, %mul3A_175, %broadcast_in_dim3A_176 : vector<16xi1>, vector<16xf32>
      %swap3A = arith.index_cast %add3A_171 : i32 to index
      %swap3A_177 = tpu.vector_load %arg11[%swap3A] {strides = array<i32>} : memref<528xf32, #tpu.memory_space<vmem>>, vector<16xf32>,
      tpu.vector_store %arg11[%swap3A], %select_n3A {strides = array<i32>} : memref<528xf32, #tpu.memory_space<vmem>>, vector<16xf32>,
    }
    %scan3A_140 = arith.constant 8 : i32
    %dma_wait3A_141 = arith.constant 0 : i32
    %dma_wait3A_142 = tpu.memref_slice %arg3[%add3A_118, %dma_wait3A_141] : memref<16384x200xf32, #tpu.memory_space<hbm>> -> memref<128x200xf32, #tpu.memory_space<hbm>>
    %dma_wait3A_143 = arith.constant 0 : i32
    %dma_wait3A_144 = tpu.memref_slice %arg3[%add3A_118, %dma_wait3A_143] : memref<16384x200xf32, #tpu.memory_space<hbm>> -> memref<128x200xf32, #tpu.memory_space<hbm>>
    tpu.wait_dma2 semaphore(%arg13 : memref<!tpu.dma_semaphore, #tpu.memory_space<semaphore_mem>>) src(%dma_wait3A_144 : memref<128x200xf32, #tpu.memory_space<hbm>>) dst(%arg7 : memref<128x200xf32, #tpu.memory_space<vmem>>)
    %dma_wait3A_145 = arith.constant 0 : i32
    %dma_wait3A_146 = tpu.memref_slice %arg2[%add3A_118, %dma_wait3A_145] : memref<16384x2xi32, #tpu.memory_space<hbm>> -> memref<128x2xi32, #tpu.memory_space<hbm>>
    %dma_wait3A_147 = arith.constant 0 : i32
    %dma_wait3A_148 = tpu.memref_slice %arg2[%add3A_118, %dma_wait3A_147] : memref<16384x2xi32, #tpu.memory_space<hbm>> -> memref<128x2xi32, #tpu.memory_space<hbm>>
    tpu.wait_dma2 semaphore(%arg13 : memref<!tpu.dma_semaphore, #tpu.memory_space<semaphore_mem>>) src(%dma_wait3A_148 : memref<128x2xi32, #tpu.memory_space<hbm>>) dst(%arg9 : memref<128x2xi32, #tpu.memory_space<vmem>>)
    %scan3A_149 = arith.constant 0 : i32
    %scan3A_150 = arith.constant 0 : i32
    %scan3A_151 = arith.constant 8 : i32
    %scan3A_152 = arith.addi %scan3A_150, %scan3A_151 : i32
    %scan3A_153 = arith.constant 1 : i32
    scf.for %scan3A_155 = %scan3A_150 to %scan3A_152 step %scan3A_153  : i32 {
      %mul3A_156 = arith.constant 16 : i32
      %mul3A_157 = arith.muli %scan3A_155, %mul3A_156 : i32
      %add3A_158 = vector.broadcast %mul3A_157 : i32 to vector<16xi32>
      %add3A_159 = arith.addi %add3A_158, %iota3A : vector<16xi32>
      %gather3A = tpu.vector_load_idx %arg9[%add3A_159, %broadcast_in_dim3A_3] : memref<128x2xi32, #tpu.memory_space<vmem>>[vector<16xi32>, vector<16xi32>], vector<16xi32>,
      %gather3A_160 = tpu.vector_load_idx %arg9[%add3A_159, %broadcast_in_dim3A_5] : memref<128x2xi32, #tpu.memory_space<vmem>>[vector<16xi32>, vector<16xi32>], vector<16xi32>,
      %gather3A_161 = tpu.vector_load_idx %arg7[%add3A_159, %gather3A] : memref<128x200xf32, #tpu.memory_space<vmem>>[vector<16xi32>, vector<16xi32>], vector<16xf32>,
      %scan3A_162 = arith.constant 0 : i32
      %scan3A_163 = arith.constant 0 : i32
      %scan3A_164 = arith.constant 16 : i32
      %scan3A_165 = arith.addi %scan3A_163, %scan3A_164 : i32
      %scan3A_166 = arith.constant 4 : i32
      scf.for %scan3A_178 = %scan3A_163 to %scan3A_165 step %scan3A_166  : i32 {
        %mul3A_179 = arith.constant 16 : i32
        %mul3A_180 = arith.muli %scan3A_155, %mul3A_179 : i32
        %add3A_181 = arith.addi %mul3A_180, %scan3A_178 : i32
        %broadcast_in_dim3A_182 = vector.broadcast %scan3A_178 : i32 to vector<16xi32>
        %lt3A = arith.constant 0 : i32
        %lt3A_183 = vector.broadcast %lt3A : i32 to vector<16xi32>
        %lt3A_184 = arith.cmpi slt, %broadcast_in_dim3A_182, %lt3A_183 : vector<16xi32>
        %add3A_185 = arith.constant 16 : i32
        %add3A_186 = vector.broadcast %add3A_185 : i32 to vector<16xi32>
        %add3A_187 = arith.addi %broadcast_in_dim3A_182, %add3A_186 : vector<16xi32>
        %select_n3A_188 = arith.select %lt3A_184, %add3A_187, %broadcast_in_dim3A_182 : vector<16xi1>, vector<16xi32>
        %broadcast_in_dim3A_189 = vector.shape_cast %select_n3A_188 : vector<16xi32> to vector<16x1xi32>
        %gather3A_190 = vector.shape_cast %broadcast_in_dim3A_189 : vector<16x1xi32> to vector<16xi32>
        %gather3A_191 = tpu.dynamic_gather %gather3A_160[%gather3A_190] in [0] : vector<16xi32>, vector<16xi32> -> vector<16xi32>
        %lt3A_192 = arith.constant 0 : i32
        %lt3A_193 = vector.broadcast %lt3A_192 : i32 to vector<16xi32>
        %lt3A_194 = arith.cmpi slt, %broadcast_in_dim3A_182, %lt3A_193 : vector<16xi32>
        %add3A_195 = arith.constant 16 : i32
        %add3A_196 = vector.broadcast %add3A_195 : i32 to vector<16xi32>
        %add3A_197 = arith.addi %broadcast_in_dim3A_182, %add3A_196 : vector<16xi32>
        %select_n3A_198 = arith.select %lt3A_194, %add3A_197, %broadcast_in_dim3A_182 : vector<16xi1>, vector<16xi32>
        %broadcast_in_dim3A_199 = vector.shape_cast %select_n3A_198 : vector<16xi32> to vector<16x1xi32>
        %gather3A_200 = vector.shape_cast %broadcast_in_dim3A_199 : vector<16x1xi32> to vector<16xi32>
        %gather3A_201 = tpu.dynamic_gather %gather3A[%gather3A_200] in [0] : vector<16xi32>, vector<16xi32> -> vector<16xi32>
        %get3A_202 = arith.index_cast %add3A_181 : i32 to index
        %get3A_203 = arith.constant 0 : index
        %get3A_204 = tpu.vector_load %arg7[%get3A_202, %get3A_203] {strides = array<i32>} : memref<128x200xf32, #tpu.memory_space<vmem>>, vector<16xf32>,
        %lt3A_205 = arith.cmpi slt, %add3A_23, %gather3A_191 : vector<16xi32>
        %mul3A_206 = arith.mulf %broadcast_in_dim3A_7, %get3A_204 : vector<16xf32>
        %select_n3A_207 = arith.select %lt3A_205, %mul3A_206, %broadcast_in_dim3A_7 : vector<16xi1>, vector<16xf32>
        %lt3A_208 = arith.cmpi slt, %add3A_23, %gather3A_201 : vector<16xi32>
        %mul3A_209 = arith.mulf %broadcast_in_dim3A_7, %get3A_204 : vector<16xf32>
        %select_n3A_210 = arith.select %lt3A_208, %mul3A_209, %broadcast_in_dim3A_7 : vector<16xi1>, vector<16xf32>
        %get3A_211 = arith.index_cast %add3A_181 : i32 to index
        %get3A_212 = arith.constant 16 : index
        %get3A_213 = tpu.vector_load %arg7[%get3A_211, %get3A_212] {strides = array<i32>} : memref<128x200xf32, #tpu.memory_space<vmem>>, vector<16xf32>,
        %lt3A_214 = arith.cmpi slt, %add3A_26, %gather3A_191 : vector<16xi32>
        %mul3A_215 = arith.mulf %broadcast_in_dim3A_7, %get3A_213 : vector<16xf32>
        %select_n3A_216 = arith.select %lt3A_214, %mul3A_215, %broadcast_in_dim3A_7 : vector<16xi1>, vector<16xf32>
        %lt3A_217 = arith.cmpi slt, %add3A_26, %gather3A_201 : vector<16xi32>
        %mul3A_218 = arith.mulf %broadcast_in_dim3A_7, %get3A_213 : vector<16xf32>
        %select_n3A_219 = arith.select %lt3A_217, %mul3A_218, %broadcast_in_dim3A_7 : vector<16xi1>, vector<16xf32>
        %get3A_220 = arith.index_cast %add3A_181 : i32 to index
        %get3A_221 = arith.constant 32 : index
        %get3A_222 = tpu.vector_load %arg7[%get3A_220, %get3A_221] {strides = array<i32>} : memref<128x200xf32, #tpu.memory_space<vmem>>, vector<16xf32>,
        %lt3A_223 = arith.cmpi slt, %add3A_29, %gather3A_191 : vector<16xi32>
        %mul3A_224 = arith.mulf %select_n3A_207, %get3A_222 : vector<16xf32>
        %select_n3A_225 = arith.select %lt3A_223, %mul3A_224, %select_n3A_207 : vector<16xi1>, vector<16xf32>
        %lt3A_226 = arith.cmpi slt, %add3A_29, %gather3A_201 : vector<16xi32>
        %mul3A_227 = arith.mulf %select_n3A_210, %get3A_222 : vector<16xf32>
        %select_n3A_228 = arith.select %lt3A_226, %mul3A_227, %select_n3A_210 : vector<16xi1>, vector<16xf32>
        %get3A_229 = arith.index_cast %add3A_181 : i32 to index
        %get3A_230 = arith.constant 48 : index
        %get3A_231 = tpu.vector_load %arg7[%get3A_229, %get3A_230] {strides = array<i32>} : memref<128x200xf32, #tpu.memory_space<vmem>>, vector<16xf32>,
        %lt3A_232 = arith.cmpi slt, %add3A_32, %gather3A_191 : vector<16xi32>
        %mul3A_233 = arith.mulf %select_n3A_216, %get3A_231 : vector<16xf32>
        %select_n3A_234 = arith.select %lt3A_232, %mul3A_233, %select_n3A_216 : vector<16xi1>, vector<16xf32>
        %lt3A_235 = arith.cmpi slt, %add3A_32, %gather3A_201 : vector<16xi32>
        %mul3A_236 = arith.mulf %select_n3A_219, %get3A_231 : vector<16xf32>
        %select_n3A_237 = arith.select %lt3A_235, %mul3A_236, %select_n3A_219 : vector<16xi1>, vector<16xf32>
        %get3A_238 = arith.index_cast %add3A_181 : i32 to index
        %get3A_239 = arith.constant 64 : index
        %get3A_240 = tpu.vector_load %arg7[%get3A_238, %get3A_239] {strides = array<i32>} : memref<128x200xf32, #tpu.memory_space<vmem>>, vector<16xf32>,
        %lt3A_241 = arith.cmpi slt, %add3A_35, %gather3A_191 : vector<16xi32>
        %mul3A_242 = arith.mulf %select_n3A_225, %get3A_240 : vector<16xf32>
        %select_n3A_243 = arith.select %lt3A_241, %mul3A_242, %select_n3A_225 : vector<16xi1>, vector<16xf32>
        %lt3A_244 = arith.cmpi slt, %add3A_35, %gather3A_201 : vector<16xi32>
        %mul3A_245 = arith.mulf %select_n3A_228, %get3A_240 : vector<16xf32>
        %select_n3A_246 = arith.select %lt3A_244, %mul3A_245, %select_n3A_228 : vector<16xi1>, vector<16xf32>
        %get3A_247 = arith.index_cast %add3A_181 : i32 to index
        %get3A_248 = arith.constant 80 : index
        %get3A_249 = tpu.vector_load %arg7[%get3A_247, %get3A_248] {strides = array<i32>} : memref<128x200xf32, #tpu.memory_space<vmem>>, vector<16xf32>,
        %lt3A_250 = arith.cmpi slt, %add3A_38, %gather3A_191 : vector<16xi32>
        %mul3A_251 = arith.mulf %select_n3A_234, %get3A_249 : vector<16xf32>
        %select_n3A_252 = arith.select %lt3A_250, %mul3A_251, %select_n3A_234 : vector<16xi1>, vector<16xf32>
        %lt3A_253 = arith.cmpi slt, %add3A_38, %gather3A_201 : vector<16xi32>
        %mul3A_254 = arith.mulf %select_n3A_237, %get3A_249 : vector<16xf32>
        %select_n3A_255 = arith.select %lt3A_253, %mul3A_254, %select_n3A_237 : vector<16xi1>, vector<16xf32>
        %get3A_256 = arith.index_cast %add3A_181 : i32 to index
        %get3A_257 = arith.constant 96 : index
        %get3A_258 = tpu.vector_load %arg7[%get3A_256, %get3A_257] {strides = array<i32>} : memref<128x200xf32, #tpu.memory_space<vmem>>, vector<16xf32>,
        %lt3A_259 = arith.cmpi slt, %add3A_41, %gather3A_191 : vector<16xi32>
        %mul3A_260 = arith.mulf %select_n3A_243, %get3A_258 : vector<16xf32>
        %select_n3A_261 = arith.select %lt3A_259, %mul3A_260, %select_n3A_243 : vector<16xi1>, vector<16xf32>
        %lt3A_262 = arith.cmpi slt, %add3A_41, %gather3A_201 : vector<16xi32>
        %mul3A_263 = arith.mulf %select_n3A_246, %get3A_258 : vector<16xf32>
        %select_n3A_264 = arith.select %lt3A_262, %mul3A_263, %select_n3A_246 : vector<16xi1>, vector<16xf32>
        %get3A_265 = arith.index_cast %add3A_181 : i32 to index
        %get3A_266 = arith.constant 112 : index
        %get3A_267 = tpu.vector_load %arg7[%get3A_265, %get3A_266] {strides = array<i32>} : memref<128x200xf32, #tpu.memory_space<vmem>>, vector<16xf32>,
        %lt3A_268 = arith.cmpi slt, %add3A_44, %gather3A_191 : vector<16xi32>
        %mul3A_269 = arith.mulf %select_n3A_252, %get3A_267 : vector<16xf32>
        %select_n3A_270 = arith.select %lt3A_268, %mul3A_269, %select_n3A_252 : vector<16xi1>, vector<16xf32>
        %lt3A_271 = arith.cmpi slt, %add3A_44, %gather3A_201 : vector<16xi32>
        %mul3A_272 = arith.mulf %select_n3A_255, %get3A_267 : vector<16xf32>
        %select_n3A_273 = arith.select %lt3A_271, %mul3A_272, %select_n3A_255 : vector<16xi1>, vector<16xf32>
        %get3A_274 = arith.index_cast %add3A_181 : i32 to index
        %get3A_275 = arith.constant 128 : index
        %get3A_276 = tpu.vector_load %arg7[%get3A_274, %get3A_275] {strides = array<i32>} : memref<128x200xf32, #tpu.memory_space<vmem>>, vector<16xf32>,
        %lt3A_277 = arith.cmpi slt, %add3A_47, %gather3A_191 : vector<16xi32>
        %mul3A_278 = arith.mulf %select_n3A_261, %get3A_276 : vector<16xf32>
        %select_n3A_279 = arith.select %lt3A_277, %mul3A_278, %select_n3A_261 : vector<16xi1>, vector<16xf32>
        %lt3A_280 = arith.cmpi slt, %add3A_47, %gather3A_201 : vector<16xi32>
        %mul3A_281 = arith.mulf %select_n3A_264, %get3A_276 : vector<16xf32>
        %select_n3A_282 = arith.select %lt3A_280, %mul3A_281, %select_n3A_264 : vector<16xi1>, vector<16xf32>
        %get3A_283 = arith.index_cast %add3A_181 : i32 to index
        %get3A_284 = arith.constant 144 : index
        %get3A_285 = tpu.vector_load %arg7[%get3A_283, %get3A_284] {strides = array<i32>} : memref<128x200xf32, #tpu.memory_space<vmem>>, vector<16xf32>,
        %lt3A_286 = arith.cmpi slt, %add3A_50, %gather3A_191 : vector<16xi32>
        %mul3A_287 = arith.mulf %select_n3A_270, %get3A_285 : vector<16xf32>
        %select_n3A_288 = arith.select %lt3A_286, %mul3A_287, %select_n3A_270 : vector<16xi1>, vector<16xf32>
        %lt3A_289 = arith.cmpi slt, %add3A_50, %gather3A_201 : vector<16xi32>
        %mul3A_290 = arith.mulf %select_n3A_273, %get3A_285 : vector<16xf32>
        %select_n3A_291 = arith.select %lt3A_289, %mul3A_290, %select_n3A_273 : vector<16xi1>, vector<16xf32>
        %get3A_292 = arith.index_cast %add3A_181 : i32 to index
        %get3A_293 = arith.constant 160 : index
        %get3A_294 = tpu.vector_load %arg7[%get3A_292, %get3A_293] {strides = array<i32>} : memref<128x200xf32, #tpu.memory_space<vmem>>, vector<16xf32>,
        %lt3A_295 = arith.cmpi slt, %add3A_53, %gather3A_191 : vector<16xi32>
        %mul3A_296 = arith.mulf %select_n3A_279, %get3A_294 : vector<16xf32>
        %select_n3A_297 = arith.select %lt3A_295, %mul3A_296, %select_n3A_279 : vector<16xi1>, vector<16xf32>
        %lt3A_298 = arith.cmpi slt, %add3A_53, %gather3A_201 : vector<16xi32>
        %mul3A_299 = arith.mulf %select_n3A_282, %get3A_294 : vector<16xf32>
        %select_n3A_300 = arith.select %lt3A_298, %mul3A_299, %select_n3A_282 : vector<16xi1>, vector<16xf32>
        %get3A_301 = arith.index_cast %add3A_181 : i32 to index
        %get3A_302 = arith.constant 176 : index
        %get3A_303 = tpu.vector_load %arg7[%get3A_301, %get3A_302] {strides = array<i32>} : memref<128x200xf32, #tpu.memory_space<vmem>>, vector<16xf32>,
        %lt3A_304 = arith.cmpi slt, %add3A_56, %gather3A_191 : vector<16xi32>
        %mul3A_305 = arith.mulf %select_n3A_288, %get3A_303 : vector<16xf32>
        %select_n3A_306 = arith.select %lt3A_304, %mul3A_305, %select_n3A_288 : vector<16xi1>, vector<16xf32>
        %lt3A_307 = arith.cmpi slt, %add3A_56, %gather3A_201 : vector<16xi32>
        %mul3A_308 = arith.mulf %select_n3A_291, %get3A_303 : vector<16xf32>
        %select_n3A_309 = arith.select %lt3A_307, %mul3A_308, %select_n3A_291 : vector<16xi1>, vector<16xf32>
        %get3A_310 = arith.index_cast %add3A_181 : i32 to index
        %get3A_311 = arith.constant 184 : index
        %get3A_312 = tpu.vector_load %arg7[%get3A_310, %get3A_311] {strides = array<i32>} : memref<128x200xf32, #tpu.memory_space<vmem>>, vector<16xf32>,
        %lt3A_313 = arith.cmpi slt, %add3A_59, %gather3A_191 : vector<16xi32>
        %and3A = arith.andi %ge3A_61, %lt3A_313 : vector<16xi1>
        %lt3A_314 = arith.cmpi slt, %add3A_59, %gather3A_201 : vector<16xi32>
        %and3A_315 = arith.andi %ge3A_61, %lt3A_314 : vector<16xi1>
        %mul3A_316 = arith.mulf %select_n3A_297, %get3A_312 : vector<16xf32>
        %select_n3A_317 = arith.select %and3A, %mul3A_316, %select_n3A_297 : vector<16xi1>, vector<16xf32>
        %mul3A_318 = arith.mulf %select_n3A_300, %get3A_312 : vector<16xf32>
        %select_n3A_319 = arith.select %and3A_315, %mul3A_318, %select_n3A_300 : vector<16xi1>, vector<16xf32>
        %mul3A_320 = arith.mulf %select_n3A_317, %select_n3A_306 : vector<16xf32>
        %mul3A_321 = arith.mulf %select_n3A_319, %select_n3A_309 : vector<16xf32>
        %lt3A_322 = arith.constant 0 : i32
        %lt3A_323 = vector.broadcast %lt3A_322 : i32 to vector<16xi32>
        %lt3A_324 = arith.cmpi slt, %xor3A_11, %lt3A_323 : vector<16xi32>
        %add3A_325 = arith.constant 16 : i32
        %add3A_326 = vector.broadcast %add3A_325 : i32 to vector<16xi32>
        %add3A_327 = arith.addi %xor3A_11, %add3A_326 : vector<16xi32>
        %select_n3A_328 = arith.select %lt3A_324, %add3A_327, %xor3A_11 : vector<16xi1>, vector<16xi32>
        %broadcast_in_dim3A_329 = vector.shape_cast %select_n3A_328 : vector<16xi32> to vector<16x1xi32>
        %gather3A_330 = vector.shape_cast %broadcast_in_dim3A_329 : vector<16x1xi32> to vector<16xi32>
        %gather3A_331 = tpu.dynamic_gather %mul3A_320[%gather3A_330] in [0] : vector<16xf32>, vector<16xi32> -> vector<16xf32>
        %mul3A_332 = arith.mulf %mul3A_320, %gather3A_331 : vector<16xf32>
        %lt3A_333 = arith.constant 0 : i32
        %lt3A_334 = vector.broadcast %lt3A_333 : i32 to vector<16xi32>
        %lt3A_335 = arith.cmpi slt, %xor3A_11, %lt3A_334 : vector<16xi32>
        %add3A_336 = arith.constant 16 : i32
        %add3A_337 = vector.broadcast %add3A_336 : i32 to vector<16xi32>
        %add3A_338 = arith.addi %xor3A_11, %add3A_337 : vector<16xi32>
        %select_n3A_339 = arith.select %lt3A_335, %add3A_338, %xor3A_11 : vector<16xi1>, vector<16xi32>
        %broadcast_in_dim3A_340 = vector.shape_cast %select_n3A_339 : vector<16xi32> to vector<16x1xi32>
        %gather3A_341 = vector.shape_cast %broadcast_in_dim3A_340 : vector<16x1xi32> to vector<16xi32>
        %gather3A_342 = tpu.dynamic_gather %mul3A_321[%gather3A_341] in [0] : vector<16xf32>, vector<16xi32> -> vector<16xf32>
        %mul3A_343 = arith.mulf %mul3A_321, %gather3A_342 : vector<16xf32>
        %lt3A_344 = arith.constant 0 : i32
        %lt3A_345 = vector.broadcast %lt3A_344 : i32 to vector<16xi32>
        %lt3A_346 = arith.cmpi slt, %xor3A_14, %lt3A_345 : vector<16xi32>
        %add3A_347 = arith.constant 16 : i32
        %add3A_348 = vector.broadcast %add3A_347 : i32 to vector<16xi32>
        %add3A_349 = arith.addi %xor3A_14, %add3A_348 : vector<16xi32>
        %select_n3A_350 = arith.select %lt3A_346, %add3A_349, %xor3A_14 : vector<16xi1>, vector<16xi32>
        %broadcast_in_dim3A_351 = vector.shape_cast %select_n3A_350 : vector<16xi32> to vector<16x1xi32>
        %gather3A_352 = vector.shape_cast %broadcast_in_dim3A_351 : vector<16x1xi32> to vector<16xi32>
        %gather3A_353 = tpu.dynamic_gather %mul3A_332[%gather3A_352] in [0] : vector<16xf32>, vector<16xi32> -> vector<16xf32>
        %mul3A_354 = arith.mulf %mul3A_332, %gather3A_353 : vector<16xf32>
        %lt3A_355 = arith.constant 0 : i32
        %lt3A_356 = vector.broadcast %lt3A_355 : i32 to vector<16xi32>
        %lt3A_357 = arith.cmpi slt, %xor3A_14, %lt3A_356 : vector<16xi32>
        %add3A_358 = arith.constant 16 : i32
        %add3A_359 = vector.broadcast %add3A_358 : i32 to vector<16xi32>
        %add3A_360 = arith.addi %xor3A_14, %add3A_359 : vector<16xi32>
        %select_n3A_361 = arith.select %lt3A_357, %add3A_360, %xor3A_14 : vector<16xi1>, vector<16xi32>
        %broadcast_in_dim3A_362 = vector.shape_cast %select_n3A_361 : vector<16xi32> to vector<16x1xi32>
        %gather3A_363 = vector.shape_cast %broadcast_in_dim3A_362 : vector<16x1xi32> to vector<16xi32>
        %gather3A_364 = tpu.dynamic_gather %mul3A_343[%gather3A_363] in [0] : vector<16xf32>, vector<16xi32> -> vector<16xf32>
        %mul3A_365 = arith.mulf %mul3A_343, %gather3A_364 : vector<16xf32>
        %lt3A_366 = arith.constant 0 : i32
        %lt3A_367 = vector.broadcast %lt3A_366 : i32 to vector<16xi32>
        %lt3A_368 = arith.cmpi slt, %xor3A_17, %lt3A_367 : vector<16xi32>
        %add3A_369 = arith.constant 16 : i32
        %add3A_370 = vector.broadcast %add3A_369 : i32 to vector<16xi32>
        %add3A_371 = arith.addi %xor3A_17, %add3A_370 : vector<16xi32>
        %select_n3A_372 = arith.select %lt3A_368, %add3A_371, %xor3A_17 : vector<16xi1>, vector<16xi32>
        %broadcast_in_dim3A_373 = vector.shape_cast %select_n3A_372 : vector<16xi32> to vector<16x1xi32>
        %gather3A_374 = vector.shape_cast %broadcast_in_dim3A_373 : vector<16x1xi32> to vector<16xi32>
        %gather3A_375 = tpu.dynamic_gather %mul3A_354[%gather3A_374] in [0] : vector<16xf32>, vector<16xi32> -> vector<16xf32>
        %mul3A_376 = arith.mulf %mul3A_354, %gather3A_375 : vector<16xf32>
        %lt3A_377 = arith.constant 0 : i32
        %lt3A_378 = vector.broadcast %lt3A_377 : i32 to vector<16xi32>
        %lt3A_379 = arith.cmpi slt, %xor3A_17, %lt3A_378 : vector<16xi32>
        %add3A_380 = arith.constant 16 : i32
        %add3A_381 = vector.broadcast %add3A_380 : i32 to vector<16xi32>
        %add3A_382 = arith.addi %xor3A_17, %add3A_381 : vector<16xi32>
        %select_n3A_383 = arith.select %lt3A_379, %add3A_382, %xor3A_17 : vector<16xi1>, vector<16xi32>
        %broadcast_in_dim3A_384 = vector.shape_cast %select_n3A_383 : vector<16xi32> to vector<16x1xi32>
        %gather3A_385 = vector.shape_cast %broadcast_in_dim3A_384 : vector<16x1xi32> to vector<16xi32>
        %gather3A_386 = tpu.dynamic_gather %mul3A_365[%gather3A_385] in [0] : vector<16xf32>, vector<16xi32> -> vector<16xf32>
        %mul3A_387 = arith.mulf %mul3A_365, %gather3A_386 : vector<16xf32>
        %lt3A_388 = arith.constant 0 : i32
        %lt3A_389 = vector.broadcast %lt3A_388 : i32 to vector<16xi32>
        %lt3A_390 = arith.cmpi slt, %xor3A_20, %lt3A_389 : vector<16xi32>
        %add3A_391 = arith.constant 16 : i32
        %add3A_392 = vector.broadcast %add3A_391 : i32 to vector<16xi32>
        %add3A_393 = arith.addi %xor3A_20, %add3A_392 : vector<16xi32>
        %select_n3A_394 = arith.select %lt3A_390, %add3A_393, %xor3A_20 : vector<16xi1>, vector<16xi32>
        %broadcast_in_dim3A_395 = vector.shape_cast %select_n3A_394 : vector<16xi32> to vector<16x1xi32>
        %gather3A_396 = vector.shape_cast %broadcast_in_dim3A_395 : vector<16x1xi32> to vector<16xi32>
        %gather3A_397 = tpu.dynamic_gather %mul3A_376[%gather3A_396] in [0] : vector<16xf32>, vector<16xi32> -> vector<16xf32>
        %mul3A_398 = arith.mulf %mul3A_376, %gather3A_397 : vector<16xf32>
        %lt3A_399 = arith.constant 0 : i32
        %lt3A_400 = vector.broadcast %lt3A_399 : i32 to vector<16xi32>
        %lt3A_401 = arith.cmpi slt, %xor3A_20, %lt3A_400 : vector<16xi32>
        %add3A_402 = arith.constant 16 : i32
        %add3A_403 = vector.broadcast %add3A_402 : i32 to vector<16xi32>
        %add3A_404 = arith.addi %xor3A_20, %add3A_403 : vector<16xi32>
        %select_n3A_405 = arith.select %lt3A_401, %add3A_404, %xor3A_20 : vector<16xi1>, vector<16xi32>
        %broadcast_in_dim3A_406 = vector.shape_cast %select_n3A_405 : vector<16xi32> to vector<16x1xi32>
        %gather3A_407 = vector.shape_cast %broadcast_in_dim3A_406 : vector<16x1xi32> to vector<16xi32>
        %gather3A_408 = tpu.dynamic_gather %mul3A_387[%gather3A_407] in [0] : vector<16xf32>, vector<16xi32> -> vector<16xf32>
        %mul3A_409 = arith.mulf %mul3A_387, %gather3A_408 : vector<16xf32>
        %add3A_410 = arith.constant 384 : i32
        %add3A_411 = arith.addi %add3A_410, %add3A_181 : i32
        %swap3A_412 = arith.index_cast %add3A_411 : i32 to index
        %swap3A_413 = tpu.vector_load %arg10[%swap3A_412] masked %eq3A_9 {strides = array<i32>} : memref<528xf32, #tpu.memory_space<vmem>>, vector<16xf32>, vector<16xi1>
        tpu.vector_store %arg10[%swap3A_412], %mul3A_398 masked %eq3A_9 {strides = array<i32>} : memref<528xf32, #tpu.memory_space<vmem>>, vector<16xf32>, vector<16xi1>
        %swap3A_414 = arith.index_cast %add3A_411 : i32 to index
        %swap3A_415 = tpu.vector_load %arg11[%swap3A_414] masked %eq3A_9 {strides = array<i32>} : memref<528xf32, #tpu.memory_space<vmem>>, vector<16xf32>, vector<16xi1>
        tpu.vector_store %arg11[%swap3A_414], %mul3A_409 masked %eq3A_9 {strides = array<i32>} : memref<528xf32, #tpu.memory_space<vmem>>, vector<16xf32>, vector<16xi1>
        %scan3A_416 = arith.constant 1 : i32
        %scan3A_417 = arith.addi %scan3A_178, %scan3A_416 : i32
        %mul3A_418 = arith.constant 16 : i32
        %mul3A_419 = arith.muli %scan3A_155, %mul3A_418 : i32
        %add3A_420 = arith.addi %mul3A_419, %scan3A_417 : i32
        %broadcast_in_dim3A_421 = vector.broadcast %scan3A_417 : i32 to vector<16xi32>
        %lt3A_422 = arith.constant 0 : i32
        %lt3A_423 = vector.broadcast %lt3A_422 : i32 to vector<16xi32>
        %lt3A_424 = arith.cmpi slt, %broadcast_in_dim3A_421, %lt3A_423 : vector<16xi32>
        %add3A_425 = arith.constant 16 : i32
        %add3A_426 = vector.broadcast %add3A_425 : i32 to vector<16xi32>
        %add3A_427 = arith.addi %broadcast_in_dim3A_421, %add3A_426 : vector<16xi32>
        %select_n3A_428 = arith.select %lt3A_424, %add3A_427, %broadcast_in_dim3A_421 : vector<16xi1>, vector<16xi32>
        %broadcast_in_dim3A_429 = vector.shape_cast %select_n3A_428 : vector<16xi32> to vector<16x1xi32>
        %gather3A_430 = vector.shape_cast %broadcast_in_dim3A_429 : vector<16x1xi32> to vector<16xi32>
        %gather3A_431 = tpu.dynamic_gather %gather3A_160[%gather3A_430] in [0] : vector<16xi32>, vector<16xi32> -> vector<16xi32>
        %lt3A_432 = arith.constant 0 : i32
        %lt3A_433 = vector.broadcast %lt3A_432 : i32 to vector<16xi32>
        %lt3A_434 = arith.cmpi slt, %broadcast_in_dim3A_421, %lt3A_433 : vector<16xi32>
        %add3A_435 = arith.constant 16 : i32
        %add3A_436 = vector.broadcast %add3A_435 : i32 to vector<16xi32>
        %add3A_437 = arith.addi %broadcast_in_dim3A_421, %add3A_436 : vector<16xi32>
        %select_n3A_438 = arith.select %lt3A_434, %add3A_437, %broadcast_in_dim3A_421 : vector<16xi1>, vector<16xi32>
        %broadcast_in_dim3A_439 = vector.shape_cast %select_n3A_438 : vector<16xi32> to vector<16x1xi32>
        %gather3A_440 = vector.shape_cast %broadcast_in_dim3A_439 : vector<16x1xi32> to vector<16xi32>
        %gather3A_441 = tpu.dynamic_gather %gather3A[%gather3A_440] in [0] : vector<16xi32>, vector<16xi32> -> vector<16xi32>
        %get3A_442 = arith.index_cast %add3A_420 : i32 to index
        %get3A_443 = arith.constant 0 : index
        %get3A_444 = tpu.vector_load %arg7[%get3A_442, %get3A_443] {strides = array<i32>} : memref<128x200xf32, #tpu.memory_space<vmem>>, vector<16xf32>,
        %lt3A_445 = arith.cmpi slt, %add3A_23, %gather3A_431 : vector<16xi32>
        %mul3A_446 = arith.mulf %broadcast_in_dim3A_7, %get3A_444 : vector<16xf32>
        %select_n3A_447 = arith.select %lt3A_445, %mul3A_446, %broadcast_in_dim3A_7 : vector<16xi1>, vector<16xf32>
        %lt3A_448 = arith.cmpi slt, %add3A_23, %gather3A_441 : vector<16xi32>
        %mul3A_449 = arith.mulf %broadcast_in_dim3A_7, %get3A_444 : vector<16xf32>
        %select_n3A_450 = arith.select %lt3A_448, %mul3A_449, %broadcast_in_dim3A_7 : vector<16xi1>, vector<16xf32>
        %get3A_451 = arith.index_cast %add3A_420 : i32 to index
        %get3A_452 = arith.constant 16 : index
        %get3A_453 = tpu.vector_load %arg7[%get3A_451, %get3A_452] {strides = array<i32>} : memref<128x200xf32, #tpu.memory_space<vmem>>, vector<16xf32>,
        %lt3A_454 = arith.cmpi slt, %add3A_26, %gather3A_431 : vector<16xi32>
        %mul3A_455 = arith.mulf %broadcast_in_dim3A_7, %get3A_453 : vector<16xf32>
        %select_n3A_456 = arith.select %lt3A_454, %mul3A_455, %broadcast_in_dim3A_7 : vector<16xi1>, vector<16xf32>
        %lt3A_457 = arith.cmpi slt, %add3A_26, %gather3A_441 : vector<16xi32>
        %mul3A_458 = arith.mulf %broadcast_in_dim3A_7, %get3A_453 : vector<16xf32>
        %select_n3A_459 = arith.select %lt3A_457, %mul3A_458, %broadcast_in_dim3A_7 : vector<16xi1>, vector<16xf32>
        %get3A_460 = arith.index_cast %add3A_420 : i32 to index
        %get3A_461 = arith.constant 32 : index
        %get3A_462 = tpu.vector_load %arg7[%get3A_460, %get3A_461] {strides = array<i32>} : memref<128x200xf32, #tpu.memory_space<vmem>>, vector<16xf32>,
        %lt3A_463 = arith.cmpi slt, %add3A_29, %gather3A_431 : vector<16xi32>
        %mul3A_464 = arith.mulf %select_n3A_447, %get3A_462 : vector<16xf32>
        %select_n3A_465 = arith.select %lt3A_463, %mul3A_464, %select_n3A_447 : vector<16xi1>, vector<16xf32>
        %lt3A_466 = arith.cmpi slt, %add3A_29, %gather3A_441 : vector<16xi32>
        %mul3A_467 = arith.mulf %select_n3A_450, %get3A_462 : vector<16xf32>
        %select_n3A_468 = arith.select %lt3A_466, %mul3A_467, %select_n3A_450 : vector<16xi1>, vector<16xf32>
        %get3A_469 = arith.index_cast %add3A_420 : i32 to index
        %get3A_470 = arith.constant 48 : index
        %get3A_471 = tpu.vector_load %arg7[%get3A_469, %get3A_470] {strides = array<i32>} : memref<128x200xf32, #tpu.memory_space<vmem>>, vector<16xf32>,
        %lt3A_472 = arith.cmpi slt, %add3A_32, %gather3A_431 : vector<16xi32>
        %mul3A_473 = arith.mulf %select_n3A_456, %get3A_471 : vector<16xf32>
        %select_n3A_474 = arith.select %lt3A_472, %mul3A_473, %select_n3A_456 : vector<16xi1>, vector<16xf32>
        %lt3A_475 = arith.cmpi slt, %add3A_32, %gather3A_441 : vector<16xi32>
        %mul3A_476 = arith.mulf %select_n3A_459, %get3A_471 : vector<16xf32>
        %select_n3A_477 = arith.select %lt3A_475, %mul3A_476, %select_n3A_459 : vector<16xi1>, vector<16xf32>
        %get3A_478 = arith.index_cast %add3A_420 : i32 to index
        %get3A_479 = arith.constant 64 : index
        %get3A_480 = tpu.vector_load %arg7[%get3A_478, %get3A_479] {strides = array<i32>} : memref<128x200xf32, #tpu.memory_space<vmem>>, vector<16xf32>,
        %lt3A_481 = arith.cmpi slt, %add3A_35, %gather3A_431 : vector<16xi32>
        %mul3A_482 = arith.mulf %select_n3A_465, %get3A_480 : vector<16xf32>
        %select_n3A_483 = arith.select %lt3A_481, %mul3A_482, %select_n3A_465 : vector<16xi1>, vector<16xf32>
        %lt3A_484 = arith.cmpi slt, %add3A_35, %gather3A_441 : vector<16xi32>
        %mul3A_485 = arith.mulf %select_n3A_468, %get3A_480 : vector<16xf32>
        %select_n3A_486 = arith.select %lt3A_484, %mul3A_485, %select_n3A_468 : vector<16xi1>, vector<16xf32>
        %get3A_487 = arith.index_cast %add3A_420 : i32 to index
        %get3A_488 = arith.constant 80 : index
        %get3A_489 = tpu.vector_load %arg7[%get3A_487, %get3A_488] {strides = array<i32>} : memref<128x200xf32, #tpu.memory_space<vmem>>, vector<16xf32>,
        %lt3A_490 = arith.cmpi slt, %add3A_38, %gather3A_431 : vector<16xi32>
        %mul3A_491 = arith.mulf %select_n3A_474, %get3A_489 : vector<16xf32>
        %select_n3A_492 = arith.select %lt3A_490, %mul3A_491, %select_n3A_474 : vector<16xi1>, vector<16xf32>
        %lt3A_493 = arith.cmpi slt, %add3A_38, %gather3A_441 : vector<16xi32>
        %mul3A_494 = arith.mulf %select_n3A_477, %get3A_489 : vector<16xf32>
        %select_n3A_495 = arith.select %lt3A_493, %mul3A_494, %select_n3A_477 : vector<16xi1>, vector<16xf32>
        %get3A_496 = arith.index_cast %add3A_420 : i32 to index
        %get3A_497 = arith.constant 96 : index
        %get3A_498 = tpu.vector_load %arg7[%get3A_496, %get3A_497] {strides = array<i32>} : memref<128x200xf32, #tpu.memory_space<vmem>>, vector<16xf32>,
        %lt3A_499 = arith.cmpi slt, %add3A_41, %gather3A_431 : vector<16xi32>
        %mul3A_500 = arith.mulf %select_n3A_483, %get3A_498 : vector<16xf32>
        %select_n3A_501 = arith.select %lt3A_499, %mul3A_500, %select_n3A_483 : vector<16xi1>, vector<16xf32>
        %lt3A_502 = arith.cmpi slt, %add3A_41, %gather3A_441 : vector<16xi32>
        %mul3A_503 = arith.mulf %select_n3A_486, %get3A_498 : vector<16xf32>
        %select_n3A_504 = arith.select %lt3A_502, %mul3A_503, %select_n3A_486 : vector<16xi1>, vector<16xf32>
        %get3A_505 = arith.index_cast %add3A_420 : i32 to index
        %get3A_506 = arith.constant 112 : index
        %get3A_507 = tpu.vector_load %arg7[%get3A_505, %get3A_506] {strides = array<i32>} : memref<128x200xf32, #tpu.memory_space<vmem>>, vector<16xf32>,
        %lt3A_508 = arith.cmpi slt, %add3A_44, %gather3A_431 : vector<16xi32>
        %mul3A_509 = arith.mulf %select_n3A_492, %get3A_507 : vector<16xf32>
        %select_n3A_510 = arith.select %lt3A_508, %mul3A_509, %select_n3A_492 : vector<16xi1>, vector<16xf32>
        %lt3A_511 = arith.cmpi slt, %add3A_44, %gather3A_441 : vector<16xi32>
        %mul3A_512 = arith.mulf %select_n3A_495, %get3A_507 : vector<16xf32>
        %select_n3A_513 = arith.select %lt3A_511, %mul3A_512, %select_n3A_495 : vector<16xi1>, vector<16xf32>
        %get3A_514 = arith.index_cast %add3A_420 : i32 to index
        %get3A_515 = arith.constant 128 : index
        %get3A_516 = tpu.vector_load %arg7[%get3A_514, %get3A_515] {strides = array<i32>} : memref<128x200xf32, #tpu.memory_space<vmem>>, vector<16xf32>,
        %lt3A_517 = arith.cmpi slt, %add3A_47, %gather3A_431 : vector<16xi32>
        %mul3A_518 = arith.mulf %select_n3A_501, %get3A_516 : vector<16xf32>
        %select_n3A_519 = arith.select %lt3A_517, %mul3A_518, %select_n3A_501 : vector<16xi1>, vector<16xf32>
        %lt3A_520 = arith.cmpi slt, %add3A_47, %gather3A_441 : vector<16xi32>
        %mul3A_521 = arith.mulf %select_n3A_504, %get3A_516 : vector<16xf32>
        %select_n3A_522 = arith.select %lt3A_520, %mul3A_521, %select_n3A_504 : vector<16xi1>, vector<16xf32>
        %get3A_523 = arith.index_cast %add3A_420 : i32 to index
        %get3A_524 = arith.constant 144 : index
        %get3A_525 = tpu.vector_load %arg7[%get3A_523, %get3A_524] {strides = array<i32>} : memref<128x200xf32, #tpu.memory_space<vmem>>, vector<16xf32>,
        %lt3A_526 = arith.cmpi slt, %add3A_50, %gather3A_431 : vector<16xi32>
        %mul3A_527 = arith.mulf %select_n3A_510, %get3A_525 : vector<16xf32>
        %select_n3A_528 = arith.select %lt3A_526, %mul3A_527, %select_n3A_510 : vector<16xi1>, vector<16xf32>
        %lt3A_529 = arith.cmpi slt, %add3A_50, %gather3A_441 : vector<16xi32>
        %mul3A_530 = arith.mulf %select_n3A_513, %get3A_525 : vector<16xf32>
        %select_n3A_531 = arith.select %lt3A_529, %mul3A_530, %select_n3A_513 : vector<16xi1>, vector<16xf32>
        %get3A_532 = arith.index_cast %add3A_420 : i32 to index
        %get3A_533 = arith.constant 160 : index
        %get3A_534 = tpu.vector_load %arg7[%get3A_532, %get3A_533] {strides = array<i32>} : memref<128x200xf32, #tpu.memory_space<vmem>>, vector<16xf32>,
        %lt3A_535 = arith.cmpi slt, %add3A_53, %gather3A_431 : vector<16xi32>
        %mul3A_536 = arith.mulf %select_n3A_519, %get3A_534 : vector<16xf32>
        %select_n3A_537 = arith.select %lt3A_535, %mul3A_536, %select_n3A_519 : vector<16xi1>, vector<16xf32>
        %lt3A_538 = arith.cmpi slt, %add3A_53, %gather3A_441 : vector<16xi32>
        %mul3A_539 = arith.mulf %select_n3A_522, %get3A_534 : vector<16xf32>
        %select_n3A_540 = arith.select %lt3A_538, %mul3A_539, %select_n3A_522 : vector<16xi1>, vector<16xf32>
        %get3A_541 = arith.index_cast %add3A_420 : i32 to index
        %get3A_542 = arith.constant 176 : index
        %get3A_543 = tpu.vector_load %arg7[%get3A_541, %get3A_542] {strides = array<i32>} : memref<128x200xf32, #tpu.memory_space<vmem>>, vector<16xf32>,
        %lt3A_544 = arith.cmpi slt, %add3A_56, %gather3A_431 : vector<16xi32>
        %mul3A_545 = arith.mulf %select_n3A_528, %get3A_543 : vector<16xf32>
        %select_n3A_546 = arith.select %lt3A_544, %mul3A_545, %select_n3A_528 : vector<16xi1>, vector<16xf32>
        %lt3A_547 = arith.cmpi slt, %add3A_56, %gather3A_441 : vector<16xi32>
        %mul3A_548 = arith.mulf %select_n3A_531, %get3A_543 : vector<16xf32>
        %select_n3A_549 = arith.select %lt3A_547, %mul3A_548, %select_n3A_531 : vector<16xi1>, vector<16xf32>
        %get3A_550 = arith.index_cast %add3A_420 : i32 to index
        %get3A_551 = arith.constant 184 : index
        %get3A_552 = tpu.vector_load %arg7[%get3A_550, %get3A_551] {strides = array<i32>} : memref<128x200xf32, #tpu.memory_space<vmem>>, vector<16xf32>,
        %lt3A_553 = arith.cmpi slt, %add3A_59, %gather3A_431 : vector<16xi32>
        %and3A_554 = arith.andi %ge3A_61, %lt3A_553 : vector<16xi1>
        %lt3A_555 = arith.cmpi slt, %add3A_59, %gather3A_441 : vector<16xi32>
        %and3A_556 = arith.andi %ge3A_61, %lt3A_555 : vector<16xi1>
        %mul3A_557 = arith.mulf %select_n3A_537, %get3A_552 : vector<16xf32>
        %select_n3A_558 = arith.select %and3A_554, %mul3A_557, %select_n3A_537 : vector<16xi1>, vector<16xf32>
        %mul3A_559 = arith.mulf %select_n3A_540, %get3A_552 : vector<16xf32>
        %select_n3A_560 = arith.select %and3A_556, %mul3A_559, %select_n3A_540 : vector<16xi1>, vector<16xf32>
        %mul3A_561 = arith.mulf %select_n3A_558, %select_n3A_546 : vector<16xf32>
        %mul3A_562 = arith.mulf %select_n3A_560, %select_n3A_549 : vector<16xf32>
        %lt3A_563 = arith.constant 0 : i32
        %lt3A_564 = vector.broadcast %lt3A_563 : i32 to vector<16xi32>
        %lt3A_565 = arith.cmpi slt, %xor3A_11, %lt3A_564 : vector<16xi32>
        %add3A_566 = arith.constant 16 : i32
        %add3A_567 = vector.broadcast %add3A_566 : i32 to vector<16xi32>
        %add3A_568 = arith.addi %xor3A_11, %add3A_567 : vector<16xi32>
        %select_n3A_569 = arith.select %lt3A_565, %add3A_568, %xor3A_11 : vector<16xi1>, vector<16xi32>
        %broadcast_in_dim3A_570 = vector.shape_cast %select_n3A_569 : vector<16xi32> to vector<16x1xi32>
        %gather3A_571 = vector.shape_cast %broadcast_in_dim3A_570 : vector<16x1xi32> to vector<16xi32>
        %gather3A_572 = tpu.dynamic_gather %mul3A_561[%gather3A_571] in [0] : vector<16xf32>, vector<16xi32> -> vector<16xf32>
        %mul3A_573 = arith.mulf %mul3A_561, %gather3A_572 : vector<16xf32>
        %lt3A_574 = arith.constant 0 : i32
        %lt3A_575 = vector.broadcast %lt3A_574 : i32 to vector<16xi32>
        %lt3A_576 = arith.cmpi slt, %xor3A_11, %lt3A_575 : vector<16xi32>
        %add3A_577 = arith.constant 16 : i32
        %add3A_578 = vector.broadcast %add3A_577 : i32 to vector<16xi32>
        %add3A_579 = arith.addi %xor3A_11, %add3A_578 : vector<16xi32>
        %select_n3A_580 = arith.select %lt3A_576, %add3A_579, %xor3A_11 : vector<16xi1>, vector<16xi32>
        %broadcast_in_dim3A_581 = vector.shape_cast %select_n3A_580 : vector<16xi32> to vector<16x1xi32>
        %gather3A_582 = vector.shape_cast %broadcast_in_dim3A_581 : vector<16x1xi32> to vector<16xi32>
        %gather3A_583 = tpu.dynamic_gather %mul3A_562[%gather3A_582] in [0] : vector<16xf32>, vector<16xi32> -> vector<16xf32>
        %mul3A_584 = arith.mulf %mul3A_562, %gather3A_583 : vector<16xf32>
        %lt3A_585 = arith.constant 0 : i32
        %lt3A_586 = vector.broadcast %lt3A_585 : i32 to vector<16xi32>
        %lt3A_587 = arith.cmpi slt, %xor3A_14, %lt3A_586 : vector<16xi32>
        %add3A_588 = arith.constant 16 : i32
        %add3A_589 = vector.broadcast %add3A_588 : i32 to vector<16xi32>
        %add3A_590 = arith.addi %xor3A_14, %add3A_589 : vector<16xi32>
        %select_n3A_591 = arith.select %lt3A_587, %add3A_590, %xor3A_14 : vector<16xi1>, vector<16xi32>
        %broadcast_in_dim3A_592 = vector.shape_cast %select_n3A_591 : vector<16xi32> to vector<16x1xi32>
        %gather3A_593 = vector.shape_cast %broadcast_in_dim3A_592 : vector<16x1xi32> to vector<16xi32>
        %gather3A_594 = tpu.dynamic_gather %mul3A_573[%gather3A_593] in [0] : vector<16xf32>, vector<16xi32> -> vector<16xf32>
        %mul3A_595 = arith.mulf %mul3A_573, %gather3A_594 : vector<16xf32>
        %lt3A_596 = arith.constant 0 : i32
        %lt3A_597 = vector.broadcast %lt3A_596 : i32 to vector<16xi32>
        %lt3A_598 = arith.cmpi slt, %xor3A_14, %lt3A_597 : vector<16xi32>
        %add3A_599 = arith.constant 16 : i32
        %add3A_600 = vector.broadcast %add3A_599 : i32 to vector<16xi32>
        %add3A_601 = arith.addi %xor3A_14, %add3A_600 : vector<16xi32>
        %select_n3A_602 = arith.select %lt3A_598, %add3A_601, %xor3A_14 : vector<16xi1>, vector<16xi32>
        %broadcast_in_dim3A_603 = vector.shape_cast %select_n3A_602 : vector<16xi32> to vector<16x1xi32>
        %gather3A_604 = vector.shape_cast %broadcast_in_dim3A_603 : vector<16x1xi32> to vector<16xi32>
        %gather3A_605 = tpu.dynamic_gather %mul3A_584[%gather3A_604] in [0] : vector<16xf32>, vector<16xi32> -> vector<16xf32>
        %mul3A_606 = arith.mulf %mul3A_584, %gather3A_605 : vector<16xf32>
        %lt3A_607 = arith.constant 0 : i32
        %lt3A_608 = vector.broadcast %lt3A_607 : i32 to vector<16xi32>
        %lt3A_609 = arith.cmpi slt, %xor3A_17, %lt3A_608 : vector<16xi32>
        %add3A_610 = arith.constant 16 : i32
        %add3A_611 = vector.broadcast %add3A_610 : i32 to vector<16xi32>
        %add3A_612 = arith.addi %xor3A_17, %add3A_611 : vector<16xi32>
        %select_n3A_613 = arith.select %lt3A_609, %add3A_612, %xor3A_17 : vector<16xi1>, vector<16xi32>
        %broadcast_in_dim3A_614 = vector.shape_cast %select_n3A_613 : vector<16xi32> to vector<16x1xi32>
        %gather3A_615 = vector.shape_cast %broadcast_in_dim3A_614 : vector<16x1xi32> to vector<16xi32>
        %gather3A_616 = tpu.dynamic_gather %mul3A_595[%gather3A_615] in [0] : vector<16xf32>, vector<16xi32> -> vector<16xf32>
        %mul3A_617 = arith.mulf %mul3A_595, %gather3A_616 : vector<16xf32>
        %lt3A_618 = arith.constant 0 : i32
        %lt3A_619 = vector.broadcast %lt3A_618 : i32 to vector<16xi32>
        %lt3A_620 = arith.cmpi slt, %xor3A_17, %lt3A_619 : vector<16xi32>
        %add3A_621 = arith.constant 16 : i32
        %add3A_622 = vector.broadcast %add3A_621 : i32 to vector<16xi32>
        %add3A_623 = arith.addi %xor3A_17, %add3A_622 : vector<16xi32>
        %select_n3A_624 = arith.select %lt3A_620, %add3A_623, %xor3A_17 : vector<16xi1>, vector<16xi32>
        %broadcast_in_dim3A_625 = vector.shape_cast %select_n3A_624 : vector<16xi32> to vector<16x1xi32>
        %gather3A_626 = vector.shape_cast %broadcast_in_dim3A_625 : vector<16x1xi32> to vector<16xi32>
        %gather3A_627 = tpu.dynamic_gather %mul3A_606[%gather3A_626] in [0] : vector<16xf32>, vector<16xi32> -> vector<16xf32>
        %mul3A_628 = arith.mulf %mul3A_606, %gather3A_627 : vector<16xf32>
        %lt3A_629 = arith.constant 0 : i32
        %lt3A_630 = vector.broadcast %lt3A_629 : i32 to vector<16xi32>
        %lt3A_631 = arith.cmpi slt, %xor3A_20, %lt3A_630 : vector<16xi32>
        %add3A_632 = arith.constant 16 : i32
        %add3A_633 = vector.broadcast %add3A_632 : i32 to vector<16xi32>
        %add3A_634 = arith.addi %xor3A_20, %add3A_633 : vector<16xi32>
        %select_n3A_635 = arith.select %lt3A_631, %add3A_634, %xor3A_20 : vector<16xi1>, vector<16xi32>
        %broadcast_in_dim3A_636 = vector.shape_cast %select_n3A_635 : vector<16xi32> to vector<16x1xi32>
        %gather3A_637 = vector.shape_cast %broadcast_in_dim3A_636 : vector<16x1xi32> to vector<16xi32>
        %gather3A_638 = tpu.dynamic_gather %mul3A_617[%gather3A_637] in [0] : vector<16xf32>, vector<16xi32> -> vector<16xf32>
        %mul3A_639 = arith.mulf %mul3A_617, %gather3A_638 : vector<16xf32>
        %lt3A_640 = arith.constant 0 : i32
        %lt3A_641 = vector.broadcast %lt3A_640 : i32 to vector<16xi32>
        %lt3A_642 = arith.cmpi slt, %xor3A_20, %lt3A_641 : vector<16xi32>
        %add3A_643 = arith.constant 16 : i32
        %add3A_644 = vector.broadcast %add3A_643 : i32 to vector<16xi32>
        %add3A_645 = arith.addi %xor3A_20, %add3A_644 : vector<16xi32>
        %select_n3A_646 = arith.select %lt3A_642, %add3A_645, %xor3A_20 : vector<16xi1>, vector<16xi32>
        %broadcast_in_dim3A_647 = vector.shape_cast %select_n3A_646 : vector<16xi32> to vector<16x1xi32>
        %gather3A_648 = vector.shape_cast %broadcast_in_dim3A_647 : vector<16x1xi32> to vector<16xi32>
        %gather3A_649 = tpu.dynamic_gather %mul3A_628[%gather3A_648] in [0] : vector<16xf32>, vector<16xi32> -> vector<16xf32>
        %mul3A_650 = arith.mulf %mul3A_628, %gather3A_649 : vector<16xf32>
        %add3A_651 = arith.constant 384 : i32
        %add3A_652 = arith.addi %add3A_651, %add3A_420 : i32
        %swap3A_653 = arith.index_cast %add3A_652 : i32 to index
        %swap3A_654 = tpu.vector_load %arg10[%swap3A_653] masked %eq3A_9 {strides = array<i32>} : memref<528xf32, #tpu.memory_space<vmem>>, vector<16xf32>, vector<16xi1>
        tpu.vector_store %arg10[%swap3A_653], %mul3A_639 masked %eq3A_9 {strides = array<i32>} : memref<528xf32, #tpu.memory_space<vmem>>, vector<16xf32>, vector<16xi1>
        %swap3A_655 = arith.index_cast %add3A_652 : i32 to index
        %swap3A_656 = tpu.vector_load %arg11[%swap3A_655] masked %eq3A_9 {strides = array<i32>} : memref<528xf32, #tpu.memory_space<vmem>>, vector<16xf32>, vector<16xi1>
        tpu.vector_store %arg11[%swap3A_655], %mul3A_650 masked %eq3A_9 {strides = array<i32>} : memref<528xf32, #tpu.memory_space<vmem>>, vector<16xf32>, vector<16xi1>
        %scan3A_657 = arith.constant 2 : i32
        %scan3A_658 = arith.addi %scan3A_178, %scan3A_657 : i32
        %mul3A_659 = arith.constant 16 : i32
        %mul3A_660 = arith.muli %scan3A_155, %mul3A_659 : i32
        %add3A_661 = arith.addi %mul3A_660, %scan3A_658 : i32
        %broadcast_in_dim3A_662 = vector.broadcast %scan3A_658 : i32 to vector<16xi32>
        %lt3A_663 = arith.constant 0 : i32
        %lt3A_664 = vector.broadcast %lt3A_663 : i32 to vector<16xi32>
        %lt3A_665 = arith.cmpi slt, %broadcast_in_dim3A_662, %lt3A_664 : vector<16xi32>
        %add3A_666 = arith.constant 16 : i32
        %add3A_667 = vector.broadcast %add3A_666 : i32 to vector<16xi32>
        %add3A_668 = arith.addi %broadcast_in_dim3A_662, %add3A_667 : vector<16xi32>
        %select_n3A_669 = arith.select %lt3A_665, %add3A_668, %broadcast_in_dim3A_662 : vector<16xi1>, vector<16xi32>
        %broadcast_in_dim3A_670 = vector.shape_cast %select_n3A_669 : vector<16xi32> to vector<16x1xi32>
        %gather3A_671 = vector.shape_cast %broadcast_in_dim3A_670 : vector<16x1xi32> to vector<16xi32>
        %gather3A_672 = tpu.dynamic_gather %gather3A_160[%gather3A_671] in [0] : vector<16xi32>, vector<16xi32> -> vector<16xi32>
        %lt3A_673 = arith.constant 0 : i32
        %lt3A_674 = vector.broadcast %lt3A_673 : i32 to vector<16xi32>
        %lt3A_675 = arith.cmpi slt, %broadcast_in_dim3A_662, %lt3A_674 : vector<16xi32>
        %add3A_676 = arith.constant 16 : i32
        %add3A_677 = vector.broadcast %add3A_676 : i32 to vector<16xi32>
        %add3A_678 = arith.addi %broadcast_in_dim3A_662, %add3A_677 : vector<16xi32>
        %select_n3A_679 = arith.select %lt3A_675, %add3A_678, %broadcast_in_dim3A_662 : vector<16xi1>, vector<16xi32>
        %broadcast_in_dim3A_680 = vector.shape_cast %select_n3A_679 : vector<16xi32> to vector<16x1xi32>
        %gather3A_681 = vector.shape_cast %broadcast_in_dim3A_680 : vector<16x1xi32> to vector<16xi32>
        %gather3A_682 = tpu.dynamic_gather %gather3A[%gather3A_681] in [0] : vector<16xi32>, vector<16xi32> -> vector<16xi32>
        %get3A_683 = arith.index_cast %add3A_661 : i32 to index
        %get3A_684 = arith.constant 0 : index
        %get3A_685 = tpu.vector_load %arg7[%get3A_683, %get3A_684] {strides = array<i32>} : memref<128x200xf32, #tpu.memory_space<vmem>>, vector<16xf32>,
        %lt3A_686 = arith.cmpi slt, %add3A_23, %gather3A_672 : vector<16xi32>
        %mul3A_687 = arith.mulf %broadcast_in_dim3A_7, %get3A_685 : vector<16xf32>
        %select_n3A_688 = arith.select %lt3A_686, %mul3A_687, %broadcast_in_dim3A_7 : vector<16xi1>, vector<16xf32>
        %lt3A_689 = arith.cmpi slt, %add3A_23, %gather3A_682 : vector<16xi32>
        %mul3A_690 = arith.mulf %broadcast_in_dim3A_7, %get3A_685 : vector<16xf32>
        %select_n3A_691 = arith.select %lt3A_689, %mul3A_690, %broadcast_in_dim3A_7 : vector<16xi1>, vector<16xf32>
        %get3A_692 = arith.index_cast %add3A_661 : i32 to index
        %get3A_693 = arith.constant 16 : index
        %get3A_694 = tpu.vector_load %arg7[%get3A_692, %get3A_693] {strides = array<i32>} : memref<128x200xf32, #tpu.memory_space<vmem>>, vector<16xf32>,
        %lt3A_695 = arith.cmpi slt, %add3A_26, %gather3A_672 : vector<16xi32>
        %mul3A_696 = arith.mulf %broadcast_in_dim3A_7, %get3A_694 : vector<16xf32>
        %select_n3A_697 = arith.select %lt3A_695, %mul3A_696, %broadcast_in_dim3A_7 : vector<16xi1>, vector<16xf32>
        %lt3A_698 = arith.cmpi slt, %add3A_26, %gather3A_682 : vector<16xi32>
        %mul3A_699 = arith.mulf %broadcast_in_dim3A_7, %get3A_694 : vector<16xf32>
        %select_n3A_700 = arith.select %lt3A_698, %mul3A_699, %broadcast_in_dim3A_7 : vector<16xi1>, vector<16xf32>
        %get3A_701 = arith.index_cast %add3A_661 : i32 to index
        %get3A_702 = arith.constant 32 : index
        %get3A_703 = tpu.vector_load %arg7[%get3A_701, %get3A_702] {strides = array<i32>} : memref<128x200xf32, #tpu.memory_space<vmem>>, vector<16xf32>,
        %lt3A_704 = arith.cmpi slt, %add3A_29, %gather3A_672 : vector<16xi32>
        %mul3A_705 = arith.mulf %select_n3A_688, %get3A_703 : vector<16xf32>
        %select_n3A_706 = arith.select %lt3A_704, %mul3A_705, %select_n3A_688 : vector<16xi1>, vector<16xf32>
        %lt3A_707 = arith.cmpi slt, %add3A_29, %gather3A_682 : vector<16xi32>
        %mul3A_708 = arith.mulf %select_n3A_691, %get3A_703 : vector<16xf32>
        %select_n3A_709 = arith.select %lt3A_707, %mul3A_708, %select_n3A_691 : vector<16xi1>, vector<16xf32>
        %get3A_710 = arith.index_cast %add3A_661 : i32 to index
        %get3A_711 = arith.constant 48 : index
        %get3A_712 = tpu.vector_load %arg7[%get3A_710, %get3A_711] {strides = array<i32>} : memref<128x200xf32, #tpu.memory_space<vmem>>, vector<16xf32>,
        %lt3A_713 = arith.cmpi slt, %add3A_32, %gather3A_672 : vector<16xi32>
        %mul3A_714 = arith.mulf %select_n3A_697, %get3A_712 : vector<16xf32>
        %select_n3A_715 = arith.select %lt3A_713, %mul3A_714, %select_n3A_697 : vector<16xi1>, vector<16xf32>
        %lt3A_716 = arith.cmpi slt, %add3A_32, %gather3A_682 : vector<16xi32>
        %mul3A_717 = arith.mulf %select_n3A_700, %get3A_712 : vector<16xf32>
        %select_n3A_718 = arith.select %lt3A_716, %mul3A_717, %select_n3A_700 : vector<16xi1>, vector<16xf32>
        %get3A_719 = arith.index_cast %add3A_661 : i32 to index
        %get3A_720 = arith.constant 64 : index
        %get3A_721 = tpu.vector_load %arg7[%get3A_719, %get3A_720] {strides = array<i32>} : memref<128x200xf32, #tpu.memory_space<vmem>>, vector<16xf32>,
        %lt3A_722 = arith.cmpi slt, %add3A_35, %gather3A_672 : vector<16xi32>
        %mul3A_723 = arith.mulf %select_n3A_706, %get3A_721 : vector<16xf32>
        %select_n3A_724 = arith.select %lt3A_722, %mul3A_723, %select_n3A_706 : vector<16xi1>, vector<16xf32>
        %lt3A_725 = arith.cmpi slt, %add3A_35, %gather3A_682 : vector<16xi32>
        %mul3A_726 = arith.mulf %select_n3A_709, %get3A_721 : vector<16xf32>
        %select_n3A_727 = arith.select %lt3A_725, %mul3A_726, %select_n3A_709 : vector<16xi1>, vector<16xf32>
        %get3A_728 = arith.index_cast %add3A_661 : i32 to index
        %get3A_729 = arith.constant 80 : index
        %get3A_730 = tpu.vector_load %arg7[%get3A_728, %get3A_729] {strides = array<i32>} : memref<128x200xf32, #tpu.memory_space<vmem>>, vector<16xf32>,
        %lt3A_731 = arith.cmpi slt, %add3A_38, %gather3A_672 : vector<16xi32>
        %mul3A_732 = arith.mulf %select_n3A_715, %get3A_730 : vector<16xf32>
        %select_n3A_733 = arith.select %lt3A_731, %mul3A_732, %select_n3A_715 : vector<16xi1>, vector<16xf32>
        %lt3A_734 = arith.cmpi slt, %add3A_38, %gather3A_682 : vector<16xi32>
        %mul3A_735 = arith.mulf %select_n3A_718, %get3A_730 : vector<16xf32>
        %select_n3A_736 = arith.select %lt3A_734, %mul3A_735, %select_n3A_718 : vector<16xi1>, vector<16xf32>
        %get3A_737 = arith.index_cast %add3A_661 : i32 to index
        %get3A_738 = arith.constant 96 : index
        %get3A_739 = tpu.vector_load %arg7[%get3A_737, %get3A_738] {strides = array<i32>} : memref<128x200xf32, #tpu.memory_space<vmem>>, vector<16xf32>,
        %lt3A_740 = arith.cmpi slt, %add3A_41, %gather3A_672 : vector<16xi32>
        %mul3A_741 = arith.mulf %select_n3A_724, %get3A_739 : vector<16xf32>
        %select_n3A_742 = arith.select %lt3A_740, %mul3A_741, %select_n3A_724 : vector<16xi1>, vector<16xf32>
        %lt3A_743 = arith.cmpi slt, %add3A_41, %gather3A_682 : vector<16xi32>
        %mul3A_744 = arith.mulf %select_n3A_727, %get3A_739 : vector<16xf32>
        %select_n3A_745 = arith.select %lt3A_743, %mul3A_744, %select_n3A_727 : vector<16xi1>, vector<16xf32>
        %get3A_746 = arith.index_cast %add3A_661 : i32 to index
        %get3A_747 = arith.constant 112 : index
        %get3A_748 = tpu.vector_load %arg7[%get3A_746, %get3A_747] {strides = array<i32>} : memref<128x200xf32, #tpu.memory_space<vmem>>, vector<16xf32>,
        %lt3A_749 = arith.cmpi slt, %add3A_44, %gather3A_672 : vector<16xi32>
        %mul3A_750 = arith.mulf %select_n3A_733, %get3A_748 : vector<16xf32>
        %select_n3A_751 = arith.select %lt3A_749, %mul3A_750, %select_n3A_733 : vector<16xi1>, vector<16xf32>
        %lt3A_752 = arith.cmpi slt, %add3A_44, %gather3A_682 : vector<16xi32>
        %mul3A_753 = arith.mulf %select_n3A_736, %get3A_748 : vector<16xf32>
        %select_n3A_754 = arith.select %lt3A_752, %mul3A_753, %select_n3A_736 : vector<16xi1>, vector<16xf32>
        %get3A_755 = arith.index_cast %add3A_661 : i32 to index
        %get3A_756 = arith.constant 128 : index
        %get3A_757 = tpu.vector_load %arg7[%get3A_755, %get3A_756] {strides = array<i32>} : memref<128x200xf32, #tpu.memory_space<vmem>>, vector<16xf32>,
        %lt3A_758 = arith.cmpi slt, %add3A_47, %gather3A_672 : vector<16xi32>
        %mul3A_759 = arith.mulf %select_n3A_742, %get3A_757 : vector<16xf32>
        %select_n3A_760 = arith.select %lt3A_758, %mul3A_759, %select_n3A_742 : vector<16xi1>, vector<16xf32>
        %lt3A_761 = arith.cmpi slt, %add3A_47, %gather3A_682 : vector<16xi32>
        %mul3A_762 = arith.mulf %select_n3A_745, %get3A_757 : vector<16xf32>
        %select_n3A_763 = arith.select %lt3A_761, %mul3A_762, %select_n3A_745 : vector<16xi1>, vector<16xf32>
        %get3A_764 = arith.index_cast %add3A_661 : i32 to index
        %get3A_765 = arith.constant 144 : index
        %get3A_766 = tpu.vector_load %arg7[%get3A_764, %get3A_765] {strides = array<i32>} : memref<128x200xf32, #tpu.memory_space<vmem>>, vector<16xf32>,
        %lt3A_767 = arith.cmpi slt, %add3A_50, %gather3A_672 : vector<16xi32>
        %mul3A_768 = arith.mulf %select_n3A_751, %get3A_766 : vector<16xf32>
        %select_n3A_769 = arith.select %lt3A_767, %mul3A_768, %select_n3A_751 : vector<16xi1>, vector<16xf32>
        %lt3A_770 = arith.cmpi slt, %add3A_50, %gather3A_682 : vector<16xi32>
        %mul3A_771 = arith.mulf %select_n3A_754, %get3A_766 : vector<16xf32>
        %select_n3A_772 = arith.select %lt3A_770, %mul3A_771, %select_n3A_754 : vector<16xi1>, vector<16xf32>
        %get3A_773 = arith.index_cast %add3A_661 : i32 to index
        %get3A_774 = arith.constant 160 : index
        %get3A_775 = tpu.vector_load %arg7[%get3A_773, %get3A_774] {strides = array<i32>} : memref<128x200xf32, #tpu.memory_space<vmem>>, vector<16xf32>,
        %lt3A_776 = arith.cmpi slt, %add3A_53, %gather3A_672 : vector<16xi32>
        %mul3A_777 = arith.mulf %select_n3A_760, %get3A_775 : vector<16xf32>
        %select_n3A_778 = arith.select %lt3A_776, %mul3A_777, %select_n3A_760 : vector<16xi1>, vector<16xf32>
        %lt3A_779 = arith.cmpi slt, %add3A_53, %gather3A_682 : vector<16xi32>
        %mul3A_780 = arith.mulf %select_n3A_763, %get3A_775 : vector<16xf32>
        %select_n3A_781 = arith.select %lt3A_779, %mul3A_780, %select_n3A_763 : vector<16xi1>, vector<16xf32>
        %get3A_782 = arith.index_cast %add3A_661 : i32 to index
        %get3A_783 = arith.constant 176 : index
        %get3A_784 = tpu.vector_load %arg7[%get3A_782, %get3A_783] {strides = array<i32>} : memref<128x200xf32, #tpu.memory_space<vmem>>, vector<16xf32>,
        %lt3A_785 = arith.cmpi slt, %add3A_56, %gather3A_672 : vector<16xi32>
        %mul3A_786 = arith.mulf %select_n3A_769, %get3A_784 : vector<16xf32>
        %select_n3A_787 = arith.select %lt3A_785, %mul3A_786, %select_n3A_769 : vector<16xi1>, vector<16xf32>
        %lt3A_788 = arith.cmpi slt, %add3A_56, %gather3A_682 : vector<16xi32>
        %mul3A_789 = arith.mulf %select_n3A_772, %get3A_784 : vector<16xf32>
        %select_n3A_790 = arith.select %lt3A_788, %mul3A_789, %select_n3A_772 : vector<16xi1>, vector<16xf32>
        %get3A_791 = arith.index_cast %add3A_661 : i32 to index
        %get3A_792 = arith.constant 184 : index
        %get3A_793 = tpu.vector_load %arg7[%get3A_791, %get3A_792] {strides = array<i32>} : memref<128x200xf32, #tpu.memory_space<vmem>>, vector<16xf32>,
        %lt3A_794 = arith.cmpi slt, %add3A_59, %gather3A_672 : vector<16xi32>
        %and3A_795 = arith.andi %ge3A_61, %lt3A_794 : vector<16xi1>
        %lt3A_796 = arith.cmpi slt, %add3A_59, %gather3A_682 : vector<16xi32>
        %and3A_797 = arith.andi %ge3A_61, %lt3A_796 : vector<16xi1>
        %mul3A_798 = arith.mulf %select_n3A_778, %get3A_793 : vector<16xf32>
        %select_n3A_799 = arith.select %and3A_795, %mul3A_798, %select_n3A_778 : vector<16xi1>, vector<16xf32>
        %mul3A_800 = arith.mulf %select_n3A_781, %get3A_793 : vector<16xf32>
        %select_n3A_801 = arith.select %and3A_797, %mul3A_800, %select_n3A_781 : vector<16xi1>, vector<16xf32>
        %mul3A_802 = arith.mulf %select_n3A_799, %select_n3A_787 : vector<16xf32>
        %mul3A_803 = arith.mulf %select_n3A_801, %select_n3A_790 : vector<16xf32>
        %lt3A_804 = arith.constant 0 : i32
        %lt3A_805 = vector.broadcast %lt3A_804 : i32 to vector<16xi32>
        %lt3A_806 = arith.cmpi slt, %xor3A_11, %lt3A_805 : vector<16xi32>
        %add3A_807 = arith.constant 16 : i32
        %add3A_808 = vector.broadcast %add3A_807 : i32 to vector<16xi32>
        %add3A_809 = arith.addi %xor3A_11, %add3A_808 : vector<16xi32>
        %select_n3A_810 = arith.select %lt3A_806, %add3A_809, %xor3A_11 : vector<16xi1>, vector<16xi32>
        %broadcast_in_dim3A_811 = vector.shape_cast %select_n3A_810 : vector<16xi32> to vector<16x1xi32>
        %gather3A_812 = vector.shape_cast %broadcast_in_dim3A_811 : vector<16x1xi32> to vector<16xi32>
        %gather3A_813 = tpu.dynamic_gather %mul3A_802[%gather3A_812] in [0] : vector<16xf32>, vector<16xi32> -> vector<16xf32>
        %mul3A_814 = arith.mulf %mul3A_802, %gather3A_813 : vector<16xf32>
        %lt3A_815 = arith.constant 0 : i32
        %lt3A_816 = vector.broadcast %lt3A_815 : i32 to vector<16xi32>
        %lt3A_817 = arith.cmpi slt, %xor3A_11, %lt3A_816 : vector<16xi32>
        %add3A_818 = arith.constant 16 : i32
        %add3A_819 = vector.broadcast %add3A_818 : i32 to vector<16xi32>
        %add3A_820 = arith.addi %xor3A_11, %add3A_819 : vector<16xi32>
        %select_n3A_821 = arith.select %lt3A_817, %add3A_820, %xor3A_11 : vector<16xi1>, vector<16xi32>
        %broadcast_in_dim3A_822 = vector.shape_cast %select_n3A_821 : vector<16xi32> to vector<16x1xi32>
        %gather3A_823 = vector.shape_cast %broadcast_in_dim3A_822 : vector<16x1xi32> to vector<16xi32>
        %gather3A_824 = tpu.dynamic_gather %mul3A_803[%gather3A_823] in [0] : vector<16xf32>, vector<16xi32> -> vector<16xf32>
        %mul3A_825 = arith.mulf %mul3A_803, %gather3A_824 : vector<16xf32>
        %lt3A_826 = arith.constant 0 : i32
        %lt3A_827 = vector.broadcast %lt3A_826 : i32 to vector<16xi32>
        %lt3A_828 = arith.cmpi slt, %xor3A_14, %lt3A_827 : vector<16xi32>
        %add3A_829 = arith.constant 16 : i32
        %add3A_830 = vector.broadcast %add3A_829 : i32 to vector<16xi32>
        %add3A_831 = arith.addi %xor3A_14, %add3A_830 : vector<16xi32>
        %select_n3A_832 = arith.select %lt3A_828, %add3A_831, %xor3A_14 : vector<16xi1>, vector<16xi32>
        %broadcast_in_dim3A_833 = vector.shape_cast %select_n3A_832 : vector<16xi32> to vector<16x1xi32>
        %gather3A_834 = vector.shape_cast %broadcast_in_dim3A_833 : vector<16x1xi32> to vector<16xi32>
        %gather3A_835 = tpu.dynamic_gather %mul3A_814[%gather3A_834] in [0] : vector<16xf32>, vector<16xi32> -> vector<16xf32>
        %mul3A_836 = arith.mulf %mul3A_814, %gather3A_835 : vector<16xf32>
        %lt3A_837 = arith.constant 0 : i32
        %lt3A_838 = vector.broadcast %lt3A_837 : i32 to vector<16xi32>
        %lt3A_839 = arith.cmpi slt, %xor3A_14, %lt3A_838 : vector<16xi32>
        %add3A_840 = arith.constant 16 : i32
        %add3A_841 = vector.broadcast %add3A_840 : i32 to vector<16xi32>
        %add3A_842 = arith.addi %xor3A_14, %add3A_841 : vector<16xi32>
        %select_n3A_843 = arith.select %lt3A_839, %add3A_842, %xor3A_14 : vector<16xi1>, vector<16xi32>
        %broadcast_in_dim3A_844 = vector.shape_cast %select_n3A_843 : vector<16xi32> to vector<16x1xi32>
        %gather3A_845 = vector.shape_cast %broadcast_in_dim3A_844 : vector<16x1xi32> to vector<16xi32>
        %gather3A_846 = tpu.dynamic_gather %mul3A_825[%gather3A_845] in [0] : vector<16xf32>, vector<16xi32> -> vector<16xf32>
        %mul3A_847 = arith.mulf %mul3A_825, %gather3A_846 : vector<16xf32>
        %lt3A_848 = arith.constant 0 : i32
        %lt3A_849 = vector.broadcast %lt3A_848 : i32 to vector<16xi32>
        %lt3A_850 = arith.cmpi slt, %xor3A_17, %lt3A_849 : vector<16xi32>
        %add3A_851 = arith.constant 16 : i32
        %add3A_852 = vector.broadcast %add3A_851 : i32 to vector<16xi32>
        %add3A_853 = arith.addi %xor3A_17, %add3A_852 : vector<16xi32>
        %select_n3A_854 = arith.select %lt3A_850, %add3A_853, %xor3A_17 : vector<16xi1>, vector<16xi32>
        %broadcast_in_dim3A_855 = vector.shape_cast %select_n3A_854 : vector<16xi32> to vector<16x1xi32>
        %gather3A_856 = vector.shape_cast %broadcast_in_dim3A_855 : vector<16x1xi32> to vector<16xi32>
        %gather3A_857 = tpu.dynamic_gather %mul3A_836[%gather3A_856] in [0] : vector<16xf32>, vector<16xi32> -> vector<16xf32>
        %mul3A_858 = arith.mulf %mul3A_836, %gather3A_857 : vector<16xf32>
        %lt3A_859 = arith.constant 0 : i32
        %lt3A_860 = vector.broadcast %lt3A_859 : i32 to vector<16xi32>
        %lt3A_861 = arith.cmpi slt, %xor3A_17, %lt3A_860 : vector<16xi32>
        %add3A_862 = arith.constant 16 : i32
        %add3A_863 = vector.broadcast %add3A_862 : i32 to vector<16xi32>
        %add3A_864 = arith.addi %xor3A_17, %add3A_863 : vector<16xi32>
        %select_n3A_865 = arith.select %lt3A_861, %add3A_864, %xor3A_17 : vector<16xi1>, vector<16xi32>
        %broadcast_in_dim3A_866 = vector.shape_cast %select_n3A_865 : vector<16xi32> to vector<16x1xi32>
        %gather3A_867 = vector.shape_cast %broadcast_in_dim3A_866 : vector<16x1xi32> to vector<16xi32>
        %gather3A_868 = tpu.dynamic_gather %mul3A_847[%gather3A_867] in [0] : vector<16xf32>, vector<16xi32> -> vector<16xf32>
        %mul3A_869 = arith.mulf %mul3A_847, %gather3A_868 : vector<16xf32>
        %lt3A_870 = arith.constant 0 : i32
        %lt3A_871 = vector.broadcast %lt3A_870 : i32 to vector<16xi32>
        %lt3A_872 = arith.cmpi slt, %xor3A_20, %lt3A_871 : vector<16xi32>
        %add3A_873 = arith.constant 16 : i32
        %add3A_874 = vector.broadcast %add3A_873 : i32 to vector<16xi32>
        %add3A_875 = arith.addi %xor3A_20, %add3A_874 : vector<16xi32>
        %select_n3A_876 = arith.select %lt3A_872, %add3A_875, %xor3A_20 : vector<16xi1>, vector<16xi32>
        %broadcast_in_dim3A_877 = vector.shape_cast %select_n3A_876 : vector<16xi32> to vector<16x1xi32>
        %gather3A_878 = vector.shape_cast %broadcast_in_dim3A_877 : vector<16x1xi32> to vector<16xi32>
        %gather3A_879 = tpu.dynamic_gather %mul3A_858[%gather3A_878] in [0] : vector<16xf32>, vector<16xi32> -> vector<16xf32>
        %mul3A_880 = arith.mulf %mul3A_858, %gather3A_879 : vector<16xf32>
        %lt3A_881 = arith.constant 0 : i32
        %lt3A_882 = vector.broadcast %lt3A_881 : i32 to vector<16xi32>
        %lt3A_883 = arith.cmpi slt, %xor3A_20, %lt3A_882 : vector<16xi32>
        %add3A_884 = arith.constant 16 : i32
        %add3A_885 = vector.broadcast %add3A_884 : i32 to vector<16xi32>
        %add3A_886 = arith.addi %xor3A_20, %add3A_885 : vector<16xi32>
        %select_n3A_887 = arith.select %lt3A_883, %add3A_886, %xor3A_20 : vector<16xi1>, vector<16xi32>
        %broadcast_in_dim3A_888 = vector.shape_cast %select_n3A_887 : vector<16xi32> to vector<16x1xi32>
        %gather3A_889 = vector.shape_cast %broadcast_in_dim3A_888 : vector<16x1xi32> to vector<16xi32>
        %gather3A_890 = tpu.dynamic_gather %mul3A_869[%gather3A_889] in [0] : vector<16xf32>, vector<16xi32> -> vector<16xf32>
        %mul3A_891 = arith.mulf %mul3A_869, %gather3A_890 : vector<16xf32>
        %add3A_892 = arith.constant 384 : i32
        %add3A_893 = arith.addi %add3A_892, %add3A_661 : i32
        %swap3A_894 = arith.index_cast %add3A_893 : i32 to index
        %swap3A_895 = tpu.vector_load %arg10[%swap3A_894] masked %eq3A_9 {strides = array<i32>} : memref<528xf32, #tpu.memory_space<vmem>>, vector<16xf32>, vector<16xi1>
        tpu.vector_store %arg10[%swap3A_894], %mul3A_880 masked %eq3A_9 {strides = array<i32>} : memref<528xf32, #tpu.memory_space<vmem>>, vector<16xf32>, vector<16xi1>
        %swap3A_896 = arith.index_cast %add3A_893 : i32 to index
        %swap3A_897 = tpu.vector_load %arg11[%swap3A_896] masked %eq3A_9 {strides = array<i32>} : memref<528xf32, #tpu.memory_space<vmem>>, vector<16xf32>, vector<16xi1>
        tpu.vector_store %arg11[%swap3A_896], %mul3A_891 masked %eq3A_9 {strides = array<i32>} : memref<528xf32, #tpu.memory_space<vmem>>, vector<16xf32>, vector<16xi1>
        %scan3A_898 = arith.constant 3 : i32
        %scan3A_899 = arith.addi %scan3A_178, %scan3A_898 : i32
        %mul3A_900 = arith.constant 16 : i32
        %mul3A_901 = arith.muli %scan3A_155, %mul3A_900 : i32
        %add3A_902 = arith.addi %mul3A_901, %scan3A_899 : i32
        %broadcast_in_dim3A_903 = vector.broadcast %scan3A_899 : i32 to vector<16xi32>
        %lt3A_904 = arith.constant 0 : i32
        %lt3A_905 = vector.broadcast %lt3A_904 : i32 to vector<16xi32>
        %lt3A_906 = arith.cmpi slt, %broadcast_in_dim3A_903, %lt3A_905 : vector<16xi32>
        %add3A_907 = arith.constant 16 : i32
        %add3A_908 = vector.broadcast %add3A_907 : i32 to vector<16xi32>
        %add3A_909 = arith.addi %broadcast_in_dim3A_903, %add3A_908 : vector<16xi32>
        %select_n3A_910 = arith.select %lt3A_906, %add3A_909, %broadcast_in_dim3A_903 : vector<16xi1>, vector<16xi32>
        %broadcast_in_dim3A_911 = vector.shape_cast %select_n3A_910 : vector<16xi32> to vector<16x1xi32>
        %gather3A_912 = vector.shape_cast %broadcast_in_dim3A_911 : vector<16x1xi32> to vector<16xi32>
        %gather3A_913 = tpu.dynamic_gather %gather3A_160[%gather3A_912] in [0] : vector<16xi32>, vector<16xi32> -> vector<16xi32>
        %lt3A_914 = arith.constant 0 : i32
        %lt3A_915 = vector.broadcast %lt3A_914 : i32 to vector<16xi32>
        %lt3A_916 = arith.cmpi slt, %broadcast_in_dim3A_903, %lt3A_915 : vector<16xi32>
        %add3A_917 = arith.constant 16 : i32
        %add3A_918 = vector.broadcast %add3A_917 : i32 to vector<16xi32>
        %add3A_919 = arith.addi %broadcast_in_dim3A_903, %add3A_918 : vector<16xi32>
        %select_n3A_920 = arith.select %lt3A_916, %add3A_919, %broadcast_in_dim3A_903 : vector<16xi1>, vector<16xi32>
        %broadcast_in_dim3A_921 = vector.shape_cast %select_n3A_920 : vector<16xi32> to vector<16x1xi32>
        %gather3A_922 = vector.shape_cast %broadcast_in_dim3A_921 : vector<16x1xi32> to vector<16xi32>
        %gather3A_923 = tpu.dynamic_gather %gather3A[%gather3A_922] in [0] : vector<16xi32>, vector<16xi32> -> vector<16xi32>
        %get3A_924 = arith.index_cast %add3A_902 : i32 to index
        %get3A_925 = arith.constant 0 : index
        %get3A_926 = tpu.vector_load %arg7[%get3A_924, %get3A_925] {strides = array<i32>} : memref<128x200xf32, #tpu.memory_space<vmem>>, vector<16xf32>,
        %lt3A_927 = arith.cmpi slt, %add3A_23, %gather3A_913 : vector<16xi32>
        %mul3A_928 = arith.mulf %broadcast_in_dim3A_7, %get3A_926 : vector<16xf32>
        %select_n3A_929 = arith.select %lt3A_927, %mul3A_928, %broadcast_in_dim3A_7 : vector<16xi1>, vector<16xf32>
        %lt3A_930 = arith.cmpi slt, %add3A_23, %gather3A_923 : vector<16xi32>
        %mul3A_931 = arith.mulf %broadcast_in_dim3A_7, %get3A_926 : vector<16xf32>
        %select_n3A_932 = arith.select %lt3A_930, %mul3A_931, %broadcast_in_dim3A_7 : vector<16xi1>, vector<16xf32>
        %get3A_933 = arith.index_cast %add3A_902 : i32 to index
        %get3A_934 = arith.constant 16 : index
        %get3A_935 = tpu.vector_load %arg7[%get3A_933, %get3A_934] {strides = array<i32>} : memref<128x200xf32, #tpu.memory_space<vmem>>, vector<16xf32>,
        %lt3A_936 = arith.cmpi slt, %add3A_26, %gather3A_913 : vector<16xi32>
        %mul3A_937 = arith.mulf %broadcast_in_dim3A_7, %get3A_935 : vector<16xf32>
        %select_n3A_938 = arith.select %lt3A_936, %mul3A_937, %broadcast_in_dim3A_7 : vector<16xi1>, vector<16xf32>
        %lt3A_939 = arith.cmpi slt, %add3A_26, %gather3A_923 : vector<16xi32>
        %mul3A_940 = arith.mulf %broadcast_in_dim3A_7, %get3A_935 : vector<16xf32>
        %select_n3A_941 = arith.select %lt3A_939, %mul3A_940, %broadcast_in_dim3A_7 : vector<16xi1>, vector<16xf32>
        %get3A_942 = arith.index_cast %add3A_902 : i32 to index
        %get3A_943 = arith.constant 32 : index
        %get3A_944 = tpu.vector_load %arg7[%get3A_942, %get3A_943] {strides = array<i32>} : memref<128x200xf32, #tpu.memory_space<vmem>>, vector<16xf32>,
        %lt3A_945 = arith.cmpi slt, %add3A_29, %gather3A_913 : vector<16xi32>
        %mul3A_946 = arith.mulf %select_n3A_929, %get3A_944 : vector<16xf32>
        %select_n3A_947 = arith.select %lt3A_945, %mul3A_946, %select_n3A_929 : vector<16xi1>, vector<16xf32>
        %lt3A_948 = arith.cmpi slt, %add3A_29, %gather3A_923 : vector<16xi32>
        %mul3A_949 = arith.mulf %select_n3A_932, %get3A_944 : vector<16xf32>
        %select_n3A_950 = arith.select %lt3A_948, %mul3A_949, %select_n3A_932 : vector<16xi1>, vector<16xf32>
        %get3A_951 = arith.index_cast %add3A_902 : i32 to index
        %get3A_952 = arith.constant 48 : index
        %get3A_953 = tpu.vector_load %arg7[%get3A_951, %get3A_952] {strides = array<i32>} : memref<128x200xf32, #tpu.memory_space<vmem>>, vector<16xf32>,
        %lt3A_954 = arith.cmpi slt, %add3A_32, %gather3A_913 : vector<16xi32>
        %mul3A_955 = arith.mulf %select_n3A_938, %get3A_953 : vector<16xf32>
        %select_n3A_956 = arith.select %lt3A_954, %mul3A_955, %select_n3A_938 : vector<16xi1>, vector<16xf32>
        %lt3A_957 = arith.cmpi slt, %add3A_32, %gather3A_923 : vector<16xi32>
        %mul3A_958 = arith.mulf %select_n3A_941, %get3A_953 : vector<16xf32>
        %select_n3A_959 = arith.select %lt3A_957, %mul3A_958, %select_n3A_941 : vector<16xi1>, vector<16xf32>
        %get3A_960 = arith.index_cast %add3A_902 : i32 to index
        %get3A_961 = arith.constant 64 : index
        %get3A_962 = tpu.vector_load %arg7[%get3A_960, %get3A_961] {strides = array<i32>} : memref<128x200xf32, #tpu.memory_space<vmem>>, vector<16xf32>,
        %lt3A_963 = arith.cmpi slt, %add3A_35, %gather3A_913 : vector<16xi32>
        %mul3A_964 = arith.mulf %select_n3A_947, %get3A_962 : vector<16xf32>
        %select_n3A_965 = arith.select %lt3A_963, %mul3A_964, %select_n3A_947 : vector<16xi1>, vector<16xf32>
        %lt3A_966 = arith.cmpi slt, %add3A_35, %gather3A_923 : vector<16xi32>
        %mul3A_967 = arith.mulf %select_n3A_950, %get3A_962 : vector<16xf32>
        %select_n3A_968 = arith.select %lt3A_966, %mul3A_967, %select_n3A_950 : vector<16xi1>, vector<16xf32>
        %get3A_969 = arith.index_cast %add3A_902 : i32 to index
        %get3A_970 = arith.constant 80 : index
        %get3A_971 = tpu.vector_load %arg7[%get3A_969, %get3A_970] {strides = array<i32>} : memref<128x200xf32, #tpu.memory_space<vmem>>, vector<16xf32>,
        %lt3A_972 = arith.cmpi slt, %add3A_38, %gather3A_913 : vector<16xi32>
        %mul3A_973 = arith.mulf %select_n3A_956, %get3A_971 : vector<16xf32>
        %select_n3A_974 = arith.select %lt3A_972, %mul3A_973, %select_n3A_956 : vector<16xi1>, vector<16xf32>
        %lt3A_975 = arith.cmpi slt, %add3A_38, %gather3A_923 : vector<16xi32>
        %mul3A_976 = arith.mulf %select_n3A_959, %get3A_971 : vector<16xf32>
        %select_n3A_977 = arith.select %lt3A_975, %mul3A_976, %select_n3A_959 : vector<16xi1>, vector<16xf32>
        %get3A_978 = arith.index_cast %add3A_902 : i32 to index
        %get3A_979 = arith.constant 96 : index
        %get3A_980 = tpu.vector_load %arg7[%get3A_978, %get3A_979] {strides = array<i32>} : memref<128x200xf32, #tpu.memory_space<vmem>>, vector<16xf32>,
        %lt3A_981 = arith.cmpi slt, %add3A_41, %gather3A_913 : vector<16xi32>
        %mul3A_982 = arith.mulf %select_n3A_965, %get3A_980 : vector<16xf32>
        %select_n3A_983 = arith.select %lt3A_981, %mul3A_982, %select_n3A_965 : vector<16xi1>, vector<16xf32>
        %lt3A_984 = arith.cmpi slt, %add3A_41, %gather3A_923 : vector<16xi32>
        %mul3A_985 = arith.mulf %select_n3A_968, %get3A_980 : vector<16xf32>
        %select_n3A_986 = arith.select %lt3A_984, %mul3A_985, %select_n3A_968 : vector<16xi1>, vector<16xf32>
        %get3A_987 = arith.index_cast %add3A_902 : i32 to index
        %get3A_988 = arith.constant 112 : index
        %get3A_989 = tpu.vector_load %arg7[%get3A_987, %get3A_988] {strides = array<i32>} : memref<128x200xf32, #tpu.memory_space<vmem>>, vector<16xf32>,
        %lt3A_990 = arith.cmpi slt, %add3A_44, %gather3A_913 : vector<16xi32>
        %mul3A_991 = arith.mulf %select_n3A_974, %get3A_989 : vector<16xf32>
        %select_n3A_992 = arith.select %lt3A_990, %mul3A_991, %select_n3A_974 : vector<16xi1>, vector<16xf32>
        %lt3A_993 = arith.cmpi slt, %add3A_44, %gather3A_923 : vector<16xi32>
        %mul3A_994 = arith.mulf %select_n3A_977, %get3A_989 : vector<16xf32>
        %select_n3A_995 = arith.select %lt3A_993, %mul3A_994, %select_n3A_977 : vector<16xi1>, vector<16xf32>
        %get3A_996 = arith.index_cast %add3A_902 : i32 to index
        %get3A_997 = arith.constant 128 : index
        %get3A_998 = tpu.vector_load %arg7[%get3A_996, %get3A_997] {strides = array<i32>} : memref<128x200xf32, #tpu.memory_space<vmem>>, vector<16xf32>,
        %lt3A_999 = arith.cmpi slt, %add3A_47, %gather3A_913 : vector<16xi32>
        %mul3A_1000 = arith.mulf %select_n3A_983, %get3A_998 : vector<16xf32>
        %select_n3A_1001 = arith.select %lt3A_999, %mul3A_1000, %select_n3A_983 : vector<16xi1>, vector<16xf32>
        %lt3A_1002 = arith.cmpi slt, %add3A_47, %gather3A_923 : vector<16xi32>
        %mul3A_1003 = arith.mulf %select_n3A_986, %get3A_998 : vector<16xf32>
        %select_n3A_1004 = arith.select %lt3A_1002, %mul3A_1003, %select_n3A_986 : vector<16xi1>, vector<16xf32>
        %get3A_1005 = arith.index_cast %add3A_902 : i32 to index
        %get3A_1006 = arith.constant 144 : index
        %get3A_1007 = tpu.vector_load %arg7[%get3A_1005, %get3A_1006] {strides = array<i32>} : memref<128x200xf32, #tpu.memory_space<vmem>>, vector<16xf32>,
        %lt3A_1008 = arith.cmpi slt, %add3A_50, %gather3A_913 : vector<16xi32>
        %mul3A_1009 = arith.mulf %select_n3A_992, %get3A_1007 : vector<16xf32>
        %select_n3A_1010 = arith.select %lt3A_1008, %mul3A_1009, %select_n3A_992 : vector<16xi1>, vector<16xf32>
        %lt3A_1011 = arith.cmpi slt, %add3A_50, %gather3A_923 : vector<16xi32>
        %mul3A_1012 = arith.mulf %select_n3A_995, %get3A_1007 : vector<16xf32>
        %select_n3A_1013 = arith.select %lt3A_1011, %mul3A_1012, %select_n3A_995 : vector<16xi1>, vector<16xf32>
        %get3A_1014 = arith.index_cast %add3A_902 : i32 to index
        %get3A_1015 = arith.constant 160 : index
        %get3A_1016 = tpu.vector_load %arg7[%get3A_1014, %get3A_1015] {strides = array<i32>} : memref<128x200xf32, #tpu.memory_space<vmem>>, vector<16xf32>,
        %lt3A_1017 = arith.cmpi slt, %add3A_53, %gather3A_913 : vector<16xi32>
        %mul3A_1018 = arith.mulf %select_n3A_1001, %get3A_1016 : vector<16xf32>
        %select_n3A_1019 = arith.select %lt3A_1017, %mul3A_1018, %select_n3A_1001 : vector<16xi1>, vector<16xf32>
        %lt3A_1020 = arith.cmpi slt, %add3A_53, %gather3A_923 : vector<16xi32>
        %mul3A_1021 = arith.mulf %select_n3A_1004, %get3A_1016 : vector<16xf32>
        %select_n3A_1022 = arith.select %lt3A_1020, %mul3A_1021, %select_n3A_1004 : vector<16xi1>, vector<16xf32>
        %get3A_1023 = arith.index_cast %add3A_902 : i32 to index
        %get3A_1024 = arith.constant 176 : index
        %get3A_1025 = tpu.vector_load %arg7[%get3A_1023, %get3A_1024] {strides = array<i32>} : memref<128x200xf32, #tpu.memory_space<vmem>>, vector<16xf32>,
        %lt3A_1026 = arith.cmpi slt, %add3A_56, %gather3A_913 : vector<16xi32>
        %mul3A_1027 = arith.mulf %select_n3A_1010, %get3A_1025 : vector<16xf32>
        %select_n3A_1028 = arith.select %lt3A_1026, %mul3A_1027, %select_n3A_1010 : vector<16xi1>, vector<16xf32>
        %lt3A_1029 = arith.cmpi slt, %add3A_56, %gather3A_923 : vector<16xi32>
        %mul3A_1030 = arith.mulf %select_n3A_1013, %get3A_1025 : vector<16xf32>
        %select_n3A_1031 = arith.select %lt3A_1029, %mul3A_1030, %select_n3A_1013 : vector<16xi1>, vector<16xf32>
        %get3A_1032 = arith.index_cast %add3A_902 : i32 to index
        %get3A_1033 = arith.constant 184 : index
        %get3A_1034 = tpu.vector_load %arg7[%get3A_1032, %get3A_1033] {strides = array<i32>} : memref<128x200xf32, #tpu.memory_space<vmem>>, vector<16xf32>,
        %lt3A_1035 = arith.cmpi slt, %add3A_59, %gather3A_913 : vector<16xi32>
        %and3A_1036 = arith.andi %ge3A_61, %lt3A_1035 : vector<16xi1>
        %lt3A_1037 = arith.cmpi slt, %add3A_59, %gather3A_923 : vector<16xi32>
        %and3A_1038 = arith.andi %ge3A_61, %lt3A_1037 : vector<16xi1>
        %mul3A_1039 = arith.mulf %select_n3A_1019, %get3A_1034 : vector<16xf32>
        %select_n3A_1040 = arith.select %and3A_1036, %mul3A_1039, %select_n3A_1019 : vector<16xi1>, vector<16xf32>
        %mul3A_1041 = arith.mulf %select_n3A_1022, %get3A_1034 : vector<16xf32>
        %select_n3A_1042 = arith.select %and3A_1038, %mul3A_1041, %select_n3A_1022 : vector<16xi1>, vector<16xf32>
        %mul3A_1043 = arith.mulf %select_n3A_1040, %select_n3A_1028 : vector<16xf32>
        %mul3A_1044 = arith.mulf %select_n3A_1042, %select_n3A_1031 : vector<16xf32>
        %lt3A_1045 = arith.constant 0 : i32
        %lt3A_1046 = vector.broadcast %lt3A_1045 : i32 to vector<16xi32>
        %lt3A_1047 = arith.cmpi slt, %xor3A_11, %lt3A_1046 : vector<16xi32>
        %add3A_1048 = arith.constant 16 : i32
        %add3A_1049 = vector.broadcast %add3A_1048 : i32 to vector<16xi32>
        %add3A_1050 = arith.addi %xor3A_11, %add3A_1049 : vector<16xi32>
        %select_n3A_1051 = arith.select %lt3A_1047, %add3A_1050, %xor3A_11 : vector<16xi1>, vector<16xi32>
        %broadcast_in_dim3A_1052 = vector.shape_cast %select_n3A_1051 : vector<16xi32> to vector<16x1xi32>
        %gather3A_1053 = vector.shape_cast %broadcast_in_dim3A_1052 : vector<16x1xi32> to vector<16xi32>
        %gather3A_1054 = tpu.dynamic_gather %mul3A_1043[%gather3A_1053] in [0] : vector<16xf32>, vector<16xi32> -> vector<16xf32>
        %mul3A_1055 = arith.mulf %mul3A_1043, %gather3A_1054 : vector<16xf32>
        %lt3A_1056 = arith.constant 0 : i32
        %lt3A_1057 = vector.broadcast %lt3A_1056 : i32 to vector<16xi32>
        %lt3A_1058 = arith.cmpi slt, %xor3A_11, %lt3A_1057 : vector<16xi32>
        %add3A_1059 = arith.constant 16 : i32
        %add3A_1060 = vector.broadcast %add3A_1059 : i32 to vector<16xi32>
        %add3A_1061 = arith.addi %xor3A_11, %add3A_1060 : vector<16xi32>
        %select_n3A_1062 = arith.select %lt3A_1058, %add3A_1061, %xor3A_11 : vector<16xi1>, vector<16xi32>
        %broadcast_in_dim3A_1063 = vector.shape_cast %select_n3A_1062 : vector<16xi32> to vector<16x1xi32>
        %gather3A_1064 = vector.shape_cast %broadcast_in_dim3A_1063 : vector<16x1xi32> to vector<16xi32>
        %gather3A_1065 = tpu.dynamic_gather %mul3A_1044[%gather3A_1064] in [0] : vector<16xf32>, vector<16xi32> -> vector<16xf32>
        %mul3A_1066 = arith.mulf %mul3A_1044, %gather3A_1065 : vector<16xf32>
        %lt3A_1067 = arith.constant 0 : i32
        %lt3A_1068 = vector.broadcast %lt3A_1067 : i32 to vector<16xi32>
        %lt3A_1069 = arith.cmpi slt, %xor3A_14, %lt3A_1068 : vector<16xi32>
        %add3A_1070 = arith.constant 16 : i32
        %add3A_1071 = vector.broadcast %add3A_1070 : i32 to vector<16xi32>
        %add3A_1072 = arith.addi %xor3A_14, %add3A_1071 : vector<16xi32>
        %select_n3A_1073 = arith.select %lt3A_1069, %add3A_1072, %xor3A_14 : vector<16xi1>, vector<16xi32>
        %broadcast_in_dim3A_1074 = vector.shape_cast %select_n3A_1073 : vector<16xi32> to vector<16x1xi32>
        %gather3A_1075 = vector.shape_cast %broadcast_in_dim3A_1074 : vector<16x1xi32> to vector<16xi32>
        %gather3A_1076 = tpu.dynamic_gather %mul3A_1055[%gather3A_1075] in [0] : vector<16xf32>, vector<16xi32> -> vector<16xf32>
        %mul3A_1077 = arith.mulf %mul3A_1055, %gather3A_1076 : vector<16xf32>
        %lt3A_1078 = arith.constant 0 : i32
        %lt3A_1079 = vector.broadcast %lt3A_1078 : i32 to vector<16xi32>
        %lt3A_1080 = arith.cmpi slt, %xor3A_14, %lt3A_1079 : vector<16xi32>
        %add3A_1081 = arith.constant 16 : i32
        %add3A_1082 = vector.broadcast %add3A_1081 : i32 to vector<16xi32>
        %add3A_1083 = arith.addi %xor3A_14, %add3A_1082 : vector<16xi32>
        %select_n3A_1084 = arith.select %lt3A_1080, %add3A_1083, %xor3A_14 : vector<16xi1>, vector<16xi32>
        %broadcast_in_dim3A_1085 = vector.shape_cast %select_n3A_1084 : vector<16xi32> to vector<16x1xi32>
        %gather3A_1086 = vector.shape_cast %broadcast_in_dim3A_1085 : vector<16x1xi32> to vector<16xi32>
        %gather3A_1087 = tpu.dynamic_gather %mul3A_1066[%gather3A_1086] in [0] : vector<16xf32>, vector<16xi32> -> vector<16xf32>
        %mul3A_1088 = arith.mulf %mul3A_1066, %gather3A_1087 : vector<16xf32>
        %lt3A_1089 = arith.constant 0 : i32
        %lt3A_1090 = vector.broadcast %lt3A_1089 : i32 to vector<16xi32>
        %lt3A_1091 = arith.cmpi slt, %xor3A_17, %lt3A_1090 : vector<16xi32>
        %add3A_1092 = arith.constant 16 : i32
        %add3A_1093 = vector.broadcast %add3A_1092 : i32 to vector<16xi32>
        %add3A_1094 = arith.addi %xor3A_17, %add3A_1093 : vector<16xi32>
        %select_n3A_1095 = arith.select %lt3A_1091, %add3A_1094, %xor3A_17 : vector<16xi1>, vector<16xi32>
        %broadcast_in_dim3A_1096 = vector.shape_cast %select_n3A_1095 : vector<16xi32> to vector<16x1xi32>
        %gather3A_1097 = vector.shape_cast %broadcast_in_dim3A_1096 : vector<16x1xi32> to vector<16xi32>
        %gather3A_1098 = tpu.dynamic_gather %mul3A_1077[%gather3A_1097] in [0] : vector<16xf32>, vector<16xi32> -> vector<16xf32>
        %mul3A_1099 = arith.mulf %mul3A_1077, %gather3A_1098 : vector<16xf32>
        %lt3A_1100 = arith.constant 0 : i32
        %lt3A_1101 = vector.broadcast %lt3A_1100 : i32 to vector<16xi32>
        %lt3A_1102 = arith.cmpi slt, %xor3A_17, %lt3A_1101 : vector<16xi32>
        %add3A_1103 = arith.constant 16 : i32
        %add3A_1104 = vector.broadcast %add3A_1103 : i32 to vector<16xi32>
        %add3A_1105 = arith.addi %xor3A_17, %add3A_1104 : vector<16xi32>
        %select_n3A_1106 = arith.select %lt3A_1102, %add3A_1105, %xor3A_17 : vector<16xi1>, vector<16xi32>
        %broadcast_in_dim3A_1107 = vector.shape_cast %select_n3A_1106 : vector<16xi32> to vector<16x1xi32>
        %gather3A_1108 = vector.shape_cast %broadcast_in_dim3A_1107 : vector<16x1xi32> to vector<16xi32>
        %gather3A_1109 = tpu.dynamic_gather %mul3A_1088[%gather3A_1108] in [0] : vector<16xf32>, vector<16xi32> -> vector<16xf32>
        %mul3A_1110 = arith.mulf %mul3A_1088, %gather3A_1109 : vector<16xf32>
        %lt3A_1111 = arith.constant 0 : i32
        %lt3A_1112 = vector.broadcast %lt3A_1111 : i32 to vector<16xi32>
        %lt3A_1113 = arith.cmpi slt, %xor3A_20, %lt3A_1112 : vector<16xi32>
        %add3A_1114 = arith.constant 16 : i32
        %add3A_1115 = vector.broadcast %add3A_1114 : i32 to vector<16xi32>
        %add3A_1116 = arith.addi %xor3A_20, %add3A_1115 : vector<16xi32>
        %select_n3A_1117 = arith.select %lt3A_1113, %add3A_1116, %xor3A_20 : vector<16xi1>, vector<16xi32>
        %broadcast_in_dim3A_1118 = vector.shape_cast %select_n3A_1117 : vector<16xi32> to vector<16x1xi32>
        %gather3A_1119 = vector.shape_cast %broadcast_in_dim3A_1118 : vector<16x1xi32> to vector<16xi32>
        %gather3A_1120 = tpu.dynamic_gather %mul3A_1099[%gather3A_1119] in [0] : vector<16xf32>, vector<16xi32> -> vector<16xf32>
        %mul3A_1121 = arith.mulf %mul3A_1099, %gather3A_1120 : vector<16xf32>
        %lt3A_1122 = arith.constant 0 : i32
        %lt3A_1123 = vector.broadcast %lt3A_1122 : i32 to vector<16xi32>
        %lt3A_1124 = arith.cmpi slt, %xor3A_20, %lt3A_1123 : vector<16xi32>
        %add3A_1125 = arith.constant 16 : i32
        %add3A_1126 = vector.broadcast %add3A_1125 : i32 to vector<16xi32>
        %add3A_1127 = arith.addi %xor3A_20, %add3A_1126 : vector<16xi32>
        %select_n3A_1128 = arith.select %lt3A_1124, %add3A_1127, %xor3A_20 : vector<16xi1>, vector<16xi32>
        %broadcast_in_dim3A_1129 = vector.shape_cast %select_n3A_1128 : vector<16xi32> to vector<16x1xi32>
        %gather3A_1130 = vector.shape_cast %broadcast_in_dim3A_1129 : vector<16x1xi32> to vector<16xi32>
        %gather3A_1131 = tpu.dynamic_gather %mul3A_1110[%gather3A_1130] in [0] : vector<16xf32>, vector<16xi32> -> vector<16xf32>
        %mul3A_1132 = arith.mulf %mul3A_1110, %gather3A_1131 : vector<16xf32>
        %add3A_1133 = arith.constant 384 : i32
        %add3A_1134 = arith.addi %add3A_1133, %add3A_902 : i32
        %swap3A_1135 = arith.index_cast %add3A_1134 : i32 to index
        %swap3A_1136 = tpu.vector_load %arg10[%swap3A_1135] masked %eq3A_9 {strides = array<i32>} : memref<528xf32, #tpu.memory_space<vmem>>, vector<16xf32>, vector<16xi1>
        tpu.vector_store %arg10[%swap3A_1135], %mul3A_1121 masked %eq3A_9 {strides = array<i32>} : memref<528xf32, #tpu.memory_space<vmem>>, vector<16xf32>, vector<16xi1>
        %swap3A_1137 = arith.index_cast %add3A_1134 : i32 to index
        %swap3A_1138 = tpu.vector_load %arg11[%swap3A_1137] masked %eq3A_9 {strides = array<i32>} : memref<528xf32, #tpu.memory_space<vmem>>, vector<16xf32>, vector<16xi1>
        tpu.vector_store %arg11[%swap3A_1137], %mul3A_1132 masked %eq3A_9 {strides = array<i32>} : memref<528xf32, #tpu.memory_space<vmem>>, vector<16xf32>, vector<16xi1>
      }
      %scan3A_167 = arith.constant 16 : i32
      %mul3A_168 = arith.constant 16 : i32
      %mul3A_169 = arith.muli %scan3A_155, %mul3A_168 : i32
      %add3A_170 = arith.constant 384 : i32
      %add3A_171 = arith.addi %add3A_170, %mul3A_169 : i32
      %get3A = arith.index_cast %add3A_171 : i32 to index
      %get3A_172 = tpu.vector_load %arg11[%get3A] {strides = array<i32>} : memref<528xf32, #tpu.memory_space<vmem>>, vector<16xf32>,
      %ne3A = arith.cmpi ne, %gather3A, %broadcast_in_dim3A_3 : vector<16xi32>
      %sub3A = arith.constant 1.000000e+00 : f32
      %sub3A_173 = vector.broadcast %sub3A : f32 to vector<16xf32>
      %sub3A_174 = arith.subf %sub3A_173, %gather3A_161 : vector<16xf32>
      %mul3A_175 = arith.mulf %get3A_172, %sub3A_174 : vector<16xf32>
      %jit3A = arith.constant 1.000000e-07 : f32
      %broadcast_in_dim3A_176 = vector.broadcast %jit3A : f32 to vector<16xf32>
      %select_n3A = arith.select %ne3A, %mul3A_175, %broadcast_in_dim3A_176 : vector<16xi1>, vector<16xf32>
      %swap3A = arith.index_cast %add3A_171 : i32 to index
      %swap3A_177 = tpu.vector_load %arg11[%swap3A] {strides = array<i32>} : memref<528xf32, #tpu.memory_space<vmem>>, vector<16xf32>,
      tpu.vector_store %arg11[%swap3A], %select_n3A {strides = array<i32>} : memref<528xf32, #tpu.memory_space<vmem>>, vector<16xf32>,
    }
    %scan3A_154 = arith.constant 8 : i32
    "tpu.region"() ({
      %run_scoped3A = tpu.sem_alloc : memref<!tpu.dma_semaphore, #tpu.memory_space<semaphore_mem>>
      %dma_start3A_155 = arith.constant 0 : i32
      %dma_start3A_156 = tpu.memref_slice %arg10[%dma_start3A_155] : memref<528xf32, #tpu.memory_space<vmem>> -> memref<512xf32, #tpu.memory_space<vmem>>
      %dma_start3A_157 = tpu.memref_slice %arg4[%mul3A_2] : memref<16384xf32, #tpu.memory_space<hbm>> -> memref<512xf32, #tpu.memory_space<hbm>>
      %dma_start3A_158 = tpu.memref_slice %arg4[%mul3A_2] : memref<16384xf32, #tpu.memory_space<hbm>> -> memref<512xf32, #tpu.memory_space<hbm>>
      %dma_start3A_159 = arith.constant 0 : i32
      %dma_start3A_160 = tpu.memref_slice %arg10[%dma_start3A_159] : memref<528xf32, #tpu.memory_space<vmem>> -> memref<512xf32, #tpu.memory_space<vmem>>
      tpu.enqueue_dma source(%dma_start3A_160 : memref<512xf32, #tpu.memory_space<vmem>>) target(%dma_start3A_158 : memref<512xf32, #tpu.memory_space<hbm>>) target_semaphore(%run_scoped3A : memref<!tpu.dma_semaphore, #tpu.memory_space<semaphore_mem>>)
      %dma_wait3A_161 = arith.constant 0 : i32
      %dma_wait3A_162 = tpu.memref_slice %arg10[%dma_wait3A_161] : memref<528xf32, #tpu.memory_space<vmem>> -> memref<512xf32, #tpu.memory_space<vmem>>
      %dma_wait3A_163 = tpu.memref_slice %arg4[%mul3A_2] : memref<16384xf32, #tpu.memory_space<hbm>> -> memref<512xf32, #tpu.memory_space<hbm>>
      %dma_wait3A_164 = tpu.memref_slice %arg4[%mul3A_2] : memref<16384xf32, #tpu.memory_space<hbm>> -> memref<512xf32, #tpu.memory_space<hbm>>
      %dma_wait3A_165 = arith.constant 0 : i32
      %dma_wait3A_166 = tpu.memref_slice %arg10[%dma_wait3A_165] : memref<528xf32, #tpu.memory_space<vmem>> -> memref<512xf32, #tpu.memory_space<vmem>>
      tpu.wait_dma2 semaphore(%run_scoped3A : memref<!tpu.dma_semaphore, #tpu.memory_space<semaphore_mem>>) src(%dma_wait3A_166 : memref<512xf32, #tpu.memory_space<vmem>>) dst(%dma_wait3A_164 : memref<512xf32, #tpu.memory_space<hbm>>)
      tpu.yield
    }) : () -> ()
    "tpu.region"() ({
      %run_scoped3A = tpu.sem_alloc : memref<!tpu.dma_semaphore, #tpu.memory_space<semaphore_mem>>
      %dma_start3A_155 = arith.constant 0 : i32
      %dma_start3A_156 = tpu.memref_slice %arg11[%dma_start3A_155] : memref<528xf32, #tpu.memory_space<vmem>> -> memref<512xf32, #tpu.memory_space<vmem>>
      %dma_start3A_157 = tpu.memref_slice %arg5[%mul3A_2] : memref<16384xf32, #tpu.memory_space<hbm>> -> memref<512xf32, #tpu.memory_space<hbm>>
      %dma_start3A_158 = tpu.memref_slice %arg5[%mul3A_2] : memref<16384xf32, #tpu.memory_space<hbm>> -> memref<512xf32, #tpu.memory_space<hbm>>
      %dma_start3A_159 = arith.constant 0 : i32
      %dma_start3A_160 = tpu.memref_slice %arg11[%dma_start3A_159] : memref<528xf32, #tpu.memory_space<vmem>> -> memref<512xf32, #tpu.memory_space<vmem>>
      tpu.enqueue_dma source(%dma_start3A_160 : memref<512xf32, #tpu.memory_space<vmem>>) target(%dma_start3A_158 : memref<512xf32, #tpu.memory_space<hbm>>) target_semaphore(%run_scoped3A : memref<!tpu.dma_semaphore, #tpu.memory_space<semaphore_mem>>)
      %dma_wait3A_161 = arith.constant 0 : i32
      %dma_wait3A_162 = tpu.memref_slice %arg11[%dma_wait3A_161] : memref<528xf32, #tpu.memory_space<vmem>> -> memref<512xf32, #tpu.memory_space<vmem>>
      %dma_wait3A_163 = tpu.memref_slice %arg5[%mul3A_2] : memref<16384xf32, #tpu.memory_space<hbm>> -> memref<512xf32, #tpu.memory_space<hbm>>
      %dma_wait3A_164 = tpu.memref_slice %arg5[%mul3A_2] : memref<16384xf32, #tpu.memory_space<hbm>> -> memref<512xf32, #tpu.memory_space<hbm>>
      %dma_wait3A_165 = arith.constant 0 : i32
      %dma_wait3A_166 = tpu.memref_slice %arg11[%dma_wait3A_165] : memref<528xf32, #tpu.memory_space<vmem>> -> memref<512xf32, #tpu.memory_space<vmem>>
      tpu.wait_dma2 semaphore(%run_scoped3A : memref<!tpu.dma_semaphore, #tpu.memory_space<semaphore_mem>>) src(%dma_wait3A_166 : memref<512xf32, #tpu.memory_space<vmem>>) dst(%dma_wait3A_164 : memref<512xf32, #tpu.memory_space<hbm>>)
      tpu.yield
    }) : () -> ()
    return
  }
}

</mosaic_0001>

<sc_bundles>
// kernel: kernel.3.cloned.1.call-start
scs
__scs_entry_jumppad:
0x0: {  	(pc) =	sbr.rel $0x88, $3  }
0x1: {  	(tag) =	ssettag $0x0;
	lr =	simm.s32 $0x1  }
0x2: {  	[smem:$0x3F9F] =	sst lr;
	_ =	strace $0xD0000000  }
0x3: {  	_ = 	snop  }
0x4: {  	_ = 	snop  }
0x5: {  	_ = 	snop  }
0x6: {  	_ = 	snop  }
0x7: {  	_ = 	snop  }
__scs_overlays_trampoline_lowered:
0x8: {  	[smem:$0x3FAE] =	sst s0  }
0x9: {  	[smem:$0x3FAF] =	sst s1  }
0xa: {  	[smem:$0x3FB0] =	sst s2  }
0xb: {  	[smem:$0x3FB1] =	sst s3  }
0xc: {  	[smem:$0x3FB2] =	sst s4  }
0xd: {  	[smem:$0x3FB3] =	sst s5  }
0xe: {  	[smem:$0x3FB4] =	sst s6  }
0xf: {  	[smem:$0x3FB5] =	sst s7  }
0x10: {  	[smem:$0x3FB6] =	sst s8  }
0x11: {  	[smem:$0x3FB7] =	sst s9;
	s0 =	simm.s32 @!p0 $0x0  }
0x12: {  	s1 =	sld [smem:$0x3F9D];
	s0 =	simm.s32 @p0 $0x1  }
0x13: {  	[smem:$0x3FB8] =	sst s0;
	s0 =	simm.s32 @!p1 $0x0  }
0x14: {  	s2 =	sld [smem:$0x3F9C];
	s0 =	simm.s32 @p1 $0x1  }
0x15: {  	[smem:$0x3FB9] =	sst s0;
	s0 =	simm.s32 @!p2 $0x0  }
0x16: {  	s3 =	sld [smem:$0x3FDB];
	s0 =	simm.s32 @p2 $0x1  }
0x17: {  	s4 =	simm.s32 $0x1BF5;
	[smem:$0x3FBB] =	sst s0  }
0x18: {  	s0 =	sld [smem:$0x3F9E];
	_ =	swait.ge [sflag:s4], $0x0  }
0x19: {  	s7 =	sld [smem:$0x3F9F]  }
0x1a: {  	s8 =	sadd.s32 $0xFFFFE003, lr  }
0x1b: {  	s9 =	sadd.s32 $0xFFFFFEF7, lr;
	s5 =	simm.s32 $0xFFFFFFFF;
	p2 =	slt.u32 s8, $0xFFFFF086  }
0x1c: {  	p1 =	slt.u32 s9, $0xF7A;
	s5 =	simm.s32 @!p2 $0x0  }
0x1d: {  	s5 =	simm.s32 @p1 $0x1;
	p0 =	seq.s32 s7, s2  }
0x1e: {  	s7 =	smul.u32 @!p0 $0xF7A, s2;
	p2 =	seq.s32 @!p0 s5, $0x0  }
0x1f: {  	s9 =	smul.u32 $0xF7A, s1;
	s8 =	simm.s32 @!p0 $0x1BF5;
	p2 =	por !p2, p0  }
0x20: {  	[sflag:s8] =	ssyncset.s32 @!p0 $0xFFFFF086;
	s6 =	sadd.s32 @!p0 s3, s7;
	s7 =	simm.s32 @!p0 $0x108  }
0x21: {  	s3 =	sadd.s32 s3, s9;
	s6 =	sadd.s32 @!p0 $0x88, s6;
	s7 =	simm.s32 @p2 $0x1082  }
0x22: {  	[simem:s7], [sflag:s8] =	dma.local @!p0 [hbm:s6], $0xF7A  }
0x23: {  	s9 =	sor.u32 $0xD0000000, s2;
	s6 =	simm.s32 $0x108;
	_ =	swait.ge @!p0 [sflag:s8], $0x0  }
0x24: {  	s3 =	sadd.s32 $0x88, s3;
	s6 =	simm.s32 @!p1 $0x1082;
	[sflag:s4] =	ssyncset.s32 $0xFFFFF086  }
0x25: {  	[simem:s6], [sflag:s4] =	dma.local [hbm:s3], $0xF7A  }
0x26: {  	[smem:$0x3F9F] =	sst s1;
	(tag) =	ssettag s2;
	_ =	strace s9  }
0x27: {  	s1 =	sld [smem:$0x3FAF]  }
0x28: {  	s2 =	sld [smem:$0x3FB0]  }
0x29: {  	s4 =	sld [smem:$0x3FB2]  }
0x2a: {  	p0 =	seq.s32 s5, $0x0;
	s5 =	sld [smem:$0x3FB3]  }
0x2b: {  	s6 =	sld [smem:$0x3FB4]  }
0x2c: {  	s7 =	sld [smem:$0x3FB5]  }
0x2d: {  	s3 =	simm.s32 $0x108;
	s8 =	sld [smem:$0x3FB6]  }
0x2e: {  	s3 =	simm.s32 @!p0 $0x1082;
	s9 =	sld [smem:$0x3FB7]  }
0x2f: {  	lr =	sadd.s32 s0, s3;
	s0 =	sld [smem:$0x3FAE]  }
0x30: {  	s3 =	sld [smem:$0x3FB1]  }
0x31: {  	[smem:$0x3FBA] =	sst s10  }
0x32: {  	s10 =	sld [smem:$0x3FB8];
	_ =	sdelay $0x3  }
0x33: {  	p0 =	seq.s32 s10, $0x1;
	s10 =	sld [smem:$0x3FBA];
	_ =	sdelay $0x3  }
0x34: {  	[smem:$0x3FBA] =	sst s10  }
0x35: {  	s10 =	sld [smem:$0x3FB9];
	_ =	sdelay $0x3  }
0x36: {  	p1 =	seq.s32 s10, $0x1;
	s10 =	sld [smem:$0x3FBA];
	_ =	sdelay $0x3  }
0x37: {  	[smem:$0x3FBA] =	sst s10  }
0x38: {  	s10 =	sld [smem:$0x3FBB]  }
0x39: {  	_ = 	snop;
	(pc) =	sbr.ind lr, $3  }
0x3a: {  	_ = 	snop  }
0x3b: {  	_ = 	snop  }
0x3c: {  	p2 =	seq.s32 s10, $0x1;
	s10 =	sld [smem:$0x3FBA]  }
0x3d: {  	_ =	shalt  }
0x3e: {  	_ =	shalt  }
0x3f: {  	_ =	shalt  }
0x40: {  	_ =	shalt  }
0x41: {  	_ =	shalt  }
0x42: {  	_ =	shalt  }
0x43: {  	_ =	shalt  }
0x44: {  	_ =	shalt  }
0x45: {  	_ =	shalt  }
0x46: {  	_ =	shalt  }
0x47: {  	_ =	shalt  }
0x48: {  	_ =	shalt  }
0x49: {  	_ =	shalt  }
0x4a: {  	_ =	shalt  }
0x4b: {  	_ =	shalt  }
0x4c: {  	_ =	shalt  }
0x4d: {  	_ =	shalt  }
0x4e: {  	_ =	shalt  }
0x4f: {  	_ =	shalt  }
0x50: {  	_ =	shalt  }
0x51: {  	_ =	shalt  }
0x52: {  	_ =	shalt  }
0x53: {  	_ =	shalt  }
0x54: {  	_ =	shalt  }
0x55: {  	_ =	shalt  }
0x56: {  	_ =	shalt  }
0x57: {  	_ =	shalt  }
0x58: {  	_ =	shalt  }
0x59: {  	_ =	shalt  }
0x5a: {  	_ =	shalt  }
0x5b: {  	_ =	shalt  }
0x5c: {  	_ =	shalt  }
0x5d: {  	_ =	shalt  }
0x5e: {  	_ =	shalt  }
0x5f: {  	_ =	shalt  }
0x60: {  	_ =	shalt  }
0x61: {  	_ =	shalt  }
0x62: {  	_ =	shalt  }
0x63: {  	_ =	shalt  }
0x64: {  	_ =	shalt  }
0x65: {  	_ =	shalt  }
0x66: {  	_ =	shalt  }
0x67: {  	_ =	shalt  }
0x68: {  	_ =	shalt  }
0x69: {  	_ =	shalt  }
0x6a: {  	_ =	shalt  }
0x6b: {  	_ =	shalt  }
0x6c: {  	_ =	shalt  }
0x6d: {  	_ =	shalt  }
0x6e: {  	_ =	shalt  }
0x6f: {  	_ =	shalt  }
0x70: {  	_ =	shalt  }
0x71: {  	_ =	shalt  }
0x72: {  	_ =	shalt  }
0x73: {  	_ =	shalt  }
0x74: {  	_ =	shalt  }
0x75: {  	_ =	shalt  }
0x76: {  	_ =	shalt  }
0x77: {  	_ =	shalt  }
0x78: {  	_ =	shalt  }
0x79: {  	_ =	shalt  }
0x7a: {  	_ =	shalt  }
0x7b: {  	_ =	shalt  }
0x7c: {  	_ =	shalt  }
0x7d: {  	_ =	shalt  }
0x7e: {  	_ =	shalt  }
0x7f: {  	_ =	shalt  }
0x80: {  	_ =	shalt  }
0x81: {  	_ =	shalt  }
0x82: {  	_ =	shalt  }
0x83: {  	_ =	shalt  }
0x84: {  	_ =	shalt  }
0x85: {  	_ =	shalt  }
0x86: {  	_ =	shalt  }
0x87: {  	_ =	shalt  }
.Lfunc_end0:
.L_simem_size_0:
called_computation_lowered:
.L_overlay_start_0:
0x88: {  	s2 =	sld [smem:$0x3FD9]  }
0x89: {  	s3 =	sld [smem:$0x3FFE];
	_ =	sdelay $0x1  }
0x8a: {  	s1 =	srdreg.scid  }
0x8b: {  	s0 =	sand.u32 $0x1, s1  }
0x8c: {  	s14 =	sshll.u32 s0, $0xA;
	s2 =	sadd.s32 s3, s2  }
0x8d: {  	s2 =	sadd.s32 s2, s14  }
0x8e: {  	[smem:$0x3FC6] =	sst s2  }
0x8f: {  	_ = 	snop  }
0x90: {  	s2 =	sld [smem:$0x3FD0];
	_ =	sdelay $0x2  }
0x91: {  	s15 =	simm.s32 $0xA;
	s4 =	simm.s32 $0x10  }
0x92: {  	[smem:s4], [sflag:s15] =	dma.local [hbm:s2], $0x1  }
0x93: {  	_ =	swait.eq [sflag:s15], $0x1  }
0x94: {  	[sflag:s15] =	ssyncset.done $0x0  }
0x95: {  	s16 =	sld [smem:$0x10];
	[sflag:s15] =	ssyncadd.s32 $0xFFFFFFFF  }
0x96: {  	s17 =	sld [smem:$0x11];
	(tm) =	ssettm $0x1  }
0x97: {  	s18 =	sld [smem:$0x3FFB];
	_ =	sdelay $0x3  }
0x98: {  	_ =	strace s18  }
0x99: {  	s4 =	sld [smem:$0x3FFC];
	_ =	sdelay $0x3  }
0x9a: {  	_ =	strace s4  }
0x9b: {  	s4 =	sld [smem:$0x3FFD];
	_ =	sdelay $0x3  }
0x9c: {  	_ =	strace s4  }
0x9d: {  	_ =	strace $0x8FFFFFFF  }
0x9e: {  	s19 =	sld [smem:$0x3FDB];
	_ =	sdelay $0x1  }
0x9f: {  	s5 =	simm.s32 $_scs_section_size  }
0xa0: {  	s6 =	simm.s32 $_size__tile_overlayer_lowered;
	s7 =	simm.s32 $_tile_overlayer_lowered  }
0xa1: {  	s22 =	simm.s32 $0x1BFF;
	s21 =	sshll.u32 s7, $0x1;
	s4 =	sadd.s32 s5, s19  }
0xa2: {  	s8 =	simm.s32 $0x0;
	s20 =	sshll.u32 s6, $0x1;
	s6 =	sadd.s32 s21, s4  }
0xa3: {  	[timem:s8], [sflag:s22] =	dma.local [hbm:s6], s20  }
0xa4: {  	_ =	swait.ge [sflag:s22], s20  }
0xa5: {  	s5 =	ssub.s32 $0x0, s20;
	[sflag:s22] =	ssyncset.done $0x0  }
0xa6: {  	[sflag:s22] =	ssyncadd.s32 s5;
	_ =	sdelay $0x1  }
0xa7: {  	s23 =	simm.s32 $0x1B8B  }
0xa8: {  	_ =	swait.ge [sflag:s23], $0x1  }
0xa9: {  	[sflag:s23] =	ssyncset.done $0x0  }
0xaa: {  	s25 =	simm.s32 $0x1B8E;
	s24 =	sld [smem:$0x3FFE];
	[sflag:s23] =	ssyncadd.s32 $0xFFFFFFFF  }
0xab: {  	s26 =	simm.s32 $execute0_lowered;
	[smem:$0x3FD2] =	sst s25  }
0xac: {  	s6 =	sshll.u32 s26, $0x1;
	_ =	strace $0x80000046;
	[dreg:$0x1] =	wrdreg $0xFFFFFFFF  }
0xad: {  	s28 =	simm.s32 $_size_execute0_lowered;
	s4 =	sadd.s32 s4, s6;
	[dreg:$0x0] =	wrdreg $0x0  }
0xae: {  	s6 =	sshll.u32 s28, $0x1;
	[dreg:$0x2] =	wrdreg s4  }
0xaf: {  	[dreg:$0x3] =	wrdreg s6  }
0xb0: {  	[dreg:$0x4] =	wrdreg $0xC0  }
0xb1: {  	_ =	task [dreg:s8], $0x5FFFF  }
0xb2: {  	[dreg:$0x1] =	wrdreg $0xFFFFFFFF  }
0xb3: {  	[dreg:$0x0] =	wrdreg $0x60  }
0xb4: {  	[dreg:$0x2] =	wrdreg s24  }
0xb5: {  	[dreg:$0x3] =	wrdreg s16  }
0xb6: {  	[dreg:$0x4] =	wrdreg s17  }
0xb7: {  	[dreg:$0x5] =	wrdreg $0x9  }
0xb8: {  	_ =	task.clear_ibuf [dreg:s8], $0x6FFFF;
	_ =	strace $0x90000046  }
0xb9: {  	s29 =	simm.s32 $0x9;
	_ =	strace $0x80000048  }
0xba: {  	_ =	swait.ge [sflag:s29], $0x1  }
0xbb: {  	[sflag:s29] =	ssyncadd.s32 $0xFFFFFFFF  }
0xbc: {  	_ =	strace $0x90000048  }
0xbd: {  	_ =	sfence  }
0xbe: {  	s30 =	sld [smem:$0x0];
	_ =	sdelay $0x2  }
0xbf: {  	s31 =	sshll.u32 s1, $0xD;
	s1 =	sshrl.u32 s1, $0x2  }
0xc0: {  	s3 =	sand.u32 $0x4000, s31;
	s1 =	sadd.s32 s1, s30  }
0xc1: {  	s0 =	sor.u32 s3, s0;
	s1 =	sshll.u32 s1, $0x11  }
0xc2: {  	s0 =	sor.u32 s1, s0  }
0xc3: {  	s0 =	sadd.s32 $0x8F2B, s0  }
0xc4: {  	[sflag:s0] =	ssyncadd.remote.s32 $0x1  }
0xc5: {  	_ =	sfence.sel $0xFFFF  }
0xc6: {  	[dreg:$0x0] =	wrdreg $0xFFFFFFFF;
	(pc) =	sbr.abs _section_cstart, $3  }
0xc7: {  	[dreg:$0x1] =	wrdreg $0xFFFFFFFF  }
0xc8: {  	_ =	task.clear_ibuf [dreg:s8], $0x2FFFF;
	_ =	strace $0x9FFFFFFF  }
0xc9: {  	(tm) =	ssettm $0x7FFFFFFF  }
tec
execute0_lowered:
.L_overlay_start_1:
0x0: {  	(tag) =	ssettag $0x1  }
0x1: {  	s3 =	rddreg [dreg:$0x0]  }
0x2: {  	s0 =	rddreg [dreg:$0x1]  }
0x3: {  	s2 =	rddreg [dreg:$0x2];
	v10 =	vimm.s32 $0xBA98FEDC;
	v11 =	vimm.s32 $0x76543210;
	v12 =	vimm.s32 $0xFEDCBA98  }
0x4: {  	s1 =	simm.s32 $0x0;
	s4 =	srdreg.scid;
	s6 =	stileid.u32;
	v15 =	vimm.s32 $0xDCFE98BA;
	v16 =	vimm.s32 $0x54761032;
	v17 =	vimm.s32 $0xEFCDAB89  }
0x5: {  	v0 =	vlaneseq.u32;
	v18 =	vimm.s32 $0x67452301;
	s15 =	simm.s32 $0x8000;
	s16 =	simm.s32 $0x14000;
	s17 =	simm.s32 $0x1;
	vm0 =	vcmask $0x3F20  }
0x6: {  	s18 =	simm.s32 $0x2;
	s20 =	simm.s32 $0x3;
	s22 =	simm.s32 $0x0;
	v1 =	vand.u32 $0x7, v0;
	v2 =	vor.u32 $0x10, v0;
	v3 =	vor.u32 $0x20, v0  }
0x7: {  	[smem:$0x7FF] =	sst s1;
	v4 =	vor.u32 $0x30, v0;
	s10 =	sadd.s32 $0x800, s3;
	s4 =	sand.u32 $0x1, s4;
	v5 =	vor.u32 $0x40, v0;
	v13 =	vunpack.c.l.s4.s8 v10  }
0x8: {  	v6 =	vor.u32 $0x50, v0;
	v7 =	vor.u32 $0x60, v0;
	s6 =	sshll.u32 s6, $0xA;
	v14 =	vunpack.c.l.s4.s8 v11;
	s5 =	ssub.s32 $0x2, s4;
	s4 =	sshll.u32 s4, $0x9  }
0x9: {  	s9 =	sadd.s32 $0x40800, s3;
	v11 =	vunpack.c.l.s4.s8 v12;
	s28 =	sshrl.u32 s5, $0x1;
	s4 =	sor.u32 s4, s6;
	v12 =	vunpack.c.0.s8.s32 v13;
	v13 =	vimm.s32 $0x32107654  }
0xa: {  	v8 =	vor.u32 $0x70, v0;
	v9 =	vor.u32 $0x80, v0;
	_ =	strace $0x80000047;
	s13 =	ssub.s32 s5, s28;
	s29 =	sshll.u32 s4, $0x5;
	v13 =	vunpack.c.l.s4.s8 v13  }
0xb: {  	v10 =	vor.u32 $0x90, v0;
	v15 =	vunpack.c.l.s4.s8 v15;
	v16 =	vunpack.c.l.s4.s8 v16;
	s12 =	sshrl.u32 s4, $0x3;
	s4 =	sshll.u32 s4, $0x4;
	s3 =	sadd.s32 s9, s29  }
0xc: {  	v17 =	vunpack.c.l.s4.s8 v17;
	v18 =	vunpack.c.l.s4.s8 v18;
	s30 =	sor.u32 $0x10, s12;
	s4 =	sadd.s32 s10, s4;
	s8 =	sor.u32 $0x20, s12;
	v13 =	vunpack.c.0.s8.s32 v13  }
0xd: {  	v19 =	vunpack.c.0.s8.s32 v11;
	v15 =	vunpack.c.0.s8.s32 v15;
	v16 =	vunpack.c.0.s8.s32 v16;
	s11 =	sor.u32 $0x30, s12;
	s13 =	smax.u32 s13, $0x1;
	[dreg:$0x4] =	wrdreg s3  }
0xe: {  	s31 =	sshll.u32 s30, $0x8;
	s6 =	sshll.u32 s30, $0x7;
	s7 =	sshll.u32 s8, $0x8;
	v20 =	vcombine.low v13, v12;
	v13 =	vunpack.c.0.s8.s32 v17;
	v17 =	vunpack.c.0.s8.s32 v18  }
0xf: {  	v1 =	vmul.u32 $0x80, v1;
	v14 =	vunpack.c.0.s8.s32 v14;
	v16 =	vcombine.low v16, v15;
	s8 =	sshll.u32 s8, $0x7;
	s14 =	sshll.u32 s11, $0x8;
	s11 =	sshll.u32 s11, $0x7  }
0x10: {  	v11 =	vor.u32 $0xA0, v0;
	v15 =	vand.u32 $0xF, v19;
	s5 =	sadd.s32 s9, s31;
	s6 =	sadd.s32 s10, s6;
	s7 =	sadd.s32 s9, s7;
	v17 =	vcombine.low v17, v13  }
0x11: {  	v14 =	vcombine.low v15, v14;
	s8 =	sadd.s32 s10, s8;
	s9 =	sadd.s32 s9, s14;
	s10 =	sadd.s32 s10, s11;
	v16 =	vand.u32 $0xF, v16;
	v12 =	vor.u32 $0xB0, v0  }
0x12: {  	s11 =	sadd.s32 s0, s12;
	s12 =	sadd.s32 s2, s12;
	s14 =	simm.s32 $0x10000;
	v13 =	vadd.s32 $0xB8, v0;
	v15 =	vand.u32 $0xF, v20;
	v17 =	vand.u32 $0xF, v17  }
.LBB2_1:
0x13: {  	s0 =	rddreg [dreg:$0x4]  }
0x14: {  	[tilespmem:s1], [sflag:$0x1] =	stream.linear.gather [hbm4b:s0+s1], $0x8000, $0x38;
	[tilespmem:$0x18500] =	vst v63  }
0x15: {  	_ = 	snop  }
0x16: {  	[tilespmem:s14], [sflag:$0x1] =	stream.linear.gather [hbm4b:s4+s1], $0x4000, $0x38;
	[tilespmem:$0x18500] =	vst v63  }
0x17: {  	_ = 	snop  }
0x18: {  	[tilespmem:s15], [sflag:$0x2] =	stream.linear.gather [hbm4b:s5+s1], $0x8000, $0x38;
	[tilespmem:$0x18500] =	vst v63  }
0x19: {  	_ = 	snop  }
0x1a: {  	[tilespmem:s16], [sflag:$0x2] =	stream.linear.gather [hbm4b:s6+s1], $0x4000, $0x38;
	[tilespmem:$0x18500] =	vst v63  }
0x1b: {  	_ =	swait.ge [sflag:s17], $0x8000  }
0x1c: {  	[sflag:s17] =	ssyncset.done $0x0  }
0x1d: {  	[sflag:s17] =	ssyncadd.s32 $0xFFFF8000  }
0x1e: {  	_ =	swait.ge [sflag:s17], $0x4000  }
0x1f: {  	s23 =	simm.s32 $0x18282;
	s24 =	simm.s32 $0x18002;
	[sflag:s17] =	ssyncset.done $0x0  }
0x20: {  	s25 =	simm.s32 $0x0;
	s26 =	simm.s32 $0x0;
	[sflag:s17] =	ssyncadd.s32 $0xFFFFC000  }
.LBB2_2:
0x21: {  	s28 =	sshll.u32 s26, $0x4  }
0x22: {  	v19 =	vor.u32 s28, v0  }
0x23: {  	v20 =	vshll.u32 v19, $0x7;
	_ =	sdelay $0x4  }
0x24: {  	v18 =	vld.idx.msk [tilespmem:v20+s14+$0x0], $0xffff;
	_ =	sdelay $0x4  }
0x25: {  	v19 =	vshll.u32 v19, $0x8;
	v21 =	vshll.u32 v18, $0x3  }
0x26: {  	v19 =	vand.u32 $0x7800, v19;
	v21 =	vand.u32 $0xFFFFFC00, v21  }
0x27: {  	v22 =	vand.u32 $0x7F, v18;
	v19 =	vadd.s32 v19, v21  }
0x28: {  	v20 =	vor.u32 $0x1, v20;
	v19 =	vor.u32 v22, v19  }
0x29: {  	v19 =	vor.u32 v1, v19;
	_ =	sdelay $0x3  }
0x2a: {  	s29 =	simm.s32 $0x0;
	p0 =	por $0x0, $0x0;
	s30 =	simm.s32 $0x180;
	v20 =	vld.idx.msk [tilespmem:v20+s14+$0x0], $0xffff  }
0x2b: {  	s31 =	smov.u32 s24;
	s0 =	smov.u32 s23;
	s2 =	smov.u32 s25;
	v19 =	vld.idx.msk [tilespmem:v19+s29+$0x0], $0xffff  }
.LBB2_3:
0x2c: {  	s19 =	sadd.s32 $0xFFFFFE80, s30  }
0x2d: {  	s21 =	sand.u32 $0x7800, s2;
	s19 =	sand.u32 $0x200, s19  }
0x2e: {  	s19 =	sor.u32 s19, s21  }
0x2f: {  	v21 =	vld [tilespmem:s19+$0x0]  }
0x30: {  	v23 =	vmov s29;
	v22 =	vld [tilespmem:s19+$0x10]  }
0x31: {  	v25 =	vperm.xlane v20, v23;
	v23 =	vperm.xlane v18, v23;
	v24 =	vld [tilespmem:s19+$0x20]  }
0x32: {  	v26 =	vld [tilespmem:s19+$0x30]  }
0x33: {  	vm1 =	vgt.s32 v25, v0;
	vm2 =	vgt.s32 v23, v0  }
0x34: {  	v28 =	vld [tilespmem:s19+$0x40];
	vm3 =	vgt.s32 v25, v12;
	v27 =	vnsel vm1, $0x3F800000, v21;
	vm1 =	vgt.s32 v25, v2  }
0x35: {  	v21 =	vnsel vm2, $0x3F800000, v21;
	vm2 =	vgt.s32 v23, v11;
	v29 =	vnsel vm1, $0x3F800000, v22  }
0x36: {  	v31 =	vld [tilespmem:s19+$0x50];
	vm1 =	vgt.s32 v23, v2;
	v30 =	vmul.f32 v24, v27;
	v24 =	vmul.f32 v24, v21  }
0x37: {  	s21 =	simm.s32 $0x1;
	v22 =	vnsel vm1, $0x3F800000, v22;
	vm1 =	vgt.s32 v25, v3;
	v55 =	vmul.f32 v26, v29  }
0x38: {  	s21 =	simm.s32 @!p0 $0x0;
	v57 =	vld [tilespmem:s19+$0x60];
	v27 =	vsel vm1, v30, v27;
	vm1 =	vgt.s32 v23, v3;
	v56 =	vmul.f32 v26, v22  }
0x39: {  	s21 =	sshll.u32 s21, $0x9;
	v21 =	vsel vm1, v24, v21;
	vm1 =	vgt.s32 v25, v4;
	v58 =	vmul.f32 v28, v27  }
0x3a: {  	v60 =	vld [tilespmem:s19+$0x70];
	s19 =	sadd.s32 s21, s2;
	v29 =	vsel vm1, v55, v29;
	vm1 =	vgt.s32 v23, v4;
	v59 =	vmul.f32 v28, v21  }
0x3b: {  	s21 =	sor.u32 $0x400, s19;
	v22 =	vsel vm1, v56, v22;
	vm1 =	vgt.s32 v25, v5;
	v61 =	vmul.f32 v31, v29  }
0x3c: {  	v63 =	vld [tilespmem:s21+$0x0];
	v27 =	vsel vm1, v58, v27;
	vm1 =	vgt.s32 v23, v5;
	v62 =	vmul.f32 v31, v22  }
0x3d: {  	s3 =	sor.u32 $0x410, s19;
	v21 =	vsel vm1, v59, v21;
	vm1 =	vgt.s32 v25, v6;
	v34 =	vmul.f32 v57, v27  }
0x3e: {  	v36 =	vld [tilespmem:s3+$0x0];
	v29 =	vsel vm1, v61, v29;
	vm1 =	vgt.s32 v23, v6;
	v35 =	vmul.f32 v57, v21  }
0x3f: {  	s3 =	sor.u32 $0x420, s19;
	v22 =	vsel vm1, v62, v22;
	vm1 =	vgt.s32 v25, v7;
	v37 =	vmul.f32 v60, v29  }
0x40: {  	v39 =	vld [tilespmem:s3+$0x0];
	v27 =	vsel vm1, v34, v27;
	vm1 =	vgt.s32 v23, v7;
	v38 =	vmul.f32 v60, v22  }
0x41: {  	s3 =	sor.u32 $0x430, s19;
	v21 =	vsel vm1, v35, v21;
	vm1 =	vgt.s32 v25, v8;
	v40 =	vmul.f32 v63, v27  }
0x42: {  	v32 =	vld [tilespmem:s3+$0x0];
	v29 =	vsel vm1, v37, v29;
	vm1 =	vgt.s32 v23, v8;
	v41 =	vmul.f32 v63, v21  }
0x43: {  	s19 =	sor.u32 $0x438, s19;
	v22 =	vsel vm1, v38, v22;
	vm1 =	vgt.s32 v25, v9;
	v42 =	vmul.f32 v36, v29  }
0x44: {  	v44 =	vld [tilespmem:s19+$0x0];
	v27 =	vsel vm1, v40, v27;
	vm1 =	vgt.s32 v23, v9;
	v43 =	vmul.f32 v36, v22  }
0x45: {  	v21 =	vsel vm1, v41, v21;
	vm1 =	vgt.s32 v25, v10;
	v45 =	vmul.f32 v39, v27  }
0x46: {  	v29 =	vsel vm1, v42, v29;
	vm1 =	vgt.s32 v23, v10;
	v46 =	vmul.f32 v39, v21  }
0x47: {  	v22 =	vsel vm1, v43, v22;
	v47 =	vmul.f32 v32, v29;
	vm1 =	vgt.s32 v25, v11  }
0x48: {  	v27 =	vsel vm1, v45, v27;
	v21 =	vsel vm2, v46, v21;
	v49 =	vmul.f32 v32, v22  }
0x49: {  	vm1 =	vgt.s32 v25, v13;
	vm2 =	vgt.s32 v23, v13;
	v50 =	vmul.f32 v44, v27  }
0x4a: {  	v48 =	vsel vm3, v47, v29;
	vm1 =	vmand vm1, vm0;
	v26 =	vmul.f32 v44, v21  }
0x4b: {  	vm3 =	vgt.s32 v23, v12;
	vm2 =	vmand vm2, vm0;
	v23 =	vsel vm1, v50, v27  }
0x4c: {  	v22 =	vsel vm3, v49, v22;
	v21 =	vsel vm2, v26, v21;
	v23 =	vmul.f32 v23, v48  }
0x4d: {  	v21 =	vmul.f32 v21, v22  }
0x4e: {  	v22 =	vperm.xlane v23, v14  }
0x4f: {  	v51 =	vperm.xlane v21, v14  }
0x50: {  	v22 =	vmul.f32 v23, v22  }
0x51: {  	v21 =	vmul.f32 v21, v51  }
0x52: {  	v23 =	vperm.xlane v22, v15  }
0x53: {  	v24 =	vperm.xlane v21, v15  }
0x54: {  	v22 =	vmul.f32 v22, v23  }
0x55: {  	v21 =	vmul.f32 v24, v21  }
0x56: {  	v23 =	vperm.xlane v22, v16  }
0x57: {  	v24 =	vperm.xlane v21, v16  }
0x58: {  	v22 =	vmul.f32 v23, v22  }
0x59: {  	v21 =	vmul.f32 v24, v21  }
0x5a: {  	v23 =	vperm.xlane v22, v17  }
0x5b: {  	v24 =	vperm.xlane v21, v17  }
0x5c: {  	v22 =	vmul.f32 v23, v22  }
0x5d: {  	s21 =	sadd.s32 $0x100, s2;
	s3 =	sadd.s32 $0xFFFFFF00, s30;
	v21 =	vmul.f32 v24, v21  }
0x5e: {  	s19 =	sand.u32 $0x7800, s21;
	s21 =	sand.u32 $0x280, s3;
	[tilespmem:s31+$0xFFFFFFFE] =	vst.msk $0x1, v22  }
0x5f: {  	s19 =	sor.u32 s21, s19;
	[tilespmem:s0+$0xFFFFFFFE] =	vst.msk $0x1, v21  }
0x60: {  	s3 =	sadd.s32 $0x1, s29;
	v21 =	vld [tilespmem:s19+$0x0]  }
0x61: {  	v23 =	vmov s3;
	v22 =	vld [tilespmem:s19+$0x10]  }
0x62: {  	v25 =	vperm.xlane v20, v23;
	v23 =	vperm.xlane v18, v23;
	v52 =	vld [tilespmem:s19+$0x20]  }
0x63: {  	v53 =	vld [tilespmem:s19+$0x30]  }
0x64: {  	vm1 =	vgt.s32 v25, v0;
	vm2 =	vgt.s32 v23, v0  }
0x65: {  	vm3 =	vgt.s32 v25, v12;
	v55 =	vld [tilespmem:s19+$0x40];
	v54 =	vnsel vm1, $0x3F800000, v21;
	vm1 =	vgt.s32 v25, v2  }
0x66: {  	v21 =	vnsel vm2, $0x3F800000, v21;
	vm2 =	vgt.s32 v23, v11;
	v56 =	vnsel vm1, $0x3F800000, v22  }
0x67: {  	v58 =	vld [tilespmem:s19+$0x50];
	vm1 =	vgt.s32 v23, v2;
	v57 =	vmul.f32 v52, v54;
	v24 =	vmul.f32 v52, v21  }
0x68: {  	v22 =	vnsel vm1, $0x3F800000, v22;
	vm1 =	vgt.s32 v25, v3;
	v59 =	vmul.f32 v53, v56  }
0x69: {  	v61 =	vld [tilespmem:s19+$0x60];
	v27 =	vsel vm1, v57, v54;
	vm1 =	vgt.s32 v23, v3;
	v60 =	vmul.f32 v53, v22  }
0x6a: {  	v21 =	vsel vm1, v24, v21;
	vm1 =	vgt.s32 v25, v4;
	v62 =	vmul.f32 v55, v27  }
0x6b: {  	v33 =	vld [tilespmem:s19+$0x70];
	v29 =	vsel vm1, v59, v56;
	vm1 =	vgt.s32 v23, v4;
	v63 =	vmul.f32 v55, v21  }
0x6c: {  	v22 =	vsel vm1, v60, v22;
	vm1 =	vgt.s32 v25, v5;
	v34 =	vmul.f32 v58, v29  }
0x6d: {  	v36 =	vld [tilespmem:s19+$0x400];
	v27 =	vsel vm1, v62, v27;
	vm1 =	vgt.s32 v23, v5;
	v35 =	vmul.f32 v58, v22  }
0x6e: {  	v21 =	vsel vm1, v63, v21;
	vm1 =	vgt.s32 v25, v6;
	v37 =	vmul.f32 v61, v27  }
0x6f: {  	v39 =	vld [tilespmem:s19+$0x410];
	v29 =	vsel vm1, v34, v29;
	vm1 =	vgt.s32 v23, v6;
	v38 =	vmul.f32 v61, v21  }
0x70: {  	v22 =	vsel vm1, v35, v22;
	vm1 =	vgt.s32 v25, v7;
	v40 =	vmul.f32 v33, v29  }
0x71: {  	v42 =	vld [tilespmem:s19+$0x420];
	v27 =	vsel vm1, v37, v27;
	vm1 =	vgt.s32 v23, v7;
	v41 =	vmul.f32 v33, v22  }
0x72: {  	v21 =	vsel vm1, v38, v21;
	vm1 =	vgt.s32 v25, v8;
	v43 =	vmul.f32 v36, v27  }
0x73: {  	v44 =	vld [tilespmem:s19+$0x430];
	v29 =	vsel vm1, v40, v29;
	vm1 =	vgt.s32 v23, v8;
	v45 =	vmul.f32 v36, v21  }
0x74: {  	v22 =	vsel vm1, v41, v22;
	vm1 =	vgt.s32 v25, v9;
	v46 =	vmul.f32 v39, v29  }
0x75: {  	v48 =	vld [tilespmem:s19+$0x438];
	v27 =	vsel vm1, v43, v27;
	vm1 =	vgt.s32 v23, v9;
	v47 =	vmul.f32 v39, v22  }
0x76: {  	v21 =	vsel vm1, v45, v21;
	vm1 =	vgt.s32 v25, v10;
	v49 =	vmul.f32 v42, v27  }
0x77: {  	v29 =	vsel vm1, v46, v29;
	vm1 =	vgt.s32 v23, v10;
	v50 =	vmul.f32 v42, v21  }
0x78: {  	v22 =	vsel vm1, v47, v22;
	v51 =	vmul.f32 v44, v29;
	vm1 =	vgt.s32 v25, v11  }
0x79: {  	v27 =	vsel vm1, v49, v27;
	v21 =	vsel vm2, v50, v21;
	v53 =	vmul.f32 v44, v22  }
0x7a: {  	vm1 =	vgt.s32 v25, v13;
	vm2 =	vgt.s32 v23, v13;
	v54 =	vmul.f32 v48, v27  }
0x7b: {  	v52 =	vsel vm3, v51, v29;
	vm1 =	vmand vm1, vm0;
	v26 =	vmul.f32 v48, v21  }
0x7c: {  	vm3 =	vgt.s32 v23, v12;
	vm2 =	vmand vm2, vm0;
	v23 =	vsel vm1, v54, v27  }
0x7d: {  	v22 =	vsel vm3, v53, v22;
	v21 =	vsel vm2, v26, v21;
	v23 =	vmul.f32 v23, v52  }
0x7e: {  	v21 =	vmul.f32 v21, v22  }
0x7f: {  	v22 =	vperm.xlane v23, v14  }
0x80: {  	v55 =	vperm.xlane v21, v14  }
0x81: {  	v22 =	vmul.f32 v23, v22  }
0x82: {  	v21 =	vmul.f32 v21, v55  }
0x83: {  	v23 =	vperm.xlane v22, v15  }
0x84: {  	v24 =	vperm.xlane v21, v15  }
0x85: {  	v22 =	vmul.f32 v22, v23  }
0x86: {  	v21 =	vmul.f32 v24, v21  }
0x87: {  	v23 =	vperm.xlane v22, v16  }
0x88: {  	v24 =	vperm.xlane v21, v16  }
0x89: {  	v22 =	vmul.f32 v23, v22  }
0x8a: {  	v21 =	vmul.f32 v24, v21  }
0x8b: {  	v23 =	vperm.xlane v22, v17  }
0x8c: {  	v24 =	vperm.xlane v21, v17  }
0x8d: {  	v22 =	vmul.f32 v23, v22  }
0x8e: {  	s21 =	sadd.s32 $0x200, s2;
	s3 =	sadd.s32 $0xFFFFFF80, s30;
	v21 =	vmul.f32 v24, v21  }
0x8f: {  	s19 =	sand.u32 $0x7800, s21;
	s21 =	sand.u32 $0x300, s3;
	[tilespmem:s31+$0xFFFFFFFF] =	vst.msk $0x1, v22  }
0x90: {  	s19 =	sor.u32 s21, s19;
	[tilespmem:s0+$0xFFFFFFFF] =	vst.msk $0x1, v21  }
0x91: {  	s3 =	sadd.s32 $0x2, s29;
	v21 =	vld [tilespmem:s19+$0x0]  }
0x92: {  	v23 =	vmov s3;
	v22 =	vld [tilespmem:s19+$0x10]  }
0x93: {  	v25 =	vperm.xlane v20, v23;
	v23 =	vperm.xlane v18, v23;
	v56 =	vld [tilespmem:s19+$0x20]  }
0x94: {  	v57 =	vld [tilespmem:s19+$0x30]  }
0x95: {  	vm1 =	vgt.s32 v25, v0;
	vm2 =	vgt.s32 v23, v0  }
0x96: {  	vm3 =	vgt.s32 v25, v12;
	v59 =	vld [tilespmem:s19+$0x40];
	v58 =	vnsel vm1, $0x3F800000, v21;
	vm1 =	vgt.s32 v25, v2  }
0x97: {  	v21 =	vnsel vm2, $0x3F800000, v21;
	vm2 =	vgt.s32 v23, v11;
	v60 =	vnsel vm1, $0x3F800000, v22  }
0x98: {  	v62 =	vld [tilespmem:s19+$0x50];
	vm1 =	vgt.s32 v23, v2;
	v61 =	vmul.f32 v56, v58;
	v24 =	vmul.f32 v56, v21  }
0x99: {  	v22 =	vnsel vm1, $0x3F800000, v22;
	vm1 =	vgt.s32 v25, v3;
	v63 =	vmul.f32 v57, v60  }
0x9a: {  	v34 =	vld [tilespmem:s19+$0x60];
	v27 =	vsel vm1, v61, v58;
	vm1 =	vgt.s32 v23, v3;
	v33 =	vmul.f32 v57, v22  }
0x9b: {  	v21 =	vsel vm1, v24, v21;
	vm1 =	vgt.s32 v25, v4;
	v35 =	vmul.f32 v59, v27  }
0x9c: {  	v37 =	vld [tilespmem:s19+$0x70];
	v29 =	vsel vm1, v63, v60;
	vm1 =	vgt.s32 v23, v4;
	v36 =	vmul.f32 v59, v21  }
0x9d: {  	v22 =	vsel vm1, v33, v22;
	vm1 =	vgt.s32 v25, v5;
	v38 =	vmul.f32 v62, v29  }
0x9e: {  	v40 =	vld [tilespmem:s19+$0x400];
	v27 =	vsel vm1, v35, v27;
	vm1 =	vgt.s32 v23, v5;
	v39 =	vmul.f32 v62, v22  }
0x9f: {  	v21 =	vsel vm1, v36, v21;
	vm1 =	vgt.s32 v25, v6;
	v41 =	vmul.f32 v34, v27  }
0xa0: {  	v43 =	vld [tilespmem:s19+$0x410];
	v29 =	vsel vm1, v38, v29;
	vm1 =	vgt.s32 v23, v6;
	v42 =	vmul.f32 v34, v21  }
0xa1: {  	v22 =	vsel vm1, v39, v22;
	vm1 =	vgt.s32 v25, v7;
	v44 =	vmul.f32 v37, v29  }
0xa2: {  	v46 =	vld [tilespmem:s19+$0x420];
	v27 =	vsel vm1, v41, v27;
	vm1 =	vgt.s32 v23, v7;
	v45 =	vmul.f32 v37, v22  }
0xa3: {  	v21 =	vsel vm1, v42, v21;
	vm1 =	vgt.s32 v25, v8;
	v47 =	vmul.f32 v40, v27  }
0xa4: {  	v48 =	vld [tilespmem:s19+$0x430];
	v29 =	vsel vm1, v44, v29;
	vm1 =	vgt.s32 v23, v8;
	v49 =	vmul.f32 v40, v21  }
0xa5: {  	v22 =	vsel vm1, v45, v22;
	vm1 =	vgt.s32 v25, v9;
	v50 =	vmul.f32 v43, v29  }
0xa6: {  	v52 =	vld [tilespmem:s19+$0x438];
	v27 =	vsel vm1, v47, v27;
	vm1 =	vgt.s32 v23, v9;
	v51 =	vmul.f32 v43, v22  }
0xa7: {  	v21 =	vsel vm1, v49, v21;
	vm1 =	vgt.s32 v25, v10;
	v53 =	vmul.f32 v46, v27  }
0xa8: {  	v29 =	vsel vm1, v50, v29;
	vm1 =	vgt.s32 v23, v10;
	v54 =	vmul.f32 v46, v21  }
0xa9: {  	v22 =	vsel vm1, v51, v22;
	v55 =	vmul.f32 v48, v29;
	vm1 =	vgt.s32 v25, v11  }
0xaa: {  	v27 =	vsel vm1, v53, v27;
	v21 =	vsel vm2, v54, v21;
	v57 =	vmul.f32 v48, v22  }
0xab: {  	vm1 =	vgt.s32 v25, v13;
	vm2 =	vgt.s32 v23, v13;
	v58 =	vmul.f32 v52, v27  }
0xac: {  	v56 =	vsel vm3, v55, v29;
	vm1 =	vmand vm1, vm0;
	v26 =	vmul.f32 v52, v21  }
0xad: {  	vm3 =	vgt.s32 v23, v12;
	vm2 =	vmand vm2, vm0;
	v23 =	vsel vm1, v58, v27  }
0xae: {  	v22 =	vsel vm3, v57, v22;
	v21 =	vsel vm2, v26, v21;
	v23 =	vmul.f32 v23, v56  }
0xaf: {  	v21 =	vmul.f32 v21, v22  }
0xb0: {  	v22 =	vperm.xlane v23, v14  }
0xb1: {  	v59 =	vperm.xlane v21, v14  }
0xb2: {  	v22 =	vmul.f32 v23, v22  }
0xb3: {  	v21 =	vmul.f32 v21, v59  }
0xb4: {  	v23 =	vperm.xlane v22, v15  }
0xb5: {  	v24 =	vperm.xlane v21, v15  }
0xb6: {  	v22 =	vmul.f32 v22, v23  }
0xb7: {  	v21 =	vmul.f32 v24, v21  }
0xb8: {  	v23 =	vperm.xlane v22, v16  }
0xb9: {  	v24 =	vperm.xlane v21, v16  }
0xba: {  	v22 =	vmul.f32 v23, v22  }
0xbb: {  	v21 =	vmul.f32 v24, v21  }
0xbc: {  	v23 =	vperm.xlane v22, v17  }
0xbd: {  	v24 =	vperm.xlane v21, v17  }
0xbe: {  	v22 =	vmul.f32 v23, v22  }
0xbf: {  	s21 =	sadd.s32 $0x300, s2;
	v21 =	vmul.f32 v24, v21  }
0xc0: {  	s3 =	sand.u32 $0x380, s30;
	s19 =	sand.u32 $0x7800, s21;
	[tilespmem:s31+$0x0] =	vst.msk $0x1, v22  }
0xc1: {  	s19 =	sor.u32 s3, s19;
	[tilespmem:s0+$0x0] =	vst.msk $0x1, v21  }
0xc2: {  	s3 =	sadd.s32 $0x3, s29;
	v21 =	vld [tilespmem:s19+$0x0]  }
0xc3: {  	v23 =	vmov s3;
	v22 =	vld [tilespmem:s19+$0x10]  }
0xc4: {  	v25 =	vperm.xlane v20, v23;
	v23 =	vperm.xlane v18, v23;
	v60 =	vld [tilespmem:s19+$0x20]  }
0xc5: {  	v61 =	vld [tilespmem:s19+$0x30]  }
0xc6: {  	vm1 =	vgt.s32 v25, v0;
	vm2 =	vgt.s32 v23, v0  }
0xc7: {  	vm3 =	vgt.s32 v25, v12;
	v63 =	vld [tilespmem:s19+$0x40];
	v62 =	vnsel vm1, $0x3F800000, v21;
	vm1 =	vgt.s32 v25, v2  }
0xc8: {  	v21 =	vnsel vm2, $0x3F800000, v21;
	vm2 =	vgt.s32 v23, v11;
	v33 =	vnsel vm1, $0x3F800000, v22  }
0xc9: {  	v35 =	vld [tilespmem:s19+$0x50];
	vm1 =	vgt.s32 v23, v2;
	v34 =	vmul.f32 v60, v62;
	v24 =	vmul.f32 v60, v21  }
0xca: {  	v22 =	vnsel vm1, $0x3F800000, v22;
	vm1 =	vgt.s32 v25, v3;
	v36 =	vmul.f32 v61, v33  }
0xcb: {  	v38 =	vld [tilespmem:s19+$0x60];
	v27 =	vsel vm1, v34, v62;
	vm1 =	vgt.s32 v23, v3;
	v37 =	vmul.f32 v61, v22  }
0xcc: {  	v21 =	vsel vm1, v24, v21;
	vm1 =	vgt.s32 v25, v4;
	v39 =	vmul.f32 v63, v27  }
0xcd: {  	v41 =	vld [tilespmem:s19+$0x70];
	v29 =	vsel vm1, v36, v33;
	vm1 =	vgt.s32 v23, v4;
	v40 =	vmul.f32 v63, v21  }
0xce: {  	v22 =	vsel vm1, v37, v22;
	vm1 =	vgt.s32 v25, v5;
	v42 =	vmul.f32 v35, v29  }
0xcf: {  	v44 =	vld [tilespmem:s19+$0x400];
	v27 =	vsel vm1, v39, v27;
	vm1 =	vgt.s32 v23, v5;
	v43 =	vmul.f32 v35, v22  }
0xd0: {  	v21 =	vsel vm1, v40, v21;
	vm1 =	vgt.s32 v25, v6;
	v45 =	vmul.f32 v38, v27  }
0xd1: {  	v47 =	vld [tilespmem:s19+$0x410];
	v29 =	vsel vm1, v42, v29;
	vm1 =	vgt.s32 v23, v6;
	v46 =	vmul.f32 v38, v21  }
0xd2: {  	v22 =	vsel vm1, v43, v22;
	vm1 =	vgt.s32 v25, v7;
	v48 =	vmul.f32 v41, v29  }
0xd3: {  	v50 =	vld [tilespmem:s19+$0x420];
	v27 =	vsel vm1, v45, v27;
	vm1 =	vgt.s32 v23, v7;
	v49 =	vmul.f32 v41, v22  }
0xd4: {  	v21 =	vsel vm1, v46, v21;
	vm1 =	vgt.s32 v25, v8;
	v51 =	vmul.f32 v44, v27  }
0xd5: {  	v52 =	vld [tilespmem:s19+$0x430];
	v29 =	vsel vm1, v48, v29;
	vm1 =	vgt.s32 v23, v8;
	v53 =	vmul.f32 v44, v21  }
0xd6: {  	v22 =	vsel vm1, v49, v22;
	vm1 =	vgt.s32 v25, v9;
	v54 =	vmul.f32 v47, v29  }
0xd7: {  	v56 =	vld [tilespmem:s19+$0x438];
	v27 =	vsel vm1, v51, v27;
	vm1 =	vgt.s32 v23, v9;
	v55 =	vmul.f32 v47, v22  }
0xd8: {  	v21 =	vsel vm1, v53, v21;
	vm1 =	vgt.s32 v25, v10;
	v57 =	vmul.f32 v50, v27  }
0xd9: {  	v29 =	vsel vm1, v54, v29;
	vm1 =	vgt.s32 v23, v10;
	v58 =	vmul.f32 v50, v21  }
0xda: {  	v22 =	vsel vm1, v55, v22;
	v59 =	vmul.f32 v52, v29;
	vm1 =	vgt.s32 v25, v11  }
0xdb: {  	v27 =	vsel vm1, v57, v27;
	v21 =	vsel vm2, v58, v21;
	v61 =	vmul.f32 v52, v22  }
0xdc: {  	vm1 =	vgt.s32 v25, v13;
	vm2 =	vgt.s32 v23, v13;
	v62 =	vmul.f32 v56, v27  }
0xdd: {  	v60 =	vsel vm3, v59, v29;
	vm1 =	vmand vm1, vm0;
	v26 =	vmul.f32 v56, v21  }
0xde: {  	vm2 =	vmand vm2, vm0;
	v25 =	vsel vm1, v62, v27;
	vm1 =	vgt.s32 v23, v12  }
0xdf: {  	v21 =	vsel vm2, v26, v21;
	v22 =	vsel vm1, v61, v22;
	v23 =	vmul.f32 v25, v60  }
0xe0: {  	v21 =	vmul.f32 v21, v22  }
0xe1: {  	v22 =	vperm.xlane v23, v14  }
0xe2: {  	v63 =	vperm.xlane v21, v14  }
0xe3: {  	v22 =	vmul.f32 v23, v22  }
0xe4: {  	v21 =	vmul.f32 v21, v63  }
0xe5: {  	v23 =	vperm.xlane v22, v15  }
0xe6: {  	v24 =	vperm.xlane v21, v15  }
0xe7: {  	v22 =	vmul.f32 v22, v23  }
0xe8: {  	v21 =	vmul.f32 v24, v21  }
0xe9: {  	v23 =	vperm.xlane v22, v16  }
0xea: {  	v24 =	vperm.xlane v21, v16  }
0xeb: {  	v22 =	vmul.f32 v23, v22  }
0xec: {  	v21 =	vmul.f32 v24, v21  }
0xed: {  	p1 =	slt.u32 s29, $0xC;
	v23 =	vperm.xlane v22, v17  }
.Ltmp0:
0xee: {  	v24 =	vperm.xlane v21, v17;
	(pc) =	sbr.rel @p1 .LBB2_3-.Ltmp0, $4  }
0xef: {  	v22 =	vmul.f32 v23, v22  }
0xf0: {  	v21 =	vmul.f32 v24, v21  }
0xf1: {  	p0 =	por !p0, !p0;
	s2 =	sadd.s32 $0x400, s2;
	s30 =	sadd.s32 $0x200, s30;
	[tilespmem:s31+$0x1] =	vst.msk $0x1, v22  }
0xf2: {  	s29 =	sadd.s32 $0x4, s29;
	s31 =	sadd.s32 $0x4, s31;
	[tilespmem:s0+$0x1] =	vst.msk $0x1, v21;
	s0 =	sadd.s32 $0x4, s0  }
0xf3: {  	v20 =	vld [tilespmem:s28+$0x18280];
	_ =	sdelay $0x1  }
0xf4: {  	s26 =	sadd.s32 $0x1, s26  }
0xf5: {  	v19 =	vsub.f32 $1.000000000e+00, v19;
	p0 =	sne.s32 s26, $0x8  }
.Ltmp1:
0xf6: {  	_ = 	snop;
	(pc) =	sbr.rel @p0 .LBB2_2-.Ltmp1, $4  }
0xf7: {  	v19 =	vmul.f32 v20, v19  }
0xf8: {  	vm1 =	veq.s32 v18, $0x0  }
0xf9: {  	v18 =	vsel vm1, $0x33D6BF95, v19  }
0xfa: {  	s25 =	sadd.s32 $0x1000, s25;
	s23 =	sadd.s32 $0x10, s23;
	s24 =	sadd.s32 $0x10, s24;
	[tilespmem:s28+$0x18280] =	vst v18  }
0xfb: {  	s23 =	simm.s32 $0x0  }
0xfc: {  	[tilespmem:s23], [sflag:$0x1] =	stream.linear.gather [hbm4b:s7+s23], $0x8000, $0x38;
	[tilespmem:$0x18500] =	vst v63  }
0xfd: {  	_ = 	snop  }
0xfe: {  	[tilespmem:s14], [sflag:$0x1] =	stream.linear.gather [hbm4b:s8+s23], $0x4000, $0x38;
	[tilespmem:$0x18500] =	vst v63  }
0xff: {  	_ =	swait.ge [sflag:s18], $0x8000  }
0x100: {  	[sflag:s18] =	ssyncset.done $0x0  }
0x101: {  	[sflag:s18] =	ssyncadd.s32 $0xFFFF8000  }
0x102: {  	_ =	swait.ge [sflag:s18], $0x4000  }
0x103: {  	s24 =	simm.s32 $0x18303;
	[sflag:s18] =	ssyncset.done $0x0  }
0x104: {  	s25 =	simm.s32 $0x18083;
	s26 =	simm.s32 $0x0;
	[sflag:s18] =	ssyncadd.s32 $0xFFFFC000  }
.LBB2_6:
0x105: {  	s28 =	sshll.u32 s26, $0x4  }
0x106: {  	v19 =	vor.u32 s28, v0  }
0x107: {  	v20 =	vshll.u32 v19, $0x7;
	_ =	sdelay $0x4  }
0x108: {  	v18 =	vld.idx.msk [tilespmem:v20+s16+$0x0], $0xffff;
	_ =	sdelay $0x4  }
0x109: {  	v19 =	vshll.u32 v19, $0x8;
	v21 =	vshll.u32 v18, $0x3  }
0x10a: {  	v19 =	vand.u32 $0x7800, v19;
	v21 =	vand.u32 $0xFFFFFC00, v21  }
0x10b: {  	v22 =	vand.u32 $0x7F, v18;
	v19 =	vadd.s32 v19, v21  }
0x10c: {  	v20 =	vor.u32 $0x1, v20;
	v19 =	vor.u32 v22, v19  }
0x10d: {  	v19 =	vor.u32 v1, v19;
	_ =	sdelay $0x3  }
0x10e: {  	p0 =	por $0x0, $0x0;
	s29 =	simm.s32 $0x180;
	s30 =	smov.u32 s25;
	v20 =	vld.idx.msk [tilespmem:v20+s16+$0x0], $0xffff  }
0x10f: {  	s31 =	smov.u32 s24;
	s0 =	smov.u32 s23;
	s2 =	simm.s32 $0x0;
	v19 =	vld.idx.msk [tilespmem:v19+s15+$0x0], $0xffff  }
.LBB2_7:
0x110: {  	s19 =	sadd.s32 $0xFFFFFE80, s29  }
0x111: {  	s21 =	sand.u32 $0x7800, s0;
	s19 =	sand.u32 $0x200, s19  }
0x112: {  	s19 =	sor.u32 s19, s21  }
0x113: {  	v21 =	vld [tilespmem:s19+$0x8000]  }
0x114: {  	v23 =	vmov s2;
	v22 =	vld [tilespmem:s19+$0x8010]  }
0x115: {  	v25 =	vperm.xlane v20, v23;
	v23 =	vperm.xlane v18, v23;
	v24 =	vld [tilespmem:s19+$0x8020]  }
0x116: {  	v26 =	vld [tilespmem:s19+$0x8030]  }
0x117: {  	vm1 =	vgt.s32 v25, v0;
	vm2 =	vgt.s32 v23, v0  }
0x118: {  	v28 =	vld [tilespmem:s19+$0x8040];
	vm3 =	vgt.s32 v25, v12;
	v27 =	vnsel vm1, $0x3F800000, v21;
	vm1 =	vgt.s32 v25, v2  }
0x119: {  	v21 =	vnsel vm2, $0x3F800000, v21;
	vm2 =	vgt.s32 v23, v11;
	v29 =	vnsel vm1, $0x3F800000, v22  }
0x11a: {  	v31 =	vld [tilespmem:s19+$0x8050];
	vm1 =	vgt.s32 v23, v2;
	v30 =	vmul.f32 v24, v27;
	v24 =	vmul.f32 v24, v21  }
0x11b: {  	s21 =	simm.s32 $0x1;
	v22 =	vnsel vm1, $0x3F800000, v22;
	vm1 =	vgt.s32 v25, v3;
	v55 =	vmul.f32 v26, v29  }
0x11c: {  	s21 =	simm.s32 @!p0 $0x0;
	v57 =	vld [tilespmem:s19+$0x8060];
	v27 =	vsel vm1, v30, v27;
	vm1 =	vgt.s32 v23, v3;
	v56 =	vmul.f32 v26, v22  }
0x11d: {  	s21 =	sshll.u32 s21, $0x9;
	v21 =	vsel vm1, v24, v21;
	vm1 =	vgt.s32 v25, v4;
	v58 =	vmul.f32 v28, v27  }
0x11e: {  	v60 =	vld [tilespmem:s19+$0x8070];
	s19 =	sadd.s32 s21, s0;
	v29 =	vsel vm1, v55, v29;
	vm1 =	vgt.s32 v23, v4;
	v59 =	vmul.f32 v28, v21  }
0x11f: {  	s21 =	sor.u32 $0x400, s19;
	v22 =	vsel vm1, v56, v22;
	vm1 =	vgt.s32 v25, v5;
	v61 =	vmul.f32 v31, v29  }
0x120: {  	v63 =	vld [tilespmem:s21+$0x8000];
	v27 =	vsel vm1, v58, v27;
	vm1 =	vgt.s32 v23, v5;
	v62 =	vmul.f32 v31, v22  }
0x121: {  	s3 =	sor.u32 $0x410, s19;
	v21 =	vsel vm1, v59, v21;
	vm1 =	vgt.s32 v25, v6;
	v34 =	vmul.f32 v57, v27  }
0x122: {  	v36 =	vld [tilespmem:s3+$0x8000];
	v29 =	vsel vm1, v61, v29;
	vm1 =	vgt.s32 v23, v6;
	v35 =	vmul.f32 v57, v21  }
0x123: {  	s3 =	sor.u32 $0x420, s19;
	v22 =	vsel vm1, v62, v22;
	vm1 =	vgt.s32 v25, v7;
	v37 =	vmul.f32 v60, v29  }
0x124: {  	v39 =	vld [tilespmem:s3+$0x8000];
	v27 =	vsel vm1, v34, v27;
	vm1 =	vgt.s32 v23, v7;
	v38 =	vmul.f32 v60, v22  }
0x125: {  	s3 =	sor.u32 $0x430, s19;
	v21 =	vsel vm1, v35, v21;
	vm1 =	vgt.s32 v25, v8;
	v40 =	vmul.f32 v63, v27  }
0x126: {  	v32 =	vld [tilespmem:s3+$0x8000];
	v29 =	vsel vm1, v37, v29;
	vm1 =	vgt.s32 v23, v8;
	v41 =	vmul.f32 v63, v21  }
0x127: {  	s19 =	sor.u32 $0x438, s19;
	v22 =	vsel vm1, v38, v22;
	vm1 =	vgt.s32 v25, v9;
	v42 =	vmul.f32 v36, v29  }
0x128: {  	v44 =	vld [tilespmem:s19+$0x8000];
	v27 =	vsel vm1, v40, v27;
	vm1 =	vgt.s32 v23, v9;
	v43 =	vmul.f32 v36, v22  }
0x129: {  	v21 =	vsel vm1, v41, v21;
	vm1 =	vgt.s32 v25, v10;
	v45 =	vmul.f32 v39, v27  }
0x12a: {  	v29 =	vsel vm1, v42, v29;
	vm1 =	vgt.s32 v23, v10;
	v46 =	vmul.f32 v39, v21  }
0x12b: {  	v22 =	vsel vm1, v43, v22;
	v47 =	vmul.f32 v32, v29;
	vm1 =	vgt.s32 v25, v11  }
0x12c: {  	v27 =	vsel vm1, v45, v27;
	v21 =	vsel vm2, v46, v21;
	v49 =	vmul.f32 v32, v22  }
0x12d: {  	vm1 =	vgt.s32 v25, v13;
	vm2 =	vgt.s32 v23, v13;
	v50 =	vmul.f32 v44, v27  }
0x12e: {  	v48 =	vsel vm3, v47, v29;
	vm1 =	vmand vm1, vm0;
	v26 =	vmul.f32 v44, v21  }
0x12f: {  	vm3 =	vgt.s32 v23, v12;
	vm2 =	vmand vm2, vm0;
	v23 =	vsel vm1, v50, v27  }
0x130: {  	v22 =	vsel vm3, v49, v22;
	v21 =	vsel vm2, v26, v21;
	v23 =	vmul.f32 v23, v48  }
0x131: {  	v21 =	vmul.f32 v21, v22  }
0x132: {  	v22 =	vperm.xlane v23, v14  }
0x133: {  	v51 =	vperm.xlane v21, v14  }
0x134: {  	v22 =	vmul.f32 v23, v22  }
0x135: {  	v21 =	vmul.f32 v21, v51  }
0x136: {  	v23 =	vperm.xlane v22, v15  }
0x137: {  	v24 =	vperm.xlane v21, v15  }
0x138: {  	v22 =	vmul.f32 v22, v23  }
0x139: {  	v21 =	vmul.f32 v24, v21  }
0x13a: {  	v23 =	vperm.xlane v22, v16  }
0x13b: {  	v24 =	vperm.xlane v21, v16  }
0x13c: {  	v22 =	vmul.f32 v23, v22  }
0x13d: {  	v21 =	vmul.f32 v24, v21  }
0x13e: {  	v23 =	vperm.xlane v22, v17  }
0x13f: {  	v24 =	vperm.xlane v21, v17  }
0x140: {  	v22 =	vmul.f32 v23, v22  }
0x141: {  	s21 =	sadd.s32 $0x100, s0;
	s3 =	sadd.s32 $0xFFFFFF00, s29;
	v21 =	vmul.f32 v24, v21  }
0x142: {  	s19 =	sand.u32 $0x7800, s21;
	s21 =	sand.u32 $0x280, s3;
	[tilespmem:s30+$0xFFFFFFFD] =	vst.msk $0x1, v22  }
0x143: {  	s19 =	sor.u32 s21, s19;
	[tilespmem:s31+$0xFFFFFFFD] =	vst.msk $0x1, v21  }
0x144: {  	s3 =	sadd.s32 $0x1, s2;
	v21 =	vld [tilespmem:s19+$0x8000]  }
0x145: {  	v23 =	vmov s3;
	v22 =	vld [tilespmem:s19+$0x8010]  }
0x146: {  	v25 =	vperm.xlane v20, v23;
	v23 =	vperm.xlane v18, v23;
	v52 =	vld [tilespmem:s19+$0x8020]  }
0x147: {  	v53 =	vld [tilespmem:s19+$0x8030]  }
0x148: {  	vm1 =	vgt.s32 v25, v0;
	vm2 =	vgt.s32 v23, v0  }
0x149: {  	vm3 =	vgt.s32 v25, v12;
	v55 =	vld [tilespmem:s19+$0x8040];
	v54 =	vnsel vm1, $0x3F800000, v21;
	vm1 =	vgt.s32 v25, v2  }
0x14a: {  	v21 =	vnsel vm2, $0x3F800000, v21;
	vm2 =	vgt.s32 v23, v11;
	v56 =	vnsel vm1, $0x3F800000, v22  }
0x14b: {  	v58 =	vld [tilespmem:s19+$0x8050];
	vm1 =	vgt.s32 v23, v2;
	v57 =	vmul.f32 v52, v54;
	v24 =	vmul.f32 v52, v21  }
0x14c: {  	v22 =	vnsel vm1, $0x3F800000, v22;
	vm1 =	vgt.s32 v25, v3;
	v59 =	vmul.f32 v53, v56  }
0x14d: {  	v61 =	vld [tilespmem:s19+$0x8060];
	v27 =	vsel vm1, v57, v54;
	vm1 =	vgt.s32 v23, v3;
	v60 =	vmul.f32 v53, v22  }
0x14e: {  	v21 =	vsel vm1, v24, v21;
	vm1 =	vgt.s32 v25, v4;
	v62 =	vmul.f32 v55, v27  }
0x14f: {  	v33 =	vld [tilespmem:s19+$0x8070];
	v29 =	vsel vm1, v59, v56;
	vm1 =	vgt.s32 v23, v4;
	v63 =	vmul.f32 v55, v21  }
0x150: {  	v22 =	vsel vm1, v60, v22;
	vm1 =	vgt.s32 v25, v5;
	v34 =	vmul.f32 v58, v29  }
0x151: {  	v36 =	vld [tilespmem:s19+$0x8400];
	v27 =	vsel vm1, v62, v27;
	vm1 =	vgt.s32 v23, v5;
	v35 =	vmul.f32 v58, v22  }
0x152: {  	v21 =	vsel vm1, v63, v21;
	vm1 =	vgt.s32 v25, v6;
	v37 =	vmul.f32 v61, v27  }
0x153: {  	v39 =	vld [tilespmem:s19+$0x8410];
	v29 =	vsel vm1, v34, v29;
	vm1 =	vgt.s32 v23, v6;
	v38 =	vmul.f32 v61, v21  }
0x154: {  	v22 =	vsel vm1, v35, v22;
	vm1 =	vgt.s32 v25, v7;
	v40 =	vmul.f32 v33, v29  }
0x155: {  	v42 =	vld [tilespmem:s19+$0x8420];
	v27 =	vsel vm1, v37, v27;
	vm1 =	vgt.s32 v23, v7;
	v41 =	vmul.f32 v33, v22  }
0x156: {  	v21 =	vsel vm1, v38, v21;
	vm1 =	vgt.s32 v25, v8;
	v43 =	vmul.f32 v36, v27  }
0x157: {  	v44 =	vld [tilespmem:s19+$0x8430];
	v29 =	vsel vm1, v40, v29;
	vm1 =	vgt.s32 v23, v8;
	v45 =	vmul.f32 v36, v21  }
0x158: {  	v22 =	vsel vm1, v41, v22;
	vm1 =	vgt.s32 v25, v9;
	v46 =	vmul.f32 v39, v29  }
0x159: {  	v48 =	vld [tilespmem:s19+$0x8438];
	v27 =	vsel vm1, v43, v27;
	vm1 =	vgt.s32 v23, v9;
	v47 =	vmul.f32 v39, v22  }
0x15a: {  	v21 =	vsel vm1, v45, v21;
	vm1 =	vgt.s32 v25, v10;
	v49 =	vmul.f32 v42, v27  }
0x15b: {  	v29 =	vsel vm1, v46, v29;
	vm1 =	vgt.s32 v23, v10;
	v50 =	vmul.f32 v42, v21  }
0x15c: {  	v22 =	vsel vm1, v47, v22;
	v51 =	vmul.f32 v44, v29;
	vm1 =	vgt.s32 v25, v11  }
0x15d: {  	v27 =	vsel vm1, v49, v27;
	v21 =	vsel vm2, v50, v21;
	v53 =	vmul.f32 v44, v22  }
0x15e: {  	vm1 =	vgt.s32 v25, v13;
	vm2 =	vgt.s32 v23, v13;
	v54 =	vmul.f32 v48, v27  }
0x15f: {  	v52 =	vsel vm3, v51, v29;
	vm1 =	vmand vm1, vm0;
	v26 =	vmul.f32 v48, v21  }
0x160: {  	vm3 =	vgt.s32 v23, v12;
	vm2 =	vmand vm2, vm0;
	v23 =	vsel vm1, v54, v27  }
0x161: {  	v22 =	vsel vm3, v53, v22;
	v21 =	vsel vm2, v26, v21;
	v23 =	vmul.f32 v23, v52  }
0x162: {  	v21 =	vmul.f32 v21, v22  }
0x163: {  	v22 =	vperm.xlane v23, v14  }
0x164: {  	v55 =	vperm.xlane v21, v14  }
0x165: {  	v22 =	vmul.f32 v23, v22  }
0x166: {  	v21 =	vmul.f32 v21, v55  }
0x167: {  	v23 =	vperm.xlane v22, v15  }
0x168: {  	v24 =	vperm.xlane v21, v15  }
0x169: {  	v22 =	vmul.f32 v22, v23  }
0x16a: {  	v21 =	vmul.f32 v24, v21  }
0x16b: {  	v23 =	vperm.xlane v22, v16  }
0x16c: {  	v24 =	vperm.xlane v21, v16  }
0x16d: {  	v22 =	vmul.f32 v23, v22  }
0x16e: {  	v21 =	vmul.f32 v24, v21  }
0x16f: {  	v23 =	vperm.xlane v22, v17  }
0x170: {  	v24 =	vperm.xlane v21, v17  }
0x171: {  	v22 =	vmul.f32 v23, v22  }
0x172: {  	s21 =	sadd.s32 $0x200, s0;
	s3 =	sadd.s32 $0xFFFFFF80, s29;
	v21 =	vmul.f32 v24, v21  }
0x173: {  	s19 =	sand.u32 $0x7800, s21;
	s21 =	sand.u32 $0x300, s3;
	[tilespmem:s30+$0xFFFFFFFE] =	vst.msk $0x1, v22  }
0x174: {  	s19 =	sor.u32 s21, s19;
	[tilespmem:s31+$0xFFFFFFFE] =	vst.msk $0x1, v21  }
0x175: {  	s3 =	sadd.s32 $0x2, s2;
	v21 =	vld [tilespmem:s19+$0x8000]  }
0x176: {  	v23 =	vmov s3;
	v22 =	vld [tilespmem:s19+$0x8010]  }
0x177: {  	v25 =	vperm.xlane v20, v23;
	v23 =	vperm.xlane v18, v23;
	v56 =	vld [tilespmem:s19+$0x8020]  }
0x178: {  	v57 =	vld [tilespmem:s19+$0x8030]  }
0x179: {  	vm1 =	vgt.s32 v25, v0;
	vm2 =	vgt.s32 v23, v0  }
0x17a: {  	vm3 =	vgt.s32 v25, v12;
	v59 =	vld [tilespmem:s19+$0x8040];
	v58 =	vnsel vm1, $0x3F800000, v21;
	vm1 =	vgt.s32 v25, v2  }
0x17b: {  	v21 =	vnsel vm2, $0x3F800000, v21;
	vm2 =	vgt.s32 v23, v11;
	v60 =	vnsel vm1, $0x3F800000, v22  }
0x17c: {  	v62 =	vld [tilespmem:s19+$0x8050];
	vm1 =	vgt.s32 v23, v2;
	v61 =	vmul.f32 v56, v58;
	v24 =	vmul.f32 v56, v21  }
0x17d: {  	v22 =	vnsel vm1, $0x3F800000, v22;
	vm1 =	vgt.s32 v25, v3;
	v63 =	vmul.f32 v57, v60  }
0x17e: {  	v34 =	vld [tilespmem:s19+$0x8060];
	v27 =	vsel vm1, v61, v58;
	vm1 =	vgt.s32 v23, v3;
	v33 =	vmul.f32 v57, v22  }
0x17f: {  	v21 =	vsel vm1, v24, v21;
	vm1 =	vgt.s32 v25, v4;
	v35 =	vmul.f32 v59, v27  }
0x180: {  	v37 =	vld [tilespmem:s19+$0x8070];
	v29 =	vsel vm1, v63, v60;
	vm1 =	vgt.s32 v23, v4;
	v36 =	vmul.f32 v59, v21  }
0x181: {  	v22 =	vsel vm1, v33, v22;
	vm1 =	vgt.s32 v25, v5;
	v38 =	vmul.f32 v62, v29  }
0x182: {  	v40 =	vld [tilespmem:s19+$0x8400];
	v27 =	vsel vm1, v35, v27;
	vm1 =	vgt.s32 v23, v5;
	v39 =	vmul.f32 v62, v22  }
0x183: {  	v21 =	vsel vm1, v36, v21;
	vm1 =	vgt.s32 v25, v6;
	v41 =	vmul.f32 v34, v27  }
0x184: {  	v43 =	vld [tilespmem:s19+$0x8410];
	v29 =	vsel vm1, v38, v29;
	vm1 =	vgt.s32 v23, v6;
	v42 =	vmul.f32 v34, v21  }
0x185: {  	v22 =	vsel vm1, v39, v22;
	vm1 =	vgt.s32 v25, v7;
	v44 =	vmul.f32 v37, v29  }
0x186: {  	v46 =	vld [tilespmem:s19+$0x8420];
	v27 =	vsel vm1, v41, v27;
	vm1 =	vgt.s32 v23, v7;
	v45 =	vmul.f32 v37, v22  }
0x187: {  	v21 =	vsel vm1, v42, v21;
	vm1 =	vgt.s32 v25, v8;
	v47 =	vmul.f32 v40, v27  }
0x188: {  	v48 =	vld [tilespmem:s19+$0x8430];
	v29 =	vsel vm1, v44, v29;
	vm1 =	vgt.s32 v23, v8;
	v49 =	vmul.f32 v40, v21  }
0x189: {  	v22 =	vsel vm1, v45, v22;
	vm1 =	vgt.s32 v25, v9;
	v50 =	vmul.f32 v43, v29  }
0x18a: {  	v52 =	vld [tilespmem:s19+$0x8438];
	v27 =	vsel vm1, v47, v27;
	vm1 =	vgt.s32 v23, v9;
	v51 =	vmul.f32 v43, v22  }
0x18b: {  	v21 =	vsel vm1, v49, v21;
	vm1 =	vgt.s32 v25, v10;
	v53 =	vmul.f32 v46, v27  }
0x18c: {  	v29 =	vsel vm1, v50, v29;
	vm1 =	vgt.s32 v23, v10;
	v54 =	vmul.f32 v46, v21  }
0x18d: {  	v22 =	vsel vm1, v51, v22;
	v55 =	vmul.f32 v48, v29;
	vm1 =	vgt.s32 v25, v11  }
0x18e: {  	v27 =	vsel vm1, v53, v27;
	v21 =	vsel vm2, v54, v21;
	v57 =	vmul.f32 v48, v22  }
0x18f: {  	vm1 =	vgt.s32 v25, v13;
	vm2 =	vgt.s32 v23, v13;
	v58 =	vmul.f32 v52, v27  }
0x190: {  	v56 =	vsel vm3, v55, v29;
	vm1 =	vmand vm1, vm0;
	v26 =	vmul.f32 v52, v21  }
0x191: {  	vm3 =	vgt.s32 v23, v12;
	vm2 =	vmand vm2, vm0;
	v23 =	vsel vm1, v58, v27  }
0x192: {  	v22 =	vsel vm3, v57, v22;
	v21 =	vsel vm2, v26, v21;
	v23 =	vmul.f32 v23, v56  }
0x193: {  	v21 =	vmul.f32 v21, v22  }
0x194: {  	v22 =	vperm.xlane v23, v14  }
0x195: {  	v59 =	vperm.xlane v21, v14  }
0x196: {  	v22 =	vmul.f32 v23, v22  }
0x197: {  	v21 =	vmul.f32 v21, v59  }
0x198: {  	v23 =	vperm.xlane v22, v15  }
0x199: {  	v24 =	vperm.xlane v21, v15  }
0x19a: {  	v22 =	vmul.f32 v22, v23  }
0x19b: {  	v21 =	vmul.f32 v24, v21  }
0x19c: {  	v23 =	vperm.xlane v22, v16  }
0x19d: {  	v24 =	vperm.xlane v21, v16  }
0x19e: {  	v22 =	vmul.f32 v23, v22  }
0x19f: {  	v21 =	vmul.f32 v24, v21  }
0x1a0: {  	v23 =	vperm.xlane v22, v17  }
0x1a1: {  	v24 =	vperm.xlane v21, v17  }
0x1a2: {  	v22 =	vmul.f32 v23, v22  }
0x1a3: {  	s21 =	sadd.s32 $0x300, s0;
	v21 =	vmul.f32 v24, v21  }
0x1a4: {  	s3 =	sand.u32 $0x380, s29;
	s19 =	sand.u32 $0x7800, s21;
	[tilespmem:s30+$0xFFFFFFFF] =	vst.msk $0x1, v22  }
0x1a5: {  	s19 =	sor.u32 s3, s19;
	[tilespmem:s31+$0xFFFFFFFF] =	vst.msk $0x1, v21  }
0x1a6: {  	s3 =	sadd.s32 $0x3, s2;
	v21 =	vld [tilespmem:s19+$0x8000]  }
0x1a7: {  	v23 =	vmov s3;
	v22 =	vld [tilespmem:s19+$0x8010]  }
0x1a8: {  	v25 =	vperm.xlane v20, v23;
	v23 =	vperm.xlane v18, v23;
	v60 =	vld [tilespmem:s19+$0x8020]  }
0x1a9: {  	v61 =	vld [tilespmem:s19+$0x8030]  }
0x1aa: {  	vm1 =	vgt.s32 v25, v0;
	vm2 =	vgt.s32 v23, v0  }
0x1ab: {  	vm3 =	vgt.s32 v25, v12;
	v63 =	vld [tilespmem:s19+$0x8040];
	v62 =	vnsel vm1, $0x3F800000, v21;
	vm1 =	vgt.s32 v25, v2  }
0x1ac: {  	v21 =	vnsel vm2, $0x3F800000, v21;
	vm2 =	vgt.s32 v23, v11;
	v33 =	vnsel vm1, $0x3F800000, v22  }
0x1ad: {  	v35 =	vld [tilespmem:s19+$0x8050];
	vm1 =	vgt.s32 v23, v2;
	v34 =	vmul.f32 v60, v62;
	v24 =	vmul.f32 v60, v21  }
0x1ae: {  	v22 =	vnsel vm1, $0x3F800000, v22;
	vm1 =	vgt.s32 v25, v3;
	v36 =	vmul.f32 v61, v33  }
0x1af: {  	v38 =	vld [tilespmem:s19+$0x8060];
	v27 =	vsel vm1, v34, v62;
	vm1 =	vgt.s32 v23, v3;
	v37 =	vmul.f32 v61, v22  }
0x1b0: {  	v21 =	vsel vm1, v24, v21;
	vm1 =	vgt.s32 v25, v4;
	v39 =	vmul.f32 v63, v27  }
0x1b1: {  	v41 =	vld [tilespmem:s19+$0x8070];
	v29 =	vsel vm1, v36, v33;
	vm1 =	vgt.s32 v23, v4;
	v40 =	vmul.f32 v63, v21  }
0x1b2: {  	v22 =	vsel vm1, v37, v22;
	vm1 =	vgt.s32 v25, v5;
	v42 =	vmul.f32 v35, v29  }
0x1b3: {  	v44 =	vld [tilespmem:s19+$0x8400];
	v27 =	vsel vm1, v39, v27;
	vm1 =	vgt.s32 v23, v5;
	v43 =	vmul.f32 v35, v22  }
0x1b4: {  	v21 =	vsel vm1, v40, v21;
	vm1 =	vgt.s32 v25, v6;
	v45 =	vmul.f32 v38, v27  }
0x1b5: {  	v47 =	vld [tilespmem:s19+$0x8410];
	v29 =	vsel vm1, v42, v29;
	vm1 =	vgt.s32 v23, v6;
	v46 =	vmul.f32 v38, v21  }
0x1b6: {  	v22 =	vsel vm1, v43, v22;
	vm1 =	vgt.s32 v25, v7;
	v48 =	vmul.f32 v41, v29  }
0x1b7: {  	v50 =	vld [tilespmem:s19+$0x8420];
	v27 =	vsel vm1, v45, v27;
	vm1 =	vgt.s32 v23, v7;
	v49 =	vmul.f32 v41, v22  }
0x1b8: {  	v21 =	vsel vm1, v46, v21;
	vm1 =	vgt.s32 v25, v8;
	v51 =	vmul.f32 v44, v27  }
0x1b9: {  	v52 =	vld [tilespmem:s19+$0x8430];
	v29 =	vsel vm1, v48, v29;
	vm1 =	vgt.s32 v23, v8;
	v53 =	vmul.f32 v44, v21  }
0x1ba: {  	v22 =	vsel vm1, v49, v22;
	vm1 =	vgt.s32 v25, v9;
	v54 =	vmul.f32 v47, v29  }
0x1bb: {  	v56 =	vld [tilespmem:s19+$0x8438];
	v27 =	vsel vm1, v51, v27;
	vm1 =	vgt.s32 v23, v9;
	v55 =	vmul.f32 v47, v22  }
0x1bc: {  	v21 =	vsel vm1, v53, v21;
	vm1 =	vgt.s32 v25, v10;
	v57 =	vmul.f32 v50, v27  }
0x1bd: {  	v29 =	vsel vm1, v54, v29;
	vm1 =	vgt.s32 v23, v10;
	v58 =	vmul.f32 v50, v21  }
0x1be: {  	v22 =	vsel vm1, v55, v22;
	v59 =	vmul.f32 v52, v29;
	vm1 =	vgt.s32 v25, v11  }
0x1bf: {  	v27 =	vsel vm1, v57, v27;
	v21 =	vsel vm2, v58, v21;
	v61 =	vmul.f32 v52, v22  }
0x1c0: {  	vm1 =	vgt.s32 v25, v13;
	vm2 =	vgt.s32 v23, v13;
	v62 =	vmul.f32 v56, v27  }
0x1c1: {  	v60 =	vsel vm3, v59, v29;
	vm1 =	vmand vm1, vm0;
	v26 =	vmul.f32 v56, v21  }
0x1c2: {  	vm2 =	vmand vm2, vm0;
	v25 =	vsel vm1, v62, v27;
	vm1 =	vgt.s32 v23, v12  }
0x1c3: {  	v21 =	vsel vm2, v26, v21;
	v22 =	vsel vm1, v61, v22;
	v23 =	vmul.f32 v25, v60  }
0x1c4: {  	v21 =	vmul.f32 v21, v22  }
0x1c5: {  	v22 =	vperm.xlane v23, v14  }
0x1c6: {  	v63 =	vperm.xlane v21, v14  }
0x1c7: {  	v22 =	vmul.f32 v23, v22  }
0x1c8: {  	v21 =	vmul.f32 v21, v63  }
0x1c9: {  	v23 =	vperm.xlane v22, v15  }
0x1ca: {  	v24 =	vperm.xlane v21, v15  }
0x1cb: {  	v22 =	vmul.f32 v22, v23  }
0x1cc: {  	v21 =	vmul.f32 v24, v21  }
0x1cd: {  	v23 =	vperm.xlane v22, v16  }
0x1ce: {  	v24 =	vperm.xlane v21, v16  }
0x1cf: {  	v22 =	vmul.f32 v23, v22  }
0x1d0: {  	v21 =	vmul.f32 v24, v21  }
0x1d1: {  	p1 =	slt.u32 s2, $0xC;
	v23 =	vperm.xlane v22, v17  }
.Ltmp2:
0x1d2: {  	v24 =	vperm.xlane v21, v17;
	(pc) =	sbr.rel @p1 .LBB2_7-.Ltmp2, $4  }
0x1d3: {  	v22 =	vmul.f32 v23, v22  }
0x1d4: {  	v21 =	vmul.f32 v24, v21  }
0x1d5: {  	p0 =	por !p0, !p0;
	s0 =	sadd.s32 $0x400, s0;
	s29 =	sadd.s32 $0x200, s29;
	[tilespmem:s30+$0x0] =	vst.msk $0x1, v22  }
0x1d6: {  	s2 =	sadd.s32 $0x4, s2;
	s30 =	sadd.s32 $0x4, s30;
	[tilespmem:s31+$0x0] =	vst.msk $0x1, v21;
	s31 =	sadd.s32 $0x4, s31  }
0x1d7: {  	v20 =	vld [tilespmem:s28+$0x18300];
	_ =	sdelay $0x1  }
0x1d8: {  	s26 =	sadd.s32 $0x1, s26  }
0x1d9: {  	v19 =	vsub.f32 $1.000000000e+00, v19;
	p0 =	sne.s32 s26, $0x8  }
.Ltmp3:
0x1da: {  	_ = 	snop;
	(pc) =	sbr.rel @p0 .LBB2_6-.Ltmp3, $4  }
0x1db: {  	v19 =	vmul.f32 v20, v19  }
0x1dc: {  	vm1 =	veq.s32 v18, $0x0  }
0x1dd: {  	v18 =	vsel vm1, $0x33D6BF95, v19  }
0x1de: {  	s23 =	sadd.s32 $0x1000, s23;
	s24 =	sadd.s32 $0x10, s24;
	s25 =	sadd.s32 $0x10, s25;
	[tilespmem:s28+$0x18300] =	vst v18  }
0x1df: {  	s23 =	simm.s32 $0x0  }
0x1e0: {  	[tilespmem:s15], [sflag:$0x2] =	stream.linear.gather [hbm4b:s9+s23], $0x8000, $0x38;
	[tilespmem:$0x18500] =	vst v63  }
0x1e1: {  	_ = 	snop  }
0x1e2: {  	[tilespmem:s16], [sflag:$0x2] =	stream.linear.gather [hbm4b:s10+s23], $0x4000, $0x38;
	[tilespmem:$0x18500] =	vst v63  }
0x1e3: {  	_ =	swait.ge [sflag:s17], $0x8000  }
0x1e4: {  	[sflag:s17] =	ssyncset.done $0x0  }
0x1e5: {  	[sflag:s17] =	ssyncadd.s32 $0xFFFF8000  }
0x1e6: {  	_ =	swait.ge [sflag:s17], $0x4000  }
0x1e7: {  	s0 =	simm.s32 $0x18383;
	s25 =	simm.s32 $0x18103;
	[sflag:s17] =	ssyncset.done $0x0  }
0x1e8: {  	s2 =	simm.s32 $0x0;
	s28 =	simm.s32 $0x0;
	[sflag:s17] =	ssyncadd.s32 $0xFFFFC000  }
.LBB2_10:
0x1e9: {  	s29 =	sshll.u32 s28, $0x4  }
0x1ea: {  	v19 =	vor.u32 s29, v0  }
0x1eb: {  	v20 =	vshll.u32 v19, $0x7;
	_ =	sdelay $0x4  }
0x1ec: {  	v18 =	vld.idx.msk [tilespmem:v20+s14+$0x0], $0xffff;
	_ =	sdelay $0x4  }
0x1ed: {  	v19 =	vshll.u32 v19, $0x8;
	v21 =	vshll.u32 v18, $0x3  }
0x1ee: {  	v19 =	vand.u32 $0x7800, v19;
	v21 =	vand.u32 $0xFFFFFC00, v21  }
0x1ef: {  	v22 =	vand.u32 $0x7F, v18;
	v19 =	vadd.s32 v19, v21  }
0x1f0: {  	v20 =	vor.u32 $0x1, v20;
	v19 =	vor.u32 v22, v19  }
0x1f1: {  	v19 =	vor.u32 v1, v19;
	_ =	sdelay $0x3  }
0x1f2: {  	p0 =	por $0x0, $0x0;
	s30 =	simm.s32 $0x180;
	s31 =	smov.u32 s25;
	v20 =	vld.idx.msk [tilespmem:v20+s14+$0x0], $0xffff  }
0x1f3: {  	s24 =	smov.u32 s0;
	s26 =	smov.u32 s2;
	s19 =	simm.s32 $0x0;
	v19 =	vld.idx.msk [tilespmem:v19+s23+$0x0], $0xffff  }
.LBB2_11:
0x1f4: {  	s21 =	sadd.s32 $0xFFFFFE80, s30  }
0x1f5: {  	s3 =	sand.u32 $0x7800, s26;
	s21 =	sand.u32 $0x200, s21  }
0x1f6: {  	s3 =	sor.u32 s21, s3  }
0x1f7: {  	v21 =	vld [tilespmem:s3+$0x0]  }
0x1f8: {  	v23 =	vmov s19;
	v22 =	vld [tilespmem:s3+$0x10]  }
0x1f9: {  	v25 =	vperm.xlane v20, v23;
	v23 =	vperm.xlane v18, v23;
	v24 =	vld [tilespmem:s3+$0x20]  }
0x1fa: {  	v26 =	vld [tilespmem:s3+$0x30]  }
0x1fb: {  	vm1 =	vgt.s32 v25, v0;
	vm2 =	vgt.s32 v23, v0  }
0x1fc: {  	v28 =	vld [tilespmem:s3+$0x40];
	vm3 =	vgt.s32 v25, v12;
	v27 =	vnsel vm1, $0x3F800000, v21;
	vm1 =	vgt.s32 v25, v2  }
0x1fd: {  	v21 =	vnsel vm2, $0x3F800000, v21;
	vm2 =	vgt.s32 v23, v11;
	v29 =	vnsel vm1, $0x3F800000, v22  }
0x1fe: {  	v31 =	vld [tilespmem:s3+$0x50];
	vm1 =	vgt.s32 v23, v2;
	v30 =	vmul.f32 v24, v27;
	v24 =	vmul.f32 v24, v21  }
0x1ff: {  	s21 =	simm.s32 $0x1;
	v22 =	vnsel vm1, $0x3F800000, v22;
	vm1 =	vgt.s32 v25, v3;
	v55 =	vmul.f32 v26, v29  }
0x200: {  	s21 =	simm.s32 @!p0 $0x0;
	v57 =	vld [tilespmem:s3+$0x60];
	v27 =	vsel vm1, v30, v27;
	vm1 =	vgt.s32 v23, v3;
	v56 =	vmul.f32 v26, v22  }
0x201: {  	s21 =	sshll.u32 s21, $0x9;
	v21 =	vsel vm1, v24, v21;
	vm1 =	vgt.s32 v25, v4;
	v58 =	vmul.f32 v28, v27  }
0x202: {  	v60 =	vld [tilespmem:s3+$0x70];
	s3 =	sadd.s32 s21, s26;
	v29 =	vsel vm1, v55, v29;
	vm1 =	vgt.s32 v23, v4;
	v59 =	vmul.f32 v28, v21  }
0x203: {  	s21 =	sor.u32 $0x400, s3;
	v22 =	vsel vm1, v56, v22;
	vm1 =	vgt.s32 v25, v5;
	v61 =	vmul.f32 v31, v29  }
0x204: {  	v63 =	vld [tilespmem:s21+$0x0];
	v27 =	vsel vm1, v58, v27;
	vm1 =	vgt.s32 v23, v5;
	v62 =	vmul.f32 v31, v22  }
0x205: {  	s21 =	sor.u32 $0x410, s3;
	v21 =	vsel vm1, v59, v21;
	vm1 =	vgt.s32 v25, v6;
	v34 =	vmul.f32 v57, v27  }
0x206: {  	v36 =	vld [tilespmem:s21+$0x0];
	v29 =	vsel vm1, v61, v29;
	vm1 =	vgt.s32 v23, v6;
	v35 =	vmul.f32 v57, v21  }
0x207: {  	s21 =	sor.u32 $0x420, s3;
	v22 =	vsel vm1, v62, v22;
	vm1 =	vgt.s32 v25, v7;
	v37 =	vmul.f32 v60, v29  }
0x208: {  	v39 =	vld [tilespmem:s21+$0x0];
	v27 =	vsel vm1, v34, v27;
	vm1 =	vgt.s32 v23, v7;
	v38 =	vmul.f32 v60, v22  }
0x209: {  	s21 =	sor.u32 $0x430, s3;
	v21 =	vsel vm1, v35, v21;
	vm1 =	vgt.s32 v25, v8;
	v40 =	vmul.f32 v63, v27  }
0x20a: {  	v32 =	vld [tilespmem:s21+$0x0];
	v29 =	vsel vm1, v37, v29;
	vm1 =	vgt.s32 v23, v8;
	v41 =	vmul.f32 v63, v21  }
0x20b: {  	s3 =	sor.u32 $0x438, s3;
	v22 =	vsel vm1, v38, v22;
	vm1 =	vgt.s32 v25, v9;
	v42 =	vmul.f32 v36, v29  }
0x20c: {  	v44 =	vld [tilespmem:s3+$0x0];
	v27 =	vsel vm1, v40, v27;
	vm1 =	vgt.s32 v23, v9;
	v43 =	vmul.f32 v36, v22  }
0x20d: {  	v21 =	vsel vm1, v41, v21;
	vm1 =	vgt.s32 v25, v10;
	v45 =	vmul.f32 v39, v27  }
0x20e: {  	v29 =	vsel vm1, v42, v29;
	vm1 =	vgt.s32 v23, v10;
	v46 =	vmul.f32 v39, v21  }
0x20f: {  	v22 =	vsel vm1, v43, v22;
	v47 =	vmul.f32 v32, v29;
	vm1 =	vgt.s32 v25, v11  }
0x210: {  	v27 =	vsel vm1, v45, v27;
	v21 =	vsel vm2, v46, v21;
	v49 =	vmul.f32 v32, v22  }
0x211: {  	vm1 =	vgt.s32 v25, v13;
	vm2 =	vgt.s32 v23, v13;
	v50 =	vmul.f32 v44, v27  }
0x212: {  	v48 =	vsel vm3, v47, v29;
	vm1 =	vmand vm1, vm0;
	v26 =	vmul.f32 v44, v21  }
0x213: {  	vm3 =	vgt.s32 v23, v12;
	vm2 =	vmand vm2, vm0;
	v23 =	vsel vm1, v50, v27  }
0x214: {  	v22 =	vsel vm3, v49, v22;
	v21 =	vsel vm2, v26, v21;
	v23 =	vmul.f32 v23, v48  }
0x215: {  	v21 =	vmul.f32 v21, v22  }
0x216: {  	v22 =	vperm.xlane v23, v14  }
0x217: {  	v51 =	vperm.xlane v21, v14  }
0x218: {  	v22 =	vmul.f32 v23, v22  }
0x219: {  	v21 =	vmul.f32 v21, v51  }
0x21a: {  	v23 =	vperm.xlane v22, v15  }
0x21b: {  	v24 =	vperm.xlane v21, v15  }
0x21c: {  	v22 =	vmul.f32 v22, v23  }
0x21d: {  	v21 =	vmul.f32 v24, v21  }
0x21e: {  	v23 =	vperm.xlane v22, v16  }
0x21f: {  	v24 =	vperm.xlane v21, v16  }
0x220: {  	v22 =	vmul.f32 v23, v22  }
0x221: {  	v21 =	vmul.f32 v24, v21  }
0x222: {  	v23 =	vperm.xlane v22, v17  }
0x223: {  	v24 =	vperm.xlane v21, v17  }
0x224: {  	v22 =	vmul.f32 v23, v22  }
0x225: {  	s3 =	sadd.s32 $0x100, s26;
	s21 =	sadd.s32 $0xFFFFFF00, s30;
	v21 =	vmul.f32 v24, v21  }
0x226: {  	s3 =	sand.u32 $0x7800, s3;
	s21 =	sand.u32 $0x280, s21;
	[tilespmem:s31+$0xFFFFFFFD] =	vst.msk $0x1, v22  }
0x227: {  	s21 =	sor.u32 s21, s3;
	[tilespmem:s24+$0xFFFFFFFD] =	vst.msk $0x1, v21  }
0x228: {  	s3 =	sadd.s32 $0x1, s19;
	v21 =	vld [tilespmem:s21+$0x0]  }
0x229: {  	v23 =	vmov s3;
	v22 =	vld [tilespmem:s21+$0x10]  }
0x22a: {  	v25 =	vperm.xlane v20, v23;
	v23 =	vperm.xlane v18, v23;
	v52 =	vld [tilespmem:s21+$0x20]  }
0x22b: {  	v53 =	vld [tilespmem:s21+$0x30]  }
0x22c: {  	vm1 =	vgt.s32 v25, v0;
	vm2 =	vgt.s32 v23, v0  }
0x22d: {  	vm3 =	vgt.s32 v25, v12;
	v55 =	vld [tilespmem:s21+$0x40];
	v54 =	vnsel vm1, $0x3F800000, v21;
	vm1 =	vgt.s32 v25, v2  }
0x22e: {  	v21 =	vnsel vm2, $0x3F800000, v21;
	vm2 =	vgt.s32 v23, v11;
	v56 =	vnsel vm1, $0x3F800000, v22  }
0x22f: {  	v58 =	vld [tilespmem:s21+$0x50];
	vm1 =	vgt.s32 v23, v2;
	v57 =	vmul.f32 v52, v54;
	v24 =	vmul.f32 v52, v21  }
0x230: {  	v22 =	vnsel vm1, $0x3F800000, v22;
	vm1 =	vgt.s32 v25, v3;
	v59 =	vmul.f32 v53, v56  }
0x231: {  	v61 =	vld [tilespmem:s21+$0x60];
	v27 =	vsel vm1, v57, v54;
	vm1 =	vgt.s32 v23, v3;
	v60 =	vmul.f32 v53, v22  }
0x232: {  	v21 =	vsel vm1, v24, v21;
	vm1 =	vgt.s32 v25, v4;
	v62 =	vmul.f32 v55, v27  }
0x233: {  	v33 =	vld [tilespmem:s21+$0x70];
	v29 =	vsel vm1, v59, v56;
	vm1 =	vgt.s32 v23, v4;
	v63 =	vmul.f32 v55, v21  }
0x234: {  	v22 =	vsel vm1, v60, v22;
	vm1 =	vgt.s32 v25, v5;
	v34 =	vmul.f32 v58, v29  }
0x235: {  	v36 =	vld [tilespmem:s21+$0x400];
	v27 =	vsel vm1, v62, v27;
	vm1 =	vgt.s32 v23, v5;
	v35 =	vmul.f32 v58, v22  }
0x236: {  	v21 =	vsel vm1, v63, v21;
	vm1 =	vgt.s32 v25, v6;
	v37 =	vmul.f32 v61, v27  }
0x237: {  	v39 =	vld [tilespmem:s21+$0x410];
	v29 =	vsel vm1, v34, v29;
	vm1 =	vgt.s32 v23, v6;
	v38 =	vmul.f32 v61, v21  }
0x238: {  	v22 =	vsel vm1, v35, v22;
	vm1 =	vgt.s32 v25, v7;
	v40 =	vmul.f32 v33, v29  }
0x239: {  	v42 =	vld [tilespmem:s21+$0x420];
	v27 =	vsel vm1, v37, v27;
	vm1 =	vgt.s32 v23, v7;
	v41 =	vmul.f32 v33, v22  }
0x23a: {  	v21 =	vsel vm1, v38, v21;
	vm1 =	vgt.s32 v25, v8;
	v43 =	vmul.f32 v36, v27  }
0x23b: {  	v44 =	vld [tilespmem:s21+$0x430];
	v29 =	vsel vm1, v40, v29;
	vm1 =	vgt.s32 v23, v8;
	v45 =	vmul.f32 v36, v21  }
0x23c: {  	v22 =	vsel vm1, v41, v22;
	vm1 =	vgt.s32 v25, v9;
	v46 =	vmul.f32 v39, v29  }
0x23d: {  	v48 =	vld [tilespmem:s21+$0x438];
	v27 =	vsel vm1, v43, v27;
	vm1 =	vgt.s32 v23, v9;
	v47 =	vmul.f32 v39, v22  }
0x23e: {  	v21 =	vsel vm1, v45, v21;
	vm1 =	vgt.s32 v25, v10;
	v49 =	vmul.f32 v42, v27  }
0x23f: {  	v29 =	vsel vm1, v46, v29;
	vm1 =	vgt.s32 v23, v10;
	v50 =	vmul.f32 v42, v21  }
0x240: {  	v22 =	vsel vm1, v47, v22;
	v51 =	vmul.f32 v44, v29;
	vm1 =	vgt.s32 v25, v11  }
0x241: {  	v27 =	vsel vm1, v49, v27;
	v21 =	vsel vm2, v50, v21;
	v53 =	vmul.f32 v44, v22  }
0x242: {  	vm1 =	vgt.s32 v25, v13;
	vm2 =	vgt.s32 v23, v13;
	v54 =	vmul.f32 v48, v27  }
0x243: {  	v52 =	vsel vm3, v51, v29;
	vm1 =	vmand vm1, vm0;
	v26 =	vmul.f32 v48, v21  }
0x244: {  	vm3 =	vgt.s32 v23, v12;
	vm2 =	vmand vm2, vm0;
	v23 =	vsel vm1, v54, v27  }
0x245: {  	v22 =	vsel vm3, v53, v22;
	v21 =	vsel vm2, v26, v21;
	v23 =	vmul.f32 v23, v52  }
0x246: {  	v21 =	vmul.f32 v21, v22  }
0x247: {  	v22 =	vperm.xlane v23, v14  }
0x248: {  	v55 =	vperm.xlane v21, v14  }
0x249: {  	v22 =	vmul.f32 v23, v22  }
0x24a: {  	v21 =	vmul.f32 v21, v55  }
0x24b: {  	v23 =	vperm.xlane v22, v15  }
0x24c: {  	v24 =	vperm.xlane v21, v15  }
0x24d: {  	v22 =	vmul.f32 v22, v23  }
0x24e: {  	v21 =	vmul.f32 v24, v21  }
0x24f: {  	v23 =	vperm.xlane v22, v16  }
0x250: {  	v24 =	vperm.xlane v21, v16  }
0x251: {  	v22 =	vmul.f32 v23, v22  }
0x252: {  	v21 =	vmul.f32 v24, v21  }
0x253: {  	v23 =	vperm.xlane v22, v17  }
0x254: {  	v24 =	vperm.xlane v21, v17  }
0x255: {  	v22 =	vmul.f32 v23, v22  }
0x256: {  	s3 =	sadd.s32 $0x200, s26;
	s21 =	sadd.s32 $0xFFFFFF80, s30;
	v21 =	vmul.f32 v24, v21  }
0x257: {  	s3 =	sand.u32 $0x7800, s3;
	s21 =	sand.u32 $0x300, s21;
	[tilespmem:s31+$0xFFFFFFFE] =	vst.msk $0x1, v22  }
0x258: {  	s21 =	sor.u32 s21, s3;
	[tilespmem:s24+$0xFFFFFFFE] =	vst.msk $0x1, v21  }
0x259: {  	s3 =	sadd.s32 $0x2, s19;
	v21 =	vld [tilespmem:s21+$0x0]  }
0x25a: {  	v23 =	vmov s3;
	v22 =	vld [tilespmem:s21+$0x10]  }
0x25b: {  	v25 =	vperm.xlane v20, v23;
	v23 =	vperm.xlane v18, v23;
	v56 =	vld [tilespmem:s21+$0x20]  }
0x25c: {  	v57 =	vld [tilespmem:s21+$0x30]  }
0x25d: {  	vm1 =	vgt.s32 v25, v0;
	vm2 =	vgt.s32 v23, v0  }
0x25e: {  	vm3 =	vgt.s32 v25, v12;
	v59 =	vld [tilespmem:s21+$0x40];
	v58 =	vnsel vm1, $0x3F800000, v21;
	vm1 =	vgt.s32 v25, v2  }
0x25f: {  	v21 =	vnsel vm2, $0x3F800000, v21;
	vm2 =	vgt.s32 v23, v11;
	v60 =	vnsel vm1, $0x3F800000, v22  }
0x260: {  	v62 =	vld [tilespmem:s21+$0x50];
	vm1 =	vgt.s32 v23, v2;
	v61 =	vmul.f32 v56, v58;
	v24 =	vmul.f32 v56, v21  }
0x261: {  	v22 =	vnsel vm1, $0x3F800000, v22;
	vm1 =	vgt.s32 v25, v3;
	v63 =	vmul.f32 v57, v60  }
0x262: {  	v34 =	vld [tilespmem:s21+$0x60];
	v27 =	vsel vm1, v61, v58;
	vm1 =	vgt.s32 v23, v3;
	v33 =	vmul.f32 v57, v22  }
0x263: {  	v21 =	vsel vm1, v24, v21;
	vm1 =	vgt.s32 v25, v4;
	v35 =	vmul.f32 v59, v27  }
0x264: {  	v37 =	vld [tilespmem:s21+$0x70];
	v29 =	vsel vm1, v63, v60;
	vm1 =	vgt.s32 v23, v4;
	v36 =	vmul.f32 v59, v21  }
0x265: {  	v22 =	vsel vm1, v33, v22;
	vm1 =	vgt.s32 v25, v5;
	v38 =	vmul.f32 v62, v29  }
0x266: {  	v40 =	vld [tilespmem:s21+$0x400];
	v27 =	vsel vm1, v35, v27;
	vm1 =	vgt.s32 v23, v5;
	v39 =	vmul.f32 v62, v22  }
0x267: {  	v21 =	vsel vm1, v36, v21;
	vm1 =	vgt.s32 v25, v6;
	v41 =	vmul.f32 v34, v27  }
0x268: {  	v43 =	vld [tilespmem:s21+$0x410];
	v29 =	vsel vm1, v38, v29;
	vm1 =	vgt.s32 v23, v6;
	v42 =	vmul.f32 v34, v21  }
0x269: {  	v22 =	vsel vm1, v39, v22;
	vm1 =	vgt.s32 v25, v7;
	v44 =	vmul.f32 v37, v29  }
0x26a: {  	v46 =	vld [tilespmem:s21+$0x420];
	v27 =	vsel vm1, v41, v27;
	vm1 =	vgt.s32 v23, v7;
	v45 =	vmul.f32 v37, v22  }
0x26b: {  	v21 =	vsel vm1, v42, v21;
	vm1 =	vgt.s32 v25, v8;
	v47 =	vmul.f32 v40, v27  }
0x26c: {  	v48 =	vld [tilespmem:s21+$0x430];
	v29 =	vsel vm1, v44, v29;
	vm1 =	vgt.s32 v23, v8;
	v49 =	vmul.f32 v40, v21  }
0x26d: {  	v22 =	vsel vm1, v45, v22;
	vm1 =	vgt.s32 v25, v9;
	v50 =	vmul.f32 v43, v29  }
0x26e: {  	v52 =	vld [tilespmem:s21+$0x438];
	v27 =	vsel vm1, v47, v27;
	vm1 =	vgt.s32 v23, v9;
	v51 =	vmul.f32 v43, v22  }
0x26f: {  	v21 =	vsel vm1, v49, v21;
	vm1 =	vgt.s32 v25, v10;
	v53 =	vmul.f32 v46, v27  }
0x270: {  	v29 =	vsel vm1, v50, v29;
	vm1 =	vgt.s32 v23, v10;
	v54 =	vmul.f32 v46, v21  }
0x271: {  	v22 =	vsel vm1, v51, v22;
	v55 =	vmul.f32 v48, v29;
	vm1 =	vgt.s32 v25, v11  }
0x272: {  	v27 =	vsel vm1, v53, v27;
	v21 =	vsel vm2, v54, v21;
	v57 =	vmul.f32 v48, v22  }
0x273: {  	vm1 =	vgt.s32 v25, v13;
	vm2 =	vgt.s32 v23, v13;
	v58 =	vmul.f32 v52, v27  }
0x274: {  	v56 =	vsel vm3, v55, v29;
	vm1 =	vmand vm1, vm0;
	v26 =	vmul.f32 v52, v21  }
0x275: {  	vm3 =	vgt.s32 v23, v12;
	vm2 =	vmand vm2, vm0;
	v23 =	vsel vm1, v58, v27  }
0x276: {  	v22 =	vsel vm3, v57, v22;
	v21 =	vsel vm2, v26, v21;
	v23 =	vmul.f32 v23, v56  }
0x277: {  	v21 =	vmul.f32 v21, v22  }
0x278: {  	v22 =	vperm.xlane v23, v14  }
0x279: {  	v59 =	vperm.xlane v21, v14  }
0x27a: {  	v22 =	vmul.f32 v23, v22  }
0x27b: {  	v21 =	vmul.f32 v21, v59  }
0x27c: {  	v23 =	vperm.xlane v22, v15  }
0x27d: {  	v24 =	vperm.xlane v21, v15  }
0x27e: {  	v22 =	vmul.f32 v22, v23  }
0x27f: {  	v21 =	vmul.f32 v24, v21  }
0x280: {  	v23 =	vperm.xlane v22, v16  }
0x281: {  	v24 =	vperm.xlane v21, v16  }
0x282: {  	v22 =	vmul.f32 v23, v22  }
0x283: {  	v21 =	vmul.f32 v24, v21  }
0x284: {  	v23 =	vperm.xlane v22, v17  }
0x285: {  	v24 =	vperm.xlane v21, v17  }
0x286: {  	v22 =	vmul.f32 v23, v22  }
0x287: {  	s21 =	sadd.s32 $0x300, s26;
	v21 =	vmul.f32 v24, v21  }
0x288: {  	s3 =	sand.u32 $0x7800, s21;
	s21 =	sand.u32 $0x380, s30;
	[tilespmem:s31+$0xFFFFFFFF] =	vst.msk $0x1, v22  }
0x289: {  	s21 =	sor.u32 s21, s3;
	[tilespmem:s24+$0xFFFFFFFF] =	vst.msk $0x1, v21  }
0x28a: {  	s3 =	sadd.s32 $0x3, s19;
	v21 =	vld [tilespmem:s21+$0x0]  }
0x28b: {  	v23 =	vmov s3;
	v22 =	vld [tilespmem:s21+$0x10]  }
0x28c: {  	v25 =	vperm.xlane v20, v23;
	v23 =	vperm.xlane v18, v23;
	v60 =	vld [tilespmem:s21+$0x20]  }
0x28d: {  	v61 =	vld [tilespmem:s21+$0x30]  }
0x28e: {  	vm1 =	vgt.s32 v25, v0;
	vm2 =	vgt.s32 v23, v0  }
0x28f: {  	vm3 =	vgt.s32 v25, v12;
	v63 =	vld [tilespmem:s21+$0x40];
	v62 =	vnsel vm1, $0x3F800000, v21;
	vm1 =	vgt.s32 v25, v2  }
0x290: {  	v21 =	vnsel vm2, $0x3F800000, v21;
	vm2 =	vgt.s32 v23, v11;
	v33 =	vnsel vm1, $0x3F800000, v22  }
0x291: {  	v35 =	vld [tilespmem:s21+$0x50];
	vm1 =	vgt.s32 v23, v2;
	v34 =	vmul.f32 v60, v62;
	v24 =	vmul.f32 v60, v21  }
0x292: {  	v22 =	vnsel vm1, $0x3F800000, v22;
	vm1 =	vgt.s32 v25, v3;
	v36 =	vmul.f32 v61, v33  }
0x293: {  	v38 =	vld [tilespmem:s21+$0x60];
	v27 =	vsel vm1, v34, v62;
	vm1 =	vgt.s32 v23, v3;
	v37 =	vmul.f32 v61, v22  }
0x294: {  	v21 =	vsel vm1, v24, v21;
	vm1 =	vgt.s32 v25, v4;
	v39 =	vmul.f32 v63, v27  }
0x295: {  	v41 =	vld [tilespmem:s21+$0x70];
	v29 =	vsel vm1, v36, v33;
	vm1 =	vgt.s32 v23, v4;
	v40 =	vmul.f32 v63, v21  }
0x296: {  	v22 =	vsel vm1, v37, v22;
	vm1 =	vgt.s32 v25, v5;
	v42 =	vmul.f32 v35, v29  }
0x297: {  	v44 =	vld [tilespmem:s21+$0x400];
	v27 =	vsel vm1, v39, v27;
	vm1 =	vgt.s32 v23, v5;
	v43 =	vmul.f32 v35, v22  }
0x298: {  	v21 =	vsel vm1, v40, v21;
	vm1 =	vgt.s32 v25, v6;
	v45 =	vmul.f32 v38, v27  }
0x299: {  	v47 =	vld [tilespmem:s21+$0x410];
	v29 =	vsel vm1, v42, v29;
	vm1 =	vgt.s32 v23, v6;
	v46 =	vmul.f32 v38, v21  }
0x29a: {  	v22 =	vsel vm1, v43, v22;
	vm1 =	vgt.s32 v25, v7;
	v48 =	vmul.f32 v41, v29  }
0x29b: {  	v50 =	vld [tilespmem:s21+$0x420];
	v27 =	vsel vm1, v45, v27;
	vm1 =	vgt.s32 v23, v7;
	v49 =	vmul.f32 v41, v22  }
0x29c: {  	v21 =	vsel vm1, v46, v21;
	vm1 =	vgt.s32 v25, v8;
	v51 =	vmul.f32 v44, v27  }
0x29d: {  	v52 =	vld [tilespmem:s21+$0x430];
	v29 =	vsel vm1, v48, v29;
	vm1 =	vgt.s32 v23, v8;
	v53 =	vmul.f32 v44, v21  }
0x29e: {  	v22 =	vsel vm1, v49, v22;
	vm1 =	vgt.s32 v25, v9;
	v54 =	vmul.f32 v47, v29  }
0x29f: {  	v56 =	vld [tilespmem:s21+$0x438];
	v27 =	vsel vm1, v51, v27;
	vm1 =	vgt.s32 v23, v9;
	v55 =	vmul.f32 v47, v22  }
0x2a0: {  	v21 =	vsel vm1, v53, v21;
	vm1 =	vgt.s32 v25, v10;
	v57 =	vmul.f32 v50, v27  }
0x2a1: {  	v29 =	vsel vm1, v54, v29;
	vm1 =	vgt.s32 v23, v10;
	v58 =	vmul.f32 v50, v21  }
0x2a2: {  	v22 =	vsel vm1, v55, v22;
	v59 =	vmul.f32 v52, v29;
	vm1 =	vgt.s32 v25, v11  }
0x2a3: {  	v27 =	vsel vm1, v57, v27;
	v21 =	vsel vm2, v58, v21;
	v61 =	vmul.f32 v52, v22  }
0x2a4: {  	vm1 =	vgt.s32 v25, v13;
	vm2 =	vgt.s32 v23, v13;
	v62 =	vmul.f32 v56, v27  }
0x2a5: {  	v60 =	vsel vm3, v59, v29;
	vm1 =	vmand vm1, vm0;
	v26 =	vmul.f32 v56, v21  }
0x2a6: {  	vm2 =	vmand vm2, vm0;
	v25 =	vsel vm1, v62, v27;
	vm1 =	vgt.s32 v23, v12  }
0x2a7: {  	v21 =	vsel vm2, v26, v21;
	v22 =	vsel vm1, v61, v22;
	v23 =	vmul.f32 v25, v60  }
0x2a8: {  	v21 =	vmul.f32 v21, v22  }
0x2a9: {  	v22 =	vperm.xlane v23, v14  }
0x2aa: {  	v63 =	vperm.xlane v21, v14  }
0x2ab: {  	v22 =	vmul.f32 v23, v22  }
0x2ac: {  	v21 =	vmul.f32 v21, v63  }
0x2ad: {  	v23 =	vperm.xlane v22, v15  }
0x2ae: {  	v24 =	vperm.xlane v21, v15  }
0x2af: {  	v22 =	vmul.f32 v22, v23  }
0x2b0: {  	v21 =	vmul.f32 v24, v21  }
0x2b1: {  	v23 =	vperm.xlane v22, v16  }
0x2b2: {  	v24 =	vperm.xlane v21, v16  }
0x2b3: {  	v22 =	vmul.f32 v23, v22  }
0x2b4: {  	v21 =	vmul.f32 v24, v21  }
0x2b5: {  	p1 =	slt.u32 s19, $0xC;
	v23 =	vperm.xlane v22, v17  }
.Ltmp4:
0x2b6: {  	v24 =	vperm.xlane v21, v17;
	(pc) =	sbr.rel @p1 .LBB2_11-.Ltmp4, $4  }
0x2b7: {  	v22 =	vmul.f32 v23, v22  }
0x2b8: {  	v21 =	vmul.f32 v24, v21  }
0x2b9: {  	p0 =	por !p0, !p0;
	s26 =	sadd.s32 $0x400, s26;
	s30 =	sadd.s32 $0x200, s30;
	[tilespmem:s31+$0x0] =	vst.msk $0x1, v22  }
0x2ba: {  	s19 =	sadd.s32 $0x4, s19;
	s31 =	sadd.s32 $0x4, s31;
	[tilespmem:s24+$0x0] =	vst.msk $0x1, v21;
	s24 =	sadd.s32 $0x4, s24  }
0x2bb: {  	v20 =	vld [tilespmem:s29+$0x18380];
	_ =	sdelay $0x1  }
0x2bc: {  	s28 =	sadd.s32 $0x1, s28  }
0x2bd: {  	v19 =	vsub.f32 $1.000000000e+00, v19;
	p0 =	sne.s32 s28, $0x8  }
.Ltmp5:
0x2be: {  	_ = 	snop;
	(pc) =	sbr.rel @p0 .LBB2_10-.Ltmp5, $4  }
0x2bf: {  	v19 =	vmul.f32 v20, v19  }
0x2c0: {  	vm1 =	veq.s32 v18, $0x0  }
0x2c1: {  	v18 =	vsel vm1, $0x33D6BF95, v19  }
0x2c2: {  	s2 =	sadd.s32 $0x1000, s2;
	s0 =	sadd.s32 $0x10, s0;
	s25 =	sadd.s32 $0x10, s25;
	[tilespmem:s29+$0x18380] =	vst v18  }
0x2c3: {  	_ =	swait.ge [sflag:s18], $0x8000  }
0x2c4: {  	[sflag:s18] =	ssyncset.done $0x0  }
0x2c5: {  	[sflag:s18] =	ssyncadd.s32 $0xFFFF8000  }
0x2c6: {  	_ =	swait.ge [sflag:s18], $0x4000  }
0x2c7: {  	s23 =	simm.s32 $0x0;
	s24 =	simm.s32 $0x18403;
	[sflag:s18] =	ssyncset.done $0x0  }
0x2c8: {  	s25 =	simm.s32 $0x18183;
	s26 =	simm.s32 $0x0;
	[sflag:s18] =	ssyncadd.s32 $0xFFFFC000  }
.LBB2_14:
0x2c9: {  	s28 =	sshll.u32 s26, $0x4  }
0x2ca: {  	v19 =	vor.u32 s28, v0  }
0x2cb: {  	v20 =	vshll.u32 v19, $0x7;
	_ =	sdelay $0x4  }
0x2cc: {  	v18 =	vld.idx.msk [tilespmem:v20+s16+$0x0], $0xffff;
	_ =	sdelay $0x4  }
0x2cd: {  	v19 =	vshll.u32 v19, $0x8;
	v21 =	vshll.u32 v18, $0x3  }
0x2ce: {  	v19 =	vand.u32 $0x7800, v19;
	v21 =	vand.u32 $0xFFFFFC00, v21  }
0x2cf: {  	v22 =	vand.u32 $0x7F, v18;
	v19 =	vadd.s32 v19, v21  }
0x2d0: {  	v20 =	vor.u32 $0x1, v20;
	v19 =	vor.u32 v22, v19  }
0x2d1: {  	v19 =	vor.u32 v1, v19;
	_ =	sdelay $0x3  }
0x2d2: {  	p0 =	por $0x0, $0x0;
	s29 =	simm.s32 $0x180;
	s30 =	smov.u32 s25;
	v20 =	vld.idx.msk [tilespmem:v20+s16+$0x0], $0xffff  }
0x2d3: {  	s0 =	smov.u32 s24;
	s2 =	smov.u32 s23;
	s19 =	simm.s32 $0x0;
	v19 =	vld.idx.msk [tilespmem:v19+s15+$0x0], $0xffff  }
.LBB2_15:
0x2d4: {  	s3 =	sadd.s32 $0xFFFFFE80, s29  }
0x2d5: {  	s21 =	sand.u32 $0x7800, s2;
	s3 =	sand.u32 $0x200, s3  }
0x2d6: {  	s3 =	sor.u32 s3, s21  }
0x2d7: {  	v21 =	vld [tilespmem:s3+$0x8000]  }
0x2d8: {  	v23 =	vmov s19;
	v22 =	vld [tilespmem:s3+$0x8010]  }
0x2d9: {  	v25 =	vperm.xlane v20, v23;
	v23 =	vperm.xlane v18, v23;
	v24 =	vld [tilespmem:s3+$0x8020]  }
0x2da: {  	v26 =	vld [tilespmem:s3+$0x8030]  }
0x2db: {  	vm1 =	vgt.s32 v25, v0;
	vm2 =	vgt.s32 v23, v0  }
0x2dc: {  	v28 =	vld [tilespmem:s3+$0x8040];
	vm3 =	vgt.s32 v25, v12;
	v27 =	vnsel vm1, $0x3F800000, v21;
	vm1 =	vgt.s32 v25, v2  }
0x2dd: {  	v21 =	vnsel vm2, $0x3F800000, v21;
	vm2 =	vgt.s32 v23, v11;
	v29 =	vnsel vm1, $0x3F800000, v22  }
0x2de: {  	v31 =	vld [tilespmem:s3+$0x8050];
	vm1 =	vgt.s32 v23, v2;
	v30 =	vmul.f32 v24, v27;
	v24 =	vmul.f32 v24, v21  }
0x2df: {  	s21 =	simm.s32 $0x1;
	v22 =	vnsel vm1, $0x3F800000, v22;
	vm1 =	vgt.s32 v25, v3;
	v55 =	vmul.f32 v26, v29  }
0x2e0: {  	s21 =	simm.s32 @!p0 $0x0;
	v57 =	vld [tilespmem:s3+$0x8060];
	v27 =	vsel vm1, v30, v27;
	vm1 =	vgt.s32 v23, v3;
	v56 =	vmul.f32 v26, v22  }
0x2e1: {  	s21 =	sshll.u32 s21, $0x9;
	v21 =	vsel vm1, v24, v21;
	vm1 =	vgt.s32 v25, v4;
	v58 =	vmul.f32 v28, v27  }
0x2e2: {  	v60 =	vld [tilespmem:s3+$0x8070];
	s3 =	sadd.s32 s21, s2;
	v29 =	vsel vm1, v55, v29;
	vm1 =	vgt.s32 v23, v4;
	v59 =	vmul.f32 v28, v21  }
0x2e3: {  	s21 =	sor.u32 $0x400, s3;
	v22 =	vsel vm1, v56, v22;
	vm1 =	vgt.s32 v25, v5;
	v61 =	vmul.f32 v31, v29  }
0x2e4: {  	v63 =	vld [tilespmem:s21+$0x8000];
	v27 =	vsel vm1, v58, v27;
	vm1 =	vgt.s32 v23, v5;
	v62 =	vmul.f32 v31, v22  }
0x2e5: {  	s31 =	sor.u32 $0x410, s3;
	v21 =	vsel vm1, v59, v21;
	vm1 =	vgt.s32 v25, v6;
	v34 =	vmul.f32 v57, v27  }
0x2e6: {  	v36 =	vld [tilespmem:s31+$0x8000];
	v29 =	vsel vm1, v61, v29;
	vm1 =	vgt.s32 v23, v6;
	v35 =	vmul.f32 v57, v21  }
0x2e7: {  	s31 =	sor.u32 $0x420, s3;
	v22 =	vsel vm1, v62, v22;
	vm1 =	vgt.s32 v25, v7;
	v37 =	vmul.f32 v60, v29  }
0x2e8: {  	v39 =	vld [tilespmem:s31+$0x8000];
	v27 =	vsel vm1, v34, v27;
	vm1 =	vgt.s32 v23, v7;
	v38 =	vmul.f32 v60, v22  }
0x2e9: {  	s31 =	sor.u32 $0x430, s3;
	v21 =	vsel vm1, v35, v21;
	vm1 =	vgt.s32 v25, v8;
	v40 =	vmul.f32 v63, v27  }
0x2ea: {  	v32 =	vld [tilespmem:s31+$0x8000];
	v29 =	vsel vm1, v37, v29;
	vm1 =	vgt.s32 v23, v8;
	v41 =	vmul.f32 v63, v21  }
0x2eb: {  	s3 =	sor.u32 $0x438, s3;
	v22 =	vsel vm1, v38, v22;
	vm1 =	vgt.s32 v25, v9;
	v42 =	vmul.f32 v36, v29  }
0x2ec: {  	v44 =	vld [tilespmem:s3+$0x8000];
	v27 =	vsel vm1, v40, v27;
	vm1 =	vgt.s32 v23, v9;
	v43 =	vmul.f32 v36, v22  }
0x2ed: {  	v21 =	vsel vm1, v41, v21;
	vm1 =	vgt.s32 v25, v10;
	v45 =	vmul.f32 v39, v27  }
0x2ee: {  	v29 =	vsel vm1, v42, v29;
	vm1 =	vgt.s32 v23, v10;
	v46 =	vmul.f32 v39, v21  }
0x2ef: {  	v22 =	vsel vm1, v43, v22;
	v47 =	vmul.f32 v32, v29;
	vm1 =	vgt.s32 v25, v11  }
0x2f0: {  	v27 =	vsel vm1, v45, v27;
	v21 =	vsel vm2, v46, v21;
	v49 =	vmul.f32 v32, v22  }
0x2f1: {  	vm1 =	vgt.s32 v25, v13;
	vm2 =	vgt.s32 v23, v13;
	v50 =	vmul.f32 v44, v27  }
0x2f2: {  	v48 =	vsel vm3, v47, v29;
	vm1 =	vmand vm1, vm0;
	v26 =	vmul.f32 v44, v21  }
0x2f3: {  	vm3 =	vgt.s32 v23, v12;
	vm2 =	vmand vm2, vm0;
	v23 =	vsel vm1, v50, v27  }
0x2f4: {  	v22 =	vsel vm3, v49, v22;
	v21 =	vsel vm2, v26, v21;
	v23 =	vmul.f32 v23, v48  }
0x2f5: {  	v21 =	vmul.f32 v21, v22  }
0x2f6: {  	v22 =	vperm.xlane v23, v14  }
0x2f7: {  	v51 =	vperm.xlane v21, v14  }
0x2f8: {  	v22 =	vmul.f32 v23, v22  }
0x2f9: {  	v21 =	vmul.f32 v21, v51  }
0x2fa: {  	v23 =	vperm.xlane v22, v15  }
0x2fb: {  	v24 =	vperm.xlane v21, v15  }
0x2fc: {  	v22 =	vmul.f32 v22, v23  }
0x2fd: {  	v21 =	vmul.f32 v24, v21  }
0x2fe: {  	v23 =	vperm.xlane v22, v16  }
0x2ff: {  	v24 =	vperm.xlane v21, v16  }
0x300: {  	v22 =	vmul.f32 v23, v22  }
0x301: {  	v21 =	vmul.f32 v24, v21  }
0x302: {  	v23 =	vperm.xlane v22, v17  }
0x303: {  	v24 =	vperm.xlane v21, v17  }
0x304: {  	v22 =	vmul.f32 v23, v22  }
0x305: {  	s21 =	sadd.s32 $0x100, s2;
	s31 =	sadd.s32 $0xFFFFFF00, s29;
	v21 =	vmul.f32 v24, v21  }
0x306: {  	s3 =	sand.u32 $0x7800, s21;
	s21 =	sand.u32 $0x280, s31;
	[tilespmem:s30+$0xFFFFFFFD] =	vst.msk $0x1, v22  }
0x307: {  	s21 =	sor.u32 s21, s3;
	[tilespmem:s0+$0xFFFFFFFD] =	vst.msk $0x1, v21  }
0x308: {  	s31 =	sadd.s32 $0x1, s19;
	v21 =	vld [tilespmem:s21+$0x8000]  }
0x309: {  	v23 =	vmov s31;
	v22 =	vld [tilespmem:s21+$0x8010]  }
0x30a: {  	v25 =	vperm.xlane v20, v23;
	v23 =	vperm.xlane v18, v23;
	v52 =	vld [tilespmem:s21+$0x8020]  }
0x30b: {  	v53 =	vld [tilespmem:s21+$0x8030]  }
0x30c: {  	vm1 =	vgt.s32 v25, v0;
	vm2 =	vgt.s32 v23, v0  }
0x30d: {  	vm3 =	vgt.s32 v25, v12;
	v55 =	vld [tilespmem:s21+$0x8040];
	v54 =	vnsel vm1, $0x3F800000, v21;
	vm1 =	vgt.s32 v25, v2  }
0x30e: {  	v21 =	vnsel vm2, $0x3F800000, v21;
	vm2 =	vgt.s32 v23, v11;
	v56 =	vnsel vm1, $0x3F800000, v22  }
0x30f: {  	v58 =	vld [tilespmem:s21+$0x8050];
	vm1 =	vgt.s32 v23, v2;
	v57 =	vmul.f32 v52, v54;
	v24 =	vmul.f32 v52, v21  }
0x310: {  	v22 =	vnsel vm1, $0x3F800000, v22;
	vm1 =	vgt.s32 v25, v3;
	v59 =	vmul.f32 v53, v56  }
0x311: {  	v61 =	vld [tilespmem:s21+$0x8060];
	v27 =	vsel vm1, v57, v54;
	vm1 =	vgt.s32 v23, v3;
	v60 =	vmul.f32 v53, v22  }
0x312: {  	v21 =	vsel vm1, v24, v21;
	vm1 =	vgt.s32 v25, v4;
	v62 =	vmul.f32 v55, v27  }
0x313: {  	v33 =	vld [tilespmem:s21+$0x8070];
	v29 =	vsel vm1, v59, v56;
	vm1 =	vgt.s32 v23, v4;
	v63 =	vmul.f32 v55, v21  }
0x314: {  	v22 =	vsel vm1, v60, v22;
	vm1 =	vgt.s32 v25, v5;
	v34 =	vmul.f32 v58, v29  }
0x315: {  	v36 =	vld [tilespmem:s21+$0x8400];
	v27 =	vsel vm1, v62, v27;
	vm1 =	vgt.s32 v23, v5;
	v35 =	vmul.f32 v58, v22  }
0x316: {  	v21 =	vsel vm1, v63, v21;
	vm1 =	vgt.s32 v25, v6;
	v37 =	vmul.f32 v61, v27  }
0x317: {  	v39 =	vld [tilespmem:s21+$0x8410];
	v29 =	vsel vm1, v34, v29;
	vm1 =	vgt.s32 v23, v6;
	v38 =	vmul.f32 v61, v21  }
0x318: {  	v22 =	vsel vm1, v35, v22;
	vm1 =	vgt.s32 v25, v7;
	v40 =	vmul.f32 v33, v29  }
0x319: {  	v42 =	vld [tilespmem:s21+$0x8420];
	v27 =	vsel vm1, v37, v27;
	vm1 =	vgt.s32 v23, v7;
	v41 =	vmul.f32 v33, v22  }
0x31a: {  	v21 =	vsel vm1, v38, v21;
	vm1 =	vgt.s32 v25, v8;
	v43 =	vmul.f32 v36, v27  }
0x31b: {  	v44 =	vld [tilespmem:s21+$0x8430];
	v29 =	vsel vm1, v40, v29;
	vm1 =	vgt.s32 v23, v8;
	v45 =	vmul.f32 v36, v21  }
0x31c: {  	v22 =	vsel vm1, v41, v22;
	vm1 =	vgt.s32 v25, v9;
	v46 =	vmul.f32 v39, v29  }
0x31d: {  	v48 =	vld [tilespmem:s21+$0x8438];
	v27 =	vsel vm1, v43, v27;
	vm1 =	vgt.s32 v23, v9;
	v47 =	vmul.f32 v39, v22  }
0x31e: {  	v21 =	vsel vm1, v45, v21;
	vm1 =	vgt.s32 v25, v10;
	v49 =	vmul.f32 v42, v27  }
0x31f: {  	v29 =	vsel vm1, v46, v29;
	vm1 =	vgt.s32 v23, v10;
	v50 =	vmul.f32 v42, v21  }
0x320: {  	v22 =	vsel vm1, v47, v22;
	v51 =	vmul.f32 v44, v29;
	vm1 =	vgt.s32 v25, v11  }
0x321: {  	v27 =	vsel vm1, v49, v27;
	v21 =	vsel vm2, v50, v21;
	v53 =	vmul.f32 v44, v22  }
0x322: {  	vm1 =	vgt.s32 v25, v13;
	vm2 =	vgt.s32 v23, v13;
	v54 =	vmul.f32 v48, v27  }
0x323: {  	v52 =	vsel vm3, v51, v29;
	vm1 =	vmand vm1, vm0;
	v26 =	vmul.f32 v48, v21  }
0x324: {  	vm3 =	vgt.s32 v23, v12;
	vm2 =	vmand vm2, vm0;
	v23 =	vsel vm1, v54, v27  }
0x325: {  	v22 =	vsel vm3, v53, v22;
	v21 =	vsel vm2, v26, v21;
	v23 =	vmul.f32 v23, v52  }
0x326: {  	v21 =	vmul.f32 v21, v22  }
0x327: {  	v22 =	vperm.xlane v23, v14  }
0x328: {  	v55 =	vperm.xlane v21, v14  }
0x329: {  	v22 =	vmul.f32 v23, v22  }
0x32a: {  	v21 =	vmul.f32 v21, v55  }
0x32b: {  	v23 =	vperm.xlane v22, v15  }
0x32c: {  	v24 =	vperm.xlane v21, v15  }
0x32d: {  	v22 =	vmul.f32 v22, v23  }
0x32e: {  	v21 =	vmul.f32 v24, v21  }
0x32f: {  	v23 =	vperm.xlane v22, v16  }
0x330: {  	v24 =	vperm.xlane v21, v16  }
0x331: {  	v22 =	vmul.f32 v23, v22  }
0x332: {  	v21 =	vmul.f32 v24, v21  }
0x333: {  	v23 =	vperm.xlane v22, v17  }
0x334: {  	v24 =	vperm.xlane v21, v17  }
0x335: {  	v22 =	vmul.f32 v23, v22  }
0x336: {  	s31 =	sadd.s32 $0xFFFFFF80, s29;
	s21 =	sadd.s32 $0x200, s2;
	v21 =	vmul.f32 v24, v21  }
0x337: {  	s3 =	sand.u32 $0x7800, s21;
	s21 =	sand.u32 $0x300, s31;
	[tilespmem:s30+$0xFFFFFFFE] =	vst.msk $0x1, v22  }
0x338: {  	s21 =	sor.u32 s21, s3;
	[tilespmem:s0+$0xFFFFFFFE] =	vst.msk $0x1, v21  }
0x339: {  	s31 =	sadd.s32 $0x2, s19;
	v21 =	vld [tilespmem:s21+$0x8000]  }
0x33a: {  	v23 =	vmov s31;
	v22 =	vld [tilespmem:s21+$0x8010]  }
0x33b: {  	v25 =	vperm.xlane v20, v23;
	v23 =	vperm.xlane v18, v23;
	v56 =	vld [tilespmem:s21+$0x8020]  }
0x33c: {  	v57 =	vld [tilespmem:s21+$0x8030]  }
0x33d: {  	vm1 =	vgt.s32 v25, v0;
	vm2 =	vgt.s32 v23, v0  }
0x33e: {  	vm3 =	vgt.s32 v25, v12;
	v59 =	vld [tilespmem:s21+$0x8040];
	v58 =	vnsel vm1, $0x3F800000, v21;
	vm1 =	vgt.s32 v25, v2  }
0x33f: {  	v21 =	vnsel vm2, $0x3F800000, v21;
	vm2 =	vgt.s32 v23, v11;
	v60 =	vnsel vm1, $0x3F800000, v22  }
0x340: {  	v62 =	vld [tilespmem:s21+$0x8050];
	vm1 =	vgt.s32 v23, v2;
	v61 =	vmul.f32 v56, v58;
	v24 =	vmul.f32 v56, v21  }
0x341: {  	v22 =	vnsel vm1, $0x3F800000, v22;
	vm1 =	vgt.s32 v25, v3;
	v63 =	vmul.f32 v57, v60  }
0x342: {  	v34 =	vld [tilespmem:s21+$0x8060];
	v27 =	vsel vm1, v61, v58;
	vm1 =	vgt.s32 v23, v3;
	v33 =	vmul.f32 v57, v22  }
0x343: {  	v21 =	vsel vm1, v24, v21;
	vm1 =	vgt.s32 v25, v4;
	v35 =	vmul.f32 v59, v27  }
0x344: {  	v37 =	vld [tilespmem:s21+$0x8070];
	v29 =	vsel vm1, v63, v60;
	vm1 =	vgt.s32 v23, v4;
	v36 =	vmul.f32 v59, v21  }
0x345: {  	v22 =	vsel vm1, v33, v22;
	vm1 =	vgt.s32 v25, v5;
	v38 =	vmul.f32 v62, v29  }
0x346: {  	v40 =	vld [tilespmem:s21+$0x8400];
	v27 =	vsel vm1, v35, v27;
	vm1 =	vgt.s32 v23, v5;
	v39 =	vmul.f32 v62, v22  }
0x347: {  	v21 =	vsel vm1, v36, v21;
	vm1 =	vgt.s32 v25, v6;
	v41 =	vmul.f32 v34, v27  }
0x348: {  	v43 =	vld [tilespmem:s21+$0x8410];
	v29 =	vsel vm1, v38, v29;
	vm1 =	vgt.s32 v23, v6;
	v42 =	vmul.f32 v34, v21  }
0x349: {  	v22 =	vsel vm1, v39, v22;
	vm1 =	vgt.s32 v25, v7;
	v44 =	vmul.f32 v37, v29  }
0x34a: {  	v46 =	vld [tilespmem:s21+$0x8420];
	v27 =	vsel vm1, v41, v27;
	vm1 =	vgt.s32 v23, v7;
	v45 =	vmul.f32 v37, v22  }
0x34b: {  	v21 =	vsel vm1, v42, v21;
	vm1 =	vgt.s32 v25, v8;
	v47 =	vmul.f32 v40, v27  }
0x34c: {  	v48 =	vld [tilespmem:s21+$0x8430];
	v29 =	vsel vm1, v44, v29;
	vm1 =	vgt.s32 v23, v8;
	v49 =	vmul.f32 v40, v21  }
0x34d: {  	v22 =	vsel vm1, v45, v22;
	vm1 =	vgt.s32 v25, v9;
	v50 =	vmul.f32 v43, v29  }
0x34e: {  	v52 =	vld [tilespmem:s21+$0x8438];
	v27 =	vsel vm1, v47, v27;
	vm1 =	vgt.s32 v23, v9;
	v51 =	vmul.f32 v43, v22  }
0x34f: {  	v21 =	vsel vm1, v49, v21;
	vm1 =	vgt.s32 v25, v10;
	v53 =	vmul.f32 v46, v27  }
0x350: {  	v29 =	vsel vm1, v50, v29;
	vm1 =	vgt.s32 v23, v10;
	v54 =	vmul.f32 v46, v21  }
0x351: {  	v22 =	vsel vm1, v51, v22;
	v55 =	vmul.f32 v48, v29;
	vm1 =	vgt.s32 v25, v11  }
0x352: {  	v27 =	vsel vm1, v53, v27;
	v21 =	vsel vm2, v54, v21;
	v57 =	vmul.f32 v48, v22  }
0x353: {  	vm1 =	vgt.s32 v25, v13;
	vm2 =	vgt.s32 v23, v13;
	v58 =	vmul.f32 v52, v27  }
0x354: {  	v56 =	vsel vm3, v55, v29;
	vm1 =	vmand vm1, vm0;
	v26 =	vmul.f32 v52, v21  }
0x355: {  	vm3 =	vgt.s32 v23, v12;
	vm2 =	vmand vm2, vm0;
	v23 =	vsel vm1, v58, v27  }
0x356: {  	v22 =	vsel vm3, v57, v22;
	v21 =	vsel vm2, v26, v21;
	v23 =	vmul.f32 v23, v56  }
0x357: {  	v21 =	vmul.f32 v21, v22  }
0x358: {  	v22 =	vperm.xlane v23, v14  }
0x359: {  	v59 =	vperm.xlane v21, v14  }
0x35a: {  	v22 =	vmul.f32 v23, v22  }
0x35b: {  	v21 =	vmul.f32 v21, v59  }
0x35c: {  	v23 =	vperm.xlane v22, v15  }
0x35d: {  	v24 =	vperm.xlane v21, v15  }
0x35e: {  	v22 =	vmul.f32 v22, v23  }
0x35f: {  	v21 =	vmul.f32 v24, v21  }
0x360: {  	v23 =	vperm.xlane v22, v16  }
0x361: {  	v24 =	vperm.xlane v21, v16  }
0x362: {  	v22 =	vmul.f32 v23, v22  }
0x363: {  	v21 =	vmul.f32 v24, v21  }
0x364: {  	v23 =	vperm.xlane v22, v17  }
0x365: {  	v24 =	vperm.xlane v21, v17  }
0x366: {  	v22 =	vmul.f32 v23, v22  }
0x367: {  	s21 =	sadd.s32 $0x300, s2;
	v21 =	vmul.f32 v24, v21  }
0x368: {  	s31 =	sand.u32 $0x380, s29;
	s3 =	sand.u32 $0x7800, s21;
	[tilespmem:s30+$0xFFFFFFFF] =	vst.msk $0x1, v22  }
0x369: {  	s21 =	sor.u32 s31, s3;
	[tilespmem:s0+$0xFFFFFFFF] =	vst.msk $0x1, v21  }
0x36a: {  	s31 =	sadd.s32 $0x3, s19;
	v21 =	vld [tilespmem:s21+$0x8000]  }
0x36b: {  	v23 =	vmov s31;
	v22 =	vld [tilespmem:s21+$0x8010]  }
0x36c: {  	v25 =	vperm.xlane v20, v23;
	v23 =	vperm.xlane v18, v23;
	v60 =	vld [tilespmem:s21+$0x8020]  }
0x36d: {  	v61 =	vld [tilespmem:s21+$0x8030]  }
0x36e: {  	vm1 =	vgt.s32 v25, v0;
	vm2 =	vgt.s32 v23, v0  }
0x36f: {  	vm3 =	vgt.s32 v25, v12;
	v63 =	vld [tilespmem:s21+$0x8040];
	v62 =	vnsel vm1, $0x3F800000, v21;
	vm1 =	vgt.s32 v25, v2  }
0x370: {  	v21 =	vnsel vm2, $0x3F800000, v21;
	vm2 =	vgt.s32 v23, v11;
	v33 =	vnsel vm1, $0x3F800000, v22  }
0x371: {  	v35 =	vld [tilespmem:s21+$0x8050];
	vm1 =	vgt.s32 v23, v2;
	v34 =	vmul.f32 v60, v62;
	v24 =	vmul.f32 v60, v21  }
0x372: {  	v22 =	vnsel vm1, $0x3F800000, v22;
	vm1 =	vgt.s32 v25, v3;
	v36 =	vmul.f32 v61, v33  }
0x373: {  	v38 =	vld [tilespmem:s21+$0x8060];
	v27 =	vsel vm1, v34, v62;
	vm1 =	vgt.s32 v23, v3;
	v37 =	vmul.f32 v61, v22  }
0x374: {  	v21 =	vsel vm1, v24, v21;
	vm1 =	vgt.s32 v25, v4;
	v39 =	vmul.f32 v63, v27  }
0x375: {  	v41 =	vld [tilespmem:s21+$0x8070];
	v29 =	vsel vm1, v36, v33;
	vm1 =	vgt.s32 v23, v4;
	v40 =	vmul.f32 v63, v21  }
0x376: {  	v22 =	vsel vm1, v37, v22;
	vm1 =	vgt.s32 v25, v5;
	v42 =	vmul.f32 v35, v29  }
0x377: {  	v44 =	vld [tilespmem:s21+$0x8400];
	v27 =	vsel vm1, v39, v27;
	vm1 =	vgt.s32 v23, v5;
	v43 =	vmul.f32 v35, v22  }
0x378: {  	v21 =	vsel vm1, v40, v21;
	vm1 =	vgt.s32 v25, v6;
	v45 =	vmul.f32 v38, v27  }
0x379: {  	v47 =	vld [tilespmem:s21+$0x8410];
	v29 =	vsel vm1, v42, v29;
	vm1 =	vgt.s32 v23, v6;
	v46 =	vmul.f32 v38, v21  }
0x37a: {  	v22 =	vsel vm1, v43, v22;
	vm1 =	vgt.s32 v25, v7;
	v48 =	vmul.f32 v41, v29  }
0x37b: {  	v50 =	vld [tilespmem:s21+$0x8420];
	v27 =	vsel vm1, v45, v27;
	vm1 =	vgt.s32 v23, v7;
	v49 =	vmul.f32 v41, v22  }
0x37c: {  	v21 =	vsel vm1, v46, v21;
	vm1 =	vgt.s32 v25, v8;
	v51 =	vmul.f32 v44, v27  }
0x37d: {  	v52 =	vld [tilespmem:s21+$0x8430];
	v29 =	vsel vm1, v48, v29;
	vm1 =	vgt.s32 v23, v8;
	v53 =	vmul.f32 v44, v21  }
0x37e: {  	v22 =	vsel vm1, v49, v22;
	vm1 =	vgt.s32 v25, v9;
	v54 =	vmul.f32 v47, v29  }
0x37f: {  	v56 =	vld [tilespmem:s21+$0x8438];
	v27 =	vsel vm1, v51, v27;
	vm1 =	vgt.s32 v23, v9;
	v55 =	vmul.f32 v47, v22  }
0x380: {  	v21 =	vsel vm1, v53, v21;
	vm1 =	vgt.s32 v25, v10;
	v57 =	vmul.f32 v50, v27  }
0x381: {  	v29 =	vsel vm1, v54, v29;
	vm1 =	vgt.s32 v23, v10;
	v58 =	vmul.f32 v50, v21  }
0x382: {  	v22 =	vsel vm1, v55, v22;
	v59 =	vmul.f32 v52, v29;
	vm1 =	vgt.s32 v25, v11  }
0x383: {  	v27 =	vsel vm1, v57, v27;
	v21 =	vsel vm2, v58, v21;
	v61 =	vmul.f32 v52, v22  }
0x384: {  	vm1 =	vgt.s32 v25, v13;
	vm2 =	vgt.s32 v23, v13;
	v62 =	vmul.f32 v56, v27  }
0x385: {  	v60 =	vsel vm3, v59, v29;
	vm1 =	vmand vm1, vm0;
	v26 =	vmul.f32 v56, v21  }
0x386: {  	vm2 =	vmand vm2, vm0;
	v25 =	vsel vm1, v62, v27;
	vm1 =	vgt.s32 v23, v12  }
0x387: {  	v21 =	vsel vm2, v26, v21;
	v22 =	vsel vm1, v61, v22;
	v23 =	vmul.f32 v25, v60  }
0x388: {  	v21 =	vmul.f32 v21, v22  }
0x389: {  	v22 =	vperm.xlane v23, v14  }
0x38a: {  	v63 =	vperm.xlane v21, v14  }
0x38b: {  	v22 =	vmul.f32 v23, v22  }
0x38c: {  	v21 =	vmul.f32 v21, v63  }
0x38d: {  	v23 =	vperm.xlane v22, v15  }
0x38e: {  	v24 =	vperm.xlane v21, v15  }
0x38f: {  	v22 =	vmul.f32 v22, v23  }
0x390: {  	v21 =	vmul.f32 v24, v21  }
0x391: {  	v23 =	vperm.xlane v22, v16  }
0x392: {  	v24 =	vperm.xlane v21, v16  }
0x393: {  	v22 =	vmul.f32 v23, v22  }
0x394: {  	v21 =	vmul.f32 v24, v21  }
0x395: {  	p1 =	slt.u32 s19, $0xC;
	v23 =	vperm.xlane v22, v17  }
.Ltmp6:
0x396: {  	v24 =	vperm.xlane v21, v17;
	(pc) =	sbr.rel @p1 .LBB2_15-.Ltmp6, $4  }
0x397: {  	v22 =	vmul.f32 v23, v22  }
0x398: {  	v21 =	vmul.f32 v24, v21  }
0x399: {  	p0 =	por !p0, !p0;
	s29 =	sadd.s32 $0x200, s29;
	s2 =	sadd.s32 $0x400, s2;
	[tilespmem:s30+$0x0] =	vst.msk $0x1, v22  }
0x39a: {  	s19 =	sadd.s32 $0x4, s19;
	s30 =	sadd.s32 $0x4, s30;
	[tilespmem:s0+$0x0] =	vst.msk $0x1, v21;
	s0 =	sadd.s32 $0x4, s0  }
0x39b: {  	v20 =	vld [tilespmem:s28+$0x18400];
	_ =	sdelay $0x1  }
0x39c: {  	s26 =	sadd.s32 $0x1, s26  }
0x39d: {  	v19 =	vsub.f32 $1.000000000e+00, v19;
	p0 =	sne.s32 s26, $0x8  }
.Ltmp7:
0x39e: {  	_ = 	snop;
	(pc) =	sbr.rel @p0 .LBB2_14-.Ltmp7, $4  }
0x39f: {  	v19 =	vmul.f32 v20, v19  }
0x3a0: {  	vm1 =	veq.s32 v18, $0x0  }
0x3a1: {  	v18 =	vsel vm1, $0x33D6BF95, v19  }
0x3a2: {  	s23 =	sadd.s32 $0x1000, s23;
	s24 =	sadd.s32 $0x10, s24;
	s25 =	sadd.s32 $0x10, s25;
	[tilespmem:s28+$0x18400] =	vst v18  }
0x3a3: {  	s0 =	simm.s32 $0x18000  }
0x3a4: {  	[hbm4b:s11+s1] =	stream.linear.scatter [tilespmem:s0], [sflag:$0x3], $0x200, $0x38;
	[tilespmem:$0x18500] =	vst v63  }
0x3a5: {  	s22 =	sadd.s32 $0x1, s22;
	_ =	swait.ge [sflag:s20], $0x200  }
0x3a6: {  	p0 =	sne.s32 s22, s13;
	[sflag:s20] =	ssyncset.done $0x0  }
.Ltmp8:
0x3a7: {  	s31 =	simm.s32 $0x18280;
	[sflag:s20] =	ssyncadd.s32 $0xFFFFFE00;
	(pc) =	sbr.rel @p0 .LBB2_1-.Ltmp8, $4  }
0x3a8: {  	[hbm4b:s12+s1] =	stream.linear.scatter [tilespmem:s31], [sflag:$0x3], $0x200, $0x38;
	[tilespmem:$0x18500] =	vst v63  }
0x3a9: {  	_ =	swait.ge [sflag:s20], $0x200  }
0x3aa: {  	[sflag:s20] =	ssyncset.done $0x0  }
0x3ab: {  	[sflag:s20] =	ssyncadd.s32 $0xFFFFFE00  }
0x3ac: {  	_ =	sfence.sel $0x180000  }
0x3ad: {  	[bflag:$0x0] =	sbarrier.arrive $0xFFFF  }
0x3ae: {  	_ =	strace $0x90000047  }
0x3af: {  	s0 =	stileid.u32;
	[bflag:$0x2] =	sbarrier.arrive $0xFFFF  }
0x3b0: {  	p0 =	sne.s32 s0, $0x0;
	s0 =	rddreg [dreg:$0x3]  }
0x3b1: {  	s0 =	sadd.s32 @!p0 $0x100000, s0  }
0x3b2: {  	[sflag:s0] =	ssyncadd.tile.s32 @!p0 $0x1;
	_ =	shalt  }
.Lfunc_end2:
_tile_overlayer_lowered:
.L_overlay_start_2:
0x3b3: {  	(tag) =	ssettag $0x2  }
0x3b4: {  	s0 =	rddreg [dreg:$0x0];
	s2 =	stileid.u32  }
0x3b5: {  	s1 =	rddreg [dreg:$0x1];
	p0 =	sne.s32 s2, $0x0  }
0x3b6: {  	s3 =	rddreg [dreg:$0x2];
	[bflag:$0x3] =	sbarrier.arrive $0xFFFF;
	s2 =	simm.s32 @!p0 $0x1C03  }
0x3b7: {  	[timem:s3], [sflag:s2] =	dma.local @!p0 [hbm:s0], s1  }
0x3b8: {  	s0 =	simm.s32 @!p0 $0x3  }
0x3b9: {  	_ =	swait.ge @!p0 [sflag:s0], s1  }
0x3ba: {  	s1 =	ssub.s32 @!p0 $0x0, s1;
	[sflag:s0] =	ssyncset.done @!p0 $0x0  }
0x3bb: {  	[sflag:s0] =	ssyncadd.s32 @!p0 s1  }
0x3bc: {  	[bflag:$0x3] =	sbarrier.arrive $0xFFFF  }
0x3bd: {  	_ =	shalt  }

</sc_bundles>
